<compile_context>
chip_gen: v7x
topology: tpu7x:2x2x1
jax: 0.10.2.dev20260603
libtpu: 0.0.44.dev20260713+nightly
codegen_flags: <defaults>
</compile_context>

<pallas_src>
import dataclasses
import functools

import jax
import jax.numpy as jnp
import numpy as np
from jax import lax
from jax.experimental import pallas as pl
from jax.experimental.pallas import tpu as pltpu
from jax.experimental.pallas import tpu_sc as plsc

_NPOINT = 512
_RADIUS_LIST = [0.1, 0.2, 0.4]
_NSAMPLE_LIST = [16, 32, 64]
_IN_CHANNEL = 64


def _square_distance(src, dst):
    dist = -2.0 * jnp.matmul(src, jnp.swapaxes(dst, 1, 2))
    dist = dist + jnp.sum(src ** 2, -1)[:, :, None]
    dist = dist + jnp.sum(dst ** 2, -1)[:, None, :]
    return dist


def _index_points(points, idx):
    return jax.vmap(lambda p, i: p[i])(points, idx)


def _pack_matrix(n_total):
    n = np.arange(n_total)
    w = n // 32
    j = (n % 32) // 16
    p = n % 16
    P = np.zeros((n_total, 256), np.float32)
    P[n, j * 128 + w % 128] = (2.0 ** p)
    return jnp.asarray(P, jnp.bfloat16)


_NCHUNK = 512


def _ballmask_kernel(x_ref, y_ref, z_ref, cx_ref, cy_ref, cz_ref, p_ref,
                     w0_ref, w1_ref, w2_ref, acc0, acc1, acc2):
    nc = pl.program_id(2)
    n_steps = pl.num_programs(2)

    ii = jax.lax.broadcasted_iota(jnp.int32, (128, 128), 0)
    jj = jax.lax.broadcasted_iota(jnp.int32, (128, 128), 1)
    diag = (ii == jj).astype(jnp.float32)

    def col(row_ref):
        a = jnp.broadcast_to(row_ref[0], (128, 128))
        return jnp.sum(a * diag, axis=1, keepdims=True)

    cx = col(cx_ref)
    cy = col(cy_ref)
    cz = col(cz_ref)
    x = x_ref[0]
    y = y_ref[0]
    z = z_ref[0]
    def tr(v):
        return v.astype(jnp.bfloat16).astype(jnp.float32)

    p0 = tr(x) * tr(cx)
    p1 = tr(y) * tr(cy)
    p2 = tr(z) * tr(cz)
    s = p0 + p1
    bb = s - p0
    e1 = (p0 - (s - bb)) + (p1 - bb)
    t = s + p2
    bb2 = t - s
    e2 = (s - (t - bb2)) + (p2 - bb2)
    cross = t + (e1 + e2)
    c2 = (cx * cx + cy * cy) + cz * cz
    x2 = (x * x + y * y) + z * z
    d = ((-2.0) * cross + c2) + x2
    p = p_ref[...]

    @pl.when(nc == 0)
    def _init():
        acc0[...] = jnp.zeros_like(acc0)
        acc1[...] = jnp.zeros_like(acc1)
        acc2[...] = jnp.zeros_like(acc2)

    for r2, acc in ((_RADIUS_LIST[0] ** 2, acc0),
                    (_RADIUS_LIST[1] ** 2, acc1),
                    (_RADIUS_LIST[2] ** 2, acc2)):
        m = (d <= r2).astype(jnp.bfloat16)
        acc[...] += jnp.dot(m, p, preferred_element_type=jnp.float32)

    @pl.when(nc == n_steps - 1)
    def _emit():
        for acc, w_ref in ((acc0, w0_ref), (acc1, w1_ref), (acc2, w2_ref)):
            v = acc[...].astype(jnp.int32)
            lo = v[:, :128]
            hi = v[:, 128:]
            w_ref[0, :, :] = lo + (hi << 16)


def _ballmask_pallas(x, y, z, cxs, cys, czs):
    B, N = x.shape
    S = cxs.shape[1]
    P = _pack_matrix(N)
    grid = (B, S // 128, N // _NCHUNK)
    bs_n = pl.BlockSpec((1, 1, _NCHUNK), lambda b, st, nc: (b, 0, nc))
    bs_s = pl.BlockSpec((1, 1, 128), lambda b, st, nc: (b, 0, st))
    bs_p = pl.BlockSpec((_NCHUNK, 256), lambda b, st, nc: (nc, 0))
    bs_w = pl.BlockSpec((1, 128, 128), lambda b, st, nc: (b, st, 0))
    out = jax.ShapeDtypeStruct((B, S, 128), jnp.int32)
    x3 = x[:, None, :]
    y3 = y[:, None, :]
    z3 = z[:, None, :]
    return pl.pallas_call(
        _ballmask_kernel,
        grid=grid,
        in_specs=[bs_n, bs_n, bs_n, bs_s, bs_s, bs_s, bs_p],
        out_specs=[bs_w, bs_w, bs_w],
        out_shape=(out, out, out),
        scratch_shapes=[pltpu.VMEM((128, 256), jnp.float32)] * 3,
    )(x3, y3, z3, cxs[:, None, :], cys[:, None, :], czs[:, None, :], P)


def _swar_popcount(w):
    c1 = jnp.int32(0x55555555)
    c2 = jnp.int32(0x33333333)
    c4 = jnp.int32(0x0F0F0F0F)
    w = w - (lax.shift_right_logical(w, 1) & c1)
    w = (w & c2) + (lax.shift_right_logical(w, 2) & c2)
    w = (w + lax.shift_right_logical(w, 4)) & c4
    return lax.shift_right_logical(w * jnp.int32(0x01010101), 24)


_ROWS_BLK = 16


def _sc_select_one(wbuf, obuf, k, r):
    iota16 = lax.iota(jnp.int32, 16)
    rvec = jnp.full((16,), r, jnp.int32)

    def chunk_fn(c, base):
        def go(base):
            w0 = wbuf[r, pl.ds(c * 16, 16)]
            pc = _swar_popcount(w0)
            incl = plsc.cumsum(pc)
            rank0 = (base + incl) - pc
            total = base + jnp.max(incl)

            def cond(st):
                w, _ = st
                return jnp.any(w != 0)

            def body(st):
                w, rank = st
                emit = w != 0
                lsb = w & (-w)
                f = plsc.bitcast(lsb.astype(jnp.float32), jnp.int32)
                posl = lax.shift_right_logical(
                    f & jnp.int32(0x7FFFFFFF), 23) - 127
                n = ((c * 16 + iota16) << 5) + posl
                slots = jnp.minimum(rank, k - 1)
                plsc.store_scatter(obuf, [rvec, slots], n, mask=emit)
                rank = rank + emit.astype(jnp.int32)
                w = w & (w - 1)
                w = jnp.where(rank < k, w, 0)
                return w, rank

            w0c = jnp.where(rank0 < k, w0, jnp.zeros((16,), jnp.int32))
            lax.while_loop(cond, body, (w0c, rank0))
            return total

        return lax.cond(base < k, go, lambda b: b, base)

    count = lax.fori_loop(0, 8, chunk_fn, jnp.int32(0))
    count = jnp.minimum(count, k)
    first = plsc.load_gather(obuf, [rvec, jnp.zeros((16,), jnp.int32)])
    m = (count > 0).astype(jnp.int32)
    fillv = first * m + (1 - m) * jnp.int32(4095)
    for j in range(k // 16):
        slots = iota16 + 16 * j
        cur = obuf[r, pl.ds(16 * j, 16)]
        obuf[r, pl.ds(16 * j, 16)] = jnp.where(slots < count, cur, fillv)


def _ballquery_sc(w0, w1, w2):
    R = w0.shape[0]
    mesh = plsc.VectorSubcoreMesh(core_axis_name="c", subcore_axis_name="s")
    nwork = 32
    rows_per = R // nwork
    cp = pltpu.CompilerParams()
    if "needs_layout_passes" in pltpu.CompilerParams.__dataclass_fields__:
        cp = dataclasses.replace(cp, needs_layout_passes=False)

    @functools.partial(
        pl.kernel,
        compiler_params=cp,
        out_type=(
            jax.ShapeDtypeStruct((R, 16), jnp.int32),
            jax.ShapeDtypeStruct((R, 32), jnp.int32),
            jax.ShapeDtypeStruct((R, 64), jnp.int32),
        ),
        mesh=mesh,
        scratch_types=[
            pltpu.VMEM((_ROWS_BLK, 128), jnp.int32),
            pltpu.VMEM((_ROWS_BLK, 16), jnp.int32),
            pltpu.VMEM((_ROWS_BLK, 32), jnp.int32),
            pltpu.VMEM((_ROWS_BLK, 64), jnp.int32),
        ],
    )
    def sckern(w0_hbm, w1_hbm, w2_hbm, o0_hbm, o1_hbm, o2_hbm,
               wbuf, ob16, ob32, ob64):
        wid = lax.axis_index("s") * 2 + lax.axis_index("c")
        row_base = wid * rows_per
        for w_hbm, o_hbm, obuf, k in ((w0_hbm, o0_hbm, ob16, 16),
                                      (w1_hbm, o1_hbm, ob32, 32),
                                      (w2_hbm, o2_hbm, ob64, 64)):
            for blk in range(rows_per // _ROWS_BLK):
                row0 = row_base + blk * _ROWS_BLK
                pltpu.sync_copy(w_hbm.at[pl.ds(row0, _ROWS_BLK), :], wbuf)

                def row_fn(r, _, obuf=obuf, k=k):
                    _sc_select_one(wbuf, obuf, k, r)
                    return 0

                lax.fori_loop(0, _ROWS_BLK, row_fn, 0)
                pltpu.sync_copy(obuf, o_hbm.at[pl.ds(row0, _ROWS_BLK), :])

    return sckern(w0, w1, w2)


def _fps_kernel(x_ref, y_ref, z_ref, ox_ref, oy_ref, oz_ref):
    B, N = x_ref.shape
    S = ox_ref.shape[1]
    iota_f = jax.lax.broadcasted_iota(jnp.int32, (B, N), 1).astype(jnp.float32)
    iota_s = jax.lax.broadcasted_iota(jnp.int32, (B, S), 1)

    def body(i, carry):
        distance, farthest, cxs, cys, czs = carry
        x = x_ref[...]
        y = y_ref[...]
        z = z_ref[...]
        onehot = (iota_f == farthest).astype(jnp.float32)
        cx = jnp.sum(x * onehot, axis=1, keepdims=True)
        cy = jnp.sum(y * onehot, axis=1, keepdims=True)
        cz = jnp.sum(z * onehot, axis=1, keepdims=True)
        slot = (iota_s == i).astype(jnp.float32)
        cxs = cxs + slot * cx
        cys = cys + slot * cy
        czs = czs + slot * cz
        dx = x - cx
        dy = y - cy
        dz = z - cz
        dist = (dx * dx + dy * dy) + dz * dz
        distance = jnp.minimum(distance, dist)
        maxv = jnp.max(distance, axis=1, keepdims=True)
        farthest = jnp.min(
            jnp.where(distance == maxv, iota_f, float(N)),
            axis=1, keepdims=True)
        return distance, farthest, cxs, cys, czs

    zs = jnp.zeros((B, S), jnp.float32)
    init = (jnp.full((B, N), 1e10, jnp.float32),
            jnp.zeros((B, 1), jnp.float32),
            zs, zs, zs)
    _, _, cxs, cys, czs = jax.lax.fori_loop(0, S, body, init)
    ox_ref[...] = cxs
    oy_ref[...] = cys
    oz_ref[...] = czs


def _fps_pallas(xyz, npoint):
    B, _, N = xyz.shape
    ox, oy, oz = pl.pallas_call(
        _fps_kernel,
        out_shape=(
            jax.ShapeDtypeStruct((B, npoint), jnp.float32),
            jax.ShapeDtypeStruct((B, npoint), jnp.float32),
            jax.ShapeDtypeStruct((B, npoint), jnp.float32),
        ),
    )(xyz[:, 0], xyz[:, 1], xyz[:, 2])
    return ox, oy, oz


_GCHUNK = 128


def _gather_sc(table, fidx0, fidx1, fidx2):
    D = table.shape[1]
    Rs = (fidx0.shape[0], fidx1.shape[0], fidx2.shape[0])
    mesh = plsc.VectorSubcoreMesh(core_axis_name="c", subcore_axis_name="s")
    cp = pltpu.CompilerParams()
    fields = pltpu.CompilerParams.__dataclass_fields__
    if "needs_layout_passes" in fields:
        cp = dataclasses.replace(cp, needs_layout_passes=False)
    if "use_tc_tiling_on_sc" in fields:
        cp = dataclasses.replace(cp, use_tc_tiling_on_sc=False)

    @functools.partial(
        pl.kernel,
        compiler_params=cp,
        out_type=tuple(jax.ShapeDtypeStruct((r, D), jnp.float32) for r in Rs),
        mesh=mesh,
        scratch_types=[
            pltpu.VMEM((_GCHUNK,), jnp.int32),
            pltpu.VMEM((_GCHUNK, D), jnp.float32),
            pltpu.SemaphoreType.DMA,
        ],
    )
    def gkern(tab_hbm, i0_hbm, i1_hbm, i2_hbm, o0_hbm, o1_hbm, o2_hbm,
              idxbuf, gbuf, sem):
        wid = lax.axis_index("s") * 2 + lax.axis_index("c")
        for i_hbm, o_hbm, r_total in ((i0_hbm, o0_hbm, Rs[0]),
                                      (i1_hbm, o1_hbm, Rs[1]),
                                      (i2_hbm, o2_hbm, Rs[2])):
            rows_per = r_total // 32
            base = wid * rows_per

            @pl.loop(0, rows_per // _GCHUNK)
            def _chunk(c, base=base, i_hbm=i_hbm, o_hbm=o_hbm):
                row0 = base + c * _GCHUNK
                pltpu.sync_copy(i_hbm.at[pl.ds(row0, _GCHUNK)], idxbuf)
                pltpu.async_copy(tab_hbm.at[idxbuf], gbuf, sem).wait()
                pltpu.sync_copy(gbuf, o_hbm.at[pl.ds(row0, _GCHUNK), :])

    return gkern(table, fidx0, fidx1, fidx2)


def kernel(xyz, points, Ws, bs):
    xyz_t = jnp.transpose(xyz, (0, 2, 1))
    pts_t = jnp.transpose(points, (0, 2, 1))
    B, N, C = xyz_t.shape
    S = _NPOINT
    cxs, cys, czs = _fps_pallas(xyz, S)
    new_xyz_cs = jnp.stack([cxs, cys, czs], axis=1)
    new_xyz = jnp.transpose(new_xyz_cs, (0, 2, 1))
    w0, w1, w2 = _ballmask_pallas(
        xyz[:, 0], xyz[:, 1], xyz[:, 2], cxs, cys, czs)
    g0, g1, g2 = _ballquery_sc(
        w0.reshape(B * S, 128), w1.reshape(B * S, 128),
        w2.reshape(B * S, 128))
    group_idx_all = [g0.reshape(B, S, 16), g1.reshape(B, S, 32),
                     g2.reshape(B, S, 64)]
    D_PAD = 80
    DF = pts_t.shape[-1]
    table = jnp.concatenate(
        [pts_t, xyz_t, jnp.zeros((B, N, D_PAD - DF - 3), jnp.float32)],
        axis=-1).reshape(B * N, D_PAD)
    boff = (jnp.arange(B, dtype=jnp.int32) * N)[:, None, None]
    fidx = [(g + boff).reshape(-1) for g in group_idx_all]
    G0, G1, G2 = _gather_sc(table, fidx[0], fidx[1], fidx[2])
    new_points_list = []
    for i, G in enumerate((G0, G1, G2)):
        K = _NSAMPLE_LIST[i]
        G = G.reshape(B, S, K, D_PAD)
        grouped_xyz = G[..., DF:DF + 3] - new_xyz[:, :, None, :]
        h = jnp.concatenate([G[..., :DF], grouped_xyz], axis=-1)
        for W, b in zip(Ws[i], bs[i]):
            h = jax.nn.relu(jnp.einsum('bskc,oc->bsko', h, W) + b)
        new_points = jnp.max(h, axis=2)
        new_points_list.append(jnp.transpose(new_points, (0, 2, 1)))
    new_points_concat = jnp.concatenate(new_points_list, axis=1)
    return new_xyz_cs, new_points_concat

# --- scband reference (transcript-rebuilt; emitter-appended) ---
"""Pipeline reference for scband-point-net2-29532195127600 (READ-ONLY COPY).

The authoritative reference and input builder live on the scoring server;
editing this copy changes nothing except your own understanding.
"""

import jax, jax.numpy as jnp
import numpy as np

NPOINT = 512
RADIUS_LIST = [0.1, 0.2, 0.4]
NSAMPLE_LIST = [16, 32, 64]
IN_CHANNEL = 64
MLP_LIST = [[64, 64, 128], [128, 128, 256], [128, 128, 256]]


def setup_inputs(seed: int = 0):
    key = jax.random.key(seed)
    k1, k2, kp = jax.random.split(key, 3)
    B, N = 4, 4096
    xyz = jax.random.uniform(k1, (B, 3, N), dtype=jnp.float32)
    points = jax.random.normal(k2, (B, IN_CHANNEL, N), dtype=jnp.float32)
    Ws, bs = [], []
    for i, mlp in enumerate(MLP_LIST):
        last = IN_CHANNEL + 3
        Wl, bl = [], []
        for out in mlp:
            kp, kw = jax.random.split(kp)
            Wl.append(jax.random.normal(kw, (out, last), dtype=jnp.float32) * (1.0 / np.sqrt(last)))
            bl.append(jnp.zeros((out,), jnp.float32))
            last = out
        Ws.append(Wl)
        bs.append(bl)
    return {"xyz": xyz, "points": points, "Ws": Ws, "bs": bs}


def square_distance(src, dst):
    dist = -2.0 * jnp.matmul(src, jnp.swapaxes(dst, 1, 2))
    dist = dist + jnp.sum(src ** 2, -1)[:, :, None]
    dist = dist + jnp.sum(dst ** 2, -1)[:, None, :]
    return dist


def index_points(points, idx):
    # points: [B, N, C], idx: [B, ...] -> [B, ..., C]
    return jax.vmap(lambda p, i: p[i])(points, idx)


def farthest_point_sample(xyz, npoint):
    # Deterministic variant: initial farthest index = 0 per batch
    xyz = jax.lax.stop_gradient(xyz)
    B, N, _ = xyz.shape

    def body(i, carry):
        centroids, distance, farthest = carry
        centroids = centroids.at[:, i].set(farthest)
        centroid = xyz[jnp.arange(B), farthest, :][:, None, :]
        dist = jnp.sum((xyz - centroid) ** 2, -1)
        distance = jnp.minimum(distance, dist)
        farthest = jnp.argmax(distance, -1).astype(jnp.int32)
        return centroids, distance, farthest

    init = (jnp.zeros((B, npoint), jnp.int32),
            jnp.full((B, N), 1e10, dtype=jnp.float32),
            jnp.zeros((B,), jnp.int32))
    centroids, _, _ = jax.lax.fori_loop(0, npoint, body, init)
    return centroids


def query_ball_point(radius, nsample, xyz, new_xyz):
    xyz = jax.lax.stop_gradient(xyz)
    new_xyz = jax.lax.stop_gradient(new_xyz)
    B, N, _ = xyz.shape
    S = new_xyz.shape[1]
    group_idx = jnp.broadcast_to(jnp.arange(N, dtype=jnp.int32)[None, None, :], (B, S, N))
    sqrdists = square_distance(new_xyz, xyz)
    group_idx = jnp.where(sqrdists > radius ** 2, N, group_idx)
    group_idx = jnp.sort(group_idx, axis=-1)[:, :, :nsample]
    group_first = jnp.broadcast_to(group_idx[:, :, 0:1], group_idx.shape)
    group_idx = jnp.where(group_idx == N, group_first, group_idx)
    return group_idx


def reference(xyz, points, Ws, bs):
    xyz_t = jnp.transpose(xyz, (0, 2, 1))      # [B, N, 3]
    pts_t = jnp.transpose(points, (0, 2, 1))   # [B, N, D]
    B, N, C = xyz_t.shape
    S = NPOINT
    fps_idx = farthest_point_sample(xyz_t, S)
    new_xyz = index_points(xyz_t, fps_idx)     # [B, S, 3]
    new_points_list = []
    for i, radius in enumerate(RADIUS_LIST):
        K = NSAMPLE_LIST[i]
        group_idx = query_ball_point(radius, K, xyz_t, new_xyz)
        grouped_xyz = index_points(xyz_t, group_idx)          # [B, S, K, 3]
        grouped_xyz = grouped_xyz - new_xyz[:, :, None, :]
        grouped_points = index_points(pts_t, group_idx)       # [B, S, K, D]
        grouped_points = jnp.concatenate([grouped_points, grouped_xyz], axis=-1)
        h = grouped_points                                    # [B, S, K, Cin]
        for W, b in zip(Ws[i], bs[i]):
            # 1x1 Conv2d over channel dim == per-point linear
            h = jax.nn.relu(jnp.einsum('bskc,oc->bsko', h, W) + b)
        new_points = jnp.max(h, axis=2)                       # [B, S, Cout]
        new_points_list.append(jnp.transpose(new_points, (0, 2, 1)))
    new_xyz_out = jnp.transpose(new_xyz, (0, 2, 1))           # [B, 3, S]
    new_points_concat = jnp.concatenate(new_points_list, axis=1)  # [B, 640, S]
    return new_xyz_out, new_points_concat

if __name__ == "__main__":
    import jax
    _d = setup_inputs()
    print(jax.jit(kernel)(*tuple(_d.values())))

</pallas_src>

<mosaic_0001>
#map = affine_map<(d0, d1) -> (0, 0)>
#map1 = affine_map<(d0, d1) -> (0)>
module attributes {stable_mosaic.version = 14 : i64} {
  func.func @gkern(%arg0: i32, %arg1: i32, %arg2: memref<16384x80xf32, #tpu.memory_space<hbm>>, %arg3: memref<32768xi32, #tpu.memory_space<hbm>>, %arg4: memref<65536xi32, #tpu.memory_space<hbm>>, %arg5: memref<131072xi32, #tpu.memory_space<hbm>>, %arg6: memref<32768x80xf32, #tpu.memory_space<hbm>>, %arg7: memref<65536x80xf32, #tpu.memory_space<hbm>>, %arg8: memref<131072x80xf32, #tpu.memory_space<hbm>>, %arg9: memref<128xi32, #tpu.memory_space<vmem>>, %arg10: memref<128x80xf32, #tpu.memory_space<vmem>>, %arg11: memref<!tpu.dma_semaphore, #tpu.memory_space<semaphore_mem>>) attributes {dimension_semantics = [#tpu.dimension_semantics<core_parallel>, #tpu.dimension_semantics<subcore_parallel>], iteration_bounds = array<i64: 2, 16>, scalar_prefetch = 0 : i64, scratch_operands = 3 : i64, tpu.core_type = #tpu.core_type<sc_vector_subcore>, window_params = [{transform_indices = #map}, {transform_indices = #map1}, {transform_indices = #map1}, {transform_indices = #map1}, {transform_indices = #map}, {transform_indices = #map}, {transform_indices = #map}]} {
    %mul3A = arith.constant 2 : i32
    %mul3A_0 = arith.muli %arg1, %mul3A : i32
    %add3A = arith.addi %mul3A_0, %arg0 : i32
    %mul3A_1 = arith.constant 1024 : i32
    %mul3A_2 = arith.muli %add3A, %mul3A_1 : i32
    %scan3A = arith.constant 0 : i32
    %scan3A_3 = arith.constant 8 : i32
    %scan3A_4 = arith.addi %scan3A, %scan3A_3 : i32
    %scan3A_5 = arith.constant 1 : i32
    scf.for %scan3A_21 = %scan3A to %scan3A_4 step %scan3A_5  : i32 {
      %mul3A_22 = arith.constant 1 : i32
      %mul3A_23 = arith.muli %scan3A_21, %mul3A_22 : i32
      %add3A_24 = arith.constant 0 : i32
      %add3A_25 = arith.addi %add3A_24, %mul3A_23 : i32
      %mul3A_26 = arith.constant 128 : i32
      %mul3A_27 = arith.muli %add3A_25, %mul3A_26 : i32
      %add3A_28 = arith.addi %mul3A_2, %mul3A_27 : i32
      "tpu.region"() ({
        %run_scoped3A = tpu.sem_alloc : memref<!tpu.dma_semaphore, #tpu.memory_space<semaphore_mem>>
        %dma_start3A_33 = tpu.memref_slice %arg3[%add3A_28] : memref<32768xi32, #tpu.memory_space<hbm>> -> memref<128xi32, #tpu.memory_space<hbm>>
        %dma_start3A_34 = tpu.memref_slice %arg3[%add3A_28] : memref<32768xi32, #tpu.memory_space<hbm>> -> memref<128xi32, #tpu.memory_space<hbm>>
        tpu.enqueue_dma source(%dma_start3A_34 : memref<128xi32, #tpu.memory_space<hbm>>) target(%arg9 : memref<128xi32, #tpu.memory_space<vmem>>) target_semaphore(%run_scoped3A : memref<!tpu.dma_semaphore, #tpu.memory_space<semaphore_mem>>)
        %dma_wait3A_35 = tpu.memref_slice %arg3[%add3A_28] : memref<32768xi32, #tpu.memory_space<hbm>> -> memref<128xi32, #tpu.memory_space<hbm>>
        %dma_wait3A_36 = tpu.memref_slice %arg3[%add3A_28] : memref<32768xi32, #tpu.memory_space<hbm>> -> memref<128xi32, #tpu.memory_space<hbm>>
        tpu.wait_dma2 semaphore(%run_scoped3A : memref<!tpu.dma_semaphore, #tpu.memory_space<semaphore_mem>>) src(%dma_wait3A_36 : memref<128xi32, #tpu.memory_space<hbm>>) dst(%arg9 : memref<128xi32, #tpu.memory_space<vmem>>)
        tpu.yield
      }) : () -> ()
      %dma_start3A = arith.constant 0 : i32
      %dma_start3A_29 = arith.constant 0 : i32
      %dma_start3A_30 = tpu.memref_slice %arg2[%dma_start3A, %dma_start3A_29] : memref<16384x80xf32, #tpu.memory_space<hbm>> -> memref<16384x80xf32, #tpu.memory_space<hbm>>
      tpu.enqueue_indirect_dma source(%dma_start3A_30 : memref<16384x80xf32, #tpu.memory_space<hbm>>) target(%arg10 : memref<128x80xf32, #tpu.memory_space<vmem>>) offsets(%arg9 : memref<128xi32, #tpu.memory_space<vmem>>) semaphore(%arg11 : memref<!tpu.dma_semaphore, #tpu.memory_space<semaphore_mem>>)
      %dma_wait3A = arith.constant 0 : i32
      %dma_wait3A_31 = arith.constant 0 : i32
      %dma_wait3A_32 = tpu.memref_slice %arg2[%dma_wait3A, %dma_wait3A_31] : memref<16384x80xf32, #tpu.memory_space<hbm>> -> memref<16384x80xf32, #tpu.memory_space<hbm>>
      tpu.wait_indirect_dma semaphore(%arg11 : memref<!tpu.dma_semaphore, #tpu.memory_space<semaphore_mem>>) src(%dma_wait3A_32 : memref<16384x80xf32, #tpu.memory_space<hbm>>) dst(%arg10 : memref<128x80xf32, #tpu.memory_space<vmem>>)
      "tpu.region"() ({
        %run_scoped3A = tpu.sem_alloc : memref<!tpu.dma_semaphore, #tpu.memory_space<semaphore_mem>>
        %dma_start3A_33 = arith.constant 0 : i32
        %dma_start3A_34 = tpu.memref_slice %arg6[%add3A_28, %dma_start3A_33] : memref<32768x80xf32, #tpu.memory_space<hbm>> -> memref<128x80xf32, #tpu.memory_space<hbm>>
        %dma_start3A_35 = arith.constant 0 : i32
        %dma_start3A_36 = tpu.memref_slice %arg6[%add3A_28, %dma_start3A_35] : memref<32768x80xf32, #tpu.memory_space<hbm>> -> memref<128x80xf32, #tpu.memory_space<hbm>>
        tpu.enqueue_dma source(%arg10 : memref<128x80xf32, #tpu.memory_space<vmem>>) target(%dma_start3A_36 : memref<128x80xf32, #tpu.memory_space<hbm>>) target_semaphore(%run_scoped3A : memref<!tpu.dma_semaphore, #tpu.memory_space<semaphore_mem>>)
        %dma_wait3A_37 = arith.constant 0 : i32
        %dma_wait3A_38 = tpu.memref_slice %arg6[%add3A_28, %dma_wait3A_37] : memref<32768x80xf32, #tpu.memory_space<hbm>> -> memref<128x80xf32, #tpu.memory_space<hbm>>
        %dma_wait3A_39 = arith.constant 0 : i32
        %dma_wait3A_40 = tpu.memref_slice %arg6[%add3A_28, %dma_wait3A_39] : memref<32768x80xf32, #tpu.memory_space<hbm>> -> memref<128x80xf32, #tpu.memory_space<hbm>>
        tpu.wait_dma2 semaphore(%run_scoped3A : memref<!tpu.dma_semaphore, #tpu.memory_space<semaphore_mem>>) src(%arg10 : memref<128x80xf32, #tpu.memory_space<vmem>>) dst(%dma_wait3A_40 : memref<128x80xf32, #tpu.memory_space<hbm>>)
        tpu.yield
      }) : () -> ()
    }
    %scan3A_6 = arith.constant 8 : i32
    %mul3A_7 = arith.constant 2048 : i32
    %mul3A_8 = arith.muli %add3A, %mul3A_7 : i32
    %scan3A_9 = arith.constant 0 : i32
    %scan3A_10 = arith.constant 16 : i32
    %scan3A_11 = arith.addi %scan3A_9, %scan3A_10 : i32
    %scan3A_12 = arith.constant 1 : i32
    scf.for %scan3A_21 = %scan3A_9 to %scan3A_11 step %scan3A_12  : i32 {
      %mul3A_22 = arith.constant 1 : i32
      %mul3A_23 = arith.muli %scan3A_21, %mul3A_22 : i32
      %add3A_24 = arith.constant 0 : i32
      %add3A_25 = arith.addi %add3A_24, %mul3A_23 : i32
      %mul3A_26 = arith.constant 128 : i32
      %mul3A_27 = arith.muli %add3A_25, %mul3A_26 : i32
      %add3A_28 = arith.addi %mul3A_8, %mul3A_27 : i32
      "tpu.region"() ({
        %run_scoped3A = tpu.sem_alloc : memref<!tpu.dma_semaphore, #tpu.memory_space<semaphore_mem>>
        %dma_start3A_33 = tpu.memref_slice %arg4[%add3A_28] : memref<65536xi32, #tpu.memory_space<hbm>> -> memref<128xi32, #tpu.memory_space<hbm>>
        %dma_start3A_34 = tpu.memref_slice %arg4[%add3A_28] : memref<65536xi32, #tpu.memory_space<hbm>> -> memref<128xi32, #tpu.memory_space<hbm>>
        tpu.enqueue_dma source(%dma_start3A_34 : memref<128xi32, #tpu.memory_space<hbm>>) target(%arg9 : memref<128xi32, #tpu.memory_space<vmem>>) target_semaphore(%run_scoped3A : memref<!tpu.dma_semaphore, #tpu.memory_space<semaphore_mem>>)
        %dma_wait3A_35 = tpu.memref_slice %arg4[%add3A_28] : memref<65536xi32, #tpu.memory_space<hbm>> -> memref<128xi32, #tpu.memory_space<hbm>>
        %dma_wait3A_36 = tpu.memref_slice %arg4[%add3A_28] : memref<65536xi32, #tpu.memory_space<hbm>> -> memref<128xi32, #tpu.memory_space<hbm>>
        tpu.wait_dma2 semaphore(%run_scoped3A : memref<!tpu.dma_semaphore, #tpu.memory_space<semaphore_mem>>) src(%dma_wait3A_36 : memref<128xi32, #tpu.memory_space<hbm>>) dst(%arg9 : memref<128xi32, #tpu.memory_space<vmem>>)
        tpu.yield
      }) : () -> ()
      %dma_start3A = arith.constant 0 : i32
      %dma_start3A_29 = arith.constant 0 : i32
      %dma_start3A_30 = tpu.memref_slice %arg2[%dma_start3A, %dma_start3A_29] : memref<16384x80xf32, #tpu.memory_space<hbm>> -> memref<16384x80xf32, #tpu.memory_space<hbm>>
      tpu.enqueue_indirect_dma source(%dma_start3A_30 : memref<16384x80xf32, #tpu.memory_space<hbm>>) target(%arg10 : memref<128x80xf32, #tpu.memory_space<vmem>>) offsets(%arg9 : memref<128xi32, #tpu.memory_space<vmem>>) semaphore(%arg11 : memref<!tpu.dma_semaphore, #tpu.memory_space<semaphore_mem>>)
      %dma_wait3A = arith.constant 0 : i32
      %dma_wait3A_31 = arith.constant 0 : i32
      %dma_wait3A_32 = tpu.memref_slice %arg2[%dma_wait3A, %dma_wait3A_31] : memref<16384x80xf32, #tpu.memory_space<hbm>> -> memref<16384x80xf32, #tpu.memory_space<hbm>>
      tpu.wait_indirect_dma semaphore(%arg11 : memref<!tpu.dma_semaphore, #tpu.memory_space<semaphore_mem>>) src(%dma_wait3A_32 : memref<16384x80xf32, #tpu.memory_space<hbm>>) dst(%arg10 : memref<128x80xf32, #tpu.memory_space<vmem>>)
      "tpu.region"() ({
        %run_scoped3A = tpu.sem_alloc : memref<!tpu.dma_semaphore, #tpu.memory_space<semaphore_mem>>
        %dma_start3A_33 = arith.constant 0 : i32
        %dma_start3A_34 = tpu.memref_slice %arg7[%add3A_28, %dma_start3A_33] : memref<65536x80xf32, #tpu.memory_space<hbm>> -> memref<128x80xf32, #tpu.memory_space<hbm>>
        %dma_start3A_35 = arith.constant 0 : i32
        %dma_start3A_36 = tpu.memref_slice %arg7[%add3A_28, %dma_start3A_35] : memref<65536x80xf32, #tpu.memory_space<hbm>> -> memref<128x80xf32, #tpu.memory_space<hbm>>
        tpu.enqueue_dma source(%arg10 : memref<128x80xf32, #tpu.memory_space<vmem>>) target(%dma_start3A_36 : memref<128x80xf32, #tpu.memory_space<hbm>>) target_semaphore(%run_scoped3A : memref<!tpu.dma_semaphore, #tpu.memory_space<semaphore_mem>>)
        %dma_wait3A_37 = arith.constant 0 : i32
        %dma_wait3A_38 = tpu.memref_slice %arg7[%add3A_28, %dma_wait3A_37] : memref<65536x80xf32, #tpu.memory_space<hbm>> -> memref<128x80xf32, #tpu.memory_space<hbm>>
        %dma_wait3A_39 = arith.constant 0 : i32
        %dma_wait3A_40 = tpu.memref_slice %arg7[%add3A_28, %dma_wait3A_39] : memref<65536x80xf32, #tpu.memory_space<hbm>> -> memref<128x80xf32, #tpu.memory_space<hbm>>
        tpu.wait_dma2 semaphore(%run_scoped3A : memref<!tpu.dma_semaphore, #tpu.memory_space<semaphore_mem>>) src(%arg10 : memref<128x80xf32, #tpu.memory_space<vmem>>) dst(%dma_wait3A_40 : memref<128x80xf32, #tpu.memory_space<hbm>>)
        tpu.yield
      }) : () -> ()
    }
    %scan3A_13 = arith.constant 16 : i32
    %mul3A_14 = arith.constant 4096 : i32
    %mul3A_15 = arith.muli %add3A, %mul3A_14 : i32
    %scan3A_16 = arith.constant 0 : i32
    %scan3A_17 = arith.constant 32 : i32
    %scan3A_18 = arith.addi %scan3A_16, %scan3A_17 : i32
    %scan3A_19 = arith.constant 1 : i32
    scf.for %scan3A_21 = %scan3A_16 to %scan3A_18 step %scan3A_19  : i32 {
      %mul3A_22 = arith.constant 1 : i32
      %mul3A_23 = arith.muli %scan3A_21, %mul3A_22 : i32
      %add3A_24 = arith.constant 0 : i32
      %add3A_25 = arith.addi %add3A_24, %mul3A_23 : i32
      %mul3A_26 = arith.constant 128 : i32
      %mul3A_27 = arith.muli %add3A_25, %mul3A_26 : i32
      %add3A_28 = arith.addi %mul3A_15, %mul3A_27 : i32
      "tpu.region"() ({
        %run_scoped3A = tpu.sem_alloc : memref<!tpu.dma_semaphore, #tpu.memory_space<semaphore_mem>>
        %dma_start3A_33 = tpu.memref_slice %arg5[%add3A_28] : memref<131072xi32, #tpu.memory_space<hbm>> -> memref<128xi32, #tpu.memory_space<hbm>>
        %dma_start3A_34 = tpu.memref_slice %arg5[%add3A_28] : memref<131072xi32, #tpu.memory_space<hbm>> -> memref<128xi32, #tpu.memory_space<hbm>>
        tpu.enqueue_dma source(%dma_start3A_34 : memref<128xi32, #tpu.memory_space<hbm>>) target(%arg9 : memref<128xi32, #tpu.memory_space<vmem>>) target_semaphore(%run_scoped3A : memref<!tpu.dma_semaphore, #tpu.memory_space<semaphore_mem>>)
        %dma_wait3A_35 = tpu.memref_slice %arg5[%add3A_28] : memref<131072xi32, #tpu.memory_space<hbm>> -> memref<128xi32, #tpu.memory_space<hbm>>
        %dma_wait3A_36 = tpu.memref_slice %arg5[%add3A_28] : memref<131072xi32, #tpu.memory_space<hbm>> -> memref<128xi32, #tpu.memory_space<hbm>>
        tpu.wait_dma2 semaphore(%run_scoped3A : memref<!tpu.dma_semaphore, #tpu.memory_space<semaphore_mem>>) src(%dma_wait3A_36 : memref<128xi32, #tpu.memory_space<hbm>>) dst(%arg9 : memref<128xi32, #tpu.memory_space<vmem>>)
        tpu.yield
      }) : () -> ()
      %dma_start3A = arith.constant 0 : i32
      %dma_start3A_29 = arith.constant 0 : i32
      %dma_start3A_30 = tpu.memref_slice %arg2[%dma_start3A, %dma_start3A_29] : memref<16384x80xf32, #tpu.memory_space<hbm>> -> memref<16384x80xf32, #tpu.memory_space<hbm>>
      tpu.enqueue_indirect_dma source(%dma_start3A_30 : memref<16384x80xf32, #tpu.memory_space<hbm>>) target(%arg10 : memref<128x80xf32, #tpu.memory_space<vmem>>) offsets(%arg9 : memref<128xi32, #tpu.memory_space<vmem>>) semaphore(%arg11 : memref<!tpu.dma_semaphore, #tpu.memory_space<semaphore_mem>>)
      %dma_wait3A = arith.constant 0 : i32
      %dma_wait3A_31 = arith.constant 0 : i32
      %dma_wait3A_32 = tpu.memref_slice %arg2[%dma_wait3A, %dma_wait3A_31] : memref<16384x80xf32, #tpu.memory_space<hbm>> -> memref<16384x80xf32, #tpu.memory_space<hbm>>
      tpu.wait_indirect_dma semaphore(%arg11 : memref<!tpu.dma_semaphore, #tpu.memory_space<semaphore_mem>>) src(%dma_wait3A_32 : memref<16384x80xf32, #tpu.memory_space<hbm>>) dst(%arg10 : memref<128x80xf32, #tpu.memory_space<vmem>>)
      "tpu.region"() ({
        %run_scoped3A = tpu.sem_alloc : memref<!tpu.dma_semaphore, #tpu.memory_space<semaphore_mem>>
        %dma_start3A_33 = arith.constant 0 : i32
        %dma_start3A_34 = tpu.memref_slice %arg8[%add3A_28, %dma_start3A_33] : memref<131072x80xf32, #tpu.memory_space<hbm>> -> memref<128x80xf32, #tpu.memory_space<hbm>>
        %dma_start3A_35 = arith.constant 0 : i32
        %dma_start3A_36 = tpu.memref_slice %arg8[%add3A_28, %dma_start3A_35] : memref<131072x80xf32, #tpu.memory_space<hbm>> -> memref<128x80xf32, #tpu.memory_space<hbm>>
        tpu.enqueue_dma source(%arg10 : memref<128x80xf32, #tpu.memory_space<vmem>>) target(%dma_start3A_36 : memref<128x80xf32, #tpu.memory_space<hbm>>) target_semaphore(%run_scoped3A : memref<!tpu.dma_semaphore, #tpu.memory_space<semaphore_mem>>)
        %dma_wait3A_37 = arith.constant 0 : i32
        %dma_wait3A_38 = tpu.memref_slice %arg8[%add3A_28, %dma_wait3A_37] : memref<131072x80xf32, #tpu.memory_space<hbm>> -> memref<128x80xf32, #tpu.memory_space<hbm>>
        %dma_wait3A_39 = arith.constant 0 : i32
        %dma_wait3A_40 = tpu.memref_slice %arg8[%add3A_28, %dma_wait3A_39] : memref<131072x80xf32, #tpu.memory_space<hbm>> -> memref<128x80xf32, #tpu.memory_space<hbm>>
        tpu.wait_dma2 semaphore(%run_scoped3A : memref<!tpu.dma_semaphore, #tpu.memory_space<semaphore_mem>>) src(%arg10 : memref<128x80xf32, #tpu.memory_space<vmem>>) dst(%dma_wait3A_40 : memref<128x80xf32, #tpu.memory_space<hbm>>)
        tpu.yield
      }) : () -> ()
    }
    %scan3A_20 = arith.constant 32 : i32
    return
  }
}

#map = affine_map<(d0, d1) -> (0, 0)>
module attributes {stable_mosaic.version = 14 : i64} {
  func.func @sckern(%arg0: i32, %arg1: i32, %arg2: memref<2048x128xi32, #tpu.memory_space<hbm>>, %arg3: memref<2048x128xi32, #tpu.memory_space<hbm>>, %arg4: memref<2048x128xi32, #tpu.memory_space<hbm>>, %arg5: memref<2048x16xi32, #tpu.memory_space<hbm>>, %arg6: memref<2048x32xi32, #tpu.memory_space<hbm>>, %arg7: memref<2048x64xi32, #tpu.memory_space<hbm>>, %arg8: memref<16x128xi32, #tpu.memory_space<vmem>>, %arg9: memref<16x16xi32, #tpu.memory_space<vmem>>, %arg10: memref<16x32xi32, #tpu.memory_space<vmem>>, %arg11: memref<16x64xi32, #tpu.memory_space<vmem>>) attributes {dimension_semantics = [#tpu.dimension_semantics<core_parallel>, #tpu.dimension_semantics<subcore_parallel>], iteration_bounds = array<i64: 2, 16>, scalar_prefetch = 0 : i64, scratch_operands = 4 : i64, tpu.core_type = #tpu.core_type<sc_vector_subcore>, window_params = [{transform_indices = #map}, {transform_indices = #map}, {transform_indices = #map}, {transform_indices = #map}, {transform_indices = #map}, {transform_indices = #map}]} {
    %mul3A = arith.constant 2 : i32
    %mul3A_0 = arith.muli %arg1, %mul3A : i32
    %add3A = arith.addi %mul3A_0, %arg0 : i32
    %mul3A_1 = arith.constant 64 : i32
    %mul3A_2 = arith.muli %add3A, %mul3A_1 : i32
    %add3A_3 = arith.constant 0 : i32
    %add3A_4 = arith.addi %mul3A_2, %add3A_3 : i32
    "tpu.region"() ({
      %run_scoped3A = tpu.sem_alloc : memref<!tpu.dma_semaphore, #tpu.memory_space<semaphore_mem>>
      %dma_start3A = arith.constant 0 : i32
      %dma_start3A_110 = tpu.memref_slice %arg2[%add3A_4, %dma_start3A] : memref<2048x128xi32, #tpu.memory_space<hbm>> -> memref<16x128xi32, #tpu.memory_space<hbm>>
      %dma_start3A_111 = arith.constant 0 : i32
      %dma_start3A_112 = tpu.memref_slice %arg2[%add3A_4, %dma_start3A_111] : memref<2048x128xi32, #tpu.memory_space<hbm>> -> memref<16x128xi32, #tpu.memory_space<hbm>>
      tpu.enqueue_dma source(%dma_start3A_112 : memref<16x128xi32, #tpu.memory_space<hbm>>) target(%arg8 : memref<16x128xi32, #tpu.memory_space<vmem>>) target_semaphore(%run_scoped3A : memref<!tpu.dma_semaphore, #tpu.memory_space<semaphore_mem>>)
      %dma_wait3A = arith.constant 0 : i32
      %dma_wait3A_113 = tpu.memref_slice %arg2[%add3A_4, %dma_wait3A] : memref<2048x128xi32, #tpu.memory_space<hbm>> -> memref<16x128xi32, #tpu.memory_space<hbm>>
      %dma_wait3A_114 = arith.constant 0 : i32
      %dma_wait3A_115 = tpu.memref_slice %arg2[%add3A_4, %dma_wait3A_114] : memref<2048x128xi32, #tpu.memory_space<hbm>> -> memref<16x128xi32, #tpu.memory_space<hbm>>
      tpu.wait_dma2 semaphore(%run_scoped3A : memref<!tpu.dma_semaphore, #tpu.memory_space<semaphore_mem>>) src(%dma_wait3A_115 : memref<16x128xi32, #tpu.memory_space<hbm>>) dst(%arg8 : memref<16x128xi32, #tpu.memory_space<vmem>>)
      tpu.yield
    }) : () -> ()
    %scan3A = arith.constant 0 : i32
    %scan3A_5 = arith.constant 0 : i32
    %scan3A_6 = arith.constant 16 : i32
    %scan3A_7 = arith.addi %scan3A_5, %scan3A_6 : i32
    %scan3A_8 = arith.constant 1 : i32
    %scan3A_9 = scf.for %scan3A_110 = %scan3A_5 to %scan3A_7 step %scan3A_8 iter_args(%scan3A_111 = %scan3A) -> (i32)  : i32 {
      %iota3A = tpu.iota {dimensions = array<i32: 0>} : vector<16xi32>
      %broadcast_in_dim3A = vector.broadcast %scan3A_110 : i32 to vector<16xi32>
      %scan3A_112 = arith.constant 0 : i32
      %scan3A_113 = arith.constant 0 : i32
      %scan3A_114 = arith.constant 8 : i32
      %scan3A_115 = arith.addi %scan3A_113, %scan3A_114 : i32
      %scan3A_116 = arith.constant 1 : i32
      %scan3A_117 = scf.for %scan3A_139 = %scan3A_113 to %scan3A_115 step %scan3A_116 iter_args(%scan3A_140 = %scan3A_112) -> (i32)  : i32 {
        %lt3A_141 = arith.constant 16 : i32
        %lt3A_142 = arith.cmpi slt, %scan3A_140, %lt3A_141 : i32
        %convert_element_type3A_143 = arith.extui %lt3A_142 : i1 to i32
        %cond3A = arith.constant 0 : i32
        %cond3A_144 = arith.cmpi ne, %convert_element_type3A_143, %cond3A : i32
        %cond3A_145 = scf.if %cond3A_144 -> (i32) {
          %mul3A_146 = arith.constant 16 : i32
          %mul3A_147 = arith.muli %scan3A_139, %mul3A_146 : i32
          %get3A_148 = arith.index_cast %scan3A_110 : i32 to index
          %get3A_149 = arith.index_cast %mul3A_147 : i32 to index
          %get3A_150 = tpu.vector_load %arg8[%get3A_148, %get3A_149] {strides = array<i32>} : memref<16x128xi32, #tpu.memory_space<vmem>>, vector<16xi32>,
          %shift_right_logical3A = arith.constant 1 : i32
          %shift_right_logical3A_151 = vector.broadcast %shift_right_logical3A : i32 to vector<16xi32>
          %shift_right_logical3A_152 = arith.shrui %get3A_150, %shift_right_logical3A_151 : vector<16xi32>
          %and3A = arith.constant 1431655765 : i32
          %and3A_153 = vector.broadcast %and3A : i32 to vector<16xi32>
          %and3A_154 = arith.andi %shift_right_logical3A_152, %and3A_153 : vector<16xi32>
          %sub3A_155 = arith.subi %get3A_150, %and3A_154 : vector<16xi32>
          %and3A_156 = arith.constant 858993459 : i32
          %and3A_157 = vector.broadcast %and3A_156 : i32 to vector<16xi32>
          %and3A_158 = arith.andi %sub3A_155, %and3A_157 : vector<16xi32>
          %shift_right_logical3A_159 = arith.constant 2 : i32
          %shift_right_logical3A_160 = vector.broadcast %shift_right_logical3A_159 : i32 to vector<16xi32>
          %shift_right_logical3A_161 = arith.shrui %sub3A_155, %shift_right_logical3A_160 : vector<16xi32>
          %and3A_162 = arith.constant 858993459 : i32
          %and3A_163 = vector.broadcast %and3A_162 : i32 to vector<16xi32>
          %and3A_164 = arith.andi %shift_right_logical3A_161, %and3A_163 : vector<16xi32>
          %add3A_165 = arith.addi %and3A_158, %and3A_164 : vector<16xi32>
          %shift_right_logical3A_166 = arith.constant 4 : i32
          %shift_right_logical3A_167 = vector.broadcast %shift_right_logical3A_166 : i32 to vector<16xi32>
          %shift_right_logical3A_168 = arith.shrui %add3A_165, %shift_right_logical3A_167 : vector<16xi32>
          %add3A_169 = arith.addi %add3A_165, %shift_right_logical3A_168 : vector<16xi32>
          %and3A_170 = arith.constant 252645135 : i32
          %and3A_171 = vector.broadcast %and3A_170 : i32 to vector<16xi32>
          %and3A_172 = arith.andi %add3A_169, %and3A_171 : vector<16xi32>
          %mul3A_173 = arith.constant 16843009 : i32
          %mul3A_174 = vector.broadcast %mul3A_173 : i32 to vector<16xi32>
          %mul3A_175 = arith.muli %and3A_172, %mul3A_174 : vector<16xi32>
          %shift_right_logical3A_176 = arith.constant 24 : i32
          %shift_right_logical3A_177 = vector.broadcast %shift_right_logical3A_176 : i32 to vector<16xi32>
          %shift_right_logical3A_178 = arith.shrui %mul3A_175, %shift_right_logical3A_177 : vector<16xi32>
          %broadcast_in_dim3A_179 = arith.constant true
          %broadcast_in_dim3A_180 = vector.broadcast %broadcast_in_dim3A_179 : i1 to vector<16xi1>
          %masked_cumsum3A = tpu.scan <sum>, %shift_right_logical3A_178 masked %broadcast_in_dim3A_180 : vector<16xi32>, vector<16xi1> -> vector<16xi32>
          %add3A_181 = vector.broadcast %scan3A_140 : i32 to vector<16xi32>
          %add3A_182 = arith.addi %add3A_181, %masked_cumsum3A : vector<16xi32>
          %sub3A_183 = arith.subi %add3A_182, %shift_right_logical3A_178 : vector<16xi32>
          %reduce_max3A = arith.constant true
          %reduce_max3A_184 = vector.broadcast %reduce_max3A : i1 to vector<16xi1>
          %reduce_max3A_185 = arith.constant -2147483648 : i32
          %reduce_max3A_186 = vector.broadcast %reduce_max3A_185 : i32 to vector<16xi32>
          %reduce_max3A_187 = arith.xori %masked_cumsum3A, %reduce_max3A_186 : vector<16xi32>
          %reduce_max3A_188 = tpu.scan <max>, %reduce_max3A_187 masked %reduce_max3A_184 : vector<16xi32>, vector<16xi1> -> vector<16xi32>
          %reduce_max3A_189 = arith.xori %reduce_max3A_188, %reduce_max3A_186 : vector<16xi32>
          %reduce_max3A_190 = vector.extract %reduce_max3A_189[15] : i32 from vector<16xi32>
          %add3A_191 = arith.addi %scan3A_140, %reduce_max3A_190 : i32
          %lt3A_192 = arith.constant 16 : i32
          %lt3A_193 = vector.broadcast %lt3A_192 : i32 to vector<16xi32>
          %lt3A_194 = arith.cmpi slt, %sub3A_183, %lt3A_193 : vector<16xi32>
          %broadcast_in_dim3A_195 = arith.constant 0 : i32
          %broadcast_in_dim3A_196 = vector.broadcast %broadcast_in_dim3A_195 : i32 to vector<16xi32>
          %select_n3A_197 = arith.select %lt3A_194, %get3A_150, %broadcast_in_dim3A_196 : vector<16xi1>, vector<16xi32>
          %while3A:2 = scf.while (%while3A_198 = %select_n3A_197, %while3A_199 = %sub3A_183) : (vector<16xi32>, vector<16xi32>) -> (vector<16xi32>, vector<16xi32>) {
            %ne3A = arith.constant 0 : i32
            %ne3A_200 = vector.broadcast %ne3A : i32 to vector<16xi32>
            %ne3A_201 = arith.cmpi ne, %while3A_198, %ne3A_200 : vector<16xi32>
            %reduce_or3A = arith.constant 1.000000e+00 : f32
            %reduce_or3A_202 = arith.constant 0.000000e+00 : f32
            %reduce_or3A_203 = vector.broadcast %reduce_or3A : f32 to vector<16xf32>
            %reduce_or3A_204 = vector.broadcast %reduce_or3A_202 : f32 to vector<16xf32>
            %reduce_or3A_205 = arith.select %ne3A_201, %reduce_or3A_203, %reduce_or3A_204 : vector<16xi1>, vector<16xf32>
            %reduce_or3A_206 = arith.constant true
            %reduce_or3A_207 = vector.broadcast %reduce_or3A_206 : i1 to vector<16xi1>
            %reduce_or3A_208 = tpu.scan <max>, %reduce_or3A_205 masked %reduce_or3A_207 : vector<16xf32>, vector<16xi1> -> vector<16xf32>
            %reduce_or3A_209 = vector.extract %reduce_or3A_208[15] : f32 from vector<16xf32>
            %reduce_or3A_210 = arith.constant 0.000000e+00 : f32
            %reduce_or3A_211 = arith.cmpf ogt, %reduce_or3A_209, %reduce_or3A_210 : f32
            scf.condition(%reduce_or3A_211) %while3A_198, %while3A_199 : vector<16xi32>, vector<16xi32>
          } do {
          ^bb0(%while3A_198: vector<16xi32>, %while3A_199: vector<16xi32>):
            %ne3A = arith.constant 0 : i32
            %ne3A_200 = vector.broadcast %ne3A : i32 to vector<16xi32>
            %ne3A_201 = arith.cmpi ne, %while3A_198, %ne3A_200 : vector<16xi32>
            %neg3A = arith.constant 0 : i32
            %neg3A_202 = vector.broadcast %neg3A : i32 to vector<16xi32>
            %neg3A_203 = arith.subi %neg3A_202, %while3A_198 : vector<16xi32>
            %and3A_204 = arith.andi %while3A_198, %neg3A_203 : vector<16xi32>
            %convert_element_type3A_205 = arith.sitofp %and3A_204 : vector<16xi32> to vector<16xf32>
            %bitcast3A = vector.bitcast %convert_element_type3A_205 : vector<16xf32> to vector<16xi32>
            %and3A_206 = arith.constant 2147483647 : i32
            %and3A_207 = vector.broadcast %and3A_206 : i32 to vector<16xi32>
            %and3A_208 = arith.andi %bitcast3A, %and3A_207 : vector<16xi32>
            %shift_right_logical3A_209 = arith.constant 23 : i32
            %shift_right_logical3A_210 = vector.broadcast %shift_right_logical3A_209 : i32 to vector<16xi32>
            %shift_right_logical3A_211 = arith.shrui %and3A_208, %shift_right_logical3A_210 : vector<16xi32>
            %sub3A_212 = arith.constant 127 : i32
            %sub3A_213 = vector.broadcast %sub3A_212 : i32 to vector<16xi32>
            %sub3A_214 = arith.subi %shift_right_logical3A_211, %sub3A_213 : vector<16xi32>
            %mul3A_215 = arith.constant 16 : i32
            %mul3A_216 = arith.muli %scan3A_139, %mul3A_215 : i32
            %add3A_217 = vector.broadcast %mul3A_216 : i32 to vector<16xi32>
            %add3A_218 = arith.addi %add3A_217, %iota3A : vector<16xi32>
            %shift_left3A = arith.constant 5 : i32
            %shift_left3A_219 = vector.broadcast %shift_left3A : i32 to vector<16xi32>
            %shift_left3A_220 = arith.shli %add3A_218, %shift_left3A_219 : vector<16xi32>
            %add3A_221 = arith.addi %shift_left3A_220, %sub3A_214 : vector<16xi32>
            %min3A_222 = arith.constant 15 : i32
            %min3A_223 = vector.broadcast %min3A_222 : i32 to vector<16xi32>
            %min3A_224 = arith.minsi %while3A_199, %min3A_223 : vector<16xi32>
            tpu.vector_store_idx %arg9[%broadcast_in_dim3A, %min3A_224], %add3A_221 masked %ne3A_201 : memref<16x16xi32, #tpu.memory_space<vmem>>[vector<16xi32>, vector<16xi32>], vector<16xi32>, vector<16xi1>
            %convert_element_type3A_225 = arith.extui %ne3A_201 : vector<16xi1> to vector<16xi32>
            %add3A_226 = arith.addi %while3A_199, %convert_element_type3A_225 : vector<16xi32>
            %sub3A_227 = arith.constant 1 : i32
            %sub3A_228 = vector.broadcast %sub3A_227 : i32 to vector<16xi32>
            %sub3A_229 = arith.subi %while3A_198, %sub3A_228 : vector<16xi32>
            %and3A_230 = arith.andi %while3A_198, %sub3A_229 : vector<16xi32>
            %lt3A_231 = arith.constant 16 : i32
            %lt3A_232 = vector.broadcast %lt3A_231 : i32 to vector<16xi32>
            %lt3A_233 = arith.cmpi slt, %add3A_226, %lt3A_232 : vector<16xi32>
            %jit3A = arith.constant 0 : i32
            %broadcast_in_dim3A_234 = vector.broadcast %jit3A : i32 to vector<16xi32>
            %select_n3A_235 = arith.select %lt3A_233, %and3A_230, %broadcast_in_dim3A_234 : vector<16xi1>, vector<16xi32>
            scf.yield %select_n3A_235, %add3A_226 : vector<16xi32>, vector<16xi32>
          }
          scf.yield %add3A_191 : i32
        } else {
          scf.yield %scan3A_140 : i32
        }
        scf.yield %cond3A_145 : i32
      }
      %scan3A_118 = arith.constant 8 : i32
      %min3A = arith.constant 16 : i32
      %min3A_119 = arith.minsi %scan3A_117, %min3A : i32
      %broadcast_in_dim3A_120 = arith.constant 0 : i32
      %broadcast_in_dim3A_121 = vector.broadcast %broadcast_in_dim3A_120 : i32 to vector<16xi32>
      %gather3A = tpu.vector_load_idx %arg9[%broadcast_in_dim3A, %broadcast_in_dim3A_121] : memref<16x16xi32, #tpu.memory_space<vmem>>[vector<16xi32>, vector<16xi32>], vector<16xi32>,
      %gt3A = arith.constant 0 : i32
      %gt3A_122 = arith.cmpi sgt, %min3A_119, %gt3A : i32
      %convert_element_type3A = arith.extui %gt3A_122 : i1 to i32
      %mul3A_123 = vector.broadcast %convert_element_type3A : i32 to vector<16xi32>
      %mul3A_124 = arith.muli %gather3A, %mul3A_123 : vector<16xi32>
      %sub3A = arith.constant 1 : i32
      %sub3A_125 = arith.subi %sub3A, %convert_element_type3A : i32
      %mul3A_126 = arith.constant 4095 : i32
      %mul3A_127 = arith.muli %sub3A_125, %mul3A_126 : i32
      %add3A_128 = vector.broadcast %mul3A_127 : i32 to vector<16xi32>
      %add3A_129 = arith.addi %mul3A_124, %add3A_128 : vector<16xi32>
      %add3A_130 = arith.constant 0 : i32
      %add3A_131 = vector.broadcast %add3A_130 : i32 to vector<16xi32>
      %add3A_132 = arith.addi %iota3A, %add3A_131 : vector<16xi32>
      %get3A = arith.index_cast %scan3A_110 : i32 to index
      %get3A_133 = arith.constant 0 : index
      %get3A_134 = tpu.vector_load %arg9[%get3A, %get3A_133] {strides = array<i32>} : memref<16x16xi32, #tpu.memory_space<vmem>>, vector<16xi32>,
      %lt3A = vector.broadcast %min3A_119 : i32 to vector<16xi32>
      %lt3A_135 = arith.cmpi slt, %add3A_132, %lt3A : vector<16xi32>
      %select_n3A = arith.select %lt3A_135, %get3A_134, %add3A_129 : vector<16xi1>, vector<16xi32>
      %swap3A = arith.index_cast %scan3A_110 : i32 to index
      %swap3A_136 = arith.constant 0 : index
      %swap3A_137 = tpu.vector_load %arg9[%swap3A, %swap3A_136] {strides = array<i32>} : memref<16x16xi32, #tpu.memory_space<vmem>>, vector<16xi32>,
      tpu.vector_store %arg9[%swap3A, %swap3A_136], %select_n3A {strides = array<i32>} : memref<16x16xi32, #tpu.memory_space<vmem>>, vector<16xi32>,
      %scan3A_138 = arith.constant 0 : i32
      scf.yield %scan3A_138 : i32
    }
    %scan3A_10 = arith.constant 16 : i32
    "tpu.region"() ({
      %run_scoped3A = tpu.sem_alloc : memref<!tpu.dma_semaphore, #tpu.memory_space<semaphore_mem>>
      %dma_start3A = arith.constant 0 : i32
      %dma_start3A_110 = tpu.memref_slice %arg5[%add3A_4, %dma_start3A] : memref<2048x16xi32, #tpu.memory_space<hbm>> -> memref<16x16xi32, #tpu.memory_space<hbm>>
      %dma_start3A_111 = arith.constant 0 : i32
      %dma_start3A_112 = tpu.memref_slice %arg5[%add3A_4, %dma_start3A_111] : memref<2048x16xi32, #tpu.memory_space<hbm>> -> memref<16x16xi32, #tpu.memory_space<hbm>>
      tpu.enqueue_dma source(%arg9 : memref<16x16xi32, #tpu.memory_space<vmem>>) target(%dma_start3A_112 : memref<16x16xi32, #tpu.memory_space<hbm>>) target_semaphore(%run_scoped3A : memref<!tpu.dma_semaphore, #tpu.memory_space<semaphore_mem>>)
      %dma_wait3A = arith.constant 0 : i32
      %dma_wait3A_113 = tpu.memref_slice %arg5[%add3A_4, %dma_wait3A] : memref<2048x16xi32, #tpu.memory_space<hbm>> -> memref<16x16xi32, #tpu.memory_space<hbm>>
      %dma_wait3A_114 = arith.constant 0 : i32
      %dma_wait3A_115 = tpu.memref_slice %arg5[%add3A_4, %dma_wait3A_114] : memref<2048x16xi32, #tpu.memory_space<hbm>> -> memref<16x16xi32, #tpu.memory_space<hbm>>
      tpu.wait_dma2 semaphore(%run_scoped3A : memref<!tpu.dma_semaphore, #tpu.memory_space<semaphore_mem>>) src(%arg9 : memref<16x16xi32, #tpu.memory_space<vmem>>) dst(%dma_wait3A_115 : memref<16x16xi32, #tpu.memory_space<hbm>>)
      tpu.yield
    }) : () -> ()
    %add3A_11 = arith.constant 16 : i32
    %add3A_12 = arith.addi %mul3A_2, %add3A_11 : i32
    "tpu.region"() ({
      %run_scoped3A = tpu.sem_alloc : memref<!tpu.dma_semaphore, #tpu.memory_space<semaphore_mem>>
      %dma_start3A = arith.constant 0 : i32
      %dma_start3A_110 = tpu.memref_slice %arg2[%add3A_12, %dma_start3A] : memref<2048x128xi32, #tpu.memory_space<hbm>> -> memref<16x128xi32, #tpu.memory_space<hbm>>
      %dma_start3A_111 = arith.constant 0 : i32
      %dma_start3A_112 = tpu.memref_slice %arg2[%add3A_12, %dma_start3A_111] : memref<2048x128xi32, #tpu.memory_space<hbm>> -> memref<16x128xi32, #tpu.memory_space<hbm>>
      tpu.enqueue_dma source(%dma_start3A_112 : memref<16x128xi32, #tpu.memory_space<hbm>>) target(%arg8 : memref<16x128xi32, #tpu.memory_space<vmem>>) target_semaphore(%run_scoped3A : memref<!tpu.dma_semaphore, #tpu.memory_space<semaphore_mem>>)
      %dma_wait3A = arith.constant 0 : i32
      %dma_wait3A_113 = tpu.memref_slice %arg2[%add3A_12, %dma_wait3A] : memref<2048x128xi32, #tpu.memory_space<hbm>> -> memref<16x128xi32, #tpu.memory_space<hbm>>
      %dma_wait3A_114 = arith.constant 0 : i32
      %dma_wait3A_115 = tpu.memref_slice %arg2[%add3A_12, %dma_wait3A_114] : memref<2048x128xi32, #tpu.memory_space<hbm>> -> memref<16x128xi32, #tpu.memory_space<hbm>>
      tpu.wait_dma2 semaphore(%run_scoped3A : memref<!tpu.dma_semaphore, #tpu.memory_space<semaphore_mem>>) src(%dma_wait3A_115 : memref<16x128xi32, #tpu.memory_space<hbm>>) dst(%arg8 : memref<16x128xi32, #tpu.memory_space<vmem>>)
      tpu.yield
    }) : () -> ()
    %scan3A_13 = arith.constant 0 : i32
    %scan3A_14 = arith.constant 0 : i32
    %scan3A_15 = arith.constant 16 : i32
    %scan3A_16 = arith.addi %scan3A_14, %scan3A_15 : i32
    %scan3A_17 = arith.constant 1 : i32
    %scan3A_18 = scf.for %scan3A_110 = %scan3A_14 to %scan3A_16 step %scan3A_17 iter_args(%scan3A_111 = %scan3A_13) -> (i32)  : i32 {
      %iota3A = tpu.iota {dimensions = array<i32: 0>} : vector<16xi32>
      %broadcast_in_dim3A = vector.broadcast %scan3A_110 : i32 to vector<16xi32>
      %scan3A_112 = arith.constant 0 : i32
      %scan3A_113 = arith.constant 0 : i32
      %scan3A_114 = arith.constant 8 : i32
      %scan3A_115 = arith.addi %scan3A_113, %scan3A_114 : i32
      %scan3A_116 = arith.constant 1 : i32
      %scan3A_117 = scf.for %scan3A_139 = %scan3A_113 to %scan3A_115 step %scan3A_116 iter_args(%scan3A_140 = %scan3A_112) -> (i32)  : i32 {
        %lt3A_141 = arith.constant 16 : i32
        %lt3A_142 = arith.cmpi slt, %scan3A_140, %lt3A_141 : i32
        %convert_element_type3A_143 = arith.extui %lt3A_142 : i1 to i32
        %cond3A = arith.constant 0 : i32
        %cond3A_144 = arith.cmpi ne, %convert_element_type3A_143, %cond3A : i32
        %cond3A_145 = scf.if %cond3A_144 -> (i32) {
          %mul3A_146 = arith.constant 16 : i32
          %mul3A_147 = arith.muli %scan3A_139, %mul3A_146 : i32
          %get3A_148 = arith.index_cast %scan3A_110 : i32 to index
          %get3A_149 = arith.index_cast %mul3A_147 : i32 to index
          %get3A_150 = tpu.vector_load %arg8[%get3A_148, %get3A_149] {strides = array<i32>} : memref<16x128xi32, #tpu.memory_space<vmem>>, vector<16xi32>,
          %shift_right_logical3A = arith.constant 1 : i32
          %shift_right_logical3A_151 = vector.broadcast %shift_right_logical3A : i32 to vector<16xi32>
          %shift_right_logical3A_152 = arith.shrui %get3A_150, %shift_right_logical3A_151 : vector<16xi32>
          %and3A = arith.constant 1431655765 : i32
          %and3A_153 = vector.broadcast %and3A : i32 to vector<16xi32>
          %and3A_154 = arith.andi %shift_right_logical3A_152, %and3A_153 : vector<16xi32>
          %sub3A_155 = arith.subi %get3A_150, %and3A_154 : vector<16xi32>
          %and3A_156 = arith.constant 858993459 : i32
          %and3A_157 = vector.broadcast %and3A_156 : i32 to vector<16xi32>
          %and3A_158 = arith.andi %sub3A_155, %and3A_157 : vector<16xi32>
          %shift_right_logical3A_159 = arith.constant 2 : i32
          %shift_right_logical3A_160 = vector.broadcast %shift_right_logical3A_159 : i32 to vector<16xi32>
          %shift_right_logical3A_161 = arith.shrui %sub3A_155, %shift_right_logical3A_160 : vector<16xi32>
          %and3A_162 = arith.constant 858993459 : i32
          %and3A_163 = vector.broadcast %and3A_162 : i32 to vector<16xi32>
          %and3A_164 = arith.andi %shift_right_logical3A_161, %and3A_163 : vector<16xi32>
          %add3A_165 = arith.addi %and3A_158, %and3A_164 : vector<16xi32>
          %shift_right_logical3A_166 = arith.constant 4 : i32
          %shift_right_logical3A_167 = vector.broadcast %shift_right_logical3A_166 : i32 to vector<16xi32>
          %shift_right_logical3A_168 = arith.shrui %add3A_165, %shift_right_logical3A_167 : vector<16xi32>
          %add3A_169 = arith.addi %add3A_165, %shift_right_logical3A_168 : vector<16xi32>
          %and3A_170 = arith.constant 252645135 : i32
          %and3A_171 = vector.broadcast %and3A_170 : i32 to vector<16xi32>
          %and3A_172 = arith.andi %add3A_169, %and3A_171 : vector<16xi32>
          %mul3A_173 = arith.constant 16843009 : i32
          %mul3A_174 = vector.broadcast %mul3A_173 : i32 to vector<16xi32>
          %mul3A_175 = arith.muli %and3A_172, %mul3A_174 : vector<16xi32>
          %shift_right_logical3A_176 = arith.constant 24 : i32
          %shift_right_logical3A_177 = vector.broadcast %shift_right_logical3A_176 : i32 to vector<16xi32>
          %shift_right_logical3A_178 = arith.shrui %mul3A_175, %shift_right_logical3A_177 : vector<16xi32>
          %broadcast_in_dim3A_179 = arith.constant true
          %broadcast_in_dim3A_180 = vector.broadcast %broadcast_in_dim3A_179 : i1 to vector<16xi1>
          %masked_cumsum3A = tpu.scan <sum>, %shift_right_logical3A_178 masked %broadcast_in_dim3A_180 : vector<16xi32>, vector<16xi1> -> vector<16xi32>
          %add3A_181 = vector.broadcast %scan3A_140 : i32 to vector<16xi32>
          %add3A_182 = arith.addi %add3A_181, %masked_cumsum3A : vector<16xi32>
          %sub3A_183 = arith.subi %add3A_182, %shift_right_logical3A_178 : vector<16xi32>
          %reduce_max3A = arith.constant true
          %reduce_max3A_184 = vector.broadcast %reduce_max3A : i1 to vector<16xi1>
          %reduce_max3A_185 = arith.constant -2147483648 : i32
          %reduce_max3A_186 = vector.broadcast %reduce_max3A_185 : i32 to vector<16xi32>
          %reduce_max3A_187 = arith.xori %masked_cumsum3A, %reduce_max3A_186 : vector<16xi32>
          %reduce_max3A_188 = tpu.scan <max>, %reduce_max3A_187 masked %reduce_max3A_184 : vector<16xi32>, vector<16xi1> -> vector<16xi32>
          %reduce_max3A_189 = arith.xori %reduce_max3A_188, %reduce_max3A_186 : vector<16xi32>
          %reduce_max3A_190 = vector.extract %reduce_max3A_189[15] : i32 from vector<16xi32>
          %add3A_191 = arith.addi %scan3A_140, %reduce_max3A_190 : i32
          %lt3A_192 = arith.constant 16 : i32
          %lt3A_193 = vector.broadcast %lt3A_192 : i32 to vector<16xi32>
          %lt3A_194 = arith.cmpi slt, %sub3A_183, %lt3A_193 : vector<16xi32>
          %broadcast_in_dim3A_195 = arith.constant 0 : i32
          %broadcast_in_dim3A_196 = vector.broadcast %broadcast_in_dim3A_195 : i32 to vector<16xi32>
          %select_n3A_197 = arith.select %lt3A_194, %get3A_150, %broadcast_in_dim3A_196 : vector<16xi1>, vector<16xi32>
          %while3A:2 = scf.while (%while3A_198 = %select_n3A_197, %while3A_199 = %sub3A_183) : (vector<16xi32>, vector<16xi32>) -> (vector<16xi32>, vector<16xi32>) {
            %ne3A = arith.constant 0 : i32
            %ne3A_200 = vector.broadcast %ne3A : i32 to vector<16xi32>
            %ne3A_201 = arith.cmpi ne, %while3A_198, %ne3A_200 : vector<16xi32>
            %reduce_or3A = arith.constant 1.000000e+00 : f32
            %reduce_or3A_202 = arith.constant 0.000000e+00 : f32
            %reduce_or3A_203 = vector.broadcast %reduce_or3A : f32 to vector<16xf32>
            %reduce_or3A_204 = vector.broadcast %reduce_or3A_202 : f32 to vector<16xf32>
            %reduce_or3A_205 = arith.select %ne3A_201, %reduce_or3A_203, %reduce_or3A_204 : vector<16xi1>, vector<16xf32>
            %reduce_or3A_206 = arith.constant true
            %reduce_or3A_207 = vector.broadcast %reduce_or3A_206 : i1 to vector<16xi1>
            %reduce_or3A_208 = tpu.scan <max>, %reduce_or3A_205 masked %reduce_or3A_207 : vector<16xf32>, vector<16xi1> -> vector<16xf32>
            %reduce_or3A_209 = vector.extract %reduce_or3A_208[15] : f32 from vector<16xf32>
            %reduce_or3A_210 = arith.constant 0.000000e+00 : f32
            %reduce_or3A_211 = arith.cmpf ogt, %reduce_or3A_209, %reduce_or3A_210 : f32
            scf.condition(%reduce_or3A_211) %while3A_198, %while3A_199 : vector<16xi32>, vector<16xi32>
          } do {
          ^bb0(%while3A_198: vector<16xi32>, %while3A_199: vector<16xi32>):
            %ne3A = arith.constant 0 : i32
            %ne3A_200 = vector.broadcast %ne3A : i32 to vector<16xi32>
            %ne3A_201 = arith.cmpi ne, %while3A_198, %ne3A_200 : vector<16xi32>
            %neg3A = arith.constant 0 : i32
            %neg3A_202 = vector.broadcast %neg3A : i32 to vector<16xi32>
            %neg3A_203 = arith.subi %neg3A_202, %while3A_198 : vector<16xi32>
            %and3A_204 = arith.andi %while3A_198, %neg3A_203 : vector<16xi32>
            %convert_element_type3A_205 = arith.sitofp %and3A_204 : vector<16xi32> to vector<16xf32>
            %bitcast3A = vector.bitcast %convert_element_type3A_205 : vector<16xf32> to vector<16xi32>
            %and3A_206 = arith.constant 2147483647 : i32
            %and3A_207 = vector.broadcast %and3A_206 : i32 to vector<16xi32>
            %and3A_208 = arith.andi %bitcast3A, %and3A_207 : vector<16xi32>
            %shift_right_logical3A_209 = arith.constant 23 : i32
            %shift_right_logical3A_210 = vector.broadcast %shift_right_logical3A_209 : i32 to vector<16xi32>
            %shift_right_logical3A_211 = arith.shrui %and3A_208, %shift_right_logical3A_210 : vector<16xi32>
            %sub3A_212 = arith.constant 127 : i32
            %sub3A_213 = vector.broadcast %sub3A_212 : i32 to vector<16xi32>
            %sub3A_214 = arith.subi %shift_right_logical3A_211, %sub3A_213 : vector<16xi32>
            %mul3A_215 = arith.constant 16 : i32
            %mul3A_216 = arith.muli %scan3A_139, %mul3A_215 : i32
            %add3A_217 = vector.broadcast %mul3A_216 : i32 to vector<16xi32>
            %add3A_218 = arith.addi %add3A_217, %iota3A : vector<16xi32>
            %shift_left3A = arith.constant 5 : i32
            %shift_left3A_219 = vector.broadcast %shift_left3A : i32 to vector<16xi32>
            %shift_left3A_220 = arith.shli %add3A_218, %shift_left3A_219 : vector<16xi32>
            %add3A_221 = arith.addi %shift_left3A_220, %sub3A_214 : vector<16xi32>
            %min3A_222 = arith.constant 15 : i32
            %min3A_223 = vector.broadcast %min3A_222 : i32 to vector<16xi32>
            %min3A_224 = arith.minsi %while3A_199, %min3A_223 : vector<16xi32>
            tpu.vector_store_idx %arg9[%broadcast_in_dim3A, %min3A_224], %add3A_221 masked %ne3A_201 : memref<16x16xi32, #tpu.memory_space<vmem>>[vector<16xi32>, vector<16xi32>], vector<16xi32>, vector<16xi1>
            %convert_element_type3A_225 = arith.extui %ne3A_201 : vector<16xi1> to vector<16xi32>
            %add3A_226 = arith.addi %while3A_199, %convert_element_type3A_225 : vector<16xi32>
            %sub3A_227 = arith.constant 1 : i32
            %sub3A_228 = vector.broadcast %sub3A_227 : i32 to vector<16xi32>
            %sub3A_229 = arith.subi %while3A_198, %sub3A_228 : vector<16xi32>
            %and3A_230 = arith.andi %while3A_198, %sub3A_229 : vector<16xi32>
            %lt3A_231 = arith.constant 16 : i32
            %lt3A_232 = vector.broadcast %lt3A_231 : i32 to vector<16xi32>
            %lt3A_233 = arith.cmpi slt, %add3A_226, %lt3A_232 : vector<16xi32>
            %jit3A = arith.constant 0 : i32
            %broadcast_in_dim3A_234 = vector.broadcast %jit3A : i32 to vector<16xi32>
            %select_n3A_235 = arith.select %lt3A_233, %and3A_230, %broadcast_in_dim3A_234 : vector<16xi1>, vector<16xi32>
            scf.yield %select_n3A_235, %add3A_226 : vector<16xi32>, vector<16xi32>
          }
          scf.yield %add3A_191 : i32
        } else {
          scf.yield %scan3A_140 : i32
        }
        scf.yield %cond3A_145 : i32
      }
      %scan3A_118 = arith.constant 8 : i32
      %min3A = arith.constant 16 : i32
      %min3A_119 = arith.minsi %scan3A_117, %min3A : i32
      %broadcast_in_dim3A_120 = arith.constant 0 : i32
      %broadcast_in_dim3A_121 = vector.broadcast %broadcast_in_dim3A_120 : i32 to vector<16xi32>
      %gather3A = tpu.vector_load_idx %arg9[%broadcast_in_dim3A, %broadcast_in_dim3A_121] : memref<16x16xi32, #tpu.memory_space<vmem>>[vector<16xi32>, vector<16xi32>], vector<16xi32>,
      %gt3A = arith.constant 0 : i32
      %gt3A_122 = arith.cmpi sgt, %min3A_119, %gt3A : i32
      %convert_element_type3A = arith.extui %gt3A_122 : i1 to i32
      %mul3A_123 = vector.broadcast %convert_element_type3A : i32 to vector<16xi32>
      %mul3A_124 = arith.muli %gather3A, %mul3A_123 : vector<16xi32>
      %sub3A = arith.constant 1 : i32
      %sub3A_125 = arith.subi %sub3A, %convert_element_type3A : i32
      %mul3A_126 = arith.constant 4095 : i32
      %mul3A_127 = arith.muli %sub3A_125, %mul3A_126 : i32
      %add3A_128 = vector.broadcast %mul3A_127 : i32 to vector<16xi32>
      %add3A_129 = arith.addi %mul3A_124, %add3A_128 : vector<16xi32>
      %add3A_130 = arith.constant 0 : i32
      %add3A_131 = vector.broadcast %add3A_130 : i32 to vector<16xi32>
      %add3A_132 = arith.addi %iota3A, %add3A_131 : vector<16xi32>
      %get3A = arith.index_cast %scan3A_110 : i32 to index
      %get3A_133 = arith.constant 0 : index
      %get3A_134 = tpu.vector_load %arg9[%get3A, %get3A_133] {strides = array<i32>} : memref<16x16xi32, #tpu.memory_space<vmem>>, vector<16xi32>,
      %lt3A = vector.broadcast %min3A_119 : i32 to vector<16xi32>
      %lt3A_135 = arith.cmpi slt, %add3A_132, %lt3A : vector<16xi32>
      %select_n3A = arith.select %lt3A_135, %get3A_134, %add3A_129 : vector<16xi1>, vector<16xi32>
      %swap3A = arith.index_cast %scan3A_110 : i32 to index
      %swap3A_136 = arith.constant 0 : index
      %swap3A_137 = tpu.vector_load %arg9[%swap3A, %swap3A_136] {strides = array<i32>} : memref<16x16xi32, #tpu.memory_space<vmem>>, vector<16xi32>,
      tpu.vector_store %arg9[%swap3A, %swap3A_136], %select_n3A {strides = array<i32>} : memref<16x16xi32, #tpu.memory_space<vmem>>, vector<16xi32>,
      %scan3A_138 = arith.constant 0 : i32
      scf.yield %scan3A_138 : i32
    }
    %scan3A_19 = arith.constant 16 : i32
    "tpu.region"() ({
      %run_scoped3A = tpu.sem_alloc : memref<!tpu.dma_semaphore, #tpu.memory_space<semaphore_mem>>
      %dma_start3A = arith.constant 0 : i32
      %dma_start3A_110 = tpu.memref_slice %arg5[%add3A_12, %dma_start3A] : memref<2048x16xi32, #tpu.memory_space<hbm>> -> memref<16x16xi32, #tpu.memory_space<hbm>>
      %dma_start3A_111 = arith.constant 0 : i32
      %dma_start3A_112 = tpu.memref_slice %arg5[%add3A_12, %dma_start3A_111] : memref<2048x16xi32, #tpu.memory_space<hbm>> -> memref<16x16xi32, #tpu.memory_space<hbm>>
      tpu.enqueue_dma source(%arg9 : memref<16x16xi32, #tpu.memory_space<vmem>>) target(%dma_start3A_112 : memref<16x16xi32, #tpu.memory_space<hbm>>) target_semaphore(%run_scoped3A : memref<!tpu.dma_semaphore, #tpu.memory_space<semaphore_mem>>)
      %dma_wait3A = arith.constant 0 : i32
      %dma_wait3A_113 = tpu.memref_slice %arg5[%add3A_12, %dma_wait3A] : memref<2048x16xi32, #tpu.memory_space<hbm>> -> memref<16x16xi32, #tpu.memory_space<hbm>>
      %dma_wait3A_114 = arith.constant 0 : i32
      %dma_wait3A_115 = tpu.memref_slice %arg5[%add3A_12, %dma_wait3A_114] : memref<2048x16xi32, #tpu.memory_space<hbm>> -> memref<16x16xi32, #tpu.memory_space<hbm>>
      tpu.wait_dma2 semaphore(%run_scoped3A : memref<!tpu.dma_semaphore, #tpu.memory_space<semaphore_mem>>) src(%arg9 : memref<16x16xi32, #tpu.memory_space<vmem>>) dst(%dma_wait3A_115 : memref<16x16xi32, #tpu.memory_space<hbm>>)
      tpu.yield
    }) : () -> ()
    %add3A_20 = arith.constant 32 : i32
    %add3A_21 = arith.addi %mul3A_2, %add3A_20 : i32
    "tpu.region"() ({
      %run_scoped3A = tpu.sem_alloc : memref<!tpu.dma_semaphore, #tpu.memory_space<semaphore_mem>>
      %dma_start3A = arith.constant 0 : i32
      %dma_start3A_110 = tpu.memref_slice %arg2[%add3A_21, %dma_start3A] : memref<2048x128xi32, #tpu.memory_space<hbm>> -> memref<16x128xi32, #tpu.memory_space<hbm>>
      %dma_start3A_111 = arith.constant 0 : i32
      %dma_start3A_112 = tpu.memref_slice %arg2[%add3A_21, %dma_start3A_111] : memref<2048x128xi32, #tpu.memory_space<hbm>> -> memref<16x128xi32, #tpu.memory_space<hbm>>
      tpu.enqueue_dma source(%dma_start3A_112 : memref<16x128xi32, #tpu.memory_space<hbm>>) target(%arg8 : memref<16x128xi32, #tpu.memory_space<vmem>>) target_semaphore(%run_scoped3A : memref<!tpu.dma_semaphore, #tpu.memory_space<semaphore_mem>>)
      %dma_wait3A = arith.constant 0 : i32
      %dma_wait3A_113 = tpu.memref_slice %arg2[%add3A_21, %dma_wait3A] : memref<2048x128xi32, #tpu.memory_space<hbm>> -> memref<16x128xi32, #tpu.memory_space<hbm>>
      %dma_wait3A_114 = arith.constant 0 : i32
      %dma_wait3A_115 = tpu.memref_slice %arg2[%add3A_21, %dma_wait3A_114] : memref<2048x128xi32, #tpu.memory_space<hbm>> -> memref<16x128xi32, #tpu.memory_space<hbm>>
      tpu.wait_dma2 semaphore(%run_scoped3A : memref<!tpu.dma_semaphore, #tpu.memory_space<semaphore_mem>>) src(%dma_wait3A_115 : memref<16x128xi32, #tpu.memory_space<hbm>>) dst(%arg8 : memref<16x128xi32, #tpu.memory_space<vmem>>)
      tpu.yield
    }) : () -> ()
    %scan3A_22 = arith.constant 0 : i32
    %scan3A_23 = arith.constant 0 : i32
    %scan3A_24 = arith.constant 16 : i32
    %scan3A_25 = arith.addi %scan3A_23, %scan3A_24 : i32
    %scan3A_26 = arith.constant 1 : i32
    %scan3A_27 = scf.for %scan3A_110 = %scan3A_23 to %scan3A_25 step %scan3A_26 iter_args(%scan3A_111 = %scan3A_22) -> (i32)  : i32 {
      %iota3A = tpu.iota {dimensions = array<i32: 0>} : vector<16xi32>
      %broadcast_in_dim3A = vector.broadcast %scan3A_110 : i32 to vector<16xi32>
      %scan3A_112 = arith.constant 0 : i32
      %scan3A_113 = arith.constant 0 : i32
      %scan3A_114 = arith.constant 8 : i32
      %scan3A_115 = arith.addi %scan3A_113, %scan3A_114 : i32
      %scan3A_116 = arith.constant 1 : i32
      %scan3A_117 = scf.for %scan3A_139 = %scan3A_113 to %scan3A_115 step %scan3A_116 iter_args(%scan3A_140 = %scan3A_112) -> (i32)  : i32 {
        %lt3A_141 = arith.constant 16 : i32
        %lt3A_142 = arith.cmpi slt, %scan3A_140, %lt3A_141 : i32
        %convert_element_type3A_143 = arith.extui %lt3A_142 : i1 to i32
        %cond3A = arith.constant 0 : i32
        %cond3A_144 = arith.cmpi ne, %convert_element_type3A_143, %cond3A : i32
        %cond3A_145 = scf.if %cond3A_144 -> (i32) {
          %mul3A_146 = arith.constant 16 : i32
          %mul3A_147 = arith.muli %scan3A_139, %mul3A_146 : i32
          %get3A_148 = arith.index_cast %scan3A_110 : i32 to index
          %get3A_149 = arith.index_cast %mul3A_147 : i32 to index
          %get3A_150 = tpu.vector_load %arg8[%get3A_148, %get3A_149] {strides = array<i32>} : memref<16x128xi32, #tpu.memory_space<vmem>>, vector<16xi32>,
          %shift_right_logical3A = arith.constant 1 : i32
          %shift_right_logical3A_151 = vector.broadcast %shift_right_logical3A : i32 to vector<16xi32>
          %shift_right_logical3A_152 = arith.shrui %get3A_150, %shift_right_logical3A_151 : vector<16xi32>
          %and3A = arith.constant 1431655765 : i32
          %and3A_153 = vector.broadcast %and3A : i32 to vector<16xi32>
          %and3A_154 = arith.andi %shift_right_logical3A_152, %and3A_153 : vector<16xi32>
          %sub3A_155 = arith.subi %get3A_150, %and3A_154 : vector<16xi32>
          %and3A_156 = arith.constant 858993459 : i32
          %and3A_157 = vector.broadcast %and3A_156 : i32 to vector<16xi32>
          %and3A_158 = arith.andi %sub3A_155, %and3A_157 : vector<16xi32>
          %shift_right_logical3A_159 = arith.constant 2 : i32
          %shift_right_logical3A_160 = vector.broadcast %shift_right_logical3A_159 : i32 to vector<16xi32>
          %shift_right_logical3A_161 = arith.shrui %sub3A_155, %shift_right_logical3A_160 : vector<16xi32>
          %and3A_162 = arith.constant 858993459 : i32
          %and3A_163 = vector.broadcast %and3A_162 : i32 to vector<16xi32>
          %and3A_164 = arith.andi %shift_right_logical3A_161, %and3A_163 : vector<16xi32>
          %add3A_165 = arith.addi %and3A_158, %and3A_164 : vector<16xi32>
          %shift_right_logical3A_166 = arith.constant 4 : i32
          %shift_right_logical3A_167 = vector.broadcast %shift_right_logical3A_166 : i32 to vector<16xi32>
          %shift_right_logical3A_168 = arith.shrui %add3A_165, %shift_right_logical3A_167 : vector<16xi32>
          %add3A_169 = arith.addi %add3A_165, %shift_right_logical3A_168 : vector<16xi32>
          %and3A_170 = arith.constant 252645135 : i32
          %and3A_171 = vector.broadcast %and3A_170 : i32 to vector<16xi32>
          %and3A_172 = arith.andi %add3A_169, %and3A_171 : vector<16xi32>
          %mul3A_173 = arith.constant 16843009 : i32
          %mul3A_174 = vector.broadcast %mul3A_173 : i32 to vector<16xi32>
          %mul3A_175 = arith.muli %and3A_172, %mul3A_174 : vector<16xi32>
          %shift_right_logical3A_176 = arith.constant 24 : i32
          %shift_right_logical3A_177 = vector.broadcast %shift_right_logical3A_176 : i32 to vector<16xi32>
          %shift_right_logical3A_178 = arith.shrui %mul3A_175, %shift_right_logical3A_177 : vector<16xi32>
          %broadcast_in_dim3A_179 = arith.constant true
          %broadcast_in_dim3A_180 = vector.broadcast %broadcast_in_dim3A_179 : i1 to vector<16xi1>
          %masked_cumsum3A = tpu.scan <sum>, %shift_right_logical3A_178 masked %broadcast_in_dim3A_180 : vector<16xi32>, vector<16xi1> -> vector<16xi32>
          %add3A_181 = vector.broadcast %scan3A_140 : i32 to vector<16xi32>
          %add3A_182 = arith.addi %add3A_181, %masked_cumsum3A : vector<16xi32>
          %sub3A_183 = arith.subi %add3A_182, %shift_right_logical3A_178 : vector<16xi32>
          %reduce_max3A = arith.constant true
          %reduce_max3A_184 = vector.broadcast %reduce_max3A : i1 to vector<16xi1>
          %reduce_max3A_185 = arith.constant -2147483648 : i32
          %reduce_max3A_186 = vector.broadcast %reduce_max3A_185 : i32 to vector<16xi32>
          %reduce_max3A_187 = arith.xori %masked_cumsum3A, %reduce_max3A_186 : vector<16xi32>
          %reduce_max3A_188 = tpu.scan <max>, %reduce_max3A_187 masked %reduce_max3A_184 : vector<16xi32>, vector<16xi1> -> vector<16xi32>
          %reduce_max3A_189 = arith.xori %reduce_max3A_188, %reduce_max3A_186 : vector<16xi32>
          %reduce_max3A_190 = vector.extract %reduce_max3A_189[15] : i32 from vector<16xi32>
          %add3A_191 = arith.addi %scan3A_140, %reduce_max3A_190 : i32
          %lt3A_192 = arith.constant 16 : i32
          %lt3A_193 = vector.broadcast %lt3A_192 : i32 to vector<16xi32>
          %lt3A_194 = arith.cmpi slt, %sub3A_183, %lt3A_193 : vector<16xi32>
          %broadcast_in_dim3A_195 = arith.constant 0 : i32
          %broadcast_in_dim3A_196 = vector.broadcast %broadcast_in_dim3A_195 : i32 to vector<16xi32>
          %select_n3A_197 = arith.select %lt3A_194, %get3A_150, %broadcast_in_dim3A_196 : vector<16xi1>, vector<16xi32>
          %while3A:2 = scf.while (%while3A_198 = %select_n3A_197, %while3A_199 = %sub3A_183) : (vector<16xi32>, vector<16xi32>) -> (vector<16xi32>, vector<16xi32>) {
            %ne3A = arith.constant 0 : i32
            %ne3A_200 = vector.broadcast %ne3A : i32 to vector<16xi32>
            %ne3A_201 = arith.cmpi ne, %while3A_198, %ne3A_200 : vector<16xi32>
            %reduce_or3A = arith.constant 1.000000e+00 : f32
            %reduce_or3A_202 = arith.constant 0.000000e+00 : f32
            %reduce_or3A_203 = vector.broadcast %reduce_or3A : f32 to vector<16xf32>
            %reduce_or3A_204 = vector.broadcast %reduce_or3A_202 : f32 to vector<16xf32>
            %reduce_or3A_205 = arith.select %ne3A_201, %reduce_or3A_203, %reduce_or3A_204 : vector<16xi1>, vector<16xf32>
            %reduce_or3A_206 = arith.constant true
            %reduce_or3A_207 = vector.broadcast %reduce_or3A_206 : i1 to vector<16xi1>
            %reduce_or3A_208 = tpu.scan <max>, %reduce_or3A_205 masked %reduce_or3A_207 : vector<16xf32>, vector<16xi1> -> vector<16xf32>
            %reduce_or3A_209 = vector.extract %reduce_or3A_208[15] : f32 from vector<16xf32>
            %reduce_or3A_210 = arith.constant 0.000000e+00 : f32
            %reduce_or3A_211 = arith.cmpf ogt, %reduce_or3A_209, %reduce_or3A_210 : f32
            scf.condition(%reduce_or3A_211) %while3A_198, %while3A_199 : vector<16xi32>, vector<16xi32>
          } do {
          ^bb0(%while3A_198: vector<16xi32>, %while3A_199: vector<16xi32>):
            %ne3A = arith.constant 0 : i32
            %ne3A_200 = vector.broadcast %ne3A : i32 to vector<16xi32>
            %ne3A_201 = arith.cmpi ne, %while3A_198, %ne3A_200 : vector<16xi32>
            %neg3A = arith.constant 0 : i32
            %neg3A_202 = vector.broadcast %neg3A : i32 to vector<16xi32>
            %neg3A_203 = arith.subi %neg3A_202, %while3A_198 : vector<16xi32>
            %and3A_204 = arith.andi %while3A_198, %neg3A_203 : vector<16xi32>
            %convert_element_type3A_205 = arith.sitofp %and3A_204 : vector<16xi32> to vector<16xf32>
            %bitcast3A = vector.bitcast %convert_element_type3A_205 : vector<16xf32> to vector<16xi32>
            %and3A_206 = arith.constant 2147483647 : i32
            %and3A_207 = vector.broadcast %and3A_206 : i32 to vector<16xi32>
            %and3A_208 = arith.andi %bitcast3A, %and3A_207 : vector<16xi32>
            %shift_right_logical3A_209 = arith.constant 23 : i32
            %shift_right_logical3A_210 = vector.broadcast %shift_right_logical3A_209 : i32 to vector<16xi32>
            %shift_right_logical3A_211 = arith.shrui %and3A_208, %shift_right_logical3A_210 : vector<16xi32>
            %sub3A_212 = arith.constant 127 : i32
            %sub3A_213 = vector.broadcast %sub3A_212 : i32 to vector<16xi32>
            %sub3A_214 = arith.subi %shift_right_logical3A_211, %sub3A_213 : vector<16xi32>
            %mul3A_215 = arith.constant 16 : i32
            %mul3A_216 = arith.muli %scan3A_139, %mul3A_215 : i32
            %add3A_217 = vector.broadcast %mul3A_216 : i32 to vector<16xi32>
            %add3A_218 = arith.addi %add3A_217, %iota3A : vector<16xi32>
            %shift_left3A = arith.constant 5 : i32
            %shift_left3A_219 = vector.broadcast %shift_left3A : i32 to vector<16xi32>
            %shift_left3A_220 = arith.shli %add3A_218, %shift_left3A_219 : vector<16xi32>
            %add3A_221 = arith.addi %shift_left3A_220, %sub3A_214 : vector<16xi32>
            %min3A_222 = arith.constant 15 : i32
            %min3A_223 = vector.broadcast %min3A_222 : i32 to vector<16xi32>
            %min3A_224 = arith.minsi %while3A_199, %min3A_223 : vector<16xi32>
            tpu.vector_store_idx %arg9[%broadcast_in_dim3A, %min3A_224], %add3A_221 masked %ne3A_201 : memref<16x16xi32, #tpu.memory_space<vmem>>[vector<16xi32>, vector<16xi32>], vector<16xi32>, vector<16xi1>
            %convert_element_type3A_225 = arith.extui %ne3A_201 : vector<16xi1> to vector<16xi32>
            %add3A_226 = arith.addi %while3A_199, %convert_element_type3A_225 : vector<16xi32>
            %sub3A_227 = arith.constant 1 : i32
            %sub3A_228 = vector.broadcast %sub3A_227 : i32 to vector<16xi32>
            %sub3A_229 = arith.subi %while3A_198, %sub3A_228 : vector<16xi32>
            %and3A_230 = arith.andi %while3A_198, %sub3A_229 : vector<16xi32>
            %lt3A_231 = arith.constant 16 : i32
            %lt3A_232 = vector.broadcast %lt3A_231 : i32 to vector<16xi32>
            %lt3A_233 = arith.cmpi slt, %add3A_226, %lt3A_232 : vector<16xi32>
            %jit3A = arith.constant 0 : i32
            %broadcast_in_dim3A_234 = vector.broadcast %jit3A : i32 to vector<16xi32>
            %select_n3A_235 = arith.select %lt3A_233, %and3A_230, %broadcast_in_dim3A_234 : vector<16xi1>, vector<16xi32>
            scf.yield %select_n3A_235, %add3A_226 : vector<16xi32>, vector<16xi32>
          }
          scf.yield %add3A_191 : i32
        } else {
          scf.yield %scan3A_140 : i32
        }
        scf.yield %cond3A_145 : i32
      }
      %scan3A_118 = arith.constant 8 : i32
      %min3A = arith.constant 16 : i32
      %min3A_119 = arith.minsi %scan3A_117, %min3A : i32
      %broadcast_in_dim3A_120 = arith.constant 0 : i32
      %broadcast_in_dim3A_121 = vector.broadcast %broadcast_in_dim3A_120 : i32 to vector<16xi32>
      %gather3A = tpu.vector_load_idx %arg9[%broadcast_in_dim3A, %broadcast_in_dim3A_121] : memref<16x16xi32, #tpu.memory_space<vmem>>[vector<16xi32>, vector<16xi32>], vector<16xi32>,
      %gt3A = arith.constant 0 : i32
      %gt3A_122 = arith.cmpi sgt, %min3A_119, %gt3A : i32
      %convert_element_type3A = arith.extui %gt3A_122 : i1 to i32
      %mul3A_123 = vector.broadcast %convert_element_type3A : i32 to vector<16xi32>
      %mul3A_124 = arith.muli %gather3A, %mul3A_123 : vector<16xi32>
      %sub3A = arith.constant 1 : i32
      %sub3A_125 = arith.subi %sub3A, %convert_element_type3A : i32
      %mul3A_126 = arith.constant 4095 : i32
      %mul3A_127 = arith.muli %sub3A_125, %mul3A_126 : i32
      %add3A_128 = vector.broadcast %mul3A_127 : i32 to vector<16xi32>
      %add3A_129 = arith.addi %mul3A_124, %add3A_128 : vector<16xi32>
      %add3A_130 = arith.constant 0 : i32
      %add3A_131 = vector.broadcast %add3A_130 : i32 to vector<16xi32>
      %add3A_132 = arith.addi %iota3A, %add3A_131 : vector<16xi32>
      %get3A = arith.index_cast %scan3A_110 : i32 to index
      %get3A_133 = arith.constant 0 : index
      %get3A_134 = tpu.vector_load %arg9[%get3A, %get3A_133] {strides = array<i32>} : memref<16x16xi32, #tpu.memory_space<vmem>>, vector<16xi32>,
      %lt3A = vector.broadcast %min3A_119 : i32 to vector<16xi32>
      %lt3A_135 = arith.cmpi slt, %add3A_132, %lt3A : vector<16xi32>
      %select_n3A = arith.select %lt3A_135, %get3A_134, %add3A_129 : vector<16xi1>, vector<16xi32>
      %swap3A = arith.index_cast %scan3A_110 : i32 to index
      %swap3A_136 = arith.constant 0 : index
      %swap3A_137 = tpu.vector_load %arg9[%swap3A, %swap3A_136] {strides = array<i32>} : memref<16x16xi32, #tpu.memory_space<vmem>>, vector<16xi32>,
      tpu.vector_store %arg9[%swap3A, %swap3A_136], %select_n3A {strides = array<i32>} : memref<16x16xi32, #tpu.memory_space<vmem>>, vector<16xi32>,
      %scan3A_138 = arith.constant 0 : i32
      scf.yield %scan3A_138 : i32
    }
    %scan3A_28 = arith.constant 16 : i32
    "tpu.region"() ({
      %run_scoped3A = tpu.sem_alloc : memref<!tpu.dma_semaphore, #tpu.memory_space<semaphore_mem>>
      %dma_start3A = arith.constant 0 : i32
      %dma_start3A_110 = tpu.memref_slice %arg5[%add3A_21, %dma_start3A] : memref<2048x16xi32, #tpu.memory_space<hbm>> -> memref<16x16xi32, #tpu.memory_space<hbm>>
      %dma_start3A_111 = arith.constant 0 : i32
      %dma_start3A_112 = tpu.memref_slice %arg5[%add3A_21, %dma_start3A_111] : memref<2048x16xi32, #tpu.memory_space<hbm>> -> memref<16x16xi32, #tpu.memory_space<hbm>>
      tpu.enqueue_dma source(%arg9 : memref<16x16xi32, #tpu.memory_space<vmem>>) target(%dma_start3A_112 : memref<16x16xi32, #tpu.memory_space<hbm>>) target_semaphore(%run_scoped3A : memref<!tpu.dma_semaphore, #tpu.memory_space<semaphore_mem>>)
      %dma_wait3A = arith.constant 0 : i32
      %dma_wait3A_113 = tpu.memref_slice %arg5[%add3A_21, %dma_wait3A] : memref<2048x16xi32, #tpu.memory_space<hbm>> -> memref<16x16xi32, #tpu.memory_space<hbm>>
      %dma_wait3A_114 = arith.constant 0 : i32
      %dma_wait3A_115 = tpu.memref_slice %arg5[%add3A_21, %dma_wait3A_114] : memref<2048x16xi32, #tpu.memory_space<hbm>> -> memref<16x16xi32, #tpu.memory_space<hbm>>
      tpu.wait_dma2 semaphore(%run_scoped3A : memref<!tpu.dma_semaphore, #tpu.memory_space<semaphore_mem>>) src(%arg9 : memref<16x16xi32, #tpu.memory_space<vmem>>) dst(%dma_wait3A_115 : memref<16x16xi32, #tpu.memory_space<hbm>>)
      tpu.yield
    }) : () -> ()
    %add3A_29 = arith.constant 48 : i32
    %add3A_30 = arith.addi %mul3A_2, %add3A_29 : i32
    "tpu.region"() ({
      %run_scoped3A = tpu.sem_alloc : memref<!tpu.dma_semaphore, #tpu.memory_space<semaphore_mem>>
      %dma_start3A = arith.constant 0 : i32
      %dma_start3A_110 = tpu.memref_slice %arg2[%add3A_30, %dma_start3A] : memref<2048x128xi32, #tpu.memory_space<hbm>> -> memref<16x128xi32, #tpu.memory_space<hbm>>
      %dma_start3A_111 = arith.constant 0 : i32
      %dma_start3A_112 = tpu.memref_slice %arg2[%add3A_30, %dma_start3A_111] : memref<2048x128xi32, #tpu.memory_space<hbm>> -> memref<16x128xi32, #tpu.memory_space<hbm>>
      tpu.enqueue_dma source(%dma_start3A_112 : memref<16x128xi32, #tpu.memory_space<hbm>>) target(%arg8 : memref<16x128xi32, #tpu.memory_space<vmem>>) target_semaphore(%run_scoped3A : memref<!tpu.dma_semaphore, #tpu.memory_space<semaphore_mem>>)
      %dma_wait3A = arith.constant 0 : i32
      %dma_wait3A_113 = tpu.memref_slice %arg2[%add3A_30, %dma_wait3A] : memref<2048x128xi32, #tpu.memory_space<hbm>> -> memref<16x128xi32, #tpu.memory_space<hbm>>
      %dma_wait3A_114 = arith.constant 0 : i32
      %dma_wait3A_115 = tpu.memref_slice %arg2[%add3A_30, %dma_wait3A_114] : memref<2048x128xi32, #tpu.memory_space<hbm>> -> memref<16x128xi32, #tpu.memory_space<hbm>>
      tpu.wait_dma2 semaphore(%run_scoped3A : memref<!tpu.dma_semaphore, #tpu.memory_space<semaphore_mem>>) src(%dma_wait3A_115 : memref<16x128xi32, #tpu.memory_space<hbm>>) dst(%arg8 : memref<16x128xi32, #tpu.memory_space<vmem>>)
      tpu.yield
    }) : () -> ()
    %scan3A_31 = arith.constant 0 : i32
    %scan3A_32 = arith.constant 0 : i32
    %scan3A_33 = arith.constant 16 : i32
    %scan3A_34 = arith.addi %scan3A_32, %scan3A_33 : i32
    %scan3A_35 = arith.constant 1 : i32
    %scan3A_36 = scf.for %scan3A_110 = %scan3A_32 to %scan3A_34 step %scan3A_35 iter_args(%scan3A_111 = %scan3A_31) -> (i32)  : i32 {
      %iota3A = tpu.iota {dimensions = array<i32: 0>} : vector<16xi32>
      %broadcast_in_dim3A = vector.broadcast %scan3A_110 : i32 to vector<16xi32>
      %scan3A_112 = arith.constant 0 : i32
      %scan3A_113 = arith.constant 0 : i32
      %scan3A_114 = arith.constant 8 : i32
      %scan3A_115 = arith.addi %scan3A_113, %scan3A_114 : i32
      %scan3A_116 = arith.constant 1 : i32
      %scan3A_117 = scf.for %scan3A_139 = %scan3A_113 to %scan3A_115 step %scan3A_116 iter_args(%scan3A_140 = %scan3A_112) -> (i32)  : i32 {
        %lt3A_141 = arith.constant 16 : i32
        %lt3A_142 = arith.cmpi slt, %scan3A_140, %lt3A_141 : i32
        %convert_element_type3A_143 = arith.extui %lt3A_142 : i1 to i32
        %cond3A = arith.constant 0 : i32
        %cond3A_144 = arith.cmpi ne, %convert_element_type3A_143, %cond3A : i32
        %cond3A_145 = scf.if %cond3A_144 -> (i32) {
          %mul3A_146 = arith.constant 16 : i32
          %mul3A_147 = arith.muli %scan3A_139, %mul3A_146 : i32
          %get3A_148 = arith.index_cast %scan3A_110 : i32 to index
          %get3A_149 = arith.index_cast %mul3A_147 : i32 to index
          %get3A_150 = tpu.vector_load %arg8[%get3A_148, %get3A_149] {strides = array<i32>} : memref<16x128xi32, #tpu.memory_space<vmem>>, vector<16xi32>,
          %shift_right_logical3A = arith.constant 1 : i32
          %shift_right_logical3A_151 = vector.broadcast %shift_right_logical3A : i32 to vector<16xi32>
          %shift_right_logical3A_152 = arith.shrui %get3A_150, %shift_right_logical3A_151 : vector<16xi32>
          %and3A = arith.constant 1431655765 : i32
          %and3A_153 = vector.broadcast %and3A : i32 to vector<16xi32>
          %and3A_154 = arith.andi %shift_right_logical3A_152, %and3A_153 : vector<16xi32>
          %sub3A_155 = arith.subi %get3A_150, %and3A_154 : vector<16xi32>
          %and3A_156 = arith.constant 858993459 : i32
          %and3A_157 = vector.broadcast %and3A_156 : i32 to vector<16xi32>
          %and3A_158 = arith.andi %sub3A_155, %and3A_157 : vector<16xi32>
          %shift_right_logical3A_159 = arith.constant 2 : i32
          %shift_right_logical3A_160 = vector.broadcast %shift_right_logical3A_159 : i32 to vector<16xi32>
          %shift_right_logical3A_161 = arith.shrui %sub3A_155, %shift_right_logical3A_160 : vector<16xi32>
          %and3A_162 = arith.constant 858993459 : i32
          %and3A_163 = vector.broadcast %and3A_162 : i32 to vector<16xi32>
          %and3A_164 = arith.andi %shift_right_logical3A_161, %and3A_163 : vector<16xi32>
          %add3A_165 = arith.addi %and3A_158, %and3A_164 : vector<16xi32>
          %shift_right_logical3A_166 = arith.constant 4 : i32
          %shift_right_logical3A_167 = vector.broadcast %shift_right_logical3A_166 : i32 to vector<16xi32>
          %shift_right_logical3A_168 = arith.shrui %add3A_165, %shift_right_logical3A_167 : vector<16xi32>
          %add3A_169 = arith.addi %add3A_165, %shift_right_logical3A_168 : vector<16xi32>
          %and3A_170 = arith.constant 252645135 : i32
          %and3A_171 = vector.broadcast %and3A_170 : i32 to vector<16xi32>
          %and3A_172 = arith.andi %add3A_169, %and3A_171 : vector<16xi32>
          %mul3A_173 = arith.constant 16843009 : i32
          %mul3A_174 = vector.broadcast %mul3A_173 : i32 to vector<16xi32>
          %mul3A_175 = arith.muli %and3A_172, %mul3A_174 : vector<16xi32>
          %shift_right_logical3A_176 = arith.constant 24 : i32
          %shift_right_logical3A_177 = vector.broadcast %shift_right_logical3A_176 : i32 to vector<16xi32>
          %shift_right_logical3A_178 = arith.shrui %mul3A_175, %shift_right_logical3A_177 : vector<16xi32>
          %broadcast_in_dim3A_179 = arith.constant true
          %broadcast_in_dim3A_180 = vector.broadcast %broadcast_in_dim3A_179 : i1 to vector<16xi1>
          %masked_cumsum3A = tpu.scan <sum>, %shift_right_logical3A_178 masked %broadcast_in_dim3A_180 : vector<16xi32>, vector<16xi1> -> vector<16xi32>
          %add3A_181 = vector.broadcast %scan3A_140 : i32 to vector<16xi32>
          %add3A_182 = arith.addi %add3A_181, %masked_cumsum3A : vector<16xi32>
          %sub3A_183 = arith.subi %add3A_182, %shift_right_logical3A_178 : vector<16xi32>
          %reduce_max3A = arith.constant true
          %reduce_max3A_184 = vector.broadcast %reduce_max3A : i1 to vector<16xi1>
          %reduce_max3A_185 = arith.constant -2147483648 : i32
          %reduce_max3A_186 = vector.broadcast %reduce_max3A_185 : i32 to vector<16xi32>
          %reduce_max3A_187 = arith.xori %masked_cumsum3A, %reduce_max3A_186 : vector<16xi32>
          %reduce_max3A_188 = tpu.scan <max>, %reduce_max3A_187 masked %reduce_max3A_184 : vector<16xi32>, vector<16xi1> -> vector<16xi32>
          %reduce_max3A_189 = arith.xori %reduce_max3A_188, %reduce_max3A_186 : vector<16xi32>
          %reduce_max3A_190 = vector.extract %reduce_max3A_189[15] : i32 from vector<16xi32>
          %add3A_191 = arith.addi %scan3A_140, %reduce_max3A_190 : i32
          %lt3A_192 = arith.constant 16 : i32
          %lt3A_193 = vector.broadcast %lt3A_192 : i32 to vector<16xi32>
          %lt3A_194 = arith.cmpi slt, %sub3A_183, %lt3A_193 : vector<16xi32>
          %broadcast_in_dim3A_195 = arith.constant 0 : i32
          %broadcast_in_dim3A_196 = vector.broadcast %broadcast_in_dim3A_195 : i32 to vector<16xi32>
          %select_n3A_197 = arith.select %lt3A_194, %get3A_150, %broadcast_in_dim3A_196 : vector<16xi1>, vector<16xi32>
          %while3A:2 = scf.while (%while3A_198 = %select_n3A_197, %while3A_199 = %sub3A_183) : (vector<16xi32>, vector<16xi32>) -> (vector<16xi32>, vector<16xi32>) {
            %ne3A = arith.constant 0 : i32
            %ne3A_200 = vector.broadcast %ne3A : i32 to vector<16xi32>
            %ne3A_201 = arith.cmpi ne, %while3A_198, %ne3A_200 : vector<16xi32>
            %reduce_or3A = arith.constant 1.000000e+00 : f32
            %reduce_or3A_202 = arith.constant 0.000000e+00 : f32
            %reduce_or3A_203 = vector.broadcast %reduce_or3A : f32 to vector<16xf32>
            %reduce_or3A_204 = vector.broadcast %reduce_or3A_202 : f32 to vector<16xf32>
            %reduce_or3A_205 = arith.select %ne3A_201, %reduce_or3A_203, %reduce_or3A_204 : vector<16xi1>, vector<16xf32>
            %reduce_or3A_206 = arith.constant true
            %reduce_or3A_207 = vector.broadcast %reduce_or3A_206 : i1 to vector<16xi1>
            %reduce_or3A_208 = tpu.scan <max>, %reduce_or3A_205 masked %reduce_or3A_207 : vector<16xf32>, vector<16xi1> -> vector<16xf32>
            %reduce_or3A_209 = vector.extract %reduce_or3A_208[15] : f32 from vector<16xf32>
            %reduce_or3A_210 = arith.constant 0.000000e+00 : f32
            %reduce_or3A_211 = arith.cmpf ogt, %reduce_or3A_209, %reduce_or3A_210 : f32
            scf.condition(%reduce_or3A_211) %while3A_198, %while3A_199 : vector<16xi32>, vector<16xi32>
          } do {
          ^bb0(%while3A_198: vector<16xi32>, %while3A_199: vector<16xi32>):
            %ne3A = arith.constant 0 : i32
            %ne3A_200 = vector.broadcast %ne3A : i32 to vector<16xi32>
            %ne3A_201 = arith.cmpi ne, %while3A_198, %ne3A_200 : vector<16xi32>
            %neg3A = arith.constant 0 : i32
            %neg3A_202 = vector.broadcast %neg3A : i32 to vector<16xi32>
            %neg3A_203 = arith.subi %neg3A_202, %while3A_198 : vector<16xi32>
            %and3A_204 = arith.andi %while3A_198, %neg3A_203 : vector<16xi32>
            %convert_element_type3A_205 = arith.sitofp %and3A_204 : vector<16xi32> to vector<16xf32>
            %bitcast3A = vector.bitcast %convert_element_type3A_205 : vector<16xf32> to vector<16xi32>
            %and3A_206 = arith.constant 2147483647 : i32
            %and3A_207 = vector.broadcast %and3A_206 : i32 to vector<16xi32>
            %and3A_208 = arith.andi %bitcast3A, %and3A_207 : vector<16xi32>
            %shift_right_logical3A_209 = arith.constant 23 : i32
            %shift_right_logical3A_210 = vector.broadcast %shift_right_logical3A_209 : i32 to vector<16xi32>
            %shift_right_logical3A_211 = arith.shrui %and3A_208, %shift_right_logical3A_210 : vector<16xi32>
            %sub3A_212 = arith.constant 127 : i32
            %sub3A_213 = vector.broadcast %sub3A_212 : i32 to vector<16xi32>
            %sub3A_214 = arith.subi %shift_right_logical3A_211, %sub3A_213 : vector<16xi32>
            %mul3A_215 = arith.constant 16 : i32
            %mul3A_216 = arith.muli %scan3A_139, %mul3A_215 : i32
            %add3A_217 = vector.broadcast %mul3A_216 : i32 to vector<16xi32>
            %add3A_218 = arith.addi %add3A_217, %iota3A : vector<16xi32>
            %shift_left3A = arith.constant 5 : i32
            %shift_left3A_219 = vector.broadcast %shift_left3A : i32 to vector<16xi32>
            %shift_left3A_220 = arith.shli %add3A_218, %shift_left3A_219 : vector<16xi32>
            %add3A_221 = arith.addi %shift_left3A_220, %sub3A_214 : vector<16xi32>
            %min3A_222 = arith.constant 15 : i32
            %min3A_223 = vector.broadcast %min3A_222 : i32 to vector<16xi32>
            %min3A_224 = arith.minsi %while3A_199, %min3A_223 : vector<16xi32>
            tpu.vector_store_idx %arg9[%broadcast_in_dim3A, %min3A_224], %add3A_221 masked %ne3A_201 : memref<16x16xi32, #tpu.memory_space<vmem>>[vector<16xi32>, vector<16xi32>], vector<16xi32>, vector<16xi1>
            %convert_element_type3A_225 = arith.extui %ne3A_201 : vector<16xi1> to vector<16xi32>
            %add3A_226 = arith.addi %while3A_199, %convert_element_type3A_225 : vector<16xi32>
            %sub3A_227 = arith.constant 1 : i32
            %sub3A_228 = vector.broadcast %sub3A_227 : i32 to vector<16xi32>
            %sub3A_229 = arith.subi %while3A_198, %sub3A_228 : vector<16xi32>
            %and3A_230 = arith.andi %while3A_198, %sub3A_229 : vector<16xi32>
            %lt3A_231 = arith.constant 16 : i32
            %lt3A_232 = vector.broadcast %lt3A_231 : i32 to vector<16xi32>
            %lt3A_233 = arith.cmpi slt, %add3A_226, %lt3A_232 : vector<16xi32>
            %jit3A = arith.constant 0 : i32
            %broadcast_in_dim3A_234 = vector.broadcast %jit3A : i32 to vector<16xi32>
            %select_n3A_235 = arith.select %lt3A_233, %and3A_230, %broadcast_in_dim3A_234 : vector<16xi1>, vector<16xi32>
            scf.yield %select_n3A_235, %add3A_226 : vector<16xi32>, vector<16xi32>
          }
          scf.yield %add3A_191 : i32
        } else {
          scf.yield %scan3A_140 : i32
        }
        scf.yield %cond3A_145 : i32
      }
      %scan3A_118 = arith.constant 8 : i32
      %min3A = arith.constant 16 : i32
      %min3A_119 = arith.minsi %scan3A_117, %min3A : i32
      %broadcast_in_dim3A_120 = arith.constant 0 : i32
      %broadcast_in_dim3A_121 = vector.broadcast %broadcast_in_dim3A_120 : i32 to vector<16xi32>
      %gather3A = tpu.vector_load_idx %arg9[%broadcast_in_dim3A, %broadcast_in_dim3A_121] : memref<16x16xi32, #tpu.memory_space<vmem>>[vector<16xi32>, vector<16xi32>], vector<16xi32>,
      %gt3A = arith.constant 0 : i32
      %gt3A_122 = arith.cmpi sgt, %min3A_119, %gt3A : i32
      %convert_element_type3A = arith.extui %gt3A_122 : i1 to i32
      %mul3A_123 = vector.broadcast %convert_element_type3A : i32 to vector<16xi32>
      %mul3A_124 = arith.muli %gather3A, %mul3A_123 : vector<16xi32>
      %sub3A = arith.constant 1 : i32
      %sub3A_125 = arith.subi %sub3A, %convert_element_type3A : i32
      %mul3A_126 = arith.constant 4095 : i32
      %mul3A_127 = arith.muli %sub3A_125, %mul3A_126 : i32
      %add3A_128 = vector.broadcast %mul3A_127 : i32 to vector<16xi32>
      %add3A_129 = arith.addi %mul3A_124, %add3A_128 : vector<16xi32>
      %add3A_130 = arith.constant 0 : i32
      %add3A_131 = vector.broadcast %add3A_130 : i32 to vector<16xi32>
      %add3A_132 = arith.addi %iota3A, %add3A_131 : vector<16xi32>
      %get3A = arith.index_cast %scan3A_110 : i32 to index
      %get3A_133 = arith.constant 0 : index
      %get3A_134 = tpu.vector_load %arg9[%get3A, %get3A_133] {strides = array<i32>} : memref<16x16xi32, #tpu.memory_space<vmem>>, vector<16xi32>,
      %lt3A = vector.broadcast %min3A_119 : i32 to vector<16xi32>
      %lt3A_135 = arith.cmpi slt, %add3A_132, %lt3A : vector<16xi32>
      %select_n3A = arith.select %lt3A_135, %get3A_134, %add3A_129 : vector<16xi1>, vector<16xi32>
      %swap3A = arith.index_cast %scan3A_110 : i32 to index
      %swap3A_136 = arith.constant 0 : index
      %swap3A_137 = tpu.vector_load %arg9[%swap3A, %swap3A_136] {strides = array<i32>} : memref<16x16xi32, #tpu.memory_space<vmem>>, vector<16xi32>,
      tpu.vector_store %arg9[%swap3A, %swap3A_136], %select_n3A {strides = array<i32>} : memref<16x16xi32, #tpu.memory_space<vmem>>, vector<16xi32>,
      %scan3A_138 = arith.constant 0 : i32
      scf.yield %scan3A_138 : i32
    }
    %scan3A_37 = arith.constant 16 : i32
    "tpu.region"() ({
      %run_scoped3A = tpu.sem_alloc : memref<!tpu.dma_semaphore, #tpu.memory_space<semaphore_mem>>
      %dma_start3A = arith.constant 0 : i32
      %dma_start3A_110 = tpu.memref_slice %arg5[%add3A_30, %dma_start3A] : memref<2048x16xi32, #tpu.memory_space<hbm>> -> memref<16x16xi32, #tpu.memory_space<hbm>>
      %dma_start3A_111 = arith.constant 0 : i32
      %dma_start3A_112 = tpu.memref_slice %arg5[%add3A_30, %dma_start3A_111] : memref<2048x16xi32, #tpu.memory_space<hbm>> -> memref<16x16xi32, #tpu.memory_space<hbm>>
      tpu.enqueue_dma source(%arg9 : memref<16x16xi32, #tpu.memory_space<vmem>>) target(%dma_start3A_112 : memref<16x16xi32, #tpu.memory_space<hbm>>) target_semaphore(%run_scoped3A : memref<!tpu.dma_semaphore, #tpu.memory_space<semaphore_mem>>)
      %dma_wait3A = arith.constant 0 : i32
      %dma_wait3A_113 = tpu.memref_slice %arg5[%add3A_30, %dma_wait3A] : memref<2048x16xi32, #tpu.memory_space<hbm>> -> memref<16x16xi32, #tpu.memory_space<hbm>>
      %dma_wait3A_114 = arith.constant 0 : i32
      %dma_wait3A_115 = tpu.memref_slice %arg5[%add3A_30, %dma_wait3A_114] : memref<2048x16xi32, #tpu.memory_space<hbm>> -> memref<16x16xi32, #tpu.memory_space<hbm>>
      tpu.wait_dma2 semaphore(%run_scoped3A : memref<!tpu.dma_semaphore, #tpu.memory_space<semaphore_mem>>) src(%arg9 : memref<16x16xi32, #tpu.memory_space<vmem>>) dst(%dma_wait3A_115 : memref<16x16xi32, #tpu.memory_space<hbm>>)
      tpu.yield
    }) : () -> ()
    %add3A_38 = arith.constant 0 : i32
    %add3A_39 = arith.addi %mul3A_2, %add3A_38 : i32
    "tpu.region"() ({
      %run_scoped3A = tpu.sem_alloc : memref<!tpu.dma_semaphore, #tpu.memory_space<semaphore_mem>>
      %dma_start3A = arith.constant 0 : i32
      %dma_start3A_110 = tpu.memref_slice %arg3[%add3A_39, %dma_start3A] : memref<2048x128xi32, #tpu.memory_space<hbm>> -> memref<16x128xi32, #tpu.memory_space<hbm>>
      %dma_start3A_111 = arith.constant 0 : i32
      %dma_start3A_112 = tpu.memref_slice %arg3[%add3A_39, %dma_start3A_111] : memref<2048x128xi32, #tpu.memory_space<hbm>> -> memref<16x128xi32, #tpu.memory_space<hbm>>
      tpu.enqueue_dma source(%dma_start3A_112 : memref<16x128xi32, #tpu.memory_space<hbm>>) target(%arg8 : memref<16x128xi32, #tpu.memory_space<vmem>>) target_semaphore(%run_scoped3A : memref<!tpu.dma_semaphore, #tpu.memory_space<semaphore_mem>>)
      %dma_wait3A = arith.constant 0 : i32
      %dma_wait3A_113 = tpu.memref_slice %arg3[%add3A_39, %dma_wait3A] : memref<2048x128xi32, #tpu.memory_space<hbm>> -> memref<16x128xi32, #tpu.memory_space<hbm>>
      %dma_wait3A_114 = arith.constant 0 : i32
      %dma_wait3A_115 = tpu.memref_slice %arg3[%add3A_39, %dma_wait3A_114] : memref<2048x128xi32, #tpu.memory_space<hbm>> -> memref<16x128xi32, #tpu.memory_space<hbm>>
      tpu.wait_dma2 semaphore(%run_scoped3A : memref<!tpu.dma_semaphore, #tpu.memory_space<semaphore_mem>>) src(%dma_wait3A_115 : memref<16x128xi32, #tpu.memory_space<hbm>>) dst(%arg8 : memref<16x128xi32, #tpu.memory_space<vmem>>)
      tpu.yield
    }) : () -> ()
    %scan3A_40 = arith.constant 0 : i32
    %scan3A_41 = arith.constant 0 : i32
    %scan3A_42 = arith.constant 16 : i32
    %scan3A_43 = arith.addi %scan3A_41, %scan3A_42 : i32
    %scan3A_44 = arith.constant 1 : i32
    %scan3A_45 = scf.for %scan3A_110 = %scan3A_41 to %scan3A_43 step %scan3A_44 iter_args(%scan3A_111 = %scan3A_40) -> (i32)  : i32 {
      %iota3A = tpu.iota {dimensions = array<i32: 0>} : vector<16xi32>
      %broadcast_in_dim3A = vector.broadcast %scan3A_110 : i32 to vector<16xi32>
      %scan3A_112 = arith.constant 0 : i32
      %scan3A_113 = arith.constant 0 : i32
      %scan3A_114 = arith.constant 8 : i32
      %scan3A_115 = arith.addi %scan3A_113, %scan3A_114 : i32
      %scan3A_116 = arith.constant 1 : i32
      %scan3A_117 = scf.for %scan3A_151 = %scan3A_113 to %scan3A_115 step %scan3A_116 iter_args(%scan3A_152 = %scan3A_112) -> (i32)  : i32 {
        %lt3A_153 = arith.constant 32 : i32
        %lt3A_154 = arith.cmpi slt, %scan3A_152, %lt3A_153 : i32
        %convert_element_type3A_155 = arith.extui %lt3A_154 : i1 to i32
        %cond3A = arith.constant 0 : i32
        %cond3A_156 = arith.cmpi ne, %convert_element_type3A_155, %cond3A : i32
        %cond3A_157 = scf.if %cond3A_156 -> (i32) {
          %mul3A_158 = arith.constant 16 : i32
          %mul3A_159 = arith.muli %scan3A_151, %mul3A_158 : i32
          %get3A_160 = arith.index_cast %scan3A_110 : i32 to index
          %get3A_161 = arith.index_cast %mul3A_159 : i32 to index
          %get3A_162 = tpu.vector_load %arg8[%get3A_160, %get3A_161] {strides = array<i32>} : memref<16x128xi32, #tpu.memory_space<vmem>>, vector<16xi32>,
          %shift_right_logical3A = arith.constant 1 : i32
          %shift_right_logical3A_163 = vector.broadcast %shift_right_logical3A : i32 to vector<16xi32>
          %shift_right_logical3A_164 = arith.shrui %get3A_162, %shift_right_logical3A_163 : vector<16xi32>
          %and3A = arith.constant 1431655765 : i32
          %and3A_165 = vector.broadcast %and3A : i32 to vector<16xi32>
          %and3A_166 = arith.andi %shift_right_logical3A_164, %and3A_165 : vector<16xi32>
          %sub3A_167 = arith.subi %get3A_162, %and3A_166 : vector<16xi32>
          %and3A_168 = arith.constant 858993459 : i32
          %and3A_169 = vector.broadcast %and3A_168 : i32 to vector<16xi32>
          %and3A_170 = arith.andi %sub3A_167, %and3A_169 : vector<16xi32>
          %shift_right_logical3A_171 = arith.constant 2 : i32
          %shift_right_logical3A_172 = vector.broadcast %shift_right_logical3A_171 : i32 to vector<16xi32>
          %shift_right_logical3A_173 = arith.shrui %sub3A_167, %shift_right_logical3A_172 : vector<16xi32>
          %and3A_174 = arith.constant 858993459 : i32
          %and3A_175 = vector.broadcast %and3A_174 : i32 to vector<16xi32>
          %and3A_176 = arith.andi %shift_right_logical3A_173, %and3A_175 : vector<16xi32>
          %add3A_177 = arith.addi %and3A_170, %and3A_176 : vector<16xi32>
          %shift_right_logical3A_178 = arith.constant 4 : i32
          %shift_right_logical3A_179 = vector.broadcast %shift_right_logical3A_178 : i32 to vector<16xi32>
          %shift_right_logical3A_180 = arith.shrui %add3A_177, %shift_right_logical3A_179 : vector<16xi32>
          %add3A_181 = arith.addi %add3A_177, %shift_right_logical3A_180 : vector<16xi32>
          %and3A_182 = arith.constant 252645135 : i32
          %and3A_183 = vector.broadcast %and3A_182 : i32 to vector<16xi32>
          %and3A_184 = arith.andi %add3A_181, %and3A_183 : vector<16xi32>
          %mul3A_185 = arith.constant 16843009 : i32
          %mul3A_186 = vector.broadcast %mul3A_185 : i32 to vector<16xi32>
          %mul3A_187 = arith.muli %and3A_184, %mul3A_186 : vector<16xi32>
          %shift_right_logical3A_188 = arith.constant 24 : i32
          %shift_right_logical3A_189 = vector.broadcast %shift_right_logical3A_188 : i32 to vector<16xi32>
          %shift_right_logical3A_190 = arith.shrui %mul3A_187, %shift_right_logical3A_189 : vector<16xi32>
          %broadcast_in_dim3A_191 = arith.constant true
          %broadcast_in_dim3A_192 = vector.broadcast %broadcast_in_dim3A_191 : i1 to vector<16xi1>
          %masked_cumsum3A = tpu.scan <sum>, %shift_right_logical3A_190 masked %broadcast_in_dim3A_192 : vector<16xi32>, vector<16xi1> -> vector<16xi32>
          %add3A_193 = vector.broadcast %scan3A_152 : i32 to vector<16xi32>
          %add3A_194 = arith.addi %add3A_193, %masked_cumsum3A : vector<16xi32>
          %sub3A_195 = arith.subi %add3A_194, %shift_right_logical3A_190 : vector<16xi32>
          %reduce_max3A = arith.constant true
          %reduce_max3A_196 = vector.broadcast %reduce_max3A : i1 to vector<16xi1>
          %reduce_max3A_197 = arith.constant -2147483648 : i32
          %reduce_max3A_198 = vector.broadcast %reduce_max3A_197 : i32 to vector<16xi32>
          %reduce_max3A_199 = arith.xori %masked_cumsum3A, %reduce_max3A_198 : vector<16xi32>
          %reduce_max3A_200 = tpu.scan <max>, %reduce_max3A_199 masked %reduce_max3A_196 : vector<16xi32>, vector<16xi1> -> vector<16xi32>
          %reduce_max3A_201 = arith.xori %reduce_max3A_200, %reduce_max3A_198 : vector<16xi32>
          %reduce_max3A_202 = vector.extract %reduce_max3A_201[15] : i32 from vector<16xi32>
          %add3A_203 = arith.addi %scan3A_152, %reduce_max3A_202 : i32
          %lt3A_204 = arith.constant 32 : i32
          %lt3A_205 = vector.broadcast %lt3A_204 : i32 to vector<16xi32>
          %lt3A_206 = arith.cmpi slt, %sub3A_195, %lt3A_205 : vector<16xi32>
          %broadcast_in_dim3A_207 = arith.constant 0 : i32
          %broadcast_in_dim3A_208 = vector.broadcast %broadcast_in_dim3A_207 : i32 to vector<16xi32>
          %select_n3A_209 = arith.select %lt3A_206, %get3A_162, %broadcast_in_dim3A_208 : vector<16xi1>, vector<16xi32>
          %while3A:2 = scf.while (%while3A_210 = %select_n3A_209, %while3A_211 = %sub3A_195) : (vector<16xi32>, vector<16xi32>) -> (vector<16xi32>, vector<16xi32>) {
            %ne3A = arith.constant 0 : i32
            %ne3A_212 = vector.broadcast %ne3A : i32 to vector<16xi32>
            %ne3A_213 = arith.cmpi ne, %while3A_210, %ne3A_212 : vector<16xi32>
            %reduce_or3A = arith.constant 1.000000e+00 : f32
            %reduce_or3A_214 = arith.constant 0.000000e+00 : f32
            %reduce_or3A_215 = vector.broadcast %reduce_or3A : f32 to vector<16xf32>
            %reduce_or3A_216 = vector.broadcast %reduce_or3A_214 : f32 to vector<16xf32>
            %reduce_or3A_217 = arith.select %ne3A_213, %reduce_or3A_215, %reduce_or3A_216 : vector<16xi1>, vector<16xf32>
            %reduce_or3A_218 = arith.constant true
            %reduce_or3A_219 = vector.broadcast %reduce_or3A_218 : i1 to vector<16xi1>
            %reduce_or3A_220 = tpu.scan <max>, %reduce_or3A_217 masked %reduce_or3A_219 : vector<16xf32>, vector<16xi1> -> vector<16xf32>
            %reduce_or3A_221 = vector.extract %reduce_or3A_220[15] : f32 from vector<16xf32>
            %reduce_or3A_222 = arith.constant 0.000000e+00 : f32
            %reduce_or3A_223 = arith.cmpf ogt, %reduce_or3A_221, %reduce_or3A_222 : f32
            scf.condition(%reduce_or3A_223) %while3A_210, %while3A_211 : vector<16xi32>, vector<16xi32>
          } do {
          ^bb0(%while3A_210: vector<16xi32>, %while3A_211: vector<16xi32>):
            %ne3A = arith.constant 0 : i32
            %ne3A_212 = vector.broadcast %ne3A : i32 to vector<16xi32>
            %ne3A_213 = arith.cmpi ne, %while3A_210, %ne3A_212 : vector<16xi32>
            %neg3A = arith.constant 0 : i32
            %neg3A_214 = vector.broadcast %neg3A : i32 to vector<16xi32>
            %neg3A_215 = arith.subi %neg3A_214, %while3A_210 : vector<16xi32>
            %and3A_216 = arith.andi %while3A_210, %neg3A_215 : vector<16xi32>
            %convert_element_type3A_217 = arith.sitofp %and3A_216 : vector<16xi32> to vector<16xf32>
            %bitcast3A = vector.bitcast %convert_element_type3A_217 : vector<16xf32> to vector<16xi32>
            %and3A_218 = arith.constant 2147483647 : i32
            %and3A_219 = vector.broadcast %and3A_218 : i32 to vector<16xi32>
            %and3A_220 = arith.andi %bitcast3A, %and3A_219 : vector<16xi32>
            %shift_right_logical3A_221 = arith.constant 23 : i32
            %shift_right_logical3A_222 = vector.broadcast %shift_right_logical3A_221 : i32 to vector<16xi32>
            %shift_right_logical3A_223 = arith.shrui %and3A_220, %shift_right_logical3A_222 : vector<16xi32>
            %sub3A_224 = arith.constant 127 : i32
            %sub3A_225 = vector.broadcast %sub3A_224 : i32 to vector<16xi32>
            %sub3A_226 = arith.subi %shift_right_logical3A_223, %sub3A_225 : vector<16xi32>
            %mul3A_227 = arith.constant 16 : i32
            %mul3A_228 = arith.muli %scan3A_151, %mul3A_227 : i32
            %add3A_229 = vector.broadcast %mul3A_228 : i32 to vector<16xi32>
            %add3A_230 = arith.addi %add3A_229, %iota3A : vector<16xi32>
            %shift_left3A = arith.constant 5 : i32
            %shift_left3A_231 = vector.broadcast %shift_left3A : i32 to vector<16xi32>
            %shift_left3A_232 = arith.shli %add3A_230, %shift_left3A_231 : vector<16xi32>
            %add3A_233 = arith.addi %shift_left3A_232, %sub3A_226 : vector<16xi32>
            %min3A_234 = arith.constant 31 : i32
            %min3A_235 = vector.broadcast %min3A_234 : i32 to vector<16xi32>
            %min3A_236 = arith.minsi %while3A_211, %min3A_235 : vector<16xi32>
            tpu.vector_store_idx %arg10[%broadcast_in_dim3A, %min3A_236], %add3A_233 masked %ne3A_213 : memref<16x32xi32, #tpu.memory_space<vmem>>[vector<16xi32>, vector<16xi32>], vector<16xi32>, vector<16xi1>
            %convert_element_type3A_237 = arith.extui %ne3A_213 : vector<16xi1> to vector<16xi32>
            %add3A_238 = arith.addi %while3A_211, %convert_element_type3A_237 : vector<16xi32>
            %sub3A_239 = arith.constant 1 : i32
            %sub3A_240 = vector.broadcast %sub3A_239 : i32 to vector<16xi32>
            %sub3A_241 = arith.subi %while3A_210, %sub3A_240 : vector<16xi32>
            %and3A_242 = arith.andi %while3A_210, %sub3A_241 : vector<16xi32>
            %lt3A_243 = arith.constant 32 : i32
            %lt3A_244 = vector.broadcast %lt3A_243 : i32 to vector<16xi32>
            %lt3A_245 = arith.cmpi slt, %add3A_238, %lt3A_244 : vector<16xi32>
            %jit3A = arith.constant 0 : i32
            %broadcast_in_dim3A_246 = vector.broadcast %jit3A : i32 to vector<16xi32>
            %select_n3A_247 = arith.select %lt3A_245, %and3A_242, %broadcast_in_dim3A_246 : vector<16xi1>, vector<16xi32>
            scf.yield %select_n3A_247, %add3A_238 : vector<16xi32>, vector<16xi32>
          }
          scf.yield %add3A_203 : i32
        } else {
          scf.yield %scan3A_152 : i32
        }
        scf.yield %cond3A_157 : i32
      }
      %scan3A_118 = arith.constant 8 : i32
      %min3A = arith.constant 32 : i32
      %min3A_119 = arith.minsi %scan3A_117, %min3A : i32
      %broadcast_in_dim3A_120 = arith.constant 0 : i32
      %broadcast_in_dim3A_121 = vector.broadcast %broadcast_in_dim3A_120 : i32 to vector<16xi32>
      %gather3A = tpu.vector_load_idx %arg10[%broadcast_in_dim3A, %broadcast_in_dim3A_121] : memref<16x32xi32, #tpu.memory_space<vmem>>[vector<16xi32>, vector<16xi32>], vector<16xi32>,
      %gt3A = arith.constant 0 : i32
      %gt3A_122 = arith.cmpi sgt, %min3A_119, %gt3A : i32
      %convert_element_type3A = arith.extui %gt3A_122 : i1 to i32
      %mul3A_123 = vector.broadcast %convert_element_type3A : i32 to vector<16xi32>
      %mul3A_124 = arith.muli %gather3A, %mul3A_123 : vector<16xi32>
      %sub3A = arith.constant 1 : i32
      %sub3A_125 = arith.subi %sub3A, %convert_element_type3A : i32
      %mul3A_126 = arith.constant 4095 : i32
      %mul3A_127 = arith.muli %sub3A_125, %mul3A_126 : i32
      %add3A_128 = vector.broadcast %mul3A_127 : i32 to vector<16xi32>
      %add3A_129 = arith.addi %mul3A_124, %add3A_128 : vector<16xi32>
      %add3A_130 = arith.constant 0 : i32
      %add3A_131 = vector.broadcast %add3A_130 : i32 to vector<16xi32>
      %add3A_132 = arith.addi %iota3A, %add3A_131 : vector<16xi32>
      %get3A = arith.index_cast %scan3A_110 : i32 to index
      %get3A_133 = arith.constant 0 : index
      %get3A_134 = tpu.vector_load %arg10[%get3A, %get3A_133] {strides = array<i32>} : memref<16x32xi32, #tpu.memory_space<vmem>>, vector<16xi32>,
      %lt3A = vector.broadcast %min3A_119 : i32 to vector<16xi32>
      %lt3A_135 = arith.cmpi slt, %add3A_132, %lt3A : vector<16xi32>
      %select_n3A = arith.select %lt3A_135, %get3A_134, %add3A_129 : vector<16xi1>, vector<16xi32>
      %swap3A = arith.index_cast %scan3A_110 : i32 to index
      %swap3A_136 = arith.constant 0 : index
      %swap3A_137 = tpu.vector_load %arg10[%swap3A, %swap3A_136] {strides = array<i32>} : memref<16x32xi32, #tpu.memory_space<vmem>>, vector<16xi32>,
      tpu.vector_store %arg10[%swap3A, %swap3A_136], %select_n3A {strides = array<i32>} : memref<16x32xi32, #tpu.memory_space<vmem>>, vector<16xi32>,
      %add3A_138 = arith.constant 16 : i32
      %add3A_139 = vector.broadcast %add3A_138 : i32 to vector<16xi32>
      %add3A_140 = arith.addi %iota3A, %add3A_139 : vector<16xi32>
      %get3A_141 = arith.index_cast %scan3A_110 : i32 to index
      %get3A_142 = arith.constant 16 : index
      %get3A_143 = tpu.vector_load %arg10[%get3A_141, %get3A_142] {strides = array<i32>} : memref<16x32xi32, #tpu.memory_space<vmem>>, vector<16xi32>,
      %lt3A_144 = vector.broadcast %min3A_119 : i32 to vector<16xi32>
      %lt3A_145 = arith.cmpi slt, %add3A_140, %lt3A_144 : vector<16xi32>
      %select_n3A_146 = arith.select %lt3A_145, %get3A_143, %add3A_129 : vector<16xi1>, vector<16xi32>
      %swap3A_147 = arith.index_cast %scan3A_110 : i32 to index
      %swap3A_148 = arith.constant 16 : index
      %swap3A_149 = tpu.vector_load %arg10[%swap3A_147, %swap3A_148] {strides = array<i32>} : memref<16x32xi32, #tpu.memory_space<vmem>>, vector<16xi32>,
      tpu.vector_store %arg10[%swap3A_147, %swap3A_148], %select_n3A_146 {strides = array<i32>} : memref<16x32xi32, #tpu.memory_space<vmem>>, vector<16xi32>,
      %scan3A_150 = arith.constant 0 : i32
      scf.yield %scan3A_150 : i32
    }
    %scan3A_46 = arith.constant 16 : i32
    "tpu.region"() ({
      %run_scoped3A = tpu.sem_alloc : memref<!tpu.dma_semaphore, #tpu.memory_space<semaphore_mem>>
      %dma_start3A = arith.constant 0 : i32
      %dma_start3A_110 = tpu.memref_slice %arg6[%add3A_39, %dma_start3A] : memref<2048x32xi32, #tpu.memory_space<hbm>> -> memref<16x32xi32, #tpu.memory_space<hbm>>
      %dma_start3A_111 = arith.constant 0 : i32
      %dma_start3A_112 = tpu.memref_slice %arg6[%add3A_39, %dma_start3A_111] : memref<2048x32xi32, #tpu.memory_space<hbm>> -> memref<16x32xi32, #tpu.memory_space<hbm>>
      tpu.enqueue_dma source(%arg10 : memref<16x32xi32, #tpu.memory_space<vmem>>) target(%dma_start3A_112 : memref<16x32xi32, #tpu.memory_space<hbm>>) target_semaphore(%run_scoped3A : memref<!tpu.dma_semaphore, #tpu.memory_space<semaphore_mem>>)
      %dma_wait3A = arith.constant 0 : i32
      %dma_wait3A_113 = tpu.memref_slice %arg6[%add3A_39, %dma_wait3A] : memref<2048x32xi32, #tpu.memory_space<hbm>> -> memref<16x32xi32, #tpu.memory_space<hbm>>
      %dma_wait3A_114 = arith.constant 0 : i32
      %dma_wait3A_115 = tpu.memref_slice %arg6[%add3A_39, %dma_wait3A_114] : memref<2048x32xi32, #tpu.memory_space<hbm>> -> memref<16x32xi32, #tpu.memory_space<hbm>>
      tpu.wait_dma2 semaphore(%run_scoped3A : memref<!tpu.dma_semaphore, #tpu.memory_space<semaphore_mem>>) src(%arg10 : memref<16x32xi32, #tpu.memory_space<vmem>>) dst(%dma_wait3A_115 : memref<16x32xi32, #tpu.memory_space<hbm>>)
      tpu.yield
    }) : () -> ()
    %add3A_47 = arith.constant 16 : i32
    %add3A_48 = arith.addi %mul3A_2, %add3A_47 : i32
    "tpu.region"() ({
      %run_scoped3A = tpu.sem_alloc : memref<!tpu.dma_semaphore, #tpu.memory_space<semaphore_mem>>
      %dma_start3A = arith.constant 0 : i32
      %dma_start3A_110 = tpu.memref_slice %arg3[%add3A_48, %dma_start3A] : memref<2048x128xi32, #tpu.memory_space<hbm>> -> memref<16x128xi32, #tpu.memory_space<hbm>>
      %dma_start3A_111 = arith.constant 0 : i32
      %dma_start3A_112 = tpu.memref_slice %arg3[%add3A_48, %dma_start3A_111] : memref<2048x128xi32, #tpu.memory_space<hbm>> -> memref<16x128xi32, #tpu.memory_space<hbm>>
      tpu.enqueue_dma source(%dma_start3A_112 : memref<16x128xi32, #tpu.memory_space<hbm>>) target(%arg8 : memref<16x128xi32, #tpu.memory_space<vmem>>) target_semaphore(%run_scoped3A : memref<!tpu.dma_semaphore, #tpu.memory_space<semaphore_mem>>)
      %dma_wait3A = arith.constant 0 : i32
      %dma_wait3A_113 = tpu.memref_slice %arg3[%add3A_48, %dma_wait3A] : memref<2048x128xi32, #tpu.memory_space<hbm>> -> memref<16x128xi32, #tpu.memory_space<hbm>>
      %dma_wait3A_114 = arith.constant 0 : i32
      %dma_wait3A_115 = tpu.memref_slice %arg3[%add3A_48, %dma_wait3A_114] : memref<2048x128xi32, #tpu.memory_space<hbm>> -> memref<16x128xi32, #tpu.memory_space<hbm>>
      tpu.wait_dma2 semaphore(%run_scoped3A : memref<!tpu.dma_semaphore, #tpu.memory_space<semaphore_mem>>) src(%dma_wait3A_115 : memref<16x128xi32, #tpu.memory_space<hbm>>) dst(%arg8 : memref<16x128xi32, #tpu.memory_space<vmem>>)
      tpu.yield
    }) : () -> ()
    %scan3A_49 = arith.constant 0 : i32
    %scan3A_50 = arith.constant 0 : i32
    %scan3A_51 = arith.constant 16 : i32
    %scan3A_52 = arith.addi %scan3A_50, %scan3A_51 : i32
    %scan3A_53 = arith.constant 1 : i32
    %scan3A_54 = scf.for %scan3A_110 = %scan3A_50 to %scan3A_52 step %scan3A_53 iter_args(%scan3A_111 = %scan3A_49) -> (i32)  : i32 {
      %iota3A = tpu.iota {dimensions = array<i32: 0>} : vector<16xi32>
      %broadcast_in_dim3A = vector.broadcast %scan3A_110 : i32 to vector<16xi32>
      %scan3A_112 = arith.constant 0 : i32
      %scan3A_113 = arith.constant 0 : i32
      %scan3A_114 = arith.constant 8 : i32
      %scan3A_115 = arith.addi %scan3A_113, %scan3A_114 : i32
      %scan3A_116 = arith.constant 1 : i32
      %scan3A_117 = scf.for %scan3A_151 = %scan3A_113 to %scan3A_115 step %scan3A_116 iter_args(%scan3A_152 = %scan3A_112) -> (i32)  : i32 {
        %lt3A_153 = arith.constant 32 : i32
        %lt3A_154 = arith.cmpi slt, %scan3A_152, %lt3A_153 : i32
        %convert_element_type3A_155 = arith.extui %lt3A_154 : i1 to i32
        %cond3A = arith.constant 0 : i32
        %cond3A_156 = arith.cmpi ne, %convert_element_type3A_155, %cond3A : i32
        %cond3A_157 = scf.if %cond3A_156 -> (i32) {
          %mul3A_158 = arith.constant 16 : i32
          %mul3A_159 = arith.muli %scan3A_151, %mul3A_158 : i32
          %get3A_160 = arith.index_cast %scan3A_110 : i32 to index
          %get3A_161 = arith.index_cast %mul3A_159 : i32 to index
          %get3A_162 = tpu.vector_load %arg8[%get3A_160, %get3A_161] {strides = array<i32>} : memref<16x128xi32, #tpu.memory_space<vmem>>, vector<16xi32>,
          %shift_right_logical3A = arith.constant 1 : i32
          %shift_right_logical3A_163 = vector.broadcast %shift_right_logical3A : i32 to vector<16xi32>
          %shift_right_logical3A_164 = arith.shrui %get3A_162, %shift_right_logical3A_163 : vector<16xi32>
          %and3A = arith.constant 1431655765 : i32
          %and3A_165 = vector.broadcast %and3A : i32 to vector<16xi32>
          %and3A_166 = arith.andi %shift_right_logical3A_164, %and3A_165 : vector<16xi32>
          %sub3A_167 = arith.subi %get3A_162, %and3A_166 : vector<16xi32>
          %and3A_168 = arith.constant 858993459 : i32
          %and3A_169 = vector.broadcast %and3A_168 : i32 to vector<16xi32>
          %and3A_170 = arith.andi %sub3A_167, %and3A_169 : vector<16xi32>
          %shift_right_logical3A_171 = arith.constant 2 : i32
          %shift_right_logical3A_172 = vector.broadcast %shift_right_logical3A_171 : i32 to vector<16xi32>
          %shift_right_logical3A_173 = arith.shrui %sub3A_167, %shift_right_logical3A_172 : vector<16xi32>
          %and3A_174 = arith.constant 858993459 : i32
          %and3A_175 = vector.broadcast %and3A_174 : i32 to vector<16xi32>
          %and3A_176 = arith.andi %shift_right_logical3A_173, %and3A_175 : vector<16xi32>
          %add3A_177 = arith.addi %and3A_170, %and3A_176 : vector<16xi32>
          %shift_right_logical3A_178 = arith.constant 4 : i32
          %shift_right_logical3A_179 = vector.broadcast %shift_right_logical3A_178 : i32 to vector<16xi32>
          %shift_right_logical3A_180 = arith.shrui %add3A_177, %shift_right_logical3A_179 : vector<16xi32>
          %add3A_181 = arith.addi %add3A_177, %shift_right_logical3A_180 : vector<16xi32>
          %and3A_182 = arith.constant 252645135 : i32
          %and3A_183 = vector.broadcast %and3A_182 : i32 to vector<16xi32>
          %and3A_184 = arith.andi %add3A_181, %and3A_183 : vector<16xi32>
          %mul3A_185 = arith.constant 16843009 : i32
          %mul3A_186 = vector.broadcast %mul3A_185 : i32 to vector<16xi32>
          %mul3A_187 = arith.muli %and3A_184, %mul3A_186 : vector<16xi32>
          %shift_right_logical3A_188 = arith.constant 24 : i32
          %shift_right_logical3A_189 = vector.broadcast %shift_right_logical3A_188 : i32 to vector<16xi32>
          %shift_right_logical3A_190 = arith.shrui %mul3A_187, %shift_right_logical3A_189 : vector<16xi32>
          %broadcast_in_dim3A_191 = arith.constant true
          %broadcast_in_dim3A_192 = vector.broadcast %broadcast_in_dim3A_191 : i1 to vector<16xi1>
          %masked_cumsum3A = tpu.scan <sum>, %shift_right_logical3A_190 masked %broadcast_in_dim3A_192 : vector<16xi32>, vector<16xi1> -> vector<16xi32>
          %add3A_193 = vector.broadcast %scan3A_152 : i32 to vector<16xi32>
          %add3A_194 = arith.addi %add3A_193, %masked_cumsum3A : vector<16xi32>
          %sub3A_195 = arith.subi %add3A_194, %shift_right_logical3A_190 : vector<16xi32>
          %reduce_max3A = arith.constant true
          %reduce_max3A_196 = vector.broadcast %reduce_max3A : i1 to vector<16xi1>
          %reduce_max3A_197 = arith.constant -2147483648 : i32
          %reduce_max3A_198 = vector.broadcast %reduce_max3A_197 : i32 to vector<16xi32>
          %reduce_max3A_199 = arith.xori %masked_cumsum3A, %reduce_max3A_198 : vector<16xi32>
          %reduce_max3A_200 = tpu.scan <max>, %reduce_max3A_199 masked %reduce_max3A_196 : vector<16xi32>, vector<16xi1> -> vector<16xi32>
          %reduce_max3A_201 = arith.xori %reduce_max3A_200, %reduce_max3A_198 : vector<16xi32>
          %reduce_max3A_202 = vector.extract %reduce_max3A_201[15] : i32 from vector<16xi32>
          %add3A_203 = arith.addi %scan3A_152, %reduce_max3A_202 : i32
          %lt3A_204 = arith.constant 32 : i32
          %lt3A_205 = vector.broadcast %lt3A_204 : i32 to vector<16xi32>
          %lt3A_206 = arith.cmpi slt, %sub3A_195, %lt3A_205 : vector<16xi32>
          %broadcast_in_dim3A_207 = arith.constant 0 : i32
          %broadcast_in_dim3A_208 = vector.broadcast %broadcast_in_dim3A_207 : i32 to vector<16xi32>
          %select_n3A_209 = arith.select %lt3A_206, %get3A_162, %broadcast_in_dim3A_208 : vector<16xi1>, vector<16xi32>
          %while3A:2 = scf.while (%while3A_210 = %select_n3A_209, %while3A_211 = %sub3A_195) : (vector<16xi32>, vector<16xi32>) -> (vector<16xi32>, vector<16xi32>) {
            %ne3A = arith.constant 0 : i32
            %ne3A_212 = vector.broadcast %ne3A : i32 to vector<16xi32>
            %ne3A_213 = arith.cmpi ne, %while3A_210, %ne3A_212 : vector<16xi32>
            %reduce_or3A = arith.constant 1.000000e+00 : f32
            %reduce_or3A_214 = arith.constant 0.000000e+00 : f32
            %reduce_or3A_215 = vector.broadcast %reduce_or3A : f32 to vector<16xf32>
            %reduce_or3A_216 = vector.broadcast %reduce_or3A_214 : f32 to vector<16xf32>
            %reduce_or3A_217 = arith.select %ne3A_213, %reduce_or3A_215, %reduce_or3A_216 : vector<16xi1>, vector<16xf32>
            %reduce_or3A_218 = arith.constant true
            %reduce_or3A_219 = vector.broadcast %reduce_or3A_218 : i1 to vector<16xi1>
            %reduce_or3A_220 = tpu.scan <max>, %reduce_or3A_217 masked %reduce_or3A_219 : vector<16xf32>, vector<16xi1> -> vector<16xf32>
            %reduce_or3A_221 = vector.extract %reduce_or3A_220[15] : f32 from vector<16xf32>
            %reduce_or3A_222 = arith.constant 0.000000e+00 : f32
            %reduce_or3A_223 = arith.cmpf ogt, %reduce_or3A_221, %reduce_or3A_222 : f32
            scf.condition(%reduce_or3A_223) %while3A_210, %while3A_211 : vector<16xi32>, vector<16xi32>
          } do {
          ^bb0(%while3A_210: vector<16xi32>, %while3A_211: vector<16xi32>):
            %ne3A = arith.constant 0 : i32
            %ne3A_212 = vector.broadcast %ne3A : i32 to vector<16xi32>
            %ne3A_213 = arith.cmpi ne, %while3A_210, %ne3A_212 : vector<16xi32>
            %neg3A = arith.constant 0 : i32
            %neg3A_214 = vector.broadcast %neg3A : i32 to vector<16xi32>
            %neg3A_215 = arith.subi %neg3A_214, %while3A_210 : vector<16xi32>
            %and3A_216 = arith.andi %while3A_210, %neg3A_215 : vector<16xi32>
            %convert_element_type3A_217 = arith.sitofp %and3A_216 : vector<16xi32> to vector<16xf32>
            %bitcast3A = vector.bitcast %convert_element_type3A_217 : vector<16xf32> to vector<16xi32>
            %and3A_218 = arith.constant 2147483647 : i32
            %and3A_219 = vector.broadcast %and3A_218 : i32 to vector<16xi32>
            %and3A_220 = arith.andi %bitcast3A, %and3A_219 : vector<16xi32>
            %shift_right_logical3A_221 = arith.constant 23 : i32
            %shift_right_logical3A_222 = vector.broadcast %shift_right_logical3A_221 : i32 to vector<16xi32>
            %shift_right_logical3A_223 = arith.shrui %and3A_220, %shift_right_logical3A_222 : vector<16xi32>
            %sub3A_224 = arith.constant 127 : i32
            %sub3A_225 = vector.broadcast %sub3A_224 : i32 to vector<16xi32>
            %sub3A_226 = arith.subi %shift_right_logical3A_223, %sub3A_225 : vector<16xi32>
            %mul3A_227 = arith.constant 16 : i32
            %mul3A_228 = arith.muli %scan3A_151, %mul3A_227 : i32
            %add3A_229 = vector.broadcast %mul3A_228 : i32 to vector<16xi32>
            %add3A_230 = arith.addi %add3A_229, %iota3A : vector<16xi32>
            %shift_left3A = arith.constant 5 : i32
            %shift_left3A_231 = vector.broadcast %shift_left3A : i32 to vector<16xi32>
            %shift_left3A_232 = arith.shli %add3A_230, %shift_left3A_231 : vector<16xi32>
            %add3A_233 = arith.addi %shift_left3A_232, %sub3A_226 : vector<16xi32>
            %min3A_234 = arith.constant 31 : i32
            %min3A_235 = vector.broadcast %min3A_234 : i32 to vector<16xi32>
            %min3A_236 = arith.minsi %while3A_211, %min3A_235 : vector<16xi32>
            tpu.vector_store_idx %arg10[%broadcast_in_dim3A, %min3A_236], %add3A_233 masked %ne3A_213 : memref<16x32xi32, #tpu.memory_space<vmem>>[vector<16xi32>, vector<16xi32>], vector<16xi32>, vector<16xi1>
            %convert_element_type3A_237 = arith.extui %ne3A_213 : vector<16xi1> to vector<16xi32>
            %add3A_238 = arith.addi %while3A_211, %convert_element_type3A_237 : vector<16xi32>
            %sub3A_239 = arith.constant 1 : i32
            %sub3A_240 = vector.broadcast %sub3A_239 : i32 to vector<16xi32>
            %sub3A_241 = arith.subi %while3A_210, %sub3A_240 : vector<16xi32>
            %and3A_242 = arith.andi %while3A_210, %sub3A_241 : vector<16xi32>
            %lt3A_243 = arith.constant 32 : i32
            %lt3A_244 = vector.broadcast %lt3A_243 : i32 to vector<16xi32>
            %lt3A_245 = arith.cmpi slt, %add3A_238, %lt3A_244 : vector<16xi32>
            %jit3A = arith.constant 0 : i32
            %broadcast_in_dim3A_246 = vector.broadcast %jit3A : i32 to vector<16xi32>
            %select_n3A_247 = arith.select %lt3A_245, %and3A_242, %broadcast_in_dim3A_246 : vector<16xi1>, vector<16xi32>
            scf.yield %select_n3A_247, %add3A_238 : vector<16xi32>, vector<16xi32>
          }
          scf.yield %add3A_203 : i32
        } else {
          scf.yield %scan3A_152 : i32
        }
        scf.yield %cond3A_157 : i32
      }
      %scan3A_118 = arith.constant 8 : i32
      %min3A = arith.constant 32 : i32
      %min3A_119 = arith.minsi %scan3A_117, %min3A : i32
      %broadcast_in_dim3A_120 = arith.constant 0 : i32
      %broadcast_in_dim3A_121 = vector.broadcast %broadcast_in_dim3A_120 : i32 to vector<16xi32>
      %gather3A = tpu.vector_load_idx %arg10[%broadcast_in_dim3A, %broadcast_in_dim3A_121] : memref<16x32xi32, #tpu.memory_space<vmem>>[vector<16xi32>, vector<16xi32>], vector<16xi32>,
      %gt3A = arith.constant 0 : i32
      %gt3A_122 = arith.cmpi sgt, %min3A_119, %gt3A : i32
      %convert_element_type3A = arith.extui %gt3A_122 : i1 to i32
      %mul3A_123 = vector.broadcast %convert_element_type3A : i32 to vector<16xi32>
      %mul3A_124 = arith.muli %gather3A, %mul3A_123 : vector<16xi32>
      %sub3A = arith.constant 1 : i32
      %sub3A_125 = arith.subi %sub3A, %convert_element_type3A : i32
      %mul3A_126 = arith.constant 4095 : i32
      %mul3A_127 = arith.muli %sub3A_125, %mul3A_126 : i32
      %add3A_128 = vector.broadcast %mul3A_127 : i32 to vector<16xi32>
      %add3A_129 = arith.addi %mul3A_124, %add3A_128 : vector<16xi32>
      %add3A_130 = arith.constant 0 : i32
      %add3A_131 = vector.broadcast %add3A_130 : i32 to vector<16xi32>
      %add3A_132 = arith.addi %iota3A, %add3A_131 : vector<16xi32>
      %get3A = arith.index_cast %scan3A_110 : i32 to index
      %get3A_133 = arith.constant 0 : index
      %get3A_134 = tpu.vector_load %arg10[%get3A, %get3A_133] {strides = array<i32>} : memref<16x32xi32, #tpu.memory_space<vmem>>, vector<16xi32>,
      %lt3A = vector.broadcast %min3A_119 : i32 to vector<16xi32>
      %lt3A_135 = arith.cmpi slt, %add3A_132, %lt3A : vector<16xi32>
      %select_n3A = arith.select %lt3A_135, %get3A_134, %add3A_129 : vector<16xi1>, vector<16xi32>
      %swap3A = arith.index_cast %scan3A_110 : i32 to index
      %swap3A_136 = arith.constant 0 : index
      %swap3A_137 = tpu.vector_load %arg10[%swap3A, %swap3A_136] {strides = array<i32>} : memref<16x32xi32, #tpu.memory_space<vmem>>, vector<16xi32>,
      tpu.vector_store %arg10[%swap3A, %swap3A_136], %select_n3A {strides = array<i32>} : memref<16x32xi32, #tpu.memory_space<vmem>>, vector<16xi32>,
      %add3A_138 = arith.constant 16 : i32
      %add3A_139 = vector.broadcast %add3A_138 : i32 to vector<16xi32>
      %add3A_140 = arith.addi %iota3A, %add3A_139 : vector<16xi32>
      %get3A_141 = arith.index_cast %scan3A_110 : i32 to index
      %get3A_142 = arith.constant 16 : index
      %get3A_143 = tpu.vector_load %arg10[%get3A_141, %get3A_142] {strides = array<i32>} : memref<16x32xi32, #tpu.memory_space<vmem>>, vector<16xi32>,
      %lt3A_144 = vector.broadcast %min3A_119 : i32 to vector<16xi32>
      %lt3A_145 = arith.cmpi slt, %add3A_140, %lt3A_144 : vector<16xi32>
      %select_n3A_146 = arith.select %lt3A_145, %get3A_143, %add3A_129 : vector<16xi1>, vector<16xi32>
      %swap3A_147 = arith.index_cast %scan3A_110 : i32 to index
      %swap3A_148 = arith.constant 16 : index
      %swap3A_149 = tpu.vector_load %arg10[%swap3A_147, %swap3A_148] {strides = array<i32>} : memref<16x32xi32, #tpu.memory_space<vmem>>, vector<16xi32>,
      tpu.vector_store %arg10[%swap3A_147, %swap3A_148], %select_n3A_146 {strides = array<i32>} : memref<16x32xi32, #tpu.memory_space<vmem>>, vector<16xi32>,
      %scan3A_150 = arith.constant 0 : i32
      scf.yield %scan3A_150 : i32
    }
    %scan3A_55 = arith.constant 16 : i32
    "tpu.region"() ({
      %run_scoped3A = tpu.sem_alloc : memref<!tpu.dma_semaphore, #tpu.memory_space<semaphore_mem>>
      %dma_start3A = arith.constant 0 : i32
      %dma_start3A_110 = tpu.memref_slice %arg6[%add3A_48, %dma_start3A] : memref<2048x32xi32, #tpu.memory_space<hbm>> -> memref<16x32xi32, #tpu.memory_space<hbm>>
      %dma_start3A_111 = arith.constant 0 : i32
      %dma_start3A_112 = tpu.memref_slice %arg6[%add3A_48, %dma_start3A_111] : memref<2048x32xi32, #tpu.memory_space<hbm>> -> memref<16x32xi32, #tpu.memory_space<hbm>>
      tpu.enqueue_dma source(%arg10 : memref<16x32xi32, #tpu.memory_space<vmem>>) target(%dma_start3A_112 : memref<16x32xi32, #tpu.memory_space<hbm>>) target_semaphore(%run_scoped3A : memref<!tpu.dma_semaphore, #tpu.memory_space<semaphore_mem>>)
      %dma_wait3A = arith.constant 0 : i32
      %dma_wait3A_113 = tpu.memref_slice %arg6[%add3A_48, %dma_wait3A] : memref<2048x32xi32, #tpu.memory_space<hbm>> -> memref<16x32xi32, #tpu.memory_space<hbm>>
      %dma_wait3A_114 = arith.constant 0 : i32
      %dma_wait3A_115 = tpu.memref_slice %arg6[%add3A_48, %dma_wait3A_114] : memref<2048x32xi32, #tpu.memory_space<hbm>> -> memref<16x32xi32, #tpu.memory_space<hbm>>
      tpu.wait_dma2 semaphore(%run_scoped3A : memref<!tpu.dma_semaphore, #tpu.memory_space<semaphore_mem>>) src(%arg10 : memref<16x32xi32, #tpu.memory_space<vmem>>) dst(%dma_wait3A_115 : memref<16x32xi32, #tpu.memory_space<hbm>>)
      tpu.yield
    }) : () -> ()
    %add3A_56 = arith.constant 32 : i32
    %add3A_57 = arith.addi %mul3A_2, %add3A_56 : i32
    "tpu.region"() ({
      %run_scoped3A = tpu.sem_alloc : memref<!tpu.dma_semaphore, #tpu.memory_space<semaphore_mem>>
      %dma_start3A = arith.constant 0 : i32
      %dma_start3A_110 = tpu.memref_slice %arg3[%add3A_57, %dma_start3A] : memref<2048x128xi32, #tpu.memory_space<hbm>> -> memref<16x128xi32, #tpu.memory_space<hbm>>
      %dma_start3A_111 = arith.constant 0 : i32
      %dma_start3A_112 = tpu.memref_slice %arg3[%add3A_57, %dma_start3A_111] : memref<2048x128xi32, #tpu.memory_space<hbm>> -> memref<16x128xi32, #tpu.memory_space<hbm>>
      tpu.enqueue_dma source(%dma_start3A_112 : memref<16x128xi32, #tpu.memory_space<hbm>>) target(%arg8 : memref<16x128xi32, #tpu.memory_space<vmem>>) target_semaphore(%run_scoped3A : memref<!tpu.dma_semaphore, #tpu.memory_space<semaphore_mem>>)
      %dma_wait3A = arith.constant 0 : i32
      %dma_wait3A_113 = tpu.memref_slice %arg3[%add3A_57, %dma_wait3A] : memref<2048x128xi32, #tpu.memory_space<hbm>> -> memref<16x128xi32, #tpu.memory_space<hbm>>
      %dma_wait3A_114 = arith.constant 0 : i32
      %dma_wait3A_115 = tpu.memref_slice %arg3[%add3A_57, %dma_wait3A_114] : memref<2048x128xi32, #tpu.memory_space<hbm>> -> memref<16x128xi32, #tpu.memory_space<hbm>>
      tpu.wait_dma2 semaphore(%run_scoped3A : memref<!tpu.dma_semaphore, #tpu.memory_space<semaphore_mem>>) src(%dma_wait3A_115 : memref<16x128xi32, #tpu.memory_space<hbm>>) dst(%arg8 : memref<16x128xi32, #tpu.memory_space<vmem>>)
      tpu.yield
    }) : () -> ()
    %scan3A_58 = arith.constant 0 : i32
    %scan3A_59 = arith.constant 0 : i32
    %scan3A_60 = arith.constant 16 : i32
    %scan3A_61 = arith.addi %scan3A_59, %scan3A_60 : i32
    %scan3A_62 = arith.constant 1 : i32
    %scan3A_63 = scf.for %scan3A_110 = %scan3A_59 to %scan3A_61 step %scan3A_62 iter_args(%scan3A_111 = %scan3A_58) -> (i32)  : i32 {
      %iota3A = tpu.iota {dimensions = array<i32: 0>} : vector<16xi32>
      %broadcast_in_dim3A = vector.broadcast %scan3A_110 : i32 to vector<16xi32>
      %scan3A_112 = arith.constant 0 : i32
      %scan3A_113 = arith.constant 0 : i32
      %scan3A_114 = arith.constant 8 : i32
      %scan3A_115 = arith.addi %scan3A_113, %scan3A_114 : i32
      %scan3A_116 = arith.constant 1 : i32
      %scan3A_117 = scf.for %scan3A_151 = %scan3A_113 to %scan3A_115 step %scan3A_116 iter_args(%scan3A_152 = %scan3A_112) -> (i32)  : i32 {
        %lt3A_153 = arith.constant 32 : i32
        %lt3A_154 = arith.cmpi slt, %scan3A_152, %lt3A_153 : i32
        %convert_element_type3A_155 = arith.extui %lt3A_154 : i1 to i32
        %cond3A = arith.constant 0 : i32
        %cond3A_156 = arith.cmpi ne, %convert_element_type3A_155, %cond3A : i32
        %cond3A_157 = scf.if %cond3A_156 -> (i32) {
          %mul3A_158 = arith.constant 16 : i32
          %mul3A_159 = arith.muli %scan3A_151, %mul3A_158 : i32
          %get3A_160 = arith.index_cast %scan3A_110 : i32 to index
          %get3A_161 = arith.index_cast %mul3A_159 : i32 to index
          %get3A_162 = tpu.vector_load %arg8[%get3A_160, %get3A_161] {strides = array<i32>} : memref<16x128xi32, #tpu.memory_space<vmem>>, vector<16xi32>,
          %shift_right_logical3A = arith.constant 1 : i32
          %shift_right_logical3A_163 = vector.broadcast %shift_right_logical3A : i32 to vector<16xi32>
          %shift_right_logical3A_164 = arith.shrui %get3A_162, %shift_right_logical3A_163 : vector<16xi32>
          %and3A = arith.constant 1431655765 : i32
          %and3A_165 = vector.broadcast %and3A : i32 to vector<16xi32>
          %and3A_166 = arith.andi %shift_right_logical3A_164, %and3A_165 : vector<16xi32>
          %sub3A_167 = arith.subi %get3A_162, %and3A_166 : vector<16xi32>
          %and3A_168 = arith.constant 858993459 : i32
          %and3A_169 = vector.broadcast %and3A_168 : i32 to vector<16xi32>
          %and3A_170 = arith.andi %sub3A_167, %and3A_169 : vector<16xi32>
          %shift_right_logical3A_171 = arith.constant 2 : i32
          %shift_right_logical3A_172 = vector.broadcast %shift_right_logical3A_171 : i32 to vector<16xi32>
          %shift_right_logical3A_173 = arith.shrui %sub3A_167, %shift_right_logical3A_172 : vector<16xi32>
          %and3A_174 = arith.constant 858993459 : i32
          %and3A_175 = vector.broadcast %and3A_174 : i32 to vector<16xi32>
          %and3A_176 = arith.andi %shift_right_logical3A_173, %and3A_175 : vector<16xi32>
          %add3A_177 = arith.addi %and3A_170, %and3A_176 : vector<16xi32>
          %shift_right_logical3A_178 = arith.constant 4 : i32
          %shift_right_logical3A_179 = vector.broadcast %shift_right_logical3A_178 : i32 to vector<16xi32>
          %shift_right_logical3A_180 = arith.shrui %add3A_177, %shift_right_logical3A_179 : vector<16xi32>
          %add3A_181 = arith.addi %add3A_177, %shift_right_logical3A_180 : vector<16xi32>
          %and3A_182 = arith.constant 252645135 : i32
          %and3A_183 = vector.broadcast %and3A_182 : i32 to vector<16xi32>
          %and3A_184 = arith.andi %add3A_181, %and3A_183 : vector<16xi32>
          %mul3A_185 = arith.constant 16843009 : i32
          %mul3A_186 = vector.broadcast %mul3A_185 : i32 to vector<16xi32>
          %mul3A_187 = arith.muli %and3A_184, %mul3A_186 : vector<16xi32>
          %shift_right_logical3A_188 = arith.constant 24 : i32
          %shift_right_logical3A_189 = vector.broadcast %shift_right_logical3A_188 : i32 to vector<16xi32>
          %shift_right_logical3A_190 = arith.shrui %mul3A_187, %shift_right_logical3A_189 : vector<16xi32>
          %broadcast_in_dim3A_191 = arith.constant true
          %broadcast_in_dim3A_192 = vector.broadcast %broadcast_in_dim3A_191 : i1 to vector<16xi1>
          %masked_cumsum3A = tpu.scan <sum>, %shift_right_logical3A_190 masked %broadcast_in_dim3A_192 : vector<16xi32>, vector<16xi1> -> vector<16xi32>
          %add3A_193 = vector.broadcast %scan3A_152 : i32 to vector<16xi32>
          %add3A_194 = arith.addi %add3A_193, %masked_cumsum3A : vector<16xi32>
          %sub3A_195 = arith.subi %add3A_194, %shift_right_logical3A_190 : vector<16xi32>
          %reduce_max3A = arith.constant true
          %reduce_max3A_196 = vector.broadcast %reduce_max3A : i1 to vector<16xi1>
          %reduce_max3A_197 = arith.constant -2147483648 : i32
          %reduce_max3A_198 = vector.broadcast %reduce_max3A_197 : i32 to vector<16xi32>
          %reduce_max3A_199 = arith.xori %masked_cumsum3A, %reduce_max3A_198 : vector<16xi32>
          %reduce_max3A_200 = tpu.scan <max>, %reduce_max3A_199 masked %reduce_max3A_196 : vector<16xi32>, vector<16xi1> -> vector<16xi32>
          %reduce_max3A_201 = arith.xori %reduce_max3A_200, %reduce_max3A_198 : vector<16xi32>
          %reduce_max3A_202 = vector.extract %reduce_max3A_201[15] : i32 from vector<16xi32>
          %add3A_203 = arith.addi %scan3A_152, %reduce_max3A_202 : i32
          %lt3A_204 = arith.constant 32 : i32
          %lt3A_205 = vector.broadcast %lt3A_204 : i32 to vector<16xi32>
          %lt3A_206 = arith.cmpi slt, %sub3A_195, %lt3A_205 : vector<16xi32>
          %broadcast_in_dim3A_207 = arith.constant 0 : i32
          %broadcast_in_dim3A_208 = vector.broadcast %broadcast_in_dim3A_207 : i32 to vector<16xi32>
          %select_n3A_209 = arith.select %lt3A_206, %get3A_162, %broadcast_in_dim3A_208 : vector<16xi1>, vector<16xi32>
          %while3A:2 = scf.while (%while3A_210 = %select_n3A_209, %while3A_211 = %sub3A_195) : (vector<16xi32>, vector<16xi32>) -> (vector<16xi32>, vector<16xi32>) {
            %ne3A = arith.constant 0 : i32
            %ne3A_212 = vector.broadcast %ne3A : i32 to vector<16xi32>
            %ne3A_213 = arith.cmpi ne, %while3A_210, %ne3A_212 : vector<16xi32>
            %reduce_or3A = arith.constant 1.000000e+00 : f32
            %reduce_or3A_214 = arith.constant 0.000000e+00 : f32
            %reduce_or3A_215 = vector.broadcast %reduce_or3A : f32 to vector<16xf32>
            %reduce_or3A_216 = vector.broadcast %reduce_or3A_214 : f32 to vector<16xf32>
            %reduce_or3A_217 = arith.select %ne3A_213, %reduce_or3A_215, %reduce_or3A_216 : vector<16xi1>, vector<16xf32>
            %reduce_or3A_218 = arith.constant true
            %reduce_or3A_219 = vector.broadcast %reduce_or3A_218 : i1 to vector<16xi1>
            %reduce_or3A_220 = tpu.scan <max>, %reduce_or3A_217 masked %reduce_or3A_219 : vector<16xf32>, vector<16xi1> -> vector<16xf32>
            %reduce_or3A_221 = vector.extract %reduce_or3A_220[15] : f32 from vector<16xf32>
            %reduce_or3A_222 = arith.constant 0.000000e+00 : f32
            %reduce_or3A_223 = arith.cmpf ogt, %reduce_or3A_221, %reduce_or3A_222 : f32
            scf.condition(%reduce_or3A_223) %while3A_210, %while3A_211 : vector<16xi32>, vector<16xi32>
          } do {
          ^bb0(%while3A_210: vector<16xi32>, %while3A_211: vector<16xi32>):
            %ne3A = arith.constant 0 : i32
            %ne3A_212 = vector.broadcast %ne3A : i32 to vector<16xi32>
            %ne3A_213 = arith.cmpi ne, %while3A_210, %ne3A_212 : vector<16xi32>
            %neg3A = arith.constant 0 : i32
            %neg3A_214 = vector.broadcast %neg3A : i32 to vector<16xi32>
            %neg3A_215 = arith.subi %neg3A_214, %while3A_210 : vector<16xi32>
            %and3A_216 = arith.andi %while3A_210, %neg3A_215 : vector<16xi32>
            %convert_element_type3A_217 = arith.sitofp %and3A_216 : vector<16xi32> to vector<16xf32>
            %bitcast3A = vector.bitcast %convert_element_type3A_217 : vector<16xf32> to vector<16xi32>
            %and3A_218 = arith.constant 2147483647 : i32
            %and3A_219 = vector.broadcast %and3A_218 : i32 to vector<16xi32>
            %and3A_220 = arith.andi %bitcast3A, %and3A_219 : vector<16xi32>
            %shift_right_logical3A_221 = arith.constant 23 : i32
            %shift_right_logical3A_222 = vector.broadcast %shift_right_logical3A_221 : i32 to vector<16xi32>
            %shift_right_logical3A_223 = arith.shrui %and3A_220, %shift_right_logical3A_222 : vector<16xi32>
            %sub3A_224 = arith.constant 127 : i32
            %sub3A_225 = vector.broadcast %sub3A_224 : i32 to vector<16xi32>
            %sub3A_226 = arith.subi %shift_right_logical3A_223, %sub3A_225 : vector<16xi32>
            %mul3A_227 = arith.constant 16 : i32
            %mul3A_228 = arith.muli %scan3A_151, %mul3A_227 : i32
            %add3A_229 = vector.broadcast %mul3A_228 : i32 to vector<16xi32>
            %add3A_230 = arith.addi %add3A_229, %iota3A : vector<16xi32>
            %shift_left3A = arith.constant 5 : i32
            %shift_left3A_231 = vector.broadcast %shift_left3A : i32 to vector<16xi32>
            %shift_left3A_232 = arith.shli %add3A_230, %shift_left3A_231 : vector<16xi32>
            %add3A_233 = arith.addi %shift_left3A_232, %sub3A_226 : vector<16xi32>
            %min3A_234 = arith.constant 31 : i32
            %min3A_235 = vector.broadcast %min3A_234 : i32 to vector<16xi32>
            %min3A_236 = arith.minsi %while3A_211, %min3A_235 : vector<16xi32>
            tpu.vector_store_idx %arg10[%broadcast_in_dim3A, %min3A_236], %add3A_233 masked %ne3A_213 : memref<16x32xi32, #tpu.memory_space<vmem>>[vector<16xi32>, vector<16xi32>], vector<16xi32>, vector<16xi1>
            %convert_element_type3A_237 = arith.extui %ne3A_213 : vector<16xi1> to vector<16xi32>
            %add3A_238 = arith.addi %while3A_211, %convert_element_type3A_237 : vector<16xi32>
            %sub3A_239 = arith.constant 1 : i32
            %sub3A_240 = vector.broadcast %sub3A_239 : i32 to vector<16xi32>
            %sub3A_241 = arith.subi %while3A_210, %sub3A_240 : vector<16xi32>
            %and3A_242 = arith.andi %while3A_210, %sub3A_241 : vector<16xi32>
            %lt3A_243 = arith.constant 32 : i32
            %lt3A_244 = vector.broadcast %lt3A_243 : i32 to vector<16xi32>
            %lt3A_245 = arith.cmpi slt, %add3A_238, %lt3A_244 : vector<16xi32>
            %jit3A = arith.constant 0 : i32
            %broadcast_in_dim3A_246 = vector.broadcast %jit3A : i32 to vector<16xi32>
            %select_n3A_247 = arith.select %lt3A_245, %and3A_242, %broadcast_in_dim3A_246 : vector<16xi1>, vector<16xi32>
            scf.yield %select_n3A_247, %add3A_238 : vector<16xi32>, vector<16xi32>
          }
          scf.yield %add3A_203 : i32
        } else {
          scf.yield %scan3A_152 : i32
        }
        scf.yield %cond3A_157 : i32
      }
      %scan3A_118 = arith.constant 8 : i32
      %min3A = arith.constant 32 : i32
      %min3A_119 = arith.minsi %scan3A_117, %min3A : i32
      %broadcast_in_dim3A_120 = arith.constant 0 : i32
      %broadcast_in_dim3A_121 = vector.broadcast %broadcast_in_dim3A_120 : i32 to vector<16xi32>
      %gather3A = tpu.vector_load_idx %arg10[%broadcast_in_dim3A, %broadcast_in_dim3A_121] : memref<16x32xi32, #tpu.memory_space<vmem>>[vector<16xi32>, vector<16xi32>], vector<16xi32>,
      %gt3A = arith.constant 0 : i32
      %gt3A_122 = arith.cmpi sgt, %min3A_119, %gt3A : i32
      %convert_element_type3A = arith.extui %gt3A_122 : i1 to i32
      %mul3A_123 = vector.broadcast %convert_element_type3A : i32 to vector<16xi32>
      %mul3A_124 = arith.muli %gather3A, %mul3A_123 : vector<16xi32>
      %sub3A = arith.constant 1 : i32
      %sub3A_125 = arith.subi %sub3A, %convert_element_type3A : i32
      %mul3A_126 = arith.constant 4095 : i32
      %mul3A_127 = arith.muli %sub3A_125, %mul3A_126 : i32
      %add3A_128 = vector.broadcast %mul3A_127 : i32 to vector<16xi32>
      %add3A_129 = arith.addi %mul3A_124, %add3A_128 : vector<16xi32>
      %add3A_130 = arith.constant 0 : i32
      %add3A_131 = vector.broadcast %add3A_130 : i32 to vector<16xi32>
      %add3A_132 = arith.addi %iota3A, %add3A_131 : vector<16xi32>
      %get3A = arith.index_cast %scan3A_110 : i32 to index
      %get3A_133 = arith.constant 0 : index
      %get3A_134 = tpu.vector_load %arg10[%get3A, %get3A_133] {strides = array<i32>} : memref<16x32xi32, #tpu.memory_space<vmem>>, vector<16xi32>,
      %lt3A = vector.broadcast %min3A_119 : i32 to vector<16xi32>
      %lt3A_135 = arith.cmpi slt, %add3A_132, %lt3A : vector<16xi32>
      %select_n3A = arith.select %lt3A_135, %get3A_134, %add3A_129 : vector<16xi1>, vector<16xi32>
      %swap3A = arith.index_cast %scan3A_110 : i32 to index
      %swap3A_136 = arith.constant 0 : index
      %swap3A_137 = tpu.vector_load %arg10[%swap3A, %swap3A_136] {strides = array<i32>} : memref<16x32xi32, #tpu.memory_space<vmem>>, vector<16xi32>,
      tpu.vector_store %arg10[%swap3A, %swap3A_136], %select_n3A {strides = array<i32>} : memref<16x32xi32, #tpu.memory_space<vmem>>, vector<16xi32>,
      %add3A_138 = arith.constant 16 : i32
      %add3A_139 = vector.broadcast %add3A_138 : i32 to vector<16xi32>
      %add3A_140 = arith.addi %iota3A, %add3A_139 : vector<16xi32>
      %get3A_141 = arith.index_cast %scan3A_110 : i32 to index
      %get3A_142 = arith.constant 16 : index
      %get3A_143 = tpu.vector_load %arg10[%get3A_141, %get3A_142] {strides = array<i32>} : memref<16x32xi32, #tpu.memory_space<vmem>>, vector<16xi32>,
      %lt3A_144 = vector.broadcast %min3A_119 : i32 to vector<16xi32>
      %lt3A_145 = arith.cmpi slt, %add3A_140, %lt3A_144 : vector<16xi32>
      %select_n3A_146 = arith.select %lt3A_145, %get3A_143, %add3A_129 : vector<16xi1>, vector<16xi32>
      %swap3A_147 = arith.index_cast %scan3A_110 : i32 to index
      %swap3A_148 = arith.constant 16 : index
      %swap3A_149 = tpu.vector_load %arg10[%swap3A_147, %swap3A_148] {strides = array<i32>} : memref<16x32xi32, #tpu.memory_space<vmem>>, vector<16xi32>,
      tpu.vector_store %arg10[%swap3A_147, %swap3A_148], %select_n3A_146 {strides = array<i32>} : memref<16x32xi32, #tpu.memory_space<vmem>>, vector<16xi32>,
      %scan3A_150 = arith.constant 0 : i32
      scf.yield %scan3A_150 : i32
    }
    %scan3A_64 = arith.constant 16 : i32
    "tpu.region"() ({
      %run_scoped3A = tpu.sem_alloc : memref<!tpu.dma_semaphore, #tpu.memory_space<semaphore_mem>>
      %dma_start3A = arith.constant 0 : i32
      %dma_start3A_110 = tpu.memref_slice %arg6[%add3A_57, %dma_start3A] : memref<2048x32xi32, #tpu.memory_space<hbm>> -> memref<16x32xi32, #tpu.memory_space<hbm>>
      %dma_start3A_111 = arith.constant 0 : i32
      %dma_start3A_112 = tpu.memref_slice %arg6[%add3A_57, %dma_start3A_111] : memref<2048x32xi32, #tpu.memory_space<hbm>> -> memref<16x32xi32, #tpu.memory_space<hbm>>
      tpu.enqueue_dma source(%arg10 : memref<16x32xi32, #tpu.memory_space<vmem>>) target(%dma_start3A_112 : memref<16x32xi32, #tpu.memory_space<hbm>>) target_semaphore(%run_scoped3A : memref<!tpu.dma_semaphore, #tpu.memory_space<semaphore_mem>>)
      %dma_wait3A = arith.constant 0 : i32
      %dma_wait3A_113 = tpu.memref_slice %arg6[%add3A_57, %dma_wait3A] : memref<2048x32xi32, #tpu.memory_space<hbm>> -> memref<16x32xi32, #tpu.memory_space<hbm>>
      %dma_wait3A_114 = arith.constant 0 : i32
      %dma_wait3A_115 = tpu.memref_slice %arg6[%add3A_57, %dma_wait3A_114] : memref<2048x32xi32, #tpu.memory_space<hbm>> -> memref<16x32xi32, #tpu.memory_space<hbm>>
      tpu.wait_dma2 semaphore(%run_scoped3A : memref<!tpu.dma_semaphore, #tpu.memory_space<semaphore_mem>>) src(%arg10 : memref<16x32xi32, #tpu.memory_space<vmem>>) dst(%dma_wait3A_115 : memref<16x32xi32, #tpu.memory_space<hbm>>)
      tpu.yield
    }) : () -> ()
    %add3A_65 = arith.constant 48 : i32
    %add3A_66 = arith.addi %mul3A_2, %add3A_65 : i32
    "tpu.region"() ({
      %run_scoped3A = tpu.sem_alloc : memref<!tpu.dma_semaphore, #tpu.memory_space<semaphore_mem>>
      %dma_start3A = arith.constant 0 : i32
      %dma_start3A_110 = tpu.memref_slice %arg3[%add3A_66, %dma_start3A] : memref<2048x128xi32, #tpu.memory_space<hbm>> -> memref<16x128xi32, #tpu.memory_space<hbm>>
      %dma_start3A_111 = arith.constant 0 : i32
      %dma_start3A_112 = tpu.memref_slice %arg3[%add3A_66, %dma_start3A_111] : memref<2048x128xi32, #tpu.memory_space<hbm>> -> memref<16x128xi32, #tpu.memory_space<hbm>>
      tpu.enqueue_dma source(%dma_start3A_112 : memref<16x128xi32, #tpu.memory_space<hbm>>) target(%arg8 : memref<16x128xi32, #tpu.memory_space<vmem>>) target_semaphore(%run_scoped3A : memref<!tpu.dma_semaphore, #tpu.memory_space<semaphore_mem>>)
      %dma_wait3A = arith.constant 0 : i32
      %dma_wait3A_113 = tpu.memref_slice %arg3[%add3A_66, %dma_wait3A] : memref<2048x128xi32, #tpu.memory_space<hbm>> -> memref<16x128xi32, #tpu.memory_space<hbm>>
      %dma_wait3A_114 = arith.constant 0 : i32
      %dma_wait3A_115 = tpu.memref_slice %arg3[%add3A_66, %dma_wait3A_114] : memref<2048x128xi32, #tpu.memory_space<hbm>> -> memref<16x128xi32, #tpu.memory_space<hbm>>
      tpu.wait_dma2 semaphore(%run_scoped3A : memref<!tpu.dma_semaphore, #tpu.memory_space<semaphore_mem>>) src(%dma_wait3A_115 : memref<16x128xi32, #tpu.memory_space<hbm>>) dst(%arg8 : memref<16x128xi32, #tpu.memory_space<vmem>>)
      tpu.yield
    }) : () -> ()
    %scan3A_67 = arith.constant 0 : i32
    %scan3A_68 = arith.constant 0 : i32
    %scan3A_69 = arith.constant 16 : i32
    %scan3A_70 = arith.addi %scan3A_68, %scan3A_69 : i32
    %scan3A_71 = arith.constant 1 : i32
    %scan3A_72 = scf.for %scan3A_110 = %scan3A_68 to %scan3A_70 step %scan3A_71 iter_args(%scan3A_111 = %scan3A_67) -> (i32)  : i32 {
      %iota3A = tpu.iota {dimensions = array<i32: 0>} : vector<16xi32>
      %broadcast_in_dim3A = vector.broadcast %scan3A_110 : i32 to vector<16xi32>
      %scan3A_112 = arith.constant 0 : i32
      %scan3A_113 = arith.constant 0 : i32
      %scan3A_114 = arith.constant 8 : i32
      %scan3A_115 = arith.addi %scan3A_113, %scan3A_114 : i32
      %scan3A_116 = arith.constant 1 : i32
      %scan3A_117 = scf.for %scan3A_151 = %scan3A_113 to %scan3A_115 step %scan3A_116 iter_args(%scan3A_152 = %scan3A_112) -> (i32)  : i32 {
        %lt3A_153 = arith.constant 32 : i32
        %lt3A_154 = arith.cmpi slt, %scan3A_152, %lt3A_153 : i32
        %convert_element_type3A_155 = arith.extui %lt3A_154 : i1 to i32
        %cond3A = arith.constant 0 : i32
        %cond3A_156 = arith.cmpi ne, %convert_element_type3A_155, %cond3A : i32
        %cond3A_157 = scf.if %cond3A_156 -> (i32) {
          %mul3A_158 = arith.constant 16 : i32
          %mul3A_159 = arith.muli %scan3A_151, %mul3A_158 : i32
          %get3A_160 = arith.index_cast %scan3A_110 : i32 to index
          %get3A_161 = arith.index_cast %mul3A_159 : i32 to index
          %get3A_162 = tpu.vector_load %arg8[%get3A_160, %get3A_161] {strides = array<i32>} : memref<16x128xi32, #tpu.memory_space<vmem>>, vector<16xi32>,
          %shift_right_logical3A = arith.constant 1 : i32
          %shift_right_logical3A_163 = vector.broadcast %shift_right_logical3A : i32 to vector<16xi32>
          %shift_right_logical3A_164 = arith.shrui %get3A_162, %shift_right_logical3A_163 : vector<16xi32>
          %and3A = arith.constant 1431655765 : i32
          %and3A_165 = vector.broadcast %and3A : i32 to vector<16xi32>
          %and3A_166 = arith.andi %shift_right_logical3A_164, %and3A_165 : vector<16xi32>
          %sub3A_167 = arith.subi %get3A_162, %and3A_166 : vector<16xi32>
          %and3A_168 = arith.constant 858993459 : i32
          %and3A_169 = vector.broadcast %and3A_168 : i32 to vector<16xi32>
          %and3A_170 = arith.andi %sub3A_167, %and3A_169 : vector<16xi32>
          %shift_right_logical3A_171 = arith.constant 2 : i32
          %shift_right_logical3A_172 = vector.broadcast %shift_right_logical3A_171 : i32 to vector<16xi32>
          %shift_right_logical3A_173 = arith.shrui %sub3A_167, %shift_right_logical3A_172 : vector<16xi32>
          %and3A_174 = arith.constant 858993459 : i32
          %and3A_175 = vector.broadcast %and3A_174 : i32 to vector<16xi32>
          %and3A_176 = arith.andi %shift_right_logical3A_173, %and3A_175 : vector<16xi32>
          %add3A_177 = arith.addi %and3A_170, %and3A_176 : vector<16xi32>
          %shift_right_logical3A_178 = arith.constant 4 : i32
          %shift_right_logical3A_179 = vector.broadcast %shift_right_logical3A_178 : i32 to vector<16xi32>
          %shift_right_logical3A_180 = arith.shrui %add3A_177, %shift_right_logical3A_179 : vector<16xi32>
          %add3A_181 = arith.addi %add3A_177, %shift_right_logical3A_180 : vector<16xi32>
          %and3A_182 = arith.constant 252645135 : i32
          %and3A_183 = vector.broadcast %and3A_182 : i32 to vector<16xi32>
          %and3A_184 = arith.andi %add3A_181, %and3A_183 : vector<16xi32>
          %mul3A_185 = arith.constant 16843009 : i32
          %mul3A_186 = vector.broadcast %mul3A_185 : i32 to vector<16xi32>
          %mul3A_187 = arith.muli %and3A_184, %mul3A_186 : vector<16xi32>
          %shift_right_logical3A_188 = arith.constant 24 : i32
          %shift_right_logical3A_189 = vector.broadcast %shift_right_logical3A_188 : i32 to vector<16xi32>
          %shift_right_logical3A_190 = arith.shrui %mul3A_187, %shift_right_logical3A_189 : vector<16xi32>
          %broadcast_in_dim3A_191 = arith.constant true
          %broadcast_in_dim3A_192 = vector.broadcast %broadcast_in_dim3A_191 : i1 to vector<16xi1>
          %masked_cumsum3A = tpu.scan <sum>, %shift_right_logical3A_190 masked %broadcast_in_dim3A_192 : vector<16xi32>, vector<16xi1> -> vector<16xi32>
          %add3A_193 = vector.broadcast %scan3A_152 : i32 to vector<16xi32>
          %add3A_194 = arith.addi %add3A_193, %masked_cumsum3A : vector<16xi32>
          %sub3A_195 = arith.subi %add3A_194, %shift_right_logical3A_190 : vector<16xi32>
          %reduce_max3A = arith.constant true
          %reduce_max3A_196 = vector.broadcast %reduce_max3A : i1 to vector<16xi1>
          %reduce_max3A_197 = arith.constant -2147483648 : i32
          %reduce_max3A_198 = vector.broadcast %reduce_max3A_197 : i32 to vector<16xi32>
          %reduce_max3A_199 = arith.xori %masked_cumsum3A, %reduce_max3A_198 : vector<16xi32>
          %reduce_max3A_200 = tpu.scan <max>, %reduce_max3A_199 masked %reduce_max3A_196 : vector<16xi32>, vector<16xi1> -> vector<16xi32>
          %reduce_max3A_201 = arith.xori %reduce_max3A_200, %reduce_max3A_198 : vector<16xi32>
          %reduce_max3A_202 = vector.extract %reduce_max3A_201[15] : i32 from vector<16xi32>
          %add3A_203 = arith.addi %scan3A_152, %reduce_max3A_202 : i32
          %lt3A_204 = arith.constant 32 : i32
          %lt3A_205 = vector.broadcast %lt3A_204 : i32 to vector<16xi32>
          %lt3A_206 = arith.cmpi slt, %sub3A_195, %lt3A_205 : vector<16xi32>
          %broadcast_in_dim3A_207 = arith.constant 0 : i32
          %broadcast_in_dim3A_208 = vector.broadcast %broadcast_in_dim3A_207 : i32 to vector<16xi32>
          %select_n3A_209 = arith.select %lt3A_206, %get3A_162, %broadcast_in_dim3A_208 : vector<16xi1>, vector<16xi32>
          %while3A:2 = scf.while (%while3A_210 = %select_n3A_209, %while3A_211 = %sub3A_195) : (vector<16xi32>, vector<16xi32>) -> (vector<16xi32>, vector<16xi32>) {
            %ne3A = arith.constant 0 : i32
            %ne3A_212 = vector.broadcast %ne3A : i32 to vector<16xi32>
            %ne3A_213 = arith.cmpi ne, %while3A_210, %ne3A_212 : vector<16xi32>
            %reduce_or3A = arith.constant 1.000000e+00 : f32
            %reduce_or3A_214 = arith.constant 0.000000e+00 : f32
            %reduce_or3A_215 = vector.broadcast %reduce_or3A : f32 to vector<16xf32>
            %reduce_or3A_216 = vector.broadcast %reduce_or3A_214 : f32 to vector<16xf32>
            %reduce_or3A_217 = arith.select %ne3A_213, %reduce_or3A_215, %reduce_or3A_216 : vector<16xi1>, vector<16xf32>
            %reduce_or3A_218 = arith.constant true
            %reduce_or3A_219 = vector.broadcast %reduce_or3A_218 : i1 to vector<16xi1>
            %reduce_or3A_220 = tpu.scan <max>, %reduce_or3A_217 masked %reduce_or3A_219 : vector<16xf32>, vector<16xi1> -> vector<16xf32>
            %reduce_or3A_221 = vector.extract %reduce_or3A_220[15] : f32 from vector<16xf32>
            %reduce_or3A_222 = arith.constant 0.000000e+00 : f32
            %reduce_or3A_223 = arith.cmpf ogt, %reduce_or3A_221, %reduce_or3A_222 : f32
            scf.condition(%reduce_or3A_223) %while3A_210, %while3A_211 : vector<16xi32>, vector<16xi32>
          } do {
          ^bb0(%while3A_210: vector<16xi32>, %while3A_211: vector<16xi32>):
            %ne3A = arith.constant 0 : i32
            %ne3A_212 = vector.broadcast %ne3A : i32 to vector<16xi32>
            %ne3A_213 = arith.cmpi ne, %while3A_210, %ne3A_212 : vector<16xi32>
            %neg3A = arith.constant 0 : i32
            %neg3A_214 = vector.broadcast %neg3A : i32 to vector<16xi32>
            %neg3A_215 = arith.subi %neg3A_214, %while3A_210 : vector<16xi32>
            %and3A_216 = arith.andi %while3A_210, %neg3A_215 : vector<16xi32>
            %convert_element_type3A_217 = arith.sitofp %and3A_216 : vector<16xi32> to vector<16xf32>
            %bitcast3A = vector.bitcast %convert_element_type3A_217 : vector<16xf32> to vector<16xi32>
            %and3A_218 = arith.constant 2147483647 : i32
            %and3A_219 = vector.broadcast %and3A_218 : i32 to vector<16xi32>
            %and3A_220 = arith.andi %bitcast3A, %and3A_219 : vector<16xi32>
            %shift_right_logical3A_221 = arith.constant 23 : i32
            %shift_right_logical3A_222 = vector.broadcast %shift_right_logical3A_221 : i32 to vector<16xi32>
            %shift_right_logical3A_223 = arith.shrui %and3A_220, %shift_right_logical3A_222 : vector<16xi32>
            %sub3A_224 = arith.constant 127 : i32
            %sub3A_225 = vector.broadcast %sub3A_224 : i32 to vector<16xi32>
            %sub3A_226 = arith.subi %shift_right_logical3A_223, %sub3A_225 : vector<16xi32>
            %mul3A_227 = arith.constant 16 : i32
            %mul3A_228 = arith.muli %scan3A_151, %mul3A_227 : i32
            %add3A_229 = vector.broadcast %mul3A_228 : i32 to vector<16xi32>
            %add3A_230 = arith.addi %add3A_229, %iota3A : vector<16xi32>
            %shift_left3A = arith.constant 5 : i32
            %shift_left3A_231 = vector.broadcast %shift_left3A : i32 to vector<16xi32>
            %shift_left3A_232 = arith.shli %add3A_230, %shift_left3A_231 : vector<16xi32>
            %add3A_233 = arith.addi %shift_left3A_232, %sub3A_226 : vector<16xi32>
            %min3A_234 = arith.constant 31 : i32
            %min3A_235 = vector.broadcast %min3A_234 : i32 to vector<16xi32>
            %min3A_236 = arith.minsi %while3A_211, %min3A_235 : vector<16xi32>
            tpu.vector_store_idx %arg10[%broadcast_in_dim3A, %min3A_236], %add3A_233 masked %ne3A_213 : memref<16x32xi32, #tpu.memory_space<vmem>>[vector<16xi32>, vector<16xi32>], vector<16xi32>, vector<16xi1>
            %convert_element_type3A_237 = arith.extui %ne3A_213 : vector<16xi1> to vector<16xi32>
            %add3A_238 = arith.addi %while3A_211, %convert_element_type3A_237 : vector<16xi32>
            %sub3A_239 = arith.constant 1 : i32
            %sub3A_240 = vector.broadcast %sub3A_239 : i32 to vector<16xi32>
            %sub3A_241 = arith.subi %while3A_210, %sub3A_240 : vector<16xi32>
            %and3A_242 = arith.andi %while3A_210, %sub3A_241 : vector<16xi32>
            %lt3A_243 = arith.constant 32 : i32
            %lt3A_244 = vector.broadcast %lt3A_243 : i32 to vector<16xi32>
            %lt3A_245 = arith.cmpi slt, %add3A_238, %lt3A_244 : vector<16xi32>
            %jit3A = arith.constant 0 : i32
            %broadcast_in_dim3A_246 = vector.broadcast %jit3A : i32 to vector<16xi32>
            %select_n3A_247 = arith.select %lt3A_245, %and3A_242, %broadcast_in_dim3A_246 : vector<16xi1>, vector<16xi32>
            scf.yield %select_n3A_247, %add3A_238 : vector<16xi32>, vector<16xi32>
          }
          scf.yield %add3A_203 : i32
        } else {
          scf.yield %scan3A_152 : i32
        }
        scf.yield %cond3A_157 : i32
      }
      %scan3A_118 = arith.constant 8 : i32
      %min3A = arith.constant 32 : i32
      %min3A_119 = arith.minsi %scan3A_117, %min3A : i32
      %broadcast_in_dim3A_120 = arith.constant 0 : i32
      %broadcast_in_dim3A_121 = vector.broadcast %broadcast_in_dim3A_120 : i32 to vector<16xi32>
      %gather3A = tpu.vector_load_idx %arg10[%broadcast_in_dim3A, %broadcast_in_dim3A_121] : memref<16x32xi32, #tpu.memory_space<vmem>>[vector<16xi32>, vector<16xi32>], vector<16xi32>,
      %gt3A = arith.constant 0 : i32
      %gt3A_122 = arith.cmpi sgt, %min3A_119, %gt3A : i32
      %convert_element_type3A = arith.extui %gt3A_122 : i1 to i32
      %mul3A_123 = vector.broadcast %convert_element_type3A : i32 to vector<16xi32>
      %mul3A_124 = arith.muli %gather3A, %mul3A_123 : vector<16xi32>
      %sub3A = arith.constant 1 : i32
      %sub3A_125 = arith.subi %sub3A, %convert_element_type3A : i32
      %mul3A_126 = arith.constant 4095 : i32
      %mul3A_127 = arith.muli %sub3A_125, %mul3A_126 : i32
      %add3A_128 = vector.broadcast %mul3A_127 : i32 to vector<16xi32>
      %add3A_129 = arith.addi %mul3A_124, %add3A_128 : vector<16xi32>
      %add3A_130 = arith.constant 0 : i32
      %add3A_131 = vector.broadcast %add3A_130 : i32 to vector<16xi32>
      %add3A_132 = arith.addi %iota3A, %add3A_131 : vector<16xi32>
      %get3A = arith.index_cast %scan3A_110 : i32 to index
      %get3A_133 = arith.constant 0 : index
      %get3A_134 = tpu.vector_load %arg10[%get3A, %get3A_133] {strides = array<i32>} : memref<16x32xi32, #tpu.memory_space<vmem>>, vector<16xi32>,
      %lt3A = vector.broadcast %min3A_119 : i32 to vector<16xi32>
      %lt3A_135 = arith.cmpi slt, %add3A_132, %lt3A : vector<16xi32>
      %select_n3A = arith.select %lt3A_135, %get3A_134, %add3A_129 : vector<16xi1>, vector<16xi32>
      %swap3A = arith.index_cast %scan3A_110 : i32 to index
      %swap3A_136 = arith.constant 0 : index
      %swap3A_137 = tpu.vector_load %arg10[%swap3A, %swap3A_136] {strides = array<i32>} : memref<16x32xi32, #tpu.memory_space<vmem>>, vector<16xi32>,
      tpu.vector_store %arg10[%swap3A, %swap3A_136], %select_n3A {strides = array<i32>} : memref<16x32xi32, #tpu.memory_space<vmem>>, vector<16xi32>,
      %add3A_138 = arith.constant 16 : i32
      %add3A_139 = vector.broadcast %add3A_138 : i32 to vector<16xi32>
      %add3A_140 = arith.addi %iota3A, %add3A_139 : vector<16xi32>
      %get3A_141 = arith.index_cast %scan3A_110 : i32 to index
      %get3A_142 = arith.constant 16 : index
      %get3A_143 = tpu.vector_load %arg10[%get3A_141, %get3A_142] {strides = array<i32>} : memref<16x32xi32, #tpu.memory_space<vmem>>, vector<16xi32>,
      %lt3A_144 = vector.broadcast %min3A_119 : i32 to vector<16xi32>
      %lt3A_145 = arith.cmpi slt, %add3A_140, %lt3A_144 : vector<16xi32>
      %select_n3A_146 = arith.select %lt3A_145, %get3A_143, %add3A_129 : vector<16xi1>, vector<16xi32>
      %swap3A_147 = arith.index_cast %scan3A_110 : i32 to index
      %swap3A_148 = arith.constant 16 : index
      %swap3A_149 = tpu.vector_load %arg10[%swap3A_147, %swap3A_148] {strides = array<i32>} : memref<16x32xi32, #tpu.memory_space<vmem>>, vector<16xi32>,
      tpu.vector_store %arg10[%swap3A_147, %swap3A_148], %select_n3A_146 {strides = array<i32>} : memref<16x32xi32, #tpu.memory_space<vmem>>, vector<16xi32>,
      %scan3A_150 = arith.constant 0 : i32
      scf.yield %scan3A_150 : i32
    }
    %scan3A_73 = arith.constant 16 : i32
    "tpu.region"() ({
      %run_scoped3A = tpu.sem_alloc : memref<!tpu.dma_semaphore, #tpu.memory_space<semaphore_mem>>
      %dma_start3A = arith.constant 0 : i32
      %dma_start3A_110 = tpu.memref_slice %arg6[%add3A_66, %dma_start3A] : memref<2048x32xi32, #tpu.memory_space<hbm>> -> memref<16x32xi32, #tpu.memory_space<hbm>>
      %dma_start3A_111 = arith.constant 0 : i32
      %dma_start3A_112 = tpu.memref_slice %arg6[%add3A_66, %dma_start3A_111] : memref<2048x32xi32, #tpu.memory_space<hbm>> -> memref<16x32xi32, #tpu.memory_space<hbm>>
      tpu.enqueue_dma source(%arg10 : memref<16x32xi32, #tpu.memory_space<vmem>>) target(%dma_start3A_112 : memref<16x32xi32, #tpu.memory_space<hbm>>) target_semaphore(%run_scoped3A : memref<!tpu.dma_semaphore, #tpu.memory_space<semaphore_mem>>)
      %dma_wait3A = arith.constant 0 : i32
      %dma_wait3A_113 = tpu.memref_slice %arg6[%add3A_66, %dma_wait3A] : memref<2048x32xi32, #tpu.memory_space<hbm>> -> memref<16x32xi32, #tpu.memory_space<hbm>>
      %dma_wait3A_114 = arith.constant 0 : i32
      %dma_wait3A_115 = tpu.memref_slice %arg6[%add3A_66, %dma_wait3A_114] : memref<2048x32xi32, #tpu.memory_space<hbm>> -> memref<16x32xi32, #tpu.memory_space<hbm>>
      tpu.wait_dma2 semaphore(%run_scoped3A : memref<!tpu.dma_semaphore, #tpu.memory_space<semaphore_mem>>) src(%arg10 : memref<16x32xi32, #tpu.memory_space<vmem>>) dst(%dma_wait3A_115 : memref<16x32xi32, #tpu.memory_space<hbm>>)
      tpu.yield
    }) : () -> ()
    %add3A_74 = arith.constant 0 : i32
    %add3A_75 = arith.addi %mul3A_2, %add3A_74 : i32
    "tpu.region"() ({
      %run_scoped3A = tpu.sem_alloc : memref<!tpu.dma_semaphore, #tpu.memory_space<semaphore_mem>>
      %dma_start3A = arith.constant 0 : i32
      %dma_start3A_110 = tpu.memref_slice %arg4[%add3A_75, %dma_start3A] : memref<2048x128xi32, #tpu.memory_space<hbm>> -> memref<16x128xi32, #tpu.memory_space<hbm>>
      %dma_start3A_111 = arith.constant 0 : i32
      %dma_start3A_112 = tpu.memref_slice %arg4[%add3A_75, %dma_start3A_111] : memref<2048x128xi32, #tpu.memory_space<hbm>> -> memref<16x128xi32, #tpu.memory_space<hbm>>
      tpu.enqueue_dma source(%dma_start3A_112 : memref<16x128xi32, #tpu.memory_space<hbm>>) target(%arg8 : memref<16x128xi32, #tpu.memory_space<vmem>>) target_semaphore(%run_scoped3A : memref<!tpu.dma_semaphore, #tpu.memory_space<semaphore_mem>>)
      %dma_wait3A = arith.constant 0 : i32
      %dma_wait3A_113 = tpu.memref_slice %arg4[%add3A_75, %dma_wait3A] : memref<2048x128xi32, #tpu.memory_space<hbm>> -> memref<16x128xi32, #tpu.memory_space<hbm>>
      %dma_wait3A_114 = arith.constant 0 : i32
      %dma_wait3A_115 = tpu.memref_slice %arg4[%add3A_75, %dma_wait3A_114] : memref<2048x128xi32, #tpu.memory_space<hbm>> -> memref<16x128xi32, #tpu.memory_space<hbm>>
      tpu.wait_dma2 semaphore(%run_scoped3A : memref<!tpu.dma_semaphore, #tpu.memory_space<semaphore_mem>>) src(%dma_wait3A_115 : memref<16x128xi32, #tpu.memory_space<hbm>>) dst(%arg8 : memref<16x128xi32, #tpu.memory_space<vmem>>)
      tpu.yield
    }) : () -> ()
    %scan3A_76 = arith.constant 0 : i32
    %scan3A_77 = arith.constant 0 : i32
    %scan3A_78 = arith.constant 16 : i32
    %scan3A_79 = arith.addi %scan3A_77, %scan3A_78 : i32
    %scan3A_80 = arith.constant 1 : i32
    %scan3A_81 = scf.for %scan3A_110 = %scan3A_77 to %scan3A_79 step %scan3A_80 iter_args(%scan3A_111 = %scan3A_76) -> (i32)  : i32 {
      %iota3A = tpu.iota {dimensions = array<i32: 0>} : vector<16xi32>
      %broadcast_in_dim3A = vector.broadcast %scan3A_110 : i32 to vector<16xi32>
      %scan3A_112 = arith.constant 0 : i32
      %scan3A_113 = arith.constant 0 : i32
      %scan3A_114 = arith.constant 8 : i32
      %scan3A_115 = arith.addi %scan3A_113, %scan3A_114 : i32
      %scan3A_116 = arith.constant 1 : i32
      %scan3A_117 = scf.for %scan3A_175 = %scan3A_113 to %scan3A_115 step %scan3A_116 iter_args(%scan3A_176 = %scan3A_112) -> (i32)  : i32 {
        %lt3A_177 = arith.constant 64 : i32
        %lt3A_178 = arith.cmpi slt, %scan3A_176, %lt3A_177 : i32
        %convert_element_type3A_179 = arith.extui %lt3A_178 : i1 to i32
        %cond3A = arith.constant 0 : i32
        %cond3A_180 = arith.cmpi ne, %convert_element_type3A_179, %cond3A : i32
        %cond3A_181 = scf.if %cond3A_180 -> (i32) {
          %mul3A_182 = arith.constant 16 : i32
          %mul3A_183 = arith.muli %scan3A_175, %mul3A_182 : i32
          %get3A_184 = arith.index_cast %scan3A_110 : i32 to index
          %get3A_185 = arith.index_cast %mul3A_183 : i32 to index
          %get3A_186 = tpu.vector_load %arg8[%get3A_184, %get3A_185] {strides = array<i32>} : memref<16x128xi32, #tpu.memory_space<vmem>>, vector<16xi32>,
          %shift_right_logical3A = arith.constant 1 : i32
          %shift_right_logical3A_187 = vector.broadcast %shift_right_logical3A : i32 to vector<16xi32>
          %shift_right_logical3A_188 = arith.shrui %get3A_186, %shift_right_logical3A_187 : vector<16xi32>
          %and3A = arith.constant 1431655765 : i32
          %and3A_189 = vector.broadcast %and3A : i32 to vector<16xi32>
          %and3A_190 = arith.andi %shift_right_logical3A_188, %and3A_189 : vector<16xi32>
          %sub3A_191 = arith.subi %get3A_186, %and3A_190 : vector<16xi32>
          %and3A_192 = arith.constant 858993459 : i32
          %and3A_193 = vector.broadcast %and3A_192 : i32 to vector<16xi32>
          %and3A_194 = arith.andi %sub3A_191, %and3A_193 : vector<16xi32>
          %shift_right_logical3A_195 = arith.constant 2 : i32
          %shift_right_logical3A_196 = vector.broadcast %shift_right_logical3A_195 : i32 to vector<16xi32>
          %shift_right_logical3A_197 = arith.shrui %sub3A_191, %shift_right_logical3A_196 : vector<16xi32>
          %and3A_198 = arith.constant 858993459 : i32
          %and3A_199 = vector.broadcast %and3A_198 : i32 to vector<16xi32>
          %and3A_200 = arith.andi %shift_right_logical3A_197, %and3A_199 : vector<16xi32>
          %add3A_201 = arith.addi %and3A_194, %and3A_200 : vector<16xi32>
          %shift_right_logical3A_202 = arith.constant 4 : i32
          %shift_right_logical3A_203 = vector.broadcast %shift_right_logical3A_202 : i32 to vector<16xi32>
          %shift_right_logical3A_204 = arith.shrui %add3A_201, %shift_right_logical3A_203 : vector<16xi32>
          %add3A_205 = arith.addi %add3A_201, %shift_right_logical3A_204 : vector<16xi32>
          %and3A_206 = arith.constant 252645135 : i32
          %and3A_207 = vector.broadcast %and3A_206 : i32 to vector<16xi32>
          %and3A_208 = arith.andi %add3A_205, %and3A_207 : vector<16xi32>
          %mul3A_209 = arith.constant 16843009 : i32
          %mul3A_210 = vector.broadcast %mul3A_209 : i32 to vector<16xi32>
          %mul3A_211 = arith.muli %and3A_208, %mul3A_210 : vector<16xi32>
          %shift_right_logical3A_212 = arith.constant 24 : i32
          %shift_right_logical3A_213 = vector.broadcast %shift_right_logical3A_212 : i32 to vector<16xi32>
          %shift_right_logical3A_214 = arith.shrui %mul3A_211, %shift_right_logical3A_213 : vector<16xi32>
          %broadcast_in_dim3A_215 = arith.constant true
          %broadcast_in_dim3A_216 = vector.broadcast %broadcast_in_dim3A_215 : i1 to vector<16xi1>
          %masked_cumsum3A = tpu.scan <sum>, %shift_right_logical3A_214 masked %broadcast_in_dim3A_216 : vector<16xi32>, vector<16xi1> -> vector<16xi32>
          %add3A_217 = vector.broadcast %scan3A_176 : i32 to vector<16xi32>
          %add3A_218 = arith.addi %add3A_217, %masked_cumsum3A : vector<16xi32>
          %sub3A_219 = arith.subi %add3A_218, %shift_right_logical3A_214 : vector<16xi32>
          %reduce_max3A = arith.constant true
          %reduce_max3A_220 = vector.broadcast %reduce_max3A : i1 to vector<16xi1>
          %reduce_max3A_221 = arith.constant -2147483648 : i32
          %reduce_max3A_222 = vector.broadcast %reduce_max3A_221 : i32 to vector<16xi32>
          %reduce_max3A_223 = arith.xori %masked_cumsum3A, %reduce_max3A_222 : vector<16xi32>
          %reduce_max3A_224 = tpu.scan <max>, %reduce_max3A_223 masked %reduce_max3A_220 : vector<16xi32>, vector<16xi1> -> vector<16xi32>
          %reduce_max3A_225 = arith.xori %reduce_max3A_224, %reduce_max3A_222 : vector<16xi32>
          %reduce_max3A_226 = vector.extract %reduce_max3A_225[15] : i32 from vector<16xi32>
          %add3A_227 = arith.addi %scan3A_176, %reduce_max3A_226 : i32
          %lt3A_228 = arith.constant 64 : i32
          %lt3A_229 = vector.broadcast %lt3A_228 : i32 to vector<16xi32>
          %lt3A_230 = arith.cmpi slt, %sub3A_219, %lt3A_229 : vector<16xi32>
          %broadcast_in_dim3A_231 = arith.constant 0 : i32
          %broadcast_in_dim3A_232 = vector.broadcast %broadcast_in_dim3A_231 : i32 to vector<16xi32>
          %select_n3A_233 = arith.select %lt3A_230, %get3A_186, %broadcast_in_dim3A_232 : vector<16xi1>, vector<16xi32>
          %while3A:2 = scf.while (%while3A_234 = %select_n3A_233, %while3A_235 = %sub3A_219) : (vector<16xi32>, vector<16xi32>) -> (vector<16xi32>, vector<16xi32>) {
            %ne3A = arith.constant 0 : i32
            %ne3A_236 = vector.broadcast %ne3A : i32 to vector<16xi32>
            %ne3A_237 = arith.cmpi ne, %while3A_234, %ne3A_236 : vector<16xi32>
            %reduce_or3A = arith.constant 1.000000e+00 : f32
            %reduce_or3A_238 = arith.constant 0.000000e+00 : f32
            %reduce_or3A_239 = vector.broadcast %reduce_or3A : f32 to vector<16xf32>
            %reduce_or3A_240 = vector.broadcast %reduce_or3A_238 : f32 to vector<16xf32>
            %reduce_or3A_241 = arith.select %ne3A_237, %reduce_or3A_239, %reduce_or3A_240 : vector<16xi1>, vector<16xf32>
            %reduce_or3A_242 = arith.constant true
            %reduce_or3A_243 = vector.broadcast %reduce_or3A_242 : i1 to vector<16xi1>
            %reduce_or3A_244 = tpu.scan <max>, %reduce_or3A_241 masked %reduce_or3A_243 : vector<16xf32>, vector<16xi1> -> vector<16xf32>
            %reduce_or3A_245 = vector.extract %reduce_or3A_244[15] : f32 from vector<16xf32>
            %reduce_or3A_246 = arith.constant 0.000000e+00 : f32
            %reduce_or3A_247 = arith.cmpf ogt, %reduce_or3A_245, %reduce_or3A_246 : f32
            scf.condition(%reduce_or3A_247) %while3A_234, %while3A_235 : vector<16xi32>, vector<16xi32>
          } do {
          ^bb0(%while3A_234: vector<16xi32>, %while3A_235: vector<16xi32>):
            %ne3A = arith.constant 0 : i32
            %ne3A_236 = vector.broadcast %ne3A : i32 to vector<16xi32>
            %ne3A_237 = arith.cmpi ne, %while3A_234, %ne3A_236 : vector<16xi32>
            %neg3A = arith.constant 0 : i32
            %neg3A_238 = vector.broadcast %neg3A : i32 to vector<16xi32>
            %neg3A_239 = arith.subi %neg3A_238, %while3A_234 : vector<16xi32>
            %and3A_240 = arith.andi %while3A_234, %neg3A_239 : vector<16xi32>
            %convert_element_type3A_241 = arith.sitofp %and3A_240 : vector<16xi32> to vector<16xf32>
            %bitcast3A = vector.bitcast %convert_element_type3A_241 : vector<16xf32> to vector<16xi32>
            %and3A_242 = arith.constant 2147483647 : i32
            %and3A_243 = vector.broadcast %and3A_242 : i32 to vector<16xi32>
            %and3A_244 = arith.andi %bitcast3A, %and3A_243 : vector<16xi32>
            %shift_right_logical3A_245 = arith.constant 23 : i32
            %shift_right_logical3A_246 = vector.broadcast %shift_right_logical3A_245 : i32 to vector<16xi32>
            %shift_right_logical3A_247 = arith.shrui %and3A_244, %shift_right_logical3A_246 : vector<16xi32>
            %sub3A_248 = arith.constant 127 : i32
            %sub3A_249 = vector.broadcast %sub3A_248 : i32 to vector<16xi32>
            %sub3A_250 = arith.subi %shift_right_logical3A_247, %sub3A_249 : vector<16xi32>
            %mul3A_251 = arith.constant 16 : i32
            %mul3A_252 = arith.muli %scan3A_175, %mul3A_251 : i32
            %add3A_253 = vector.broadcast %mul3A_252 : i32 to vector<16xi32>
            %add3A_254 = arith.addi %add3A_253, %iota3A : vector<16xi32>
            %shift_left3A = arith.constant 5 : i32
            %shift_left3A_255 = vector.broadcast %shift_left3A : i32 to vector<16xi32>
            %shift_left3A_256 = arith.shli %add3A_254, %shift_left3A_255 : vector<16xi32>
            %add3A_257 = arith.addi %shift_left3A_256, %sub3A_250 : vector<16xi32>
            %min3A_258 = arith.constant 63 : i32
            %min3A_259 = vector.broadcast %min3A_258 : i32 to vector<16xi32>
            %min3A_260 = arith.minsi %while3A_235, %min3A_259 : vector<16xi32>
            tpu.vector_store_idx %arg11[%broadcast_in_dim3A, %min3A_260], %add3A_257 masked %ne3A_237 : memref<16x64xi32, #tpu.memory_space<vmem>>[vector<16xi32>, vector<16xi32>], vector<16xi32>, vector<16xi1>
            %convert_element_type3A_261 = arith.extui %ne3A_237 : vector<16xi1> to vector<16xi32>
            %add3A_262 = arith.addi %while3A_235, %convert_element_type3A_261 : vector<16xi32>
            %sub3A_263 = arith.constant 1 : i32
            %sub3A_264 = vector.broadcast %sub3A_263 : i32 to vector<16xi32>
            %sub3A_265 = arith.subi %while3A_234, %sub3A_264 : vector<16xi32>
            %and3A_266 = arith.andi %while3A_234, %sub3A_265 : vector<16xi32>
            %lt3A_267 = arith.constant 64 : i32
            %lt3A_268 = vector.broadcast %lt3A_267 : i32 to vector<16xi32>
            %lt3A_269 = arith.cmpi slt, %add3A_262, %lt3A_268 : vector<16xi32>
            %jit3A = arith.constant 0 : i32
            %broadcast_in_dim3A_270 = vector.broadcast %jit3A : i32 to vector<16xi32>
            %select_n3A_271 = arith.select %lt3A_269, %and3A_266, %broadcast_in_dim3A_270 : vector<16xi1>, vector<16xi32>
            scf.yield %select_n3A_271, %add3A_262 : vector<16xi32>, vector<16xi32>
          }
          scf.yield %add3A_227 : i32
        } else {
          scf.yield %scan3A_176 : i32
        }
        scf.yield %cond3A_181 : i32
      }
      %scan3A_118 = arith.constant 8 : i32
      %min3A = arith.constant 64 : i32
      %min3A_119 = arith.minsi %scan3A_117, %min3A : i32
      %broadcast_in_dim3A_120 = arith.constant 0 : i32
      %broadcast_in_dim3A_121 = vector.broadcast %broadcast_in_dim3A_120 : i32 to vector<16xi32>
      %gather3A = tpu.vector_load_idx %arg11[%broadcast_in_dim3A, %broadcast_in_dim3A_121] : memref<16x64xi32, #tpu.memory_space<vmem>>[vector<16xi32>, vector<16xi32>], vector<16xi32>,
      %gt3A = arith.constant 0 : i32
      %gt3A_122 = arith.cmpi sgt, %min3A_119, %gt3A : i32
      %convert_element_type3A = arith.extui %gt3A_122 : i1 to i32
      %mul3A_123 = vector.broadcast %convert_element_type3A : i32 to vector<16xi32>
      %mul3A_124 = arith.muli %gather3A, %mul3A_123 : vector<16xi32>
      %sub3A = arith.constant 1 : i32
      %sub3A_125 = arith.subi %sub3A, %convert_element_type3A : i32
      %mul3A_126 = arith.constant 4095 : i32
      %mul3A_127 = arith.muli %sub3A_125, %mul3A_126 : i32
      %add3A_128 = vector.broadcast %mul3A_127 : i32 to vector<16xi32>
      %add3A_129 = arith.addi %mul3A_124, %add3A_128 : vector<16xi32>
      %add3A_130 = arith.constant 0 : i32
      %add3A_131 = vector.broadcast %add3A_130 : i32 to vector<16xi32>
      %add3A_132 = arith.addi %iota3A, %add3A_131 : vector<16xi32>
      %get3A = arith.index_cast %scan3A_110 : i32 to index
      %get3A_133 = arith.constant 0 : index
      %get3A_134 = tpu.vector_load %arg11[%get3A, %get3A_133] {strides = array<i32>} : memref<16x64xi32, #tpu.memory_space<vmem>>, vector<16xi32>,
      %lt3A = vector.broadcast %min3A_119 : i32 to vector<16xi32>
      %lt3A_135 = arith.cmpi slt, %add3A_132, %lt3A : vector<16xi32>
      %select_n3A = arith.select %lt3A_135, %get3A_134, %add3A_129 : vector<16xi1>, vector<16xi32>
      %swap3A = arith.index_cast %scan3A_110 : i32 to index
      %swap3A_136 = arith.constant 0 : index
      %swap3A_137 = tpu.vector_load %arg11[%swap3A, %swap3A_136] {strides = array<i32>} : memref<16x64xi32, #tpu.memory_space<vmem>>, vector<16xi32>,
      tpu.vector_store %arg11[%swap3A, %swap3A_136], %select_n3A {strides = array<i32>} : memref<16x64xi32, #tpu.memory_space<vmem>>, vector<16xi32>,
      %add3A_138 = arith.constant 16 : i32
      %add3A_139 = vector.broadcast %add3A_138 : i32 to vector<16xi32>
      %add3A_140 = arith.addi %iota3A, %add3A_139 : vector<16xi32>
      %get3A_141 = arith.index_cast %scan3A_110 : i32 to index
      %get3A_142 = arith.constant 16 : index
      %get3A_143 = tpu.vector_load %arg11[%get3A_141, %get3A_142] {strides = array<i32>} : memref<16x64xi32, #tpu.memory_space<vmem>>, vector<16xi32>,
      %lt3A_144 = vector.broadcast %min3A_119 : i32 to vector<16xi32>
      %lt3A_145 = arith.cmpi slt, %add3A_140, %lt3A_144 : vector<16xi32>
      %select_n3A_146 = arith.select %lt3A_145, %get3A_143, %add3A_129 : vector<16xi1>, vector<16xi32>
      %swap3A_147 = arith.index_cast %scan3A_110 : i32 to index
      %swap3A_148 = arith.constant 16 : index
      %swap3A_149 = tpu.vector_load %arg11[%swap3A_147, %swap3A_148] {strides = array<i32>} : memref<16x64xi32, #tpu.memory_space<vmem>>, vector<16xi32>,
      tpu.vector_store %arg11[%swap3A_147, %swap3A_148], %select_n3A_146 {strides = array<i32>} : memref<16x64xi32, #tpu.memory_space<vmem>>, vector<16xi32>,
      %add3A_150 = arith.constant 32 : i32
      %add3A_151 = vector.broadcast %add3A_150 : i32 to vector<16xi32>
      %add3A_152 = arith.addi %iota3A, %add3A_151 : vector<16xi32>
      %get3A_153 = arith.index_cast %scan3A_110 : i32 to index
      %get3A_154 = arith.constant 32 : index
      %get3A_155 = tpu.vector_load %arg11[%get3A_153, %get3A_154] {strides = array<i32>} : memref<16x64xi32, #tpu.memory_space<vmem>>, vector<16xi32>,
      %lt3A_156 = vector.broadcast %min3A_119 : i32 to vector<16xi32>
      %lt3A_157 = arith.cmpi slt, %add3A_152, %lt3A_156 : vector<16xi32>
      %select_n3A_158 = arith.select %lt3A_157, %get3A_155, %add3A_129 : vector<16xi1>, vector<16xi32>
      %swap3A_159 = arith.index_cast %scan3A_110 : i32 to index
      %swap3A_160 = arith.constant 32 : index
      %swap3A_161 = tpu.vector_load %arg11[%swap3A_159, %swap3A_160] {strides = array<i32>} : memref<16x64xi32, #tpu.memory_space<vmem>>, vector<16xi32>,
      tpu.vector_store %arg11[%swap3A_159, %swap3A_160], %select_n3A_158 {strides = array<i32>} : memref<16x64xi32, #tpu.memory_space<vmem>>, vector<16xi32>,
      %add3A_162 = arith.constant 48 : i32
      %add3A_163 = vector.broadcast %add3A_162 : i32 to vector<16xi32>
      %add3A_164 = arith.addi %iota3A, %add3A_163 : vector<16xi32>
      %get3A_165 = arith.index_cast %scan3A_110 : i32 to index
      %get3A_166 = arith.constant 48 : index
      %get3A_167 = tpu.vector_load %arg11[%get3A_165, %get3A_166] {strides = array<i32>} : memref<16x64xi32, #tpu.memory_space<vmem>>, vector<16xi32>,
      %lt3A_168 = vector.broadcast %min3A_119 : i32 to vector<16xi32>
      %lt3A_169 = arith.cmpi slt, %add3A_164, %lt3A_168 : vector<16xi32>
      %select_n3A_170 = arith.select %lt3A_169, %get3A_167, %add3A_129 : vector<16xi1>, vector<16xi32>
      %swap3A_171 = arith.index_cast %scan3A_110 : i32 to index
      %swap3A_172 = arith.constant 48 : index
      %swap3A_173 = tpu.vector_load %arg11[%swap3A_171, %swap3A_172] {strides = array<i32>} : memref<16x64xi32, #tpu.memory_space<vmem>>, vector<16xi32>,
      tpu.vector_store %arg11[%swap3A_171, %swap3A_172], %select_n3A_170 {strides = array<i32>} : memref<16x64xi32, #tpu.memory_space<vmem>>, vector<16xi32>,
      %scan3A_174 = arith.constant 0 : i32
      scf.yield %scan3A_174 : i32
    }
    %scan3A_82 = arith.constant 16 : i32
    "tpu.region"() ({
      %run_scoped3A = tpu.sem_alloc : memref<!tpu.dma_semaphore, #tpu.memory_space<semaphore_mem>>
      %dma_start3A = arith.constant 0 : i32
      %dma_start3A_110 = tpu.memref_slice %arg7[%add3A_75, %dma_start3A] : memref<2048x64xi32, #tpu.memory_space<hbm>> -> memref<16x64xi32, #tpu.memory_space<hbm>>
      %dma_start3A_111 = arith.constant 0 : i32
      %dma_start3A_112 = tpu.memref_slice %arg7[%add3A_75, %dma_start3A_111] : memref<2048x64xi32, #tpu.memory_space<hbm>> -> memref<16x64xi32, #tpu.memory_space<hbm>>
      tpu.enqueue_dma source(%arg11 : memref<16x64xi32, #tpu.memory_space<vmem>>) target(%dma_start3A_112 : memref<16x64xi32, #tpu.memory_space<hbm>>) target_semaphore(%run_scoped3A : memref<!tpu.dma_semaphore, #tpu.memory_space<semaphore_mem>>)
      %dma_wait3A = arith.constant 0 : i32
      %dma_wait3A_113 = tpu.memref_slice %arg7[%add3A_75, %dma_wait3A] : memref<2048x64xi32, #tpu.memory_space<hbm>> -> memref<16x64xi32, #tpu.memory_space<hbm>>
      %dma_wait3A_114 = arith.constant 0 : i32
      %dma_wait3A_115 = tpu.memref_slice %arg7[%add3A_75, %dma_wait3A_114] : memref<2048x64xi32, #tpu.memory_space<hbm>> -> memref<16x64xi32, #tpu.memory_space<hbm>>
      tpu.wait_dma2 semaphore(%run_scoped3A : memref<!tpu.dma_semaphore, #tpu.memory_space<semaphore_mem>>) src(%arg11 : memref<16x64xi32, #tpu.memory_space<vmem>>) dst(%dma_wait3A_115 : memref<16x64xi32, #tpu.memory_space<hbm>>)
      tpu.yield
    }) : () -> ()
    %add3A_83 = arith.constant 16 : i32
    %add3A_84 = arith.addi %mul3A_2, %add3A_83 : i32
    "tpu.region"() ({
      %run_scoped3A = tpu.sem_alloc : memref<!tpu.dma_semaphore, #tpu.memory_space<semaphore_mem>>
      %dma_start3A = arith.constant 0 : i32
      %dma_start3A_110 = tpu.memref_slice %arg4[%add3A_84, %dma_start3A] : memref<2048x128xi32, #tpu.memory_space<hbm>> -> memref<16x128xi32, #tpu.memory_space<hbm>>
      %dma_start3A_111 = arith.constant 0 : i32
      %dma_start3A_112 = tpu.memref_slice %arg4[%add3A_84, %dma_start3A_111] : memref<2048x128xi32, #tpu.memory_space<hbm>> -> memref<16x128xi32, #tpu.memory_space<hbm>>
      tpu.enqueue_dma source(%dma_start3A_112 : memref<16x128xi32, #tpu.memory_space<hbm>>) target(%arg8 : memref<16x128xi32, #tpu.memory_space<vmem>>) target_semaphore(%run_scoped3A : memref<!tpu.dma_semaphore, #tpu.memory_space<semaphore_mem>>)
      %dma_wait3A = arith.constant 0 : i32
      %dma_wait3A_113 = tpu.memref_slice %arg4[%add3A_84, %dma_wait3A] : memref<2048x128xi32, #tpu.memory_space<hbm>> -> memref<16x128xi32, #tpu.memory_space<hbm>>
      %dma_wait3A_114 = arith.constant 0 : i32
      %dma_wait3A_115 = tpu.memref_slice %arg4[%add3A_84, %dma_wait3A_114] : memref<2048x128xi32, #tpu.memory_space<hbm>> -> memref<16x128xi32, #tpu.memory_space<hbm>>
      tpu.wait_dma2 semaphore(%run_scoped3A : memref<!tpu.dma_semaphore, #tpu.memory_space<semaphore_mem>>) src(%dma_wait3A_115 : memref<16x128xi32, #tpu.memory_space<hbm>>) dst(%arg8 : memref<16x128xi32, #tpu.memory_space<vmem>>)
      tpu.yield
    }) : () -> ()
    %scan3A_85 = arith.constant 0 : i32
    %scan3A_86 = arith.constant 0 : i32
    %scan3A_87 = arith.constant 16 : i32
    %scan3A_88 = arith.addi %scan3A_86, %scan3A_87 : i32
    %scan3A_89 = arith.constant 1 : i32
    %scan3A_90 = scf.for %scan3A_110 = %scan3A_86 to %scan3A_88 step %scan3A_89 iter_args(%scan3A_111 = %scan3A_85) -> (i32)  : i32 {
      %iota3A = tpu.iota {dimensions = array<i32: 0>} : vector<16xi32>
      %broadcast_in_dim3A = vector.broadcast %scan3A_110 : i32 to vector<16xi32>
      %scan3A_112 = arith.constant 0 : i32
      %scan3A_113 = arith.constant 0 : i32
      %scan3A_114 = arith.constant 8 : i32
      %scan3A_115 = arith.addi %scan3A_113, %scan3A_114 : i32
      %scan3A_116 = arith.constant 1 : i32
      %scan3A_117 = scf.for %scan3A_175 = %scan3A_113 to %scan3A_115 step %scan3A_116 iter_args(%scan3A_176 = %scan3A_112) -> (i32)  : i32 {
        %lt3A_177 = arith.constant 64 : i32
        %lt3A_178 = arith.cmpi slt, %scan3A_176, %lt3A_177 : i32
        %convert_element_type3A_179 = arith.extui %lt3A_178 : i1 to i32
        %cond3A = arith.constant 0 : i32
        %cond3A_180 = arith.cmpi ne, %convert_element_type3A_179, %cond3A : i32
        %cond3A_181 = scf.if %cond3A_180 -> (i32) {
          %mul3A_182 = arith.constant 16 : i32
          %mul3A_183 = arith.muli %scan3A_175, %mul3A_182 : i32
          %get3A_184 = arith.index_cast %scan3A_110 : i32 to index
          %get3A_185 = arith.index_cast %mul3A_183 : i32 to index
          %get3A_186 = tpu.vector_load %arg8[%get3A_184, %get3A_185] {strides = array<i32>} : memref<16x128xi32, #tpu.memory_space<vmem>>, vector<16xi32>,
          %shift_right_logical3A = arith.constant 1 : i32
          %shift_right_logical3A_187 = vector.broadcast %shift_right_logical3A : i32 to vector<16xi32>
          %shift_right_logical3A_188 = arith.shrui %get3A_186, %shift_right_logical3A_187 : vector<16xi32>
          %and3A = arith.constant 1431655765 : i32
          %and3A_189 = vector.broadcast %and3A : i32 to vector<16xi32>
          %and3A_190 = arith.andi %shift_right_logical3A_188, %and3A_189 : vector<16xi32>
          %sub3A_191 = arith.subi %get3A_186, %and3A_190 : vector<16xi32>
          %and3A_192 = arith.constant 858993459 : i32
          %and3A_193 = vector.broadcast %and3A_192 : i32 to vector<16xi32>
          %and3A_194 = arith.andi %sub3A_191, %and3A_193 : vector<16xi32>
          %shift_right_logical3A_195 = arith.constant 2 : i32
          %shift_right_logical3A_196 = vector.broadcast %shift_right_logical3A_195 : i32 to vector<16xi32>
          %shift_right_logical3A_197 = arith.shrui %sub3A_191, %shift_right_logical3A_196 : vector<16xi32>
          %and3A_198 = arith.constant 858993459 : i32
          %and3A_199 = vector.broadcast %and3A_198 : i32 to vector<16xi32>
          %and3A_200 = arith.andi %shift_right_logical3A_197, %and3A_199 : vector<16xi32>
          %add3A_201 = arith.addi %and3A_194, %and3A_200 : vector<16xi32>
          %shift_right_logical3A_202 = arith.constant 4 : i32
          %shift_right_logical3A_203 = vector.broadcast %shift_right_logical3A_202 : i32 to vector<16xi32>
          %shift_right_logical3A_204 = arith.shrui %add3A_201, %shift_right_logical3A_203 : vector<16xi32>
          %add3A_205 = arith.addi %add3A_201, %shift_right_logical3A_204 : vector<16xi32>
          %and3A_206 = arith.constant 252645135 : i32
          %and3A_207 = vector.broadcast %and3A_206 : i32 to vector<16xi32>
          %and3A_208 = arith.andi %add3A_205, %and3A_207 : vector<16xi32>
          %mul3A_209 = arith.constant 16843009 : i32
          %mul3A_210 = vector.broadcast %mul3A_209 : i32 to vector<16xi32>
          %mul3A_211 = arith.muli %and3A_208, %mul3A_210 : vector<16xi32>
          %shift_right_logical3A_212 = arith.constant 24 : i32
          %shift_right_logical3A_213 = vector.broadcast %shift_right_logical3A_212 : i32 to vector<16xi32>
          %shift_right_logical3A_214 = arith.shrui %mul3A_211, %shift_right_logical3A_213 : vector<16xi32>
          %broadcast_in_dim3A_215 = arith.constant true
          %broadcast_in_dim3A_216 = vector.broadcast %broadcast_in_dim3A_215 : i1 to vector<16xi1>
          %masked_cumsum3A = tpu.scan <sum>, %shift_right_logical3A_214 masked %broadcast_in_dim3A_216 : vector<16xi32>, vector<16xi1> -> vector<16xi32>
          %add3A_217 = vector.broadcast %scan3A_176 : i32 to vector<16xi32>
          %add3A_218 = arith.addi %add3A_217, %masked_cumsum3A : vector<16xi32>
          %sub3A_219 = arith.subi %add3A_218, %shift_right_logical3A_214 : vector<16xi32>
          %reduce_max3A = arith.constant true
          %reduce_max3A_220 = vector.broadcast %reduce_max3A : i1 to vector<16xi1>
          %reduce_max3A_221 = arith.constant -2147483648 : i32
          %reduce_max3A_222 = vector.broadcast %reduce_max3A_221 : i32 to vector<16xi32>
          %reduce_max3A_223 = arith.xori %masked_cumsum3A, %reduce_max3A_222 : vector<16xi32>
          %reduce_max3A_224 = tpu.scan <max>, %reduce_max3A_223 masked %reduce_max3A_220 : vector<16xi32>, vector<16xi1> -> vector<16xi32>
          %reduce_max3A_225 = arith.xori %reduce_max3A_224, %reduce_max3A_222 : vector<16xi32>
          %reduce_max3A_226 = vector.extract %reduce_max3A_225[15] : i32 from vector<16xi32>
          %add3A_227 = arith.addi %scan3A_176, %reduce_max3A_226 : i32
          %lt3A_228 = arith.constant 64 : i32
          %lt3A_229 = vector.broadcast %lt3A_228 : i32 to vector<16xi32>
          %lt3A_230 = arith.cmpi slt, %sub3A_219, %lt3A_229 : vector<16xi32>
          %broadcast_in_dim3A_231 = arith.constant 0 : i32
          %broadcast_in_dim3A_232 = vector.broadcast %broadcast_in_dim3A_231 : i32 to vector<16xi32>
          %select_n3A_233 = arith.select %lt3A_230, %get3A_186, %broadcast_in_dim3A_232 : vector<16xi1>, vector<16xi32>
          %while3A:2 = scf.while (%while3A_234 = %select_n3A_233, %while3A_235 = %sub3A_219) : (vector<16xi32>, vector<16xi32>) -> (vector<16xi32>, vector<16xi32>) {
            %ne3A = arith.constant 0 : i32
            %ne3A_236 = vector.broadcast %ne3A : i32 to vector<16xi32>
            %ne3A_237 = arith.cmpi ne, %while3A_234, %ne3A_236 : vector<16xi32>
            %reduce_or3A = arith.constant 1.000000e+00 : f32
            %reduce_or3A_238 = arith.constant 0.000000e+00 : f32
            %reduce_or3A_239 = vector.broadcast %reduce_or3A : f32 to vector<16xf32>
            %reduce_or3A_240 = vector.broadcast %reduce_or3A_238 : f32 to vector<16xf32>
            %reduce_or3A_241 = arith.select %ne3A_237, %reduce_or3A_239, %reduce_or3A_240 : vector<16xi1>, vector<16xf32>
            %reduce_or3A_242 = arith.constant true
            %reduce_or3A_243 = vector.broadcast %reduce_or3A_242 : i1 to vector<16xi1>
            %reduce_or3A_244 = tpu.scan <max>, %reduce_or3A_241 masked %reduce_or3A_243 : vector<16xf32>, vector<16xi1> -> vector<16xf32>
            %reduce_or3A_245 = vector.extract %reduce_or3A_244[15] : f32 from vector<16xf32>
            %reduce_or3A_246 = arith.constant 0.000000e+00 : f32
            %reduce_or3A_247 = arith.cmpf ogt, %reduce_or3A_245, %reduce_or3A_246 : f32
            scf.condition(%reduce_or3A_247) %while3A_234, %while3A_235 : vector<16xi32>, vector<16xi32>
          } do {
          ^bb0(%while3A_234: vector<16xi32>, %while3A_235: vector<16xi32>):
            %ne3A = arith.constant 0 : i32
            %ne3A_236 = vector.broadcast %ne3A : i32 to vector<16xi32>
            %ne3A_237 = arith.cmpi ne, %while3A_234, %ne3A_236 : vector<16xi32>
            %neg3A = arith.constant 0 : i32
            %neg3A_238 = vector.broadcast %neg3A : i32 to vector<16xi32>
            %neg3A_239 = arith.subi %neg3A_238, %while3A_234 : vector<16xi32>
            %and3A_240 = arith.andi %while3A_234, %neg3A_239 : vector<16xi32>
            %convert_element_type3A_241 = arith.sitofp %and3A_240 : vector<16xi32> to vector<16xf32>
            %bitcast3A = vector.bitcast %convert_element_type3A_241 : vector<16xf32> to vector<16xi32>
            %and3A_242 = arith.constant 2147483647 : i32
            %and3A_243 = vector.broadcast %and3A_242 : i32 to vector<16xi32>
            %and3A_244 = arith.andi %bitcast3A, %and3A_243 : vector<16xi32>
            %shift_right_logical3A_245 = arith.constant 23 : i32
            %shift_right_logical3A_246 = vector.broadcast %shift_right_logical3A_245 : i32 to vector<16xi32>
            %shift_right_logical3A_247 = arith.shrui %and3A_244, %shift_right_logical3A_246 : vector<16xi32>
            %sub3A_248 = arith.constant 127 : i32
            %sub3A_249 = vector.broadcast %sub3A_248 : i32 to vector<16xi32>
            %sub3A_250 = arith.subi %shift_right_logical3A_247, %sub3A_249 : vector<16xi32>
            %mul3A_251 = arith.constant 16 : i32
            %mul3A_252 = arith.muli %scan3A_175, %mul3A_251 : i32
            %add3A_253 = vector.broadcast %mul3A_252 : i32 to vector<16xi32>
            %add3A_254 = arith.addi %add3A_253, %iota3A : vector<16xi32>
            %shift_left3A = arith.constant 5 : i32
            %shift_left3A_255 = vector.broadcast %shift_left3A : i32 to vector<16xi32>
            %shift_left3A_256 = arith.shli %add3A_254, %shift_left3A_255 : vector<16xi32>
            %add3A_257 = arith.addi %shift_left3A_256, %sub3A_250 : vector<16xi32>
            %min3A_258 = arith.constant 63 : i32
            %min3A_259 = vector.broadcast %min3A_258 : i32 to vector<16xi32>
            %min3A_260 = arith.minsi %while3A_235, %min3A_259 : vector<16xi32>
            tpu.vector_store_idx %arg11[%broadcast_in_dim3A, %min3A_260], %add3A_257 masked %ne3A_237 : memref<16x64xi32, #tpu.memory_space<vmem>>[vector<16xi32>, vector<16xi32>], vector<16xi32>, vector<16xi1>
            %convert_element_type3A_261 = arith.extui %ne3A_237 : vector<16xi1> to vector<16xi32>
            %add3A_262 = arith.addi %while3A_235, %convert_element_type3A_261 : vector<16xi32>
            %sub3A_263 = arith.constant 1 : i32
            %sub3A_264 = vector.broadcast %sub3A_263 : i32 to vector<16xi32>
            %sub3A_265 = arith.subi %while3A_234, %sub3A_264 : vector<16xi32>
            %and3A_266 = arith.andi %while3A_234, %sub3A_265 : vector<16xi32>
            %lt3A_267 = arith.constant 64 : i32
            %lt3A_268 = vector.broadcast %lt3A_267 : i32 to vector<16xi32>
            %lt3A_269 = arith.cmpi slt, %add3A_262, %lt3A_268 : vector<16xi32>
            %jit3A = arith.constant 0 : i32
            %broadcast_in_dim3A_270 = vector.broadcast %jit3A : i32 to vector<16xi32>
            %select_n3A_271 = arith.select %lt3A_269, %and3A_266, %broadcast_in_dim3A_270 : vector<16xi1>, vector<16xi32>
            scf.yield %select_n3A_271, %add3A_262 : vector<16xi32>, vector<16xi32>
          }
          scf.yield %add3A_227 : i32
        } else {
          scf.yield %scan3A_176 : i32
        }
        scf.yield %cond3A_181 : i32
      }
      %scan3A_118 = arith.constant 8 : i32
      %min3A = arith.constant 64 : i32
      %min3A_119 = arith.minsi %scan3A_117, %min3A : i32
      %broadcast_in_dim3A_120 = arith.constant 0 : i32
      %broadcast_in_dim3A_121 = vector.broadcast %broadcast_in_dim3A_120 : i32 to vector<16xi32>
      %gather3A = tpu.vector_load_idx %arg11[%broadcast_in_dim3A, %broadcast_in_dim3A_121] : memref<16x64xi32, #tpu.memory_space<vmem>>[vector<16xi32>, vector<16xi32>], vector<16xi32>,
      %gt3A = arith.constant 0 : i32
      %gt3A_122 = arith.cmpi sgt, %min3A_119, %gt3A : i32
      %convert_element_type3A = arith.extui %gt3A_122 : i1 to i32
      %mul3A_123 = vector.broadcast %convert_element_type3A : i32 to vector<16xi32>
      %mul3A_124 = arith.muli %gather3A, %mul3A_123 : vector<16xi32>
      %sub3A = arith.constant 1 : i32
      %sub3A_125 = arith.subi %sub3A, %convert_element_type3A : i32
      %mul3A_126 = arith.constant 4095 : i32
      %mul3A_127 = arith.muli %sub3A_125, %mul3A_126 : i32
      %add3A_128 = vector.broadcast %mul3A_127 : i32 to vector<16xi32>
      %add3A_129 = arith.addi %mul3A_124, %add3A_128 : vector<16xi32>
      %add3A_130 = arith.constant 0 : i32
      %add3A_131 = vector.broadcast %add3A_130 : i32 to vector<16xi32>
      %add3A_132 = arith.addi %iota3A, %add3A_131 : vector<16xi32>
      %get3A = arith.index_cast %scan3A_110 : i32 to index
      %get3A_133 = arith.constant 0 : index
      %get3A_134 = tpu.vector_load %arg11[%get3A, %get3A_133] {strides = array<i32>} : memref<16x64xi32, #tpu.memory_space<vmem>>, vector<16xi32>,
      %lt3A = vector.broadcast %min3A_119 : i32 to vector<16xi32>
      %lt3A_135 = arith.cmpi slt, %add3A_132, %lt3A : vector<16xi32>
      %select_n3A = arith.select %lt3A_135, %get3A_134, %add3A_129 : vector<16xi1>, vector<16xi32>
      %swap3A = arith.index_cast %scan3A_110 : i32 to index
      %swap3A_136 = arith.constant 0 : index
      %swap3A_137 = tpu.vector_load %arg11[%swap3A, %swap3A_136] {strides = array<i32>} : memref<16x64xi32, #tpu.memory_space<vmem>>, vector<16xi32>,
      tpu.vector_store %arg11[%swap3A, %swap3A_136], %select_n3A {strides = array<i32>} : memref<16x64xi32, #tpu.memory_space<vmem>>, vector<16xi32>,
      %add3A_138 = arith.constant 16 : i32
      %add3A_139 = vector.broadcast %add3A_138 : i32 to vector<16xi32>
      %add3A_140 = arith.addi %iota3A, %add3A_139 : vector<16xi32>
      %get3A_141 = arith.index_cast %scan3A_110 : i32 to index
      %get3A_142 = arith.constant 16 : index
      %get3A_143 = tpu.vector_load %arg11[%get3A_141, %get3A_142] {strides = array<i32>} : memref<16x64xi32, #tpu.memory_space<vmem>>, vector<16xi32>,
      %lt3A_144 = vector.broadcast %min3A_119 : i32 to vector<16xi32>
      %lt3A_145 = arith.cmpi slt, %add3A_140, %lt3A_144 : vector<16xi32>
      %select_n3A_146 = arith.select %lt3A_145, %get3A_143, %add3A_129 : vector<16xi1>, vector<16xi32>
      %swap3A_147 = arith.index_cast %scan3A_110 : i32 to index
      %swap3A_148 = arith.constant 16 : index
      %swap3A_149 = tpu.vector_load %arg11[%swap3A_147, %swap3A_148] {strides = array<i32>} : memref<16x64xi32, #tpu.memory_space<vmem>>, vector<16xi32>,
      tpu.vector_store %arg11[%swap3A_147, %swap3A_148], %select_n3A_146 {strides = array<i32>} : memref<16x64xi32, #tpu.memory_space<vmem>>, vector<16xi32>,
      %add3A_150 = arith.constant 32 : i32
      %add3A_151 = vector.broadcast %add3A_150 : i32 to vector<16xi32>
      %add3A_152 = arith.addi %iota3A, %add3A_151 : vector<16xi32>
      %get3A_153 = arith.index_cast %scan3A_110 : i32 to index
      %get3A_154 = arith.constant 32 : index
      %get3A_155 = tpu.vector_load %arg11[%get3A_153, %get3A_154] {strides = array<i32>} : memref<16x64xi32, #tpu.memory_space<vmem>>, vector<16xi32>,
      %lt3A_156 = vector.broadcast %min3A_119 : i32 to vector<16xi32>
      %lt3A_157 = arith.cmpi slt, %add3A_152, %lt3A_156 : vector<16xi32>
      %select_n3A_158 = arith.select %lt3A_157, %get3A_155, %add3A_129 : vector<16xi1>, vector<16xi32>
      %swap3A_159 = arith.index_cast %scan3A_110 : i32 to index
      %swap3A_160 = arith.constant 32 : index
      %swap3A_161 = tpu.vector_load %arg11[%swap3A_159, %swap3A_160] {strides = array<i32>} : memref<16x64xi32, #tpu.memory_space<vmem>>, vector<16xi32>,
      tpu.vector_store %arg11[%swap3A_159, %swap3A_160], %select_n3A_158 {strides = array<i32>} : memref<16x64xi32, #tpu.memory_space<vmem>>, vector<16xi32>,
      %add3A_162 = arith.constant 48 : i32
      %add3A_163 = vector.broadcast %add3A_162 : i32 to vector<16xi32>
      %add3A_164 = arith.addi %iota3A, %add3A_163 : vector<16xi32>
      %get3A_165 = arith.index_cast %scan3A_110 : i32 to index
      %get3A_166 = arith.constant 48 : index
      %get3A_167 = tpu.vector_load %arg11[%get3A_165, %get3A_166] {strides = array<i32>} : memref<16x64xi32, #tpu.memory_space<vmem>>, vector<16xi32>,
      %lt3A_168 = vector.broadcast %min3A_119 : i32 to vector<16xi32>
      %lt3A_169 = arith.cmpi slt, %add3A_164, %lt3A_168 : vector<16xi32>
      %select_n3A_170 = arith.select %lt3A_169, %get3A_167, %add3A_129 : vector<16xi1>, vector<16xi32>
      %swap3A_171 = arith.index_cast %scan3A_110 : i32 to index
      %swap3A_172 = arith.constant 48 : index
      %swap3A_173 = tpu.vector_load %arg11[%swap3A_171, %swap3A_172] {strides = array<i32>} : memref<16x64xi32, #tpu.memory_space<vmem>>, vector<16xi32>,
      tpu.vector_store %arg11[%swap3A_171, %swap3A_172], %select_n3A_170 {strides = array<i32>} : memref<16x64xi32, #tpu.memory_space<vmem>>, vector<16xi32>,
      %scan3A_174 = arith.constant 0 : i32
      scf.yield %scan3A_174 : i32
    }
    %scan3A_91 = arith.constant 16 : i32
    "tpu.region"() ({
      %run_scoped3A = tpu.sem_alloc : memref<!tpu.dma_semaphore, #tpu.memory_space<semaphore_mem>>
      %dma_start3A = arith.constant 0 : i32
      %dma_start3A_110 = tpu.memref_slice %arg7[%add3A_84, %dma_start3A] : memref<2048x64xi32, #tpu.memory_space<hbm>> -> memref<16x64xi32, #tpu.memory_space<hbm>>
      %dma_start3A_111 = arith.constant 0 : i32
      %dma_start3A_112 = tpu.memref_slice %arg7[%add3A_84, %dma_start3A_111] : memref<2048x64xi32, #tpu.memory_space<hbm>> -> memref<16x64xi32, #tpu.memory_space<hbm>>
      tpu.enqueue_dma source(%arg11 : memref<16x64xi32, #tpu.memory_space<vmem>>) target(%dma_start3A_112 : memref<16x64xi32, #tpu.memory_space<hbm>>) target_semaphore(%run_scoped3A : memref<!tpu.dma_semaphore, #tpu.memory_space<semaphore_mem>>)
      %dma_wait3A = arith.constant 0 : i32
      %dma_wait3A_113 = tpu.memref_slice %arg7[%add3A_84, %dma_wait3A] : memref<2048x64xi32, #tpu.memory_space<hbm>> -> memref<16x64xi32, #tpu.memory_space<hbm>>
      %dma_wait3A_114 = arith.constant 0 : i32
      %dma_wait3A_115 = tpu.memref_slice %arg7[%add3A_84, %dma_wait3A_114] : memref<2048x64xi32, #tpu.memory_space<hbm>> -> memref<16x64xi32, #tpu.memory_space<hbm>>
      tpu.wait_dma2 semaphore(%run_scoped3A : memref<!tpu.dma_semaphore, #tpu.memory_space<semaphore_mem>>) src(%arg11 : memref<16x64xi32, #tpu.memory_space<vmem>>) dst(%dma_wait3A_115 : memref<16x64xi32, #tpu.memory_space<hbm>>)
      tpu.yield
    }) : () -> ()
    %add3A_92 = arith.constant 32 : i32
    %add3A_93 = arith.addi %mul3A_2, %add3A_92 : i32
    "tpu.region"() ({
      %run_scoped3A = tpu.sem_alloc : memref<!tpu.dma_semaphore, #tpu.memory_space<semaphore_mem>>
      %dma_start3A = arith.constant 0 : i32
      %dma_start3A_110 = tpu.memref_slice %arg4[%add3A_93, %dma_start3A] : memref<2048x128xi32, #tpu.memory_space<hbm>> -> memref<16x128xi32, #tpu.memory_space<hbm>>
      %dma_start3A_111 = arith.constant 0 : i32
      %dma_start3A_112 = tpu.memref_slice %arg4[%add3A_93, %dma_start3A_111] : memref<2048x128xi32, #tpu.memory_space<hbm>> -> memref<16x128xi32, #tpu.memory_space<hbm>>
      tpu.enqueue_dma source(%dma_start3A_112 : memref<16x128xi32, #tpu.memory_space<hbm>>) target(%arg8 : memref<16x128xi32, #tpu.memory_space<vmem>>) target_semaphore(%run_scoped3A : memref<!tpu.dma_semaphore, #tpu.memory_space<semaphore_mem>>)
      %dma_wait3A = arith.constant 0 : i32
      %dma_wait3A_113 = tpu.memref_slice %arg4[%add3A_93, %dma_wait3A] : memref<2048x128xi32, #tpu.memory_space<hbm>> -> memref<16x128xi32, #tpu.memory_space<hbm>>
      %dma_wait3A_114 = arith.constant 0 : i32
      %dma_wait3A_115 = tpu.memref_slice %arg4[%add3A_93, %dma_wait3A_114] : memref<2048x128xi32, #tpu.memory_space<hbm>> -> memref<16x128xi32, #tpu.memory_space<hbm>>
      tpu.wait_dma2 semaphore(%run_scoped3A : memref<!tpu.dma_semaphore, #tpu.memory_space<semaphore_mem>>) src(%dma_wait3A_115 : memref<16x128xi32, #tpu.memory_space<hbm>>) dst(%arg8 : memref<16x128xi32, #tpu.memory_space<vmem>>)
      tpu.yield
    }) : () -> ()
    %scan3A_94 = arith.constant 0 : i32
    %scan3A_95 = arith.constant 0 : i32
    %scan3A_96 = arith.constant 16 : i32
    %scan3A_97 = arith.addi %scan3A_95, %scan3A_96 : i32
    %scan3A_98 = arith.constant 1 : i32
    %scan3A_99 = scf.for %scan3A_110 = %scan3A_95 to %scan3A_97 step %scan3A_98 iter_args(%scan3A_111 = %scan3A_94) -> (i32)  : i32 {
      %iota3A = tpu.iota {dimensions = array<i32: 0>} : vector<16xi32>
      %broadcast_in_dim3A = vector.broadcast %scan3A_110 : i32 to vector<16xi32>
      %scan3A_112 = arith.constant 0 : i32
      %scan3A_113 = arith.constant 0 : i32
      %scan3A_114 = arith.constant 8 : i32
      %scan3A_115 = arith.addi %scan3A_113, %scan3A_114 : i32
      %scan3A_116 = arith.constant 1 : i32
      %scan3A_117 = scf.for %scan3A_175 = %scan3A_113 to %scan3A_115 step %scan3A_116 iter_args(%scan3A_176 = %scan3A_112) -> (i32)  : i32 {
        %lt3A_177 = arith.constant 64 : i32
        %lt3A_178 = arith.cmpi slt, %scan3A_176, %lt3A_177 : i32
        %convert_element_type3A_179 = arith.extui %lt3A_178 : i1 to i32
        %cond3A = arith.constant 0 : i32
        %cond3A_180 = arith.cmpi ne, %convert_element_type3A_179, %cond3A : i32
        %cond3A_181 = scf.if %cond3A_180 -> (i32) {
          %mul3A_182 = arith.constant 16 : i32
          %mul3A_183 = arith.muli %scan3A_175, %mul3A_182 : i32
          %get3A_184 = arith.index_cast %scan3A_110 : i32 to index
          %get3A_185 = arith.index_cast %mul3A_183 : i32 to index
          %get3A_186 = tpu.vector_load %arg8[%get3A_184, %get3A_185] {strides = array<i32>} : memref<16x128xi32, #tpu.memory_space<vmem>>, vector<16xi32>,
          %shift_right_logical3A = arith.constant 1 : i32
          %shift_right_logical3A_187 = vector.broadcast %shift_right_logical3A : i32 to vector<16xi32>
          %shift_right_logical3A_188 = arith.shrui %get3A_186, %shift_right_logical3A_187 : vector<16xi32>
          %and3A = arith.constant 1431655765 : i32
          %and3A_189 = vector.broadcast %and3A : i32 to vector<16xi32>
          %and3A_190 = arith.andi %shift_right_logical3A_188, %and3A_189 : vector<16xi32>
          %sub3A_191 = arith.subi %get3A_186, %and3A_190 : vector<16xi32>
          %and3A_192 = arith.constant 858993459 : i32
          %and3A_193 = vector.broadcast %and3A_192 : i32 to vector<16xi32>
          %and3A_194 = arith.andi %sub3A_191, %and3A_193 : vector<16xi32>
          %shift_right_logical3A_195 = arith.constant 2 : i32
          %shift_right_logical3A_196 = vector.broadcast %shift_right_logical3A_195 : i32 to vector<16xi32>
          %shift_right_logical3A_197 = arith.shrui %sub3A_191, %shift_right_logical3A_196 : vector<16xi32>
          %and3A_198 = arith.constant 858993459 : i32
          %and3A_199 = vector.broadcast %and3A_198 : i32 to vector<16xi32>
          %and3A_200 = arith.andi %shift_right_logical3A_197, %and3A_199 : vector<16xi32>
          %add3A_201 = arith.addi %and3A_194, %and3A_200 : vector<16xi32>
          %shift_right_logical3A_202 = arith.constant 4 : i32
          %shift_right_logical3A_203 = vector.broadcast %shift_right_logical3A_202 : i32 to vector<16xi32>
          %shift_right_logical3A_204 = arith.shrui %add3A_201, %shift_right_logical3A_203 : vector<16xi32>
          %add3A_205 = arith.addi %add3A_201, %shift_right_logical3A_204 : vector<16xi32>
          %and3A_206 = arith.constant 252645135 : i32
          %and3A_207 = vector.broadcast %and3A_206 : i32 to vector<16xi32>
          %and3A_208 = arith.andi %add3A_205, %and3A_207 : vector<16xi32>
          %mul3A_209 = arith.constant 16843009 : i32
          %mul3A_210 = vector.broadcast %mul3A_209 : i32 to vector<16xi32>
          %mul3A_211 = arith.muli %and3A_208, %mul3A_210 : vector<16xi32>
          %shift_right_logical3A_212 = arith.constant 24 : i32
          %shift_right_logical3A_213 = vector.broadcast %shift_right_logical3A_212 : i32 to vector<16xi32>
          %shift_right_logical3A_214 = arith.shrui %mul3A_211, %shift_right_logical3A_213 : vector<16xi32>
          %broadcast_in_dim3A_215 = arith.constant true
          %broadcast_in_dim3A_216 = vector.broadcast %broadcast_in_dim3A_215 : i1 to vector<16xi1>
          %masked_cumsum3A = tpu.scan <sum>, %shift_right_logical3A_214 masked %broadcast_in_dim3A_216 : vector<16xi32>, vector<16xi1> -> vector<16xi32>
          %add3A_217 = vector.broadcast %scan3A_176 : i32 to vector<16xi32>
          %add3A_218 = arith.addi %add3A_217, %masked_cumsum3A : vector<16xi32>
          %sub3A_219 = arith.subi %add3A_218, %shift_right_logical3A_214 : vector<16xi32>
          %reduce_max3A = arith.constant true
          %reduce_max3A_220 = vector.broadcast %reduce_max3A : i1 to vector<16xi1>
          %reduce_max3A_221 = arith.constant -2147483648 : i32
          %reduce_max3A_222 = vector.broadcast %reduce_max3A_221 : i32 to vector<16xi32>
          %reduce_max3A_223 = arith.xori %masked_cumsum3A, %reduce_max3A_222 : vector<16xi32>
          %reduce_max3A_224 = tpu.scan <max>, %reduce_max3A_223 masked %reduce_max3A_220 : vector<16xi32>, vector<16xi1> -> vector<16xi32>
          %reduce_max3A_225 = arith.xori %reduce_max3A_224, %reduce_max3A_222 : vector<16xi32>
          %reduce_max3A_226 = vector.extract %reduce_max3A_225[15] : i32 from vector<16xi32>
          %add3A_227 = arith.addi %scan3A_176, %reduce_max3A_226 : i32
          %lt3A_228 = arith.constant 64 : i32
          %lt3A_229 = vector.broadcast %lt3A_228 : i32 to vector<16xi32>
          %lt3A_230 = arith.cmpi slt, %sub3A_219, %lt3A_229 : vector<16xi32>
          %broadcast_in_dim3A_231 = arith.constant 0 : i32
          %broadcast_in_dim3A_232 = vector.broadcast %broadcast_in_dim3A_231 : i32 to vector<16xi32>
          %select_n3A_233 = arith.select %lt3A_230, %get3A_186, %broadcast_in_dim3A_232 : vector<16xi1>, vector<16xi32>
          %while3A:2 = scf.while (%while3A_234 = %select_n3A_233, %while3A_235 = %sub3A_219) : (vector<16xi32>, vector<16xi32>) -> (vector<16xi32>, vector<16xi32>) {
            %ne3A = arith.constant 0 : i32
            %ne3A_236 = vector.broadcast %ne3A : i32 to vector<16xi32>
            %ne3A_237 = arith.cmpi ne, %while3A_234, %ne3A_236 : vector<16xi32>
            %reduce_or3A = arith.constant 1.000000e+00 : f32
            %reduce_or3A_238 = arith.constant 0.000000e+00 : f32
            %reduce_or3A_239 = vector.broadcast %reduce_or3A : f32 to vector<16xf32>
            %reduce_or3A_240 = vector.broadcast %reduce_or3A_238 : f32 to vector<16xf32>
            %reduce_or3A_241 = arith.select %ne3A_237, %reduce_or3A_239, %reduce_or3A_240 : vector<16xi1>, vector<16xf32>
            %reduce_or3A_242 = arith.constant true
            %reduce_or3A_243 = vector.broadcast %reduce_or3A_242 : i1 to vector<16xi1>
            %reduce_or3A_244 = tpu.scan <max>, %reduce_or3A_241 masked %reduce_or3A_243 : vector<16xf32>, vector<16xi1> -> vector<16xf32>
            %reduce_or3A_245 = vector.extract %reduce_or3A_244[15] : f32 from vector<16xf32>
            %reduce_or3A_246 = arith.constant 0.000000e+00 : f32
            %reduce_or3A_247 = arith.cmpf ogt, %reduce_or3A_245, %reduce_or3A_246 : f32
            scf.condition(%reduce_or3A_247) %while3A_234, %while3A_235 : vector<16xi32>, vector<16xi32>
          } do {
          ^bb0(%while3A_234: vector<16xi32>, %while3A_235: vector<16xi32>):
            %ne3A = arith.constant 0 : i32
            %ne3A_236 = vector.broadcast %ne3A : i32 to vector<16xi32>
            %ne3A_237 = arith.cmpi ne, %while3A_234, %ne3A_236 : vector<16xi32>
            %neg3A = arith.constant 0 : i32
            %neg3A_238 = vector.broadcast %neg3A : i32 to vector<16xi32>
            %neg3A_239 = arith.subi %neg3A_238, %while3A_234 : vector<16xi32>
            %and3A_240 = arith.andi %while3A_234, %neg3A_239 : vector<16xi32>
            %convert_element_type3A_241 = arith.sitofp %and3A_240 : vector<16xi32> to vector<16xf32>
            %bitcast3A = vector.bitcast %convert_element_type3A_241 : vector<16xf32> to vector<16xi32>
            %and3A_242 = arith.constant 2147483647 : i32
            %and3A_243 = vector.broadcast %and3A_242 : i32 to vector<16xi32>
            %and3A_244 = arith.andi %bitcast3A, %and3A_243 : vector<16xi32>
            %shift_right_logical3A_245 = arith.constant 23 : i32
            %shift_right_logical3A_246 = vector.broadcast %shift_right_logical3A_245 : i32 to vector<16xi32>
            %shift_right_logical3A_247 = arith.shrui %and3A_244, %shift_right_logical3A_246 : vector<16xi32>
            %sub3A_248 = arith.constant 127 : i32
            %sub3A_249 = vector.broadcast %sub3A_248 : i32 to vector<16xi32>
            %sub3A_250 = arith.subi %shift_right_logical3A_247, %sub3A_249 : vector<16xi32>
            %mul3A_251 = arith.constant 16 : i32
            %mul3A_252 = arith.muli %scan3A_175, %mul3A_251 : i32
            %add3A_253 = vector.broadcast %mul3A_252 : i32 to vector<16xi32>
            %add3A_254 = arith.addi %add3A_253, %iota3A : vector<16xi32>
            %shift_left3A = arith.constant 5 : i32
            %shift_left3A_255 = vector.broadcast %shift_left3A : i32 to vector<16xi32>
            %shift_left3A_256 = arith.shli %add3A_254, %shift_left3A_255 : vector<16xi32>
            %add3A_257 = arith.addi %shift_left3A_256, %sub3A_250 : vector<16xi32>
            %min3A_258 = arith.constant 63 : i32
            %min3A_259 = vector.broadcast %min3A_258 : i32 to vector<16xi32>
            %min3A_260 = arith.minsi %while3A_235, %min3A_259 : vector<16xi32>
            tpu.vector_store_idx %arg11[%broadcast_in_dim3A, %min3A_260], %add3A_257 masked %ne3A_237 : memref<16x64xi32, #tpu.memory_space<vmem>>[vector<16xi32>, vector<16xi32>], vector<16xi32>, vector<16xi1>
            %convert_element_type3A_261 = arith.extui %ne3A_237 : vector<16xi1> to vector<16xi32>
            %add3A_262 = arith.addi %while3A_235, %convert_element_type3A_261 : vector<16xi32>
            %sub3A_263 = arith.constant 1 : i32
            %sub3A_264 = vector.broadcast %sub3A_263 : i32 to vector<16xi32>
            %sub3A_265 = arith.subi %while3A_234, %sub3A_264 : vector<16xi32>
            %and3A_266 = arith.andi %while3A_234, %sub3A_265 : vector<16xi32>
            %lt3A_267 = arith.constant 64 : i32
            %lt3A_268 = vector.broadcast %lt3A_267 : i32 to vector<16xi32>
            %lt3A_269 = arith.cmpi slt, %add3A_262, %lt3A_268 : vector<16xi32>
            %jit3A = arith.constant 0 : i32
            %broadcast_in_dim3A_270 = vector.broadcast %jit3A : i32 to vector<16xi32>
            %select_n3A_271 = arith.select %lt3A_269, %and3A_266, %broadcast_in_dim3A_270 : vector<16xi1>, vector<16xi32>
            scf.yield %select_n3A_271, %add3A_262 : vector<16xi32>, vector<16xi32>
          }
          scf.yield %add3A_227 : i32
        } else {
          scf.yield %scan3A_176 : i32
        }
        scf.yield %cond3A_181 : i32
      }
      %scan3A_118 = arith.constant 8 : i32
      %min3A = arith.constant 64 : i32
      %min3A_119 = arith.minsi %scan3A_117, %min3A : i32
      %broadcast_in_dim3A_120 = arith.constant 0 : i32
      %broadcast_in_dim3A_121 = vector.broadcast %broadcast_in_dim3A_120 : i32 to vector<16xi32>
      %gather3A = tpu.vector_load_idx %arg11[%broadcast_in_dim3A, %broadcast_in_dim3A_121] : memref<16x64xi32, #tpu.memory_space<vmem>>[vector<16xi32>, vector<16xi32>], vector<16xi32>,
      %gt3A = arith.constant 0 : i32
      %gt3A_122 = arith.cmpi sgt, %min3A_119, %gt3A : i32
      %convert_element_type3A = arith.extui %gt3A_122 : i1 to i32
      %mul3A_123 = vector.broadcast %convert_element_type3A : i32 to vector<16xi32>
      %mul3A_124 = arith.muli %gather3A, %mul3A_123 : vector<16xi32>
      %sub3A = arith.constant 1 : i32
      %sub3A_125 = arith.subi %sub3A, %convert_element_type3A : i32
      %mul3A_126 = arith.constant 4095 : i32
      %mul3A_127 = arith.muli %sub3A_125, %mul3A_126 : i32
      %add3A_128 = vector.broadcast %mul3A_127 : i32 to vector<16xi32>
      %add3A_129 = arith.addi %mul3A_124, %add3A_128 : vector<16xi32>
      %add3A_130 = arith.constant 0 : i32
      %add3A_131 = vector.broadcast %add3A_130 : i32 to vector<16xi32>
      %add3A_132 = arith.addi %iota3A, %add3A_131 : vector<16xi32>
      %get3A = arith.index_cast %scan3A_110 : i32 to index
      %get3A_133 = arith.constant 0 : index
      %get3A_134 = tpu.vector_load %arg11[%get3A, %get3A_133] {strides = array<i32>} : memref<16x64xi32, #tpu.memory_space<vmem>>, vector<16xi32>,
      %lt3A = vector.broadcast %min3A_119 : i32 to vector<16xi32>
      %lt3A_135 = arith.cmpi slt, %add3A_132, %lt3A : vector<16xi32>
      %select_n3A = arith.select %lt3A_135, %get3A_134, %add3A_129 : vector<16xi1>, vector<16xi32>
      %swap3A = arith.index_cast %scan3A_110 : i32 to index
      %swap3A_136 = arith.constant 0 : index
      %swap3A_137 = tpu.vector_load %arg11[%swap3A, %swap3A_136] {strides = array<i32>} : memref<16x64xi32, #tpu.memory_space<vmem>>, vector<16xi32>,
      tpu.vector_store %arg11[%swap3A, %swap3A_136], %select_n3A {strides = array<i32>} : memref<16x64xi32, #tpu.memory_space<vmem>>, vector<16xi32>,
      %add3A_138 = arith.constant 16 : i32
      %add3A_139 = vector.broadcast %add3A_138 : i32 to vector<16xi32>
      %add3A_140 = arith.addi %iota3A, %add3A_139 : vector<16xi32>
      %get3A_141 = arith.index_cast %scan3A_110 : i32 to index
      %get3A_142 = arith.constant 16 : index
      %get3A_143 = tpu.vector_load %arg11[%get3A_141, %get3A_142] {strides = array<i32>} : memref<16x64xi32, #tpu.memory_space<vmem>>, vector<16xi32>,
      %lt3A_144 = vector.broadcast %min3A_119 : i32 to vector<16xi32>
      %lt3A_145 = arith.cmpi slt, %add3A_140, %lt3A_144 : vector<16xi32>
      %select_n3A_146 = arith.select %lt3A_145, %get3A_143, %add3A_129 : vector<16xi1>, vector<16xi32>
      %swap3A_147 = arith.index_cast %scan3A_110 : i32 to index
      %swap3A_148 = arith.constant 16 : index
      %swap3A_149 = tpu.vector_load %arg11[%swap3A_147, %swap3A_148] {strides = array<i32>} : memref<16x64xi32, #tpu.memory_space<vmem>>, vector<16xi32>,
      tpu.vector_store %arg11[%swap3A_147, %swap3A_148], %select_n3A_146 {strides = array<i32>} : memref<16x64xi32, #tpu.memory_space<vmem>>, vector<16xi32>,
      %add3A_150 = arith.constant 32 : i32
      %add3A_151 = vector.broadcast %add3A_150 : i32 to vector<16xi32>
      %add3A_152 = arith.addi %iota3A, %add3A_151 : vector<16xi32>
      %get3A_153 = arith.index_cast %scan3A_110 : i32 to index
      %get3A_154 = arith.constant 32 : index
      %get3A_155 = tpu.vector_load %arg11[%get3A_153, %get3A_154] {strides = array<i32>} : memref<16x64xi32, #tpu.memory_space<vmem>>, vector<16xi32>,
      %lt3A_156 = vector.broadcast %min3A_119 : i32 to vector<16xi32>
      %lt3A_157 = arith.cmpi slt, %add3A_152, %lt3A_156 : vector<16xi32>
      %select_n3A_158 = arith.select %lt3A_157, %get3A_155, %add3A_129 : vector<16xi1>, vector<16xi32>
      %swap3A_159 = arith.index_cast %scan3A_110 : i32 to index
      %swap3A_160 = arith.constant 32 : index
      %swap3A_161 = tpu.vector_load %arg11[%swap3A_159, %swap3A_160] {strides = array<i32>} : memref<16x64xi32, #tpu.memory_space<vmem>>, vector<16xi32>,
      tpu.vector_store %arg11[%swap3A_159, %swap3A_160], %select_n3A_158 {strides = array<i32>} : memref<16x64xi32, #tpu.memory_space<vmem>>, vector<16xi32>,
      %add3A_162 = arith.constant 48 : i32
      %add3A_163 = vector.broadcast %add3A_162 : i32 to vector<16xi32>
      %add3A_164 = arith.addi %iota3A, %add3A_163 : vector<16xi32>
      %get3A_165 = arith.index_cast %scan3A_110 : i32 to index
      %get3A_166 = arith.constant 48 : index
      %get3A_167 = tpu.vector_load %arg11[%get3A_165, %get3A_166] {strides = array<i32>} : memref<16x64xi32, #tpu.memory_space<vmem>>, vector<16xi32>,
      %lt3A_168 = vector.broadcast %min3A_119 : i32 to vector<16xi32>
      %lt3A_169 = arith.cmpi slt, %add3A_164, %lt3A_168 : vector<16xi32>
      %select_n3A_170 = arith.select %lt3A_169, %get3A_167, %add3A_129 : vector<16xi1>, vector<16xi32>
      %swap3A_171 = arith.index_cast %scan3A_110 : i32 to index
      %swap3A_172 = arith.constant 48 : index
      %swap3A_173 = tpu.vector_load %arg11[%swap3A_171, %swap3A_172] {strides = array<i32>} : memref<16x64xi32, #tpu.memory_space<vmem>>, vector<16xi32>,
      tpu.vector_store %arg11[%swap3A_171, %swap3A_172], %select_n3A_170 {strides = array<i32>} : memref<16x64xi32, #tpu.memory_space<vmem>>, vector<16xi32>,
      %scan3A_174 = arith.constant 0 : i32
      scf.yield %scan3A_174 : i32
    }
    %scan3A_100 = arith.constant 16 : i32
    "tpu.region"() ({
      %run_scoped3A = tpu.sem_alloc : memref<!tpu.dma_semaphore, #tpu.memory_space<semaphore_mem>>
      %dma_start3A = arith.constant 0 : i32
      %dma_start3A_110 = tpu.memref_slice %arg7[%add3A_93, %dma_start3A] : memref<2048x64xi32, #tpu.memory_space<hbm>> -> memref<16x64xi32, #tpu.memory_space<hbm>>
      %dma_start3A_111 = arith.constant 0 : i32
      %dma_start3A_112 = tpu.memref_slice %arg7[%add3A_93, %dma_start3A_111] : memref<2048x64xi32, #tpu.memory_space<hbm>> -> memref<16x64xi32, #tpu.memory_space<hbm>>
      tpu.enqueue_dma source(%arg11 : memref<16x64xi32, #tpu.memory_space<vmem>>) target(%dma_start3A_112 : memref<16x64xi32, #tpu.memory_space<hbm>>) target_semaphore(%run_scoped3A : memref<!tpu.dma_semaphore, #tpu.memory_space<semaphore_mem>>)
      %dma_wait3A = arith.constant 0 : i32
      %dma_wait3A_113 = tpu.memref_slice %arg7[%add3A_93, %dma_wait3A] : memref<2048x64xi32, #tpu.memory_space<hbm>> -> memref<16x64xi32, #tpu.memory_space<hbm>>
      %dma_wait3A_114 = arith.constant 0 : i32
      %dma_wait3A_115 = tpu.memref_slice %arg7[%add3A_93, %dma_wait3A_114] : memref<2048x64xi32, #tpu.memory_space<hbm>> -> memref<16x64xi32, #tpu.memory_space<hbm>>
      tpu.wait_dma2 semaphore(%run_scoped3A : memref<!tpu.dma_semaphore, #tpu.memory_space<semaphore_mem>>) src(%arg11 : memref<16x64xi32, #tpu.memory_space<vmem>>) dst(%dma_wait3A_115 : memref<16x64xi32, #tpu.memory_space<hbm>>)
      tpu.yield
    }) : () -> ()
    %add3A_101 = arith.constant 48 : i32
    %add3A_102 = arith.addi %mul3A_2, %add3A_101 : i32
    "tpu.region"() ({
      %run_scoped3A = tpu.sem_alloc : memref<!tpu.dma_semaphore, #tpu.memory_space<semaphore_mem>>
      %dma_start3A = arith.constant 0 : i32
      %dma_start3A_110 = tpu.memref_slice %arg4[%add3A_102, %dma_start3A] : memref<2048x128xi32, #tpu.memory_space<hbm>> -> memref<16x128xi32, #tpu.memory_space<hbm>>
      %dma_start3A_111 = arith.constant 0 : i32
      %dma_start3A_112 = tpu.memref_slice %arg4[%add3A_102, %dma_start3A_111] : memref<2048x128xi32, #tpu.memory_space<hbm>> -> memref<16x128xi32, #tpu.memory_space<hbm>>
      tpu.enqueue_dma source(%dma_start3A_112 : memref<16x128xi32, #tpu.memory_space<hbm>>) target(%arg8 : memref<16x128xi32, #tpu.memory_space<vmem>>) target_semaphore(%run_scoped3A : memref<!tpu.dma_semaphore, #tpu.memory_space<semaphore_mem>>)
      %dma_wait3A = arith.constant 0 : i32
      %dma_wait3A_113 = tpu.memref_slice %arg4[%add3A_102, %dma_wait3A] : memref<2048x128xi32, #tpu.memory_space<hbm>> -> memref<16x128xi32, #tpu.memory_space<hbm>>
      %dma_wait3A_114 = arith.constant 0 : i32
      %dma_wait3A_115 = tpu.memref_slice %arg4[%add3A_102, %dma_wait3A_114] : memref<2048x128xi32, #tpu.memory_space<hbm>> -> memref<16x128xi32, #tpu.memory_space<hbm>>
      tpu.wait_dma2 semaphore(%run_scoped3A : memref<!tpu.dma_semaphore, #tpu.memory_space<semaphore_mem>>) src(%dma_wait3A_115 : memref<16x128xi32, #tpu.memory_space<hbm>>) dst(%arg8 : memref<16x128xi32, #tpu.memory_space<vmem>>)
      tpu.yield
    }) : () -> ()
    %scan3A_103 = arith.constant 0 : i32
    %scan3A_104 = arith.constant 0 : i32
    %scan3A_105 = arith.constant 16 : i32
    %scan3A_106 = arith.addi %scan3A_104, %scan3A_105 : i32
    %scan3A_107 = arith.constant 1 : i32
    %scan3A_108 = scf.for %scan3A_110 = %scan3A_104 to %scan3A_106 step %scan3A_107 iter_args(%scan3A_111 = %scan3A_103) -> (i32)  : i32 {
      %iota3A = tpu.iota {dimensions = array<i32: 0>} : vector<16xi32>
      %broadcast_in_dim3A = vector.broadcast %scan3A_110 : i32 to vector<16xi32>
      %scan3A_112 = arith.constant 0 : i32
      %scan3A_113 = arith.constant 0 : i32
      %scan3A_114 = arith.constant 8 : i32
      %scan3A_115 = arith.addi %scan3A_113, %scan3A_114 : i32
      %scan3A_116 = arith.constant 1 : i32
      %scan3A_117 = scf.for %scan3A_175 = %scan3A_113 to %scan3A_115 step %scan3A_116 iter_args(%scan3A_176 = %scan3A_112) -> (i32)  : i32 {
        %lt3A_177 = arith.constant 64 : i32
        %lt3A_178 = arith.cmpi slt, %scan3A_176, %lt3A_177 : i32
        %convert_element_type3A_179 = arith.extui %lt3A_178 : i1 to i32
        %cond3A = arith.constant 0 : i32
        %cond3A_180 = arith.cmpi ne, %convert_element_type3A_179, %cond3A : i32
        %cond3A_181 = scf.if %cond3A_180 -> (i32) {
          %mul3A_182 = arith.constant 16 : i32
          %mul3A_183 = arith.muli %scan3A_175, %mul3A_182 : i32
          %get3A_184 = arith.index_cast %scan3A_110 : i32 to index
          %get3A_185 = arith.index_cast %mul3A_183 : i32 to index
          %get3A_186 = tpu.vector_load %arg8[%get3A_184, %get3A_185] {strides = array<i32>} : memref<16x128xi32, #tpu.memory_space<vmem>>, vector<16xi32>,
          %shift_right_logical3A = arith.constant 1 : i32
          %shift_right_logical3A_187 = vector.broadcast %shift_right_logical3A : i32 to vector<16xi32>
          %shift_right_logical3A_188 = arith.shrui %get3A_186, %shift_right_logical3A_187 : vector<16xi32>
          %and3A = arith.constant 1431655765 : i32
          %and3A_189 = vector.broadcast %and3A : i32 to vector<16xi32>
          %and3A_190 = arith.andi %shift_right_logical3A_188, %and3A_189 : vector<16xi32>
          %sub3A_191 = arith.subi %get3A_186, %and3A_190 : vector<16xi32>
          %and3A_192 = arith.constant 858993459 : i32
          %and3A_193 = vector.broadcast %and3A_192 : i32 to vector<16xi32>
          %and3A_194 = arith.andi %sub3A_191, %and3A_193 : vector<16xi32>
          %shift_right_logical3A_195 = arith.constant 2 : i32
          %shift_right_logical3A_196 = vector.broadcast %shift_right_logical3A_195 : i32 to vector<16xi32>
          %shift_right_logical3A_197 = arith.shrui %sub3A_191, %shift_right_logical3A_196 : vector<16xi32>
          %and3A_198 = arith.constant 858993459 : i32
          %and3A_199 = vector.broadcast %and3A_198 : i32 to vector<16xi32>
          %and3A_200 = arith.andi %shift_right_logical3A_197, %and3A_199 : vector<16xi32>
          %add3A_201 = arith.addi %and3A_194, %and3A_200 : vector<16xi32>
          %shift_right_logical3A_202 = arith.constant 4 : i32
          %shift_right_logical3A_203 = vector.broadcast %shift_right_logical3A_202 : i32 to vector<16xi32>
          %shift_right_logical3A_204 = arith.shrui %add3A_201, %shift_right_logical3A_203 : vector<16xi32>
          %add3A_205 = arith.addi %add3A_201, %shift_right_logical3A_204 : vector<16xi32>
          %and3A_206 = arith.constant 252645135 : i32
          %and3A_207 = vector.broadcast %and3A_206 : i32 to vector<16xi32>
          %and3A_208 = arith.andi %add3A_205, %and3A_207 : vector<16xi32>
          %mul3A_209 = arith.constant 16843009 : i32
          %mul3A_210 = vector.broadcast %mul3A_209 : i32 to vector<16xi32>
          %mul3A_211 = arith.muli %and3A_208, %mul3A_210 : vector<16xi32>
          %shift_right_logical3A_212 = arith.constant 24 : i32
          %shift_right_logical3A_213 = vector.broadcast %shift_right_logical3A_212 : i32 to vector<16xi32>
          %shift_right_logical3A_214 = arith.shrui %mul3A_211, %shift_right_logical3A_213 : vector<16xi32>
          %broadcast_in_dim3A_215 = arith.constant true
          %broadcast_in_dim3A_216 = vector.broadcast %broadcast_in_dim3A_215 : i1 to vector<16xi1>
          %masked_cumsum3A = tpu.scan <sum>, %shift_right_logical3A_214 masked %broadcast_in_dim3A_216 : vector<16xi32>, vector<16xi1> -> vector<16xi32>
          %add3A_217 = vector.broadcast %scan3A_176 : i32 to vector<16xi32>
          %add3A_218 = arith.addi %add3A_217, %masked_cumsum3A : vector<16xi32>
          %sub3A_219 = arith.subi %add3A_218, %shift_right_logical3A_214 : vector<16xi32>
          %reduce_max3A = arith.constant true
          %reduce_max3A_220 = vector.broadcast %reduce_max3A : i1 to vector<16xi1>
          %reduce_max3A_221 = arith.constant -2147483648 : i32
          %reduce_max3A_222 = vector.broadcast %reduce_max3A_221 : i32 to vector<16xi32>
          %reduce_max3A_223 = arith.xori %masked_cumsum3A, %reduce_max3A_222 : vector<16xi32>
          %reduce_max3A_224 = tpu.scan <max>, %reduce_max3A_223 masked %reduce_max3A_220 : vector<16xi32>, vector<16xi1> -> vector<16xi32>
          %reduce_max3A_225 = arith.xori %reduce_max3A_224, %reduce_max3A_222 : vector<16xi32>
          %reduce_max3A_226 = vector.extract %reduce_max3A_225[15] : i32 from vector<16xi32>
          %add3A_227 = arith.addi %scan3A_176, %reduce_max3A_226 : i32
          %lt3A_228 = arith.constant 64 : i32
          %lt3A_229 = vector.broadcast %lt3A_228 : i32 to vector<16xi32>
          %lt3A_230 = arith.cmpi slt, %sub3A_219, %lt3A_229 : vector<16xi32>
          %broadcast_in_dim3A_231 = arith.constant 0 : i32
          %broadcast_in_dim3A_232 = vector.broadcast %broadcast_in_dim3A_231 : i32 to vector<16xi32>
          %select_n3A_233 = arith.select %lt3A_230, %get3A_186, %broadcast_in_dim3A_232 : vector<16xi1>, vector<16xi32>
          %while3A:2 = scf.while (%while3A_234 = %select_n3A_233, %while3A_235 = %sub3A_219) : (vector<16xi32>, vector<16xi32>) -> (vector<16xi32>, vector<16xi32>) {
            %ne3A = arith.constant 0 : i32
            %ne3A_236 = vector.broadcast %ne3A : i32 to vector<16xi32>
            %ne3A_237 = arith.cmpi ne, %while3A_234, %ne3A_236 : vector<16xi32>
            %reduce_or3A = arith.constant 1.000000e+00 : f32
            %reduce_or3A_238 = arith.constant 0.000000e+00 : f32
            %reduce_or3A_239 = vector.broadcast %reduce_or3A : f32 to vector<16xf32>
            %reduce_or3A_240 = vector.broadcast %reduce_or3A_238 : f32 to vector<16xf32>
            %reduce_or3A_241 = arith.select %ne3A_237, %reduce_or3A_239, %reduce_or3A_240 : vector<16xi1>, vector<16xf32>
            %reduce_or3A_242 = arith.constant true
            %reduce_or3A_243 = vector.broadcast %reduce_or3A_242 : i1 to vector<16xi1>
            %reduce_or3A_244 = tpu.scan <max>, %reduce_or3A_241 masked %reduce_or3A_243 : vector<16xf32>, vector<16xi1> -> vector<16xf32>
            %reduce_or3A_245 = vector.extract %reduce_or3A_244[15] : f32 from vector<16xf32>
            %reduce_or3A_246 = arith.constant 0.000000e+00 : f32
            %reduce_or3A_247 = arith.cmpf ogt, %reduce_or3A_245, %reduce_or3A_246 : f32
            scf.condition(%reduce_or3A_247) %while3A_234, %while3A_235 : vector<16xi32>, vector<16xi32>
          } do {
          ^bb0(%while3A_234: vector<16xi32>, %while3A_235: vector<16xi32>):
            %ne3A = arith.constant 0 : i32
            %ne3A_236 = vector.broadcast %ne3A : i32 to vector<16xi32>
            %ne3A_237 = arith.cmpi ne, %while3A_234, %ne3A_236 : vector<16xi32>
            %neg3A = arith.constant 0 : i32
            %neg3A_238 = vector.broadcast %neg3A : i32 to vector<16xi32>
            %neg3A_239 = arith.subi %neg3A_238, %while3A_234 : vector<16xi32>
            %and3A_240 = arith.andi %while3A_234, %neg3A_239 : vector<16xi32>
            %convert_element_type3A_241 = arith.sitofp %and3A_240 : vector<16xi32> to vector<16xf32>
            %bitcast3A = vector.bitcast %convert_element_type3A_241 : vector<16xf32> to vector<16xi32>
            %and3A_242 = arith.constant 2147483647 : i32
            %and3A_243 = vector.broadcast %and3A_242 : i32 to vector<16xi32>
            %and3A_244 = arith.andi %bitcast3A, %and3A_243 : vector<16xi32>
            %shift_right_logical3A_245 = arith.constant 23 : i32
            %shift_right_logical3A_246 = vector.broadcast %shift_right_logical3A_245 : i32 to vector<16xi32>
            %shift_right_logical3A_247 = arith.shrui %and3A_244, %shift_right_logical3A_246 : vector<16xi32>
            %sub3A_248 = arith.constant 127 : i32
            %sub3A_249 = vector.broadcast %sub3A_248 : i32 to vector<16xi32>
            %sub3A_250 = arith.subi %shift_right_logical3A_247, %sub3A_249 : vector<16xi32>
            %mul3A_251 = arith.constant 16 : i32
            %mul3A_252 = arith.muli %scan3A_175, %mul3A_251 : i32
            %add3A_253 = vector.broadcast %mul3A_252 : i32 to vector<16xi32>
            %add3A_254 = arith.addi %add3A_253, %iota3A : vector<16xi32>
            %shift_left3A = arith.constant 5 : i32
            %shift_left3A_255 = vector.broadcast %shift_left3A : i32 to vector<16xi32>
            %shift_left3A_256 = arith.shli %add3A_254, %shift_left3A_255 : vector<16xi32>
            %add3A_257 = arith.addi %shift_left3A_256, %sub3A_250 : vector<16xi32>
            %min3A_258 = arith.constant 63 : i32
            %min3A_259 = vector.broadcast %min3A_258 : i32 to vector<16xi32>
            %min3A_260 = arith.minsi %while3A_235, %min3A_259 : vector<16xi32>
            tpu.vector_store_idx %arg11[%broadcast_in_dim3A, %min3A_260], %add3A_257 masked %ne3A_237 : memref<16x64xi32, #tpu.memory_space<vmem>>[vector<16xi32>, vector<16xi32>], vector<16xi32>, vector<16xi1>
            %convert_element_type3A_261 = arith.extui %ne3A_237 : vector<16xi1> to vector<16xi32>
            %add3A_262 = arith.addi %while3A_235, %convert_element_type3A_261 : vector<16xi32>
            %sub3A_263 = arith.constant 1 : i32
            %sub3A_264 = vector.broadcast %sub3A_263 : i32 to vector<16xi32>
            %sub3A_265 = arith.subi %while3A_234, %sub3A_264 : vector<16xi32>
            %and3A_266 = arith.andi %while3A_234, %sub3A_265 : vector<16xi32>
            %lt3A_267 = arith.constant 64 : i32
            %lt3A_268 = vector.broadcast %lt3A_267 : i32 to vector<16xi32>
            %lt3A_269 = arith.cmpi slt, %add3A_262, %lt3A_268 : vector<16xi32>
            %jit3A = arith.constant 0 : i32
            %broadcast_in_dim3A_270 = vector.broadcast %jit3A : i32 to vector<16xi32>
            %select_n3A_271 = arith.select %lt3A_269, %and3A_266, %broadcast_in_dim3A_270 : vector<16xi1>, vector<16xi32>
            scf.yield %select_n3A_271, %add3A_262 : vector<16xi32>, vector<16xi32>
          }
          scf.yield %add3A_227 : i32
        } else {
          scf.yield %scan3A_176 : i32
        }
        scf.yield %cond3A_181 : i32
      }
      %scan3A_118 = arith.constant 8 : i32
      %min3A = arith.constant 64 : i32
      %min3A_119 = arith.minsi %scan3A_117, %min3A : i32
      %broadcast_in_dim3A_120 = arith.constant 0 : i32
      %broadcast_in_dim3A_121 = vector.broadcast %broadcast_in_dim3A_120 : i32 to vector<16xi32>
      %gather3A = tpu.vector_load_idx %arg11[%broadcast_in_dim3A, %broadcast_in_dim3A_121] : memref<16x64xi32, #tpu.memory_space<vmem>>[vector<16xi32>, vector<16xi32>], vector<16xi32>,
      %gt3A = arith.constant 0 : i32
      %gt3A_122 = arith.cmpi sgt, %min3A_119, %gt3A : i32
      %convert_element_type3A = arith.extui %gt3A_122 : i1 to i32
      %mul3A_123 = vector.broadcast %convert_element_type3A : i32 to vector<16xi32>
      %mul3A_124 = arith.muli %gather3A, %mul3A_123 : vector<16xi32>
      %sub3A = arith.constant 1 : i32
      %sub3A_125 = arith.subi %sub3A, %convert_element_type3A : i32
      %mul3A_126 = arith.constant 4095 : i32
      %mul3A_127 = arith.muli %sub3A_125, %mul3A_126 : i32
      %add3A_128 = vector.broadcast %mul3A_127 : i32 to vector<16xi32>
      %add3A_129 = arith.addi %mul3A_124, %add3A_128 : vector<16xi32>
      %add3A_130 = arith.constant 0 : i32
      %add3A_131 = vector.broadcast %add3A_130 : i32 to vector<16xi32>
      %add3A_132 = arith.addi %iota3A, %add3A_131 : vector<16xi32>
      %get3A = arith.index_cast %scan3A_110 : i32 to index
      %get3A_133 = arith.constant 0 : index
      %get3A_134 = tpu.vector_load %arg11[%get3A, %get3A_133] {strides = array<i32>} : memref<16x64xi32, #tpu.memory_space<vmem>>, vector<16xi32>,
      %lt3A = vector.broadcast %min3A_119 : i32 to vector<16xi32>
      %lt3A_135 = arith.cmpi slt, %add3A_132, %lt3A : vector<16xi32>
      %select_n3A = arith.select %lt3A_135, %get3A_134, %add3A_129 : vector<16xi1>, vector<16xi32>
      %swap3A = arith.index_cast %scan3A_110 : i32 to index
      %swap3A_136 = arith.constant 0 : index
      %swap3A_137 = tpu.vector_load %arg11[%swap3A, %swap3A_136] {strides = array<i32>} : memref<16x64xi32, #tpu.memory_space<vmem>>, vector<16xi32>,
      tpu.vector_store %arg11[%swap3A, %swap3A_136], %select_n3A {strides = array<i32>} : memref<16x64xi32, #tpu.memory_space<vmem>>, vector<16xi32>,
      %add3A_138 = arith.constant 16 : i32
      %add3A_139 = vector.broadcast %add3A_138 : i32 to vector<16xi32>
      %add3A_140 = arith.addi %iota3A, %add3A_139 : vector<16xi32>
      %get3A_141 = arith.index_cast %scan3A_110 : i32 to index
      %get3A_142 = arith.constant 16 : index
      %get3A_143 = tpu.vector_load %arg11[%get3A_141, %get3A_142] {strides = array<i32>} : memref<16x64xi32, #tpu.memory_space<vmem>>, vector<16xi32>,
      %lt3A_144 = vector.broadcast %min3A_119 : i32 to vector<16xi32>
      %lt3A_145 = arith.cmpi slt, %add3A_140, %lt3A_144 : vector<16xi32>
      %select_n3A_146 = arith.select %lt3A_145, %get3A_143, %add3A_129 : vector<16xi1>, vector<16xi32>
      %swap3A_147 = arith.index_cast %scan3A_110 : i32 to index
      %swap3A_148 = arith.constant 16 : index
      %swap3A_149 = tpu.vector_load %arg11[%swap3A_147, %swap3A_148] {strides = array<i32>} : memref<16x64xi32, #tpu.memory_space<vmem>>, vector<16xi32>,
      tpu.vector_store %arg11[%swap3A_147, %swap3A_148], %select_n3A_146 {strides = array<i32>} : memref<16x64xi32, #tpu.memory_space<vmem>>, vector<16xi32>,
      %add3A_150 = arith.constant 32 : i32
      %add3A_151 = vector.broadcast %add3A_150 : i32 to vector<16xi32>
      %add3A_152 = arith.addi %iota3A, %add3A_151 : vector<16xi32>
      %get3A_153 = arith.index_cast %scan3A_110 : i32 to index
      %get3A_154 = arith.constant 32 : index
      %get3A_155 = tpu.vector_load %arg11[%get3A_153, %get3A_154] {strides = array<i32>} : memref<16x64xi32, #tpu.memory_space<vmem>>, vector<16xi32>,
      %lt3A_156 = vector.broadcast %min3A_119 : i32 to vector<16xi32>
      %lt3A_157 = arith.cmpi slt, %add3A_152, %lt3A_156 : vector<16xi32>
      %select_n3A_158 = arith.select %lt3A_157, %get3A_155, %add3A_129 : vector<16xi1>, vector<16xi32>
      %swap3A_159 = arith.index_cast %scan3A_110 : i32 to index
      %swap3A_160 = arith.constant 32 : index
      %swap3A_161 = tpu.vector_load %arg11[%swap3A_159, %swap3A_160] {strides = array<i32>} : memref<16x64xi32, #tpu.memory_space<vmem>>, vector<16xi32>,
      tpu.vector_store %arg11[%swap3A_159, %swap3A_160], %select_n3A_158 {strides = array<i32>} : memref<16x64xi32, #tpu.memory_space<vmem>>, vector<16xi32>,
      %add3A_162 = arith.constant 48 : i32
      %add3A_163 = vector.broadcast %add3A_162 : i32 to vector<16xi32>
      %add3A_164 = arith.addi %iota3A, %add3A_163 : vector<16xi32>
      %get3A_165 = arith.index_cast %scan3A_110 : i32 to index
      %get3A_166 = arith.constant 48 : index
      %get3A_167 = tpu.vector_load %arg11[%get3A_165, %get3A_166] {strides = array<i32>} : memref<16x64xi32, #tpu.memory_space<vmem>>, vector<16xi32>,
      %lt3A_168 = vector.broadcast %min3A_119 : i32 to vector<16xi32>
      %lt3A_169 = arith.cmpi slt, %add3A_164, %lt3A_168 : vector<16xi32>
      %select_n3A_170 = arith.select %lt3A_169, %get3A_167, %add3A_129 : vector<16xi1>, vector<16xi32>
      %swap3A_171 = arith.index_cast %scan3A_110 : i32 to index
      %swap3A_172 = arith.constant 48 : index
      %swap3A_173 = tpu.vector_load %arg11[%swap3A_171, %swap3A_172] {strides = array<i32>} : memref<16x64xi32, #tpu.memory_space<vmem>>, vector<16xi32>,
      tpu.vector_store %arg11[%swap3A_171, %swap3A_172], %select_n3A_170 {strides = array<i32>} : memref<16x64xi32, #tpu.memory_space<vmem>>, vector<16xi32>,
      %scan3A_174 = arith.constant 0 : i32
      scf.yield %scan3A_174 : i32
    }
    %scan3A_109 = arith.constant 16 : i32
    "tpu.region"() ({
      %run_scoped3A = tpu.sem_alloc : memref<!tpu.dma_semaphore, #tpu.memory_space<semaphore_mem>>
      %dma_start3A = arith.constant 0 : i32
      %dma_start3A_110 = tpu.memref_slice %arg7[%add3A_102, %dma_start3A] : memref<2048x64xi32, #tpu.memory_space<hbm>> -> memref<16x64xi32, #tpu.memory_space<hbm>>
      %dma_start3A_111 = arith.constant 0 : i32
      %dma_start3A_112 = tpu.memref_slice %arg7[%add3A_102, %dma_start3A_111] : memref<2048x64xi32, #tpu.memory_space<hbm>> -> memref<16x64xi32, #tpu.memory_space<hbm>>
      tpu.enqueue_dma source(%arg11 : memref<16x64xi32, #tpu.memory_space<vmem>>) target(%dma_start3A_112 : memref<16x64xi32, #tpu.memory_space<hbm>>) target_semaphore(%run_scoped3A : memref<!tpu.dma_semaphore, #tpu.memory_space<semaphore_mem>>)
      %dma_wait3A = arith.constant 0 : i32
      %dma_wait3A_113 = tpu.memref_slice %arg7[%add3A_102, %dma_wait3A] : memref<2048x64xi32, #tpu.memory_space<hbm>> -> memref<16x64xi32, #tpu.memory_space<hbm>>
      %dma_wait3A_114 = arith.constant 0 : i32
      %dma_wait3A_115 = tpu.memref_slice %arg7[%add3A_102, %dma_wait3A_114] : memref<2048x64xi32, #tpu.memory_space<hbm>> -> memref<16x64xi32, #tpu.memory_space<hbm>>
      tpu.wait_dma2 semaphore(%run_scoped3A : memref<!tpu.dma_semaphore, #tpu.memory_space<semaphore_mem>>) src(%arg11 : memref<16x64xi32, #tpu.memory_space<vmem>>) dst(%dma_wait3A_115 : memref<16x64xi32, #tpu.memory_space<hbm>>)
      tpu.yield
    }) : () -> ()
    return
  }
}

module attributes {stable_mosaic.version = 14 : i64} {
  func.func @_fps_kernel(%arg0: memref<4x4096xf32, #tpu.memory_space<vmem>>, %arg1: memref<4x4096xf32, #tpu.memory_space<vmem>>, %arg2: memref<4x4096xf32, #tpu.memory_space<vmem>>, %arg3: memref<4x512xf32, #tpu.memory_space<vmem>>, %arg4: memref<4x512xf32, #tpu.memory_space<vmem>>, %arg5: memref<4x512xf32, #tpu.memory_space<vmem>>) attributes {dimension_semantics = [], scalar_prefetch = 0 : i64, scratch_operands = 0 : i64, tpu.core_type = #tpu.core_type<tc>} {
    %iota3A = tpu.iota {dimensions = array<i32: 1>} : vector<4x4096xi32>
    %convert_element_type3A = arith.sitofp %iota3A : vector<4x4096xi32> to vector<4x4096xf32>
    %iota3A_0 = tpu.iota {dimensions = array<i32: 1>} : vector<4x512xi32>
    %broadcast_in_dim3A = arith.constant 0.000000e+00 : f32
    %broadcast_in_dim3A_1 = vector.broadcast %broadcast_in_dim3A : f32 to vector<4x512xf32>
    %broadcast_in_dim3A_2 = arith.constant 1.000000e+10 : f32
    %broadcast_in_dim3A_3 = vector.broadcast %broadcast_in_dim3A_2 : f32 to vector<4x4096xf32>
    %broadcast_in_dim3A_4 = arith.constant 0.000000e+00 : f32
    %broadcast_in_dim3A_5 = vector.broadcast %broadcast_in_dim3A_4 : f32 to vector<4x1xf32>
    %scan3A = arith.constant 0 : i32
    %scan3A_6 = arith.constant 512 : i32
    %scan3A_7 = arith.addi %scan3A, %scan3A_6 : i32
    %scan3A_8 = arith.constant 1 : i32
    %scan3A_9:5 = scf.for %scan3A_19 = %scan3A to %scan3A_7 step %scan3A_8 iter_args(%scan3A_20 = %broadcast_in_dim3A_3, %scan3A_21 = %broadcast_in_dim3A_5, %scan3A_22 = %broadcast_in_dim3A_1, %scan3A_23 = %broadcast_in_dim3A_1, %scan3A_24 = %broadcast_in_dim3A_1) -> (vector<4x4096xf32>, vector<4x1xf32>, vector<4x512xf32>, vector<4x512xf32>, vector<4x512xf32>)  : i32 {
      %get3A = arith.constant 0 : index
      %get3A_25 = arith.constant 0 : index
      %get3A_26 = vector.load %arg0[%get3A, %get3A_25] : memref<4x4096xf32, #tpu.memory_space<vmem>>, vector<4x4096xf32>
      %get3A_27 = arith.constant 0 : index
      %get3A_28 = arith.constant 0 : index
      %get3A_29 = vector.load %arg1[%get3A_27, %get3A_28] : memref<4x4096xf32, #tpu.memory_space<vmem>>, vector<4x4096xf32>
      %get3A_30 = arith.constant 0 : index
      %get3A_31 = arith.constant 0 : index
      %get3A_32 = vector.load %arg2[%get3A_30, %get3A_31] : memref<4x4096xf32, #tpu.memory_space<vmem>>, vector<4x4096xf32>
      %eq3A = vector.broadcast %scan3A_21 : vector<4x1xf32> to vector<4x4096xf32>
      %eq3A_33 = arith.cmpf oeq, %convert_element_type3A, %eq3A : vector<4x4096xf32>
      %convert_element_type3A_34 = arith.extui %eq3A_33 : vector<4x4096xi1> to vector<4x4096xi32>
      %convert_element_type3A_35 = arith.sitofp %convert_element_type3A_34 : vector<4x4096xi32> to vector<4x4096xf32>
      %mul3A = arith.mulf %get3A_26, %convert_element_type3A_35 : vector<4x4096xf32>
      %reduce_sum3A = arith.constant dense<0.000000e+00> : vector<4xf32>
      %reduce_sum3A_36 = vector.multi_reduction <add>, %mul3A, %reduce_sum3A [1] : vector<4x4096xf32> to vector<4xf32>
      %broadcast_in_dim3A_37 = vector.shape_cast %reduce_sum3A_36 : vector<4xf32> to vector<4x1xf32>
      %mul3A_38 = arith.mulf %get3A_29, %convert_element_type3A_35 : vector<4x4096xf32>
      %reduce_sum3A_39 = arith.constant dense<0.000000e+00> : vector<4xf32>
      %reduce_sum3A_40 = vector.multi_reduction <add>, %mul3A_38, %reduce_sum3A_39 [1] : vector<4x4096xf32> to vector<4xf32>
      %broadcast_in_dim3A_41 = vector.shape_cast %reduce_sum3A_40 : vector<4xf32> to vector<4x1xf32>
      %mul3A_42 = arith.mulf %get3A_32, %convert_element_type3A_35 : vector<4x4096xf32>
      %reduce_sum3A_43 = arith.constant dense<0.000000e+00> : vector<4xf32>
      %reduce_sum3A_44 = vector.multi_reduction <add>, %mul3A_42, %reduce_sum3A_43 [1] : vector<4x4096xf32> to vector<4xf32>
      %broadcast_in_dim3A_45 = vector.shape_cast %reduce_sum3A_44 : vector<4xf32> to vector<4x1xf32>
      %eq3A_46 = vector.broadcast %scan3A_19 : i32 to vector<4x512xi32>
      %eq3A_47 = arith.cmpi eq, %iota3A_0, %eq3A_46 : vector<4x512xi32>
      %convert_element_type3A_48 = arith.extui %eq3A_47 : vector<4x512xi1> to vector<4x512xi32>
      %convert_element_type3A_49 = arith.sitofp %convert_element_type3A_48 : vector<4x512xi32> to vector<4x512xf32>
      %mul3A_50 = vector.broadcast %broadcast_in_dim3A_37 : vector<4x1xf32> to vector<4x512xf32>
      %mul3A_51 = arith.mulf %convert_element_type3A_49, %mul3A_50 : vector<4x512xf32>
      %add3A = arith.addf %scan3A_22, %mul3A_51 : vector<4x512xf32>
      %mul3A_52 = vector.broadcast %broadcast_in_dim3A_41 : vector<4x1xf32> to vector<4x512xf32>
      %mul3A_53 = arith.mulf %convert_element_type3A_49, %mul3A_52 : vector<4x512xf32>
      %add3A_54 = arith.addf %scan3A_23, %mul3A_53 : vector<4x512xf32>
      %mul3A_55 = vector.broadcast %broadcast_in_dim3A_45 : vector<4x1xf32> to vector<4x512xf32>
      %mul3A_56 = arith.mulf %convert_element_type3A_49, %mul3A_55 : vector<4x512xf32>
      %add3A_57 = arith.addf %scan3A_24, %mul3A_56 : vector<4x512xf32>
      %sub3A = vector.broadcast %broadcast_in_dim3A_37 : vector<4x1xf32> to vector<4x4096xf32>
      %sub3A_58 = arith.subf %get3A_26, %sub3A : vector<4x4096xf32>
      %sub3A_59 = vector.broadcast %broadcast_in_dim3A_41 : vector<4x1xf32> to vector<4x4096xf32>
      %sub3A_60 = arith.subf %get3A_29, %sub3A_59 : vector<4x4096xf32>
      %sub3A_61 = vector.broadcast %broadcast_in_dim3A_45 : vector<4x1xf32> to vector<4x4096xf32>
      %sub3A_62 = arith.subf %get3A_32, %sub3A_61 : vector<4x4096xf32>
      %mul3A_63 = arith.mulf %sub3A_58, %sub3A_58 : vector<4x4096xf32>
      %mul3A_64 = arith.mulf %sub3A_60, %sub3A_60 : vector<4x4096xf32>
      %add3A_65 = arith.addf %mul3A_63, %mul3A_64 : vector<4x4096xf32>
      %mul3A_66 = arith.mulf %sub3A_62, %sub3A_62 : vector<4x4096xf32>
      %add3A_67 = arith.addf %add3A_65, %mul3A_66 : vector<4x4096xf32>
      %min3A = arith.minimumf %scan3A_20, %add3A_67 : vector<4x4096xf32>
      %reduce_max3A = arith.constant dense<0xFF800000> : vector<4xf32>
      %reduce_max3A_68 = vector.multi_reduction <maximumf>, %min3A, %reduce_max3A [1] : vector<4x4096xf32> to vector<4xf32>
      %broadcast_in_dim3A_69 = vector.shape_cast %reduce_max3A_68 : vector<4xf32> to vector<4x1xf32>
      %eq3A_70 = vector.broadcast %broadcast_in_dim3A_69 : vector<4x1xf32> to vector<4x4096xf32>
      %eq3A_71 = arith.cmpf oeq, %min3A, %eq3A_70 : vector<4x4096xf32>
      %jit3A = arith.constant 4.096000e+03 : f32
      %broadcast_in_dim3A_72 = vector.broadcast %jit3A : f32 to vector<4x4096xf32>
      %select_n3A = arith.select %eq3A_71, %convert_element_type3A, %broadcast_in_dim3A_72 : vector<4x4096xi1>, vector<4x4096xf32>
      %reduce_min3A = arith.constant dense<0x7F800000> : vector<4xf32>
      %reduce_min3A_73 = vector.multi_reduction <minimumf>, %select_n3A, %reduce_min3A [1] : vector<4x4096xf32> to vector<4xf32>
      %broadcast_in_dim3A_74 = vector.shape_cast %reduce_min3A_73 : vector<4xf32> to vector<4x1xf32>
      scf.yield %min3A, %broadcast_in_dim3A_74, %add3A, %add3A_54, %add3A_57 : vector<4x4096xf32>, vector<4x1xf32>, vector<4x512xf32>, vector<4x512xf32>, vector<4x512xf32>
    }
    %scan3A_10 = arith.constant 512 : i32
    %swap3A = arith.constant 0 : index
    %swap3A_11 = arith.constant 0 : index
    %swap3A_12 = vector.load %arg3[%swap3A, %swap3A_11] : memref<4x512xf32, #tpu.memory_space<vmem>>, vector<4x512xf32>
    tpu.vector_store %arg3[%swap3A, %swap3A_11], %scan3A_9#2 {strides = array<i32>} : memref<4x512xf32, #tpu.memory_space<vmem>>, vector<4x512xf32>,
    %swap3A_13 = arith.constant 0 : index
    %swap3A_14 = arith.constant 0 : index
    %swap3A_15 = vector.load %arg4[%swap3A_13, %swap3A_14] : memref<4x512xf32, #tpu.memory_space<vmem>>, vector<4x512xf32>
    tpu.vector_store %arg4[%swap3A_13, %swap3A_14], %scan3A_9#3 {strides = array<i32>} : memref<4x512xf32, #tpu.memory_space<vmem>>, vector<4x512xf32>,
    %swap3A_16 = arith.constant 0 : index
    %swap3A_17 = arith.constant 0 : index
    %swap3A_18 = vector.load %arg5[%swap3A_16, %swap3A_17] : memref<4x512xf32, #tpu.memory_space<vmem>>, vector<4x512xf32>
    tpu.vector_store %arg5[%swap3A_16, %swap3A_17], %scan3A_9#4 {strides = array<i32>} : memref<4x512xf32, #tpu.memory_space<vmem>>, vector<4x512xf32>,
    return
  }
}

module attributes {stable_mosaic.version = 14 : i64} {
  func.func @_ballmask_kernel(%arg0: i32, %arg1: i32, %arg2: i32, %arg3: memref<1x1x512xf32, #tpu.memory_space<vmem>>, %arg4: memref<1x1x512xf32, #tpu.memory_space<vmem>>, %arg5: memref<1x1x512xf32, #tpu.memory_space<vmem>>, %arg6: memref<1x1x128xf32, #tpu.memory_space<vmem>>, %arg7: memref<1x1x128xf32, #tpu.memory_space<vmem>>, %arg8: memref<1x1x128xf32, #tpu.memory_space<vmem>>, %arg9: memref<512x256xbf16, #tpu.memory_space<vmem>>, %arg10: memref<1x128x128xi32, #tpu.memory_space<vmem>>, %arg11: memref<1x128x128xi32, #tpu.memory_space<vmem>>, %arg12: memref<1x128x128xi32, #tpu.memory_space<vmem>>, %arg13: memref<128x256xf32, #tpu.memory_space<vmem>>, %arg14: memref<128x256xf32, #tpu.memory_space<vmem>>, %arg15: memref<128x256xf32, #tpu.memory_space<vmem>>) attributes {dimension_semantics = [#tpu.dimension_semantics<arbitrary>, #tpu.dimension_semantics<arbitrary>, #tpu.dimension_semantics<arbitrary>], iteration_bounds = array<i64: 4, 4, 8>, scalar_prefetch = 0 : i64, scratch_operands = 3 : i64, tpu.core_type = #tpu.core_type<tc>, window_params = [{transform_indices = @transform_0, window_bounds = array<i64: 1, 1, 512>}, {transform_indices = @transform_1, window_bounds = array<i64: 1, 1, 512>}, {transform_indices = @transform_2, window_bounds = array<i64: 1, 1, 512>}, {transform_indices = @transform_3, window_bounds = array<i64: 1, 1, 128>}, {transform_indices = @transform_4, window_bounds = array<i64: 1, 1, 128>}, {transform_indices = @transform_5, window_bounds = array<i64: 1, 1, 128>}, {transform_indices = @transform_6, window_bounds = array<i64: 512, 256>}, {transform_indices = @transform_7, window_bounds = array<i64: 1, 128, 128>}, {transform_indices = @transform_8, window_bounds = array<i64: 1, 128, 128>}, {transform_indices = @transform_9, window_bounds = array<i64: 1, 128, 128>}]} {
    %iota3A = tpu.iota {dimensions = array<i32: 0>} : vector<128x128xi32>
    %iota3A_0 = tpu.iota {dimensions = array<i32: 1>} : vector<128x128xi32>
    %eq3A = arith.cmpi eq, %iota3A, %iota3A_0 : vector<128x128xi32>
    %convert_element_type3A = arith.extui %eq3A : vector<128x128xi1> to vector<128x128xi32>
    %convert_element_type3A_1 = arith.sitofp %convert_element_type3A : vector<128x128xi32> to vector<128x128xf32>
    %get3A = arith.constant 0 : index
    %get3A_2 = arith.constant 0 : index
    %get3A_3 = arith.constant 0 : index
    %get3A_4 = vector.load %arg6[%get3A, %get3A_2, %get3A_3] : memref<1x1x128xf32, #tpu.memory_space<vmem>>, vector<1x1x128xf32>
    %get3A_5 = vector.shape_cast %get3A_4 : vector<1x1x128xf32> to vector<1x128xf32>
    %broadcast_in_dim3A = vector.shape_cast %get3A_5 : vector<1x128xf32> to vector<1x128xf32>
    %broadcast_in_dim3A_6 = vector.broadcast %broadcast_in_dim3A : vector<1x128xf32> to vector<128x128xf32>
    %mul3A = arith.mulf %broadcast_in_dim3A_6, %convert_element_type3A_1 : vector<128x128xf32>
    %reduce_sum3A = arith.constant dense<0.000000e+00> : vector<128xf32>
    %reduce_sum3A_7 = vector.multi_reduction <add>, %mul3A, %reduce_sum3A [1] : vector<128x128xf32> to vector<128xf32>
    %broadcast_in_dim3A_8 = vector.shape_cast %reduce_sum3A_7 : vector<128xf32> to vector<128x1xf32>
    %get3A_9 = arith.constant 0 : index
    %get3A_10 = arith.constant 0 : index
    %get3A_11 = arith.constant 0 : index
    %get3A_12 = vector.load %arg7[%get3A_9, %get3A_10, %get3A_11] : memref<1x1x128xf32, #tpu.memory_space<vmem>>, vector<1x1x128xf32>
    %get3A_13 = vector.shape_cast %get3A_12 : vector<1x1x128xf32> to vector<1x128xf32>
    %broadcast_in_dim3A_14 = vector.shape_cast %get3A_13 : vector<1x128xf32> to vector<1x128xf32>
    %broadcast_in_dim3A_15 = vector.broadcast %broadcast_in_dim3A_14 : vector<1x128xf32> to vector<128x128xf32>
    %mul3A_16 = arith.mulf %broadcast_in_dim3A_15, %convert_element_type3A_1 : vector<128x128xf32>
    %reduce_sum3A_17 = arith.constant dense<0.000000e+00> : vector<128xf32>
    %reduce_sum3A_18 = vector.multi_reduction <add>, %mul3A_16, %reduce_sum3A_17 [1] : vector<128x128xf32> to vector<128xf32>
    %broadcast_in_dim3A_19 = vector.shape_cast %reduce_sum3A_18 : vector<128xf32> to vector<128x1xf32>
    %get3A_20 = arith.constant 0 : index
    %get3A_21 = arith.constant 0 : index
    %get3A_22 = arith.constant 0 : index
    %get3A_23 = vector.load %arg8[%get3A_20, %get3A_21, %get3A_22] : memref<1x1x128xf32, #tpu.memory_space<vmem>>, vector<1x1x128xf32>
    %get3A_24 = vector.shape_cast %get3A_23 : vector<1x1x128xf32> to vector<1x128xf32>
    %broadcast_in_dim3A_25 = vector.shape_cast %get3A_24 : vector<1x128xf32> to vector<1x128xf32>
    %broadcast_in_dim3A_26 = vector.broadcast %broadcast_in_dim3A_25 : vector<1x128xf32> to vector<128x128xf32>
    %mul3A_27 = arith.mulf %broadcast_in_dim3A_26, %convert_element_type3A_1 : vector<128x128xf32>
    %reduce_sum3A_28 = arith.constant dense<0.000000e+00> : vector<128xf32>
    %reduce_sum3A_29 = vector.multi_reduction <add>, %mul3A_27, %reduce_sum3A_28 [1] : vector<128x128xf32> to vector<128xf32>
    %broadcast_in_dim3A_30 = vector.shape_cast %reduce_sum3A_29 : vector<128xf32> to vector<128x1xf32>
    %get3A_31 = arith.constant 0 : index
    %get3A_32 = arith.constant 0 : index
    %get3A_33 = arith.constant 0 : index
    %get3A_34 = vector.load %arg3[%get3A_31, %get3A_32, %get3A_33] : memref<1x1x512xf32, #tpu.memory_space<vmem>>, vector<1x1x512xf32>
    %get3A_35 = vector.shape_cast %get3A_34 : vector<1x1x512xf32> to vector<1x512xf32>
    %get3A_36 = arith.constant 0 : index
    %get3A_37 = arith.constant 0 : index
    %get3A_38 = arith.constant 0 : index
    %get3A_39 = vector.load %arg4[%get3A_36, %get3A_37, %get3A_38] : memref<1x1x512xf32, #tpu.memory_space<vmem>>, vector<1x1x512xf32>
    %get3A_40 = vector.shape_cast %get3A_39 : vector<1x1x512xf32> to vector<1x512xf32>
    %get3A_41 = arith.constant 0 : index
    %get3A_42 = arith.constant 0 : index
    %get3A_43 = arith.constant 0 : index
    %get3A_44 = vector.load %arg5[%get3A_41, %get3A_42, %get3A_43] : memref<1x1x512xf32, #tpu.memory_space<vmem>>, vector<1x1x512xf32>
    %get3A_45 = vector.shape_cast %get3A_44 : vector<1x1x512xf32> to vector<1x512xf32>
    %convert_element_type3A_46 = arith.truncf %get3A_35 : vector<1x512xf32> to vector<1x512xbf16>
    %convert_element_type3A_47 = arith.extf %convert_element_type3A_46 : vector<1x512xbf16> to vector<1x512xf32>
    %convert_element_type3A_48 = arith.truncf %broadcast_in_dim3A_8 : vector<128x1xf32> to vector<128x1xbf16>
    %convert_element_type3A_49 = arith.extf %convert_element_type3A_48 : vector<128x1xbf16> to vector<128x1xf32>
    %mul3A_50 = vector.broadcast %convert_element_type3A_47 : vector<1x512xf32> to vector<128x512xf32>
    %mul3A_51 = vector.broadcast %convert_element_type3A_49 : vector<128x1xf32> to vector<128x512xf32>
    %mul3A_52 = arith.mulf %mul3A_50, %mul3A_51 : vector<128x512xf32>
    %convert_element_type3A_53 = arith.truncf %get3A_40 : vector<1x512xf32> to vector<1x512xbf16>
    %convert_element_type3A_54 = arith.extf %convert_element_type3A_53 : vector<1x512xbf16> to vector<1x512xf32>
    %convert_element_type3A_55 = arith.truncf %broadcast_in_dim3A_19 : vector<128x1xf32> to vector<128x1xbf16>
    %convert_element_type3A_56 = arith.extf %convert_element_type3A_55 : vector<128x1xbf16> to vector<128x1xf32>
    %mul3A_57 = vector.broadcast %convert_element_type3A_54 : vector<1x512xf32> to vector<128x512xf32>
    %mul3A_58 = vector.broadcast %convert_element_type3A_56 : vector<128x1xf32> to vector<128x512xf32>
    %mul3A_59 = arith.mulf %mul3A_57, %mul3A_58 : vector<128x512xf32>
    %convert_element_type3A_60 = arith.truncf %get3A_45 : vector<1x512xf32> to vector<1x512xbf16>
    %convert_element_type3A_61 = arith.extf %convert_element_type3A_60 : vector<1x512xbf16> to vector<1x512xf32>
    %convert_element_type3A_62 = arith.truncf %broadcast_in_dim3A_30 : vector<128x1xf32> to vector<128x1xbf16>
    %convert_element_type3A_63 = arith.extf %convert_element_type3A_62 : vector<128x1xbf16> to vector<128x1xf32>
    %mul3A_64 = vector.broadcast %convert_element_type3A_61 : vector<1x512xf32> to vector<128x512xf32>
    %mul3A_65 = vector.broadcast %convert_element_type3A_63 : vector<128x1xf32> to vector<128x512xf32>
    %mul3A_66 = arith.mulf %mul3A_64, %mul3A_65 : vector<128x512xf32>
    %add3A = arith.addf %mul3A_52, %mul3A_59 : vector<128x512xf32>
    %sub3A = arith.subf %add3A, %mul3A_52 : vector<128x512xf32>
    %sub3A_67 = arith.subf %add3A, %sub3A : vector<128x512xf32>
    %sub3A_68 = arith.subf %mul3A_52, %sub3A_67 : vector<128x512xf32>
    %sub3A_69 = arith.subf %mul3A_59, %sub3A : vector<128x512xf32>
    %add3A_70 = arith.addf %sub3A_68, %sub3A_69 : vector<128x512xf32>
    %add3A_71 = arith.addf %add3A, %mul3A_66 : vector<128x512xf32>
    %sub3A_72 = arith.subf %add3A_71, %add3A : vector<128x512xf32>
    %sub3A_73 = arith.subf %add3A_71, %sub3A_72 : vector<128x512xf32>
    %sub3A_74 = arith.subf %add3A, %sub3A_73 : vector<128x512xf32>
    %sub3A_75 = arith.subf %mul3A_66, %sub3A_72 : vector<128x512xf32>
    %add3A_76 = arith.addf %sub3A_74, %sub3A_75 : vector<128x512xf32>
    %add3A_77 = arith.addf %add3A_70, %add3A_76 : vector<128x512xf32>
    %add3A_78 = arith.addf %add3A_71, %add3A_77 : vector<128x512xf32>
    %mul3A_79 = arith.mulf %broadcast_in_dim3A_8, %broadcast_in_dim3A_8 : vector<128x1xf32>
    %mul3A_80 = arith.mulf %broadcast_in_dim3A_19, %broadcast_in_dim3A_19 : vector<128x1xf32>
    %add3A_81 = arith.addf %mul3A_79, %mul3A_80 : vector<128x1xf32>
    %mul3A_82 = arith.mulf %broadcast_in_dim3A_30, %broadcast_in_dim3A_30 : vector<128x1xf32>
    %add3A_83 = arith.addf %add3A_81, %mul3A_82 : vector<128x1xf32>
    %mul3A_84 = arith.mulf %get3A_35, %get3A_35 : vector<1x512xf32>
    %mul3A_85 = arith.mulf %get3A_40, %get3A_40 : vector<1x512xf32>
    %add3A_86 = arith.addf %mul3A_84, %mul3A_85 : vector<1x512xf32>
    %mul3A_87 = arith.mulf %get3A_45, %get3A_45 : vector<1x512xf32>
    %add3A_88 = arith.addf %add3A_86, %mul3A_87 : vector<1x512xf32>
    %mul3A_89 = arith.constant -2.000000e+00 : f32
    %mul3A_90 = vector.broadcast %mul3A_89 : f32 to vector<128x512xf32>
    %mul3A_91 = arith.mulf %mul3A_90, %add3A_78 : vector<128x512xf32>
    %add3A_92 = vector.broadcast %add3A_83 : vector<128x1xf32> to vector<128x512xf32>
    %add3A_93 = arith.addf %mul3A_91, %add3A_92 : vector<128x512xf32>
    %add3A_94 = vector.broadcast %add3A_88 : vector<1x512xf32> to vector<128x512xf32>
    %add3A_95 = arith.addf %add3A_93, %add3A_94 : vector<128x512xf32>
    %get3A_96 = arith.constant 0 : index
    %get3A_97 = arith.constant 0 : index
    %get3A_98 = vector.load %arg9[%get3A_96, %get3A_97] : memref<512x256xbf16, #tpu.memory_space<vmem>>, vector<512x256xbf16>
    %eq3A_99 = arith.constant 0 : i32
    %eq3A_100 = arith.cmpi eq, %arg2, %eq3A_99 : i32
    %convert_element_type3A_101 = arith.extui %eq3A_100 : i1 to i32
    %cond3A = arith.constant 0 : i32
    %cond3A_102 = arith.cmpi ne, %convert_element_type3A_101, %cond3A : i32
    scf.if %cond3A_102 {
      %broadcast_in_dim3A_150 = arith.constant 0.000000e+00 : f32
      %broadcast_in_dim3A_151 = vector.broadcast %broadcast_in_dim3A_150 : f32 to vector<128x256xf32>
      %swap3A_152 = arith.constant 0 : index
      %swap3A_153 = arith.constant 0 : index
      %swap3A_154 = vector.load %arg13[%swap3A_152, %swap3A_153] : memref<128x256xf32, #tpu.memory_space<vmem>>, vector<128x256xf32>
      tpu.vector_store %arg13[%swap3A_152, %swap3A_153], %broadcast_in_dim3A_151 {strides = array<i32>} : memref<128x256xf32, #tpu.memory_space<vmem>>, vector<128x256xf32>,
      %broadcast_in_dim3A_155 = arith.constant 0.000000e+00 : f32
      %broadcast_in_dim3A_156 = vector.broadcast %broadcast_in_dim3A_155 : f32 to vector<128x256xf32>
      %swap3A_157 = arith.constant 0 : index
      %swap3A_158 = arith.constant 0 : index
      %swap3A_159 = vector.load %arg14[%swap3A_157, %swap3A_158] : memref<128x256xf32, #tpu.memory_space<vmem>>, vector<128x256xf32>
      tpu.vector_store %arg14[%swap3A_157, %swap3A_158], %broadcast_in_dim3A_156 {strides = array<i32>} : memref<128x256xf32, #tpu.memory_space<vmem>>, vector<128x256xf32>,
      %broadcast_in_dim3A_160 = arith.constant 0.000000e+00 : f32
      %broadcast_in_dim3A_161 = vector.broadcast %broadcast_in_dim3A_160 : f32 to vector<128x256xf32>
      %swap3A_162 = arith.constant 0 : index
      %swap3A_163 = arith.constant 0 : index
      %swap3A_164 = vector.load %arg15[%swap3A_162, %swap3A_163] : memref<128x256xf32, #tpu.memory_space<vmem>>, vector<128x256xf32>
      tpu.vector_store %arg15[%swap3A_162, %swap3A_163], %broadcast_in_dim3A_161 {strides = array<i32>} : memref<128x256xf32, #tpu.memory_space<vmem>>, vector<128x256xf32>,
    } else {
    }
    %le3A = arith.constant 0.00999999977 : f32
    %le3A_103 = vector.broadcast %le3A : f32 to vector<128x512xf32>
    %le3A_104 = arith.cmpf ole, %add3A_95, %le3A_103 : vector<128x512xf32>
    %convert_element_type3A_105 = arith.extui %le3A_104 : vector<128x512xi1> to vector<128x512xi32>
    %convert_element_type3A_106 = arith.sitofp %convert_element_type3A_105 : vector<128x512xi32> to vector<128x512xf32>
    %convert_element_type3A_107 = arith.truncf %convert_element_type3A_106 : vector<128x512xf32> to vector<128x512xbf16>
    %get3A_108 = arith.constant 0 : index
    %get3A_109 = arith.constant 0 : index
    %get3A_110 = vector.load %arg13[%get3A_108, %get3A_109] : memref<128x256xf32, #tpu.memory_space<vmem>>, vector<128x256xf32>
    %dot_general3A = arith.constant dense<0.000000e+00> : vector<128x256xf32>
    %dot_general3A_111 = tpu.matmul %convert_element_type3A_107, %get3A_98, %dot_general3A {dimension_numbers = #tpu.dot_dimension_numbers<[1], [0], [0], [1], [0, 0, 1, 1], [], []>, transpose_lhs_hint = false} : vector<128x512xbf16>, vector<512x256xbf16>, vector<128x256xf32> -> vector<128x256xf32>
    %add3A_112 = arith.addf %get3A_110, %dot_general3A_111 : vector<128x256xf32>
    %swap3A = arith.constant 0 : index
    %swap3A_113 = arith.constant 0 : index
    %swap3A_114 = vector.load %arg13[%swap3A, %swap3A_113] : memref<128x256xf32, #tpu.memory_space<vmem>>, vector<128x256xf32>
    tpu.vector_store %arg13[%swap3A, %swap3A_113], %add3A_112 {strides = array<i32>} : memref<128x256xf32, #tpu.memory_space<vmem>>, vector<128x256xf32>,
    %le3A_115 = arith.constant 4.000000e-02 : f32
    %le3A_116 = vector.broadcast %le3A_115 : f32 to vector<128x512xf32>
    %le3A_117 = arith.cmpf ole, %add3A_95, %le3A_116 : vector<128x512xf32>
    %convert_element_type3A_118 = arith.extui %le3A_117 : vector<128x512xi1> to vector<128x512xi32>
    %convert_element_type3A_119 = arith.sitofp %convert_element_type3A_118 : vector<128x512xi32> to vector<128x512xf32>
    %convert_element_type3A_120 = arith.truncf %convert_element_type3A_119 : vector<128x512xf32> to vector<128x512xbf16>
    %get3A_121 = arith.constant 0 : index
    %get3A_122 = arith.constant 0 : index
    %get3A_123 = vector.load %arg14[%get3A_121, %get3A_122] : memref<128x256xf32, #tpu.memory_space<vmem>>, vector<128x256xf32>
    %dot_general3A_124 = arith.constant dense<0.000000e+00> : vector<128x256xf32>
    %dot_general3A_125 = tpu.matmul %convert_element_type3A_120, %get3A_98, %dot_general3A_124 {dimension_numbers = #tpu.dot_dimension_numbers<[1], [0], [0], [1], [0, 0, 1, 1], [], []>, transpose_lhs_hint = false} : vector<128x512xbf16>, vector<512x256xbf16>, vector<128x256xf32> -> vector<128x256xf32>
    %add3A_126 = arith.addf %get3A_123, %dot_general3A_125 : vector<128x256xf32>
    %swap3A_127 = arith.constant 0 : index
    %swap3A_128 = arith.constant 0 : index
    %swap3A_129 = vector.load %arg14[%swap3A_127, %swap3A_128] : memref<128x256xf32, #tpu.memory_space<vmem>>, vector<128x256xf32>
    tpu.vector_store %arg14[%swap3A_127, %swap3A_128], %add3A_126 {strides = array<i32>} : memref<128x256xf32, #tpu.memory_space<vmem>>, vector<128x256xf32>,
    %le3A_130 = arith.constant 1.600000e-01 : f32
    %le3A_131 = vector.broadcast %le3A_130 : f32 to vector<128x512xf32>
    %le3A_132 = arith.cmpf ole, %add3A_95, %le3A_131 : vector<128x512xf32>
    %convert_element_type3A_133 = arith.extui %le3A_132 : vector<128x512xi1> to vector<128x512xi32>
    %convert_element_type3A_134 = arith.sitofp %convert_element_type3A_133 : vector<128x512xi32> to vector<128x512xf32>
    %convert_element_type3A_135 = arith.truncf %convert_element_type3A_134 : vector<128x512xf32> to vector<128x512xbf16>
    %get3A_136 = arith.constant 0 : index
    %get3A_137 = arith.constant 0 : index
    %get3A_138 = vector.load %arg15[%get3A_136, %get3A_137] : memref<128x256xf32, #tpu.memory_space<vmem>>, vector<128x256xf32>
    %dot_general3A_139 = arith.constant dense<0.000000e+00> : vector<128x256xf32>
    %dot_general3A_140 = tpu.matmul %convert_element_type3A_135, %get3A_98, %dot_general3A_139 {dimension_numbers = #tpu.dot_dimension_numbers<[1], [0], [0], [1], [0, 0, 1, 1], [], []>, transpose_lhs_hint = false} : vector<128x512xbf16>, vector<512x256xbf16>, vector<128x256xf32> -> vector<128x256xf32>
    %add3A_141 = arith.addf %get3A_138, %dot_general3A_140 : vector<128x256xf32>
    %swap3A_142 = arith.constant 0 : index
    %swap3A_143 = arith.constant 0 : index
    %swap3A_144 = vector.load %arg15[%swap3A_142, %swap3A_143] : memref<128x256xf32, #tpu.memory_space<vmem>>, vector<128x256xf32>
    tpu.vector_store %arg15[%swap3A_142, %swap3A_143], %add3A_141 {strides = array<i32>} : memref<128x256xf32, #tpu.memory_space<vmem>>, vector<128x256xf32>,
    %eq3A_145 = arith.constant 7 : i32
    %eq3A_146 = arith.cmpi eq, %arg2, %eq3A_145 : i32
    %convert_element_type3A_147 = arith.extui %eq3A_146 : i1 to i32
    %cond3A_148 = arith.constant 0 : i32
    %cond3A_149 = arith.cmpi ne, %convert_element_type3A_147, %cond3A_148 : i32
    scf.if %cond3A_149 {
      %get3A_150 = arith.constant 0 : index
      %get3A_151 = arith.constant 0 : index
      %get3A_152 = vector.load %arg13[%get3A_150, %get3A_151] : memref<128x256xf32, #tpu.memory_space<vmem>>, vector<128x256xf32>
      %convert_element_type3A_153 = arith.fptosi %get3A_152 : vector<128x256xf32> to vector<128x256xi32>
      %slice3A = vector.extract_strided_slice %convert_element_type3A_153 {offsets = [0, 0], sizes = [128, 128], strides = [1, 1]} : vector<128x256xi32> to vector<128x128xi32>
      %slice3A_154 = vector.extract_strided_slice %convert_element_type3A_153 {offsets = [0, 128], sizes = [128, 128], strides = [1, 1]} : vector<128x256xi32> to vector<128x128xi32>
      %shift_left3A = arith.constant 16 : i32
      %shift_left3A_155 = vector.broadcast %shift_left3A : i32 to vector<128x128xi32>
      %shift_left3A_156 = arith.shli %slice3A_154, %shift_left3A_155 : vector<128x128xi32>
      %add3A_157 = arith.addi %slice3A, %shift_left3A_156 : vector<128x128xi32>
      %swap3A_158 = arith.constant 0 : index
      %swap3A_159 = arith.constant 0 : index
      %swap3A_160 = arith.constant 0 : index
      %swap3A_161 = vector.load %arg10[%swap3A_158, %swap3A_159, %swap3A_160] : memref<1x128x128xi32, #tpu.memory_space<vmem>>, vector<1x128x128xi32>
      %swap3A_162 = vector.shape_cast %swap3A_161 : vector<1x128x128xi32> to vector<128x128xi32>
      %swap3A_163 = vector.shape_cast %add3A_157 : vector<128x128xi32> to vector<1x128x128xi32>
      tpu.vector_store %arg10[%swap3A_158, %swap3A_159, %swap3A_160], %swap3A_163 {strides = array<i32>} : memref<1x128x128xi32, #tpu.memory_space<vmem>>, vector<1x128x128xi32>,
      %get3A_164 = arith.constant 0 : index
      %get3A_165 = arith.constant 0 : index
      %get3A_166 = vector.load %arg14[%get3A_164, %get3A_165] : memref<128x256xf32, #tpu.memory_space<vmem>>, vector<128x256xf32>
      %convert_element_type3A_167 = arith.fptosi %get3A_166 : vector<128x256xf32> to vector<128x256xi32>
      %slice3A_168 = vector.extract_strided_slice %convert_element_type3A_167 {offsets = [0, 0], sizes = [128, 128], strides = [1, 1]} : vector<128x256xi32> to vector<128x128xi32>
      %slice3A_169 = vector.extract_strided_slice %convert_element_type3A_167 {offsets = [0, 128], sizes = [128, 128], strides = [1, 1]} : vector<128x256xi32> to vector<128x128xi32>
      %shift_left3A_170 = arith.constant 16 : i32
      %shift_left3A_171 = vector.broadcast %shift_left3A_170 : i32 to vector<128x128xi32>
      %shift_left3A_172 = arith.shli %slice3A_169, %shift_left3A_171 : vector<128x128xi32>
      %add3A_173 = arith.addi %slice3A_168, %shift_left3A_172 : vector<128x128xi32>
      %swap3A_174 = arith.constant 0 : index
      %swap3A_175 = arith.constant 0 : index
      %swap3A_176 = arith.constant 0 : index
      %swap3A_177 = vector.load %arg11[%swap3A_174, %swap3A_175, %swap3A_176] : memref<1x128x128xi32, #tpu.memory_space<vmem>>, vector<1x128x128xi32>
      %swap3A_178 = vector.shape_cast %swap3A_177 : vector<1x128x128xi32> to vector<128x128xi32>
      %swap3A_179 = vector.shape_cast %add3A_173 : vector<128x128xi32> to vector<1x128x128xi32>
      tpu.vector_store %arg11[%swap3A_174, %swap3A_175, %swap3A_176], %swap3A_179 {strides = array<i32>} : memref<1x128x128xi32, #tpu.memory_space<vmem>>, vector<1x128x128xi32>,
      %get3A_180 = arith.constant 0 : index
      %get3A_181 = arith.constant 0 : index
      %get3A_182 = vector.load %arg15[%get3A_180, %get3A_181] : memref<128x256xf32, #tpu.memory_space<vmem>>, vector<128x256xf32>
      %convert_element_type3A_183 = arith.fptosi %get3A_182 : vector<128x256xf32> to vector<128x256xi32>
      %slice3A_184 = vector.extract_strided_slice %convert_element_type3A_183 {offsets = [0, 0], sizes = [128, 128], strides = [1, 1]} : vector<128x256xi32> to vector<128x128xi32>
      %slice3A_185 = vector.extract_strided_slice %convert_element_type3A_183 {offsets = [0, 128], sizes = [128, 128], strides = [1, 1]} : vector<128x256xi32> to vector<128x128xi32>
      %shift_left3A_186 = arith.constant 16 : i32
      %shift_left3A_187 = vector.broadcast %shift_left3A_186 : i32 to vector<128x128xi32>
      %shift_left3A_188 = arith.shli %slice3A_185, %shift_left3A_187 : vector<128x128xi32>
      %add3A_189 = arith.addi %slice3A_184, %shift_left3A_188 : vector<128x128xi32>
      %swap3A_190 = arith.constant 0 : index
      %swap3A_191 = arith.constant 0 : index
      %swap3A_192 = arith.constant 0 : index
      %swap3A_193 = vector.load %arg12[%swap3A_190, %swap3A_191, %swap3A_192] : memref<1x128x128xi32, #tpu.memory_space<vmem>>, vector<1x128x128xi32>
      %swap3A_194 = vector.shape_cast %swap3A_193 : vector<1x128x128xi32> to vector<128x128xi32>
      %swap3A_195 = vector.shape_cast %add3A_189 : vector<128x128xi32> to vector<1x128x128xi32>
      tpu.vector_store %arg12[%swap3A_190, %swap3A_191, %swap3A_192], %swap3A_195 {strides = array<i32>} : memref<1x128x128xi32, #tpu.memory_space<vmem>>, vector<1x128x128xi32>,
    } else {
    }
    return
  }
  func.func @transform_0(%arg0: i32, %arg1: i32, %arg2: i32) -> (i32, i32, i32) {
    %c0_i32 = arith.constant 0 : i32
    %c0_i32_0 = arith.constant 0 : i32
    return %arg0, %c0_i32, %arg2 : i32, i32, i32
  }
  func.func @transform_1(%arg0: i32, %arg1: i32, %arg2: i32) -> (i32, i32, i32) {
    %c0_i32 = arith.constant 0 : i32
    %c0_i32_0 = arith.constant 0 : i32
    return %arg0, %c0_i32, %arg2 : i32, i32, i32
  }
  func.func @transform_2(%arg0: i32, %arg1: i32, %arg2: i32) -> (i32, i32, i32) {
    %c0_i32 = arith.constant 0 : i32
    %c0_i32_0 = arith.constant 0 : i32
    return %arg0, %c0_i32, %arg2 : i32, i32, i32
  }
  func.func @transform_3(%arg0: i32, %arg1: i32, %arg2: i32) -> (i32, i32, i32) {
    %c0_i32 = arith.constant 0 : i32
    %c0_i32_0 = arith.constant 0 : i32
    return %arg0, %c0_i32, %arg1 : i32, i32, i32
  }
  func.func @transform_4(%arg0: i32, %arg1: i32, %arg2: i32) -> (i32, i32, i32) {
    %c0_i32 = arith.constant 0 : i32
    %c0_i32_0 = arith.constant 0 : i32
    return %arg0, %c0_i32, %arg1 : i32, i32, i32
  }
  func.func @transform_5(%arg0: i32, %arg1: i32, %arg2: i32) -> (i32, i32, i32) {
    %c0_i32 = arith.constant 0 : i32
    %c0_i32_0 = arith.constant 0 : i32
    return %arg0, %c0_i32, %arg1 : i32, i32, i32
  }
  func.func @transform_6(%arg0: i32, %arg1: i32, %arg2: i32) -> (i32, i32) {
    %c0_i32 = arith.constant 0 : i32
    %c0_i32_0 = arith.constant 0 : i32
    return %arg2, %c0_i32 : i32, i32
  }
  func.func @transform_7(%arg0: i32, %arg1: i32, %arg2: i32) -> (i32, i32, i32) {
    %c0_i32 = arith.constant 0 : i32
    %c0_i32_0 = arith.constant 0 : i32
    return %arg0, %arg1, %c0_i32 : i32, i32, i32
  }
  func.func @transform_8(%arg0: i32, %arg1: i32, %arg2: i32) -> (i32, i32, i32) {
    %c0_i32 = arith.constant 0 : i32
    %c0_i32_0 = arith.constant 0 : i32
    return %arg0, %arg1, %c0_i32 : i32, i32, i32
  }
  func.func @transform_9(%arg0: i32, %arg1: i32, %arg2: i32) -> (i32, i32, i32) {
    %c0_i32 = arith.constant 0 : i32
    %c0_i32_0 = arith.constant 0 : i32
    return %arg0, %arg1, %c0_i32 : i32, i32, i32
  }
}

</mosaic_0001>

<sc_bundles>
// kernel: kernel.6.cloned.1.call-start
scs
__scs_entry_jumppad:
0x0: {  	(pc) =	sbr.rel $0x88, $3  }
0x1: {  	(tag) =	ssettag $0x0;
	lr =	simm.s32 $0x1  }
0x2: {  	[smem:$0x3F8D] =	sst lr;
	_ =	strace $0xD0000000  }
0x3: {  	_ = 	snop  }
0x4: {  	_ = 	snop  }
0x5: {  	_ = 	snop  }
0x6: {  	_ = 	snop  }
0x7: {  	_ = 	snop  }
__scs_overlays_trampoline_lowered:
0x8: {  	[smem:$0x3F9C] =	sst s0  }
0x9: {  	[smem:$0x3F9D] =	sst s1  }
0xa: {  	[smem:$0x3F9E] =	sst s2  }
0xb: {  	[smem:$0x3F9F] =	sst s3  }
0xc: {  	[smem:$0x3FA0] =	sst s4  }
0xd: {  	[smem:$0x3FA1] =	sst s5  }
0xe: {  	[smem:$0x3FA2] =	sst s6  }
0xf: {  	[smem:$0x3FA3] =	sst s7  }
0x10: {  	[smem:$0x3FA4] =	sst s8  }
0x11: {  	[smem:$0x3FA5] =	sst s9;
	s0 =	simm.s32 @!p0 $0x0  }
0x12: {  	s1 =	sld [smem:$0x3F8B];
	s0 =	simm.s32 @p0 $0x1  }
0x13: {  	[smem:$0x3FA6] =	sst s0;
	s0 =	simm.s32 @!p1 $0x0  }
0x14: {  	s2 =	sld [smem:$0x3F8A];
	s0 =	simm.s32 @p1 $0x1  }
0x15: {  	[smem:$0x3FA7] =	sst s0;
	s0 =	simm.s32 @!p2 $0x0  }
0x16: {  	s3 =	sld [smem:$0x3FDB];
	s0 =	simm.s32 @p2 $0x1  }
0x17: {  	s4 =	simm.s32 $0x1BF5;
	[smem:$0x3FA9] =	sst s0  }
0x18: {  	s0 =	sld [smem:$0x3F8C];
	_ =	swait.ge [sflag:s4], $0x0  }
0x19: {  	s7 =	sld [smem:$0x3F8D]  }
0x1a: {  	s8 =	sadd.s32 $0xFFFFE003, lr  }
0x1b: {  	s9 =	sadd.s32 $0xFFFFFEF7, lr;
	s5 =	simm.s32 $0xFFFFFFFF;
	p2 =	slt.u32 s8, $0xFFFFF086  }
0x1c: {  	p1 =	slt.u32 s9, $0xF7A;
	s5 =	simm.s32 @!p2 $0x0  }
0x1d: {  	s5 =	simm.s32 @p1 $0x1;
	p0 =	seq.s32 s7, s2  }
0x1e: {  	s7 =	smul.u32 @!p0 $0xF7A, s2;
	p2 =	seq.s32 @!p0 s5, $0x0  }
0x1f: {  	s9 =	smul.u32 $0xF7A, s1;
	s8 =	simm.s32 @!p0 $0x1BF5;
	p2 =	por !p2, p0  }
0x20: {  	[sflag:s8] =	ssyncset.s32 @!p0 $0xFFFFF086;
	s6 =	sadd.s32 @!p0 s3, s7;
	s7 =	simm.s32 @!p0 $0x108  }
0x21: {  	s3 =	sadd.s32 s3, s9;
	s6 =	sadd.s32 @!p0 $0x88, s6;
	s7 =	simm.s32 @p2 $0x1082  }
0x22: {  	[simem:s7], [sflag:s8] =	dma.local @!p0 [hbm:s6], $0xF7A  }
0x23: {  	s9 =	sor.u32 $0xD0000000, s2;
	s6 =	simm.s32 $0x108;
	_ =	swait.ge @!p0 [sflag:s8], $0x0  }
0x24: {  	s3 =	sadd.s32 $0x88, s3;
	s6 =	simm.s32 @!p1 $0x1082;
	[sflag:s4] =	ssyncset.s32 $0xFFFFF086  }
0x25: {  	[simem:s6], [sflag:s4] =	dma.local [hbm:s3], $0xF7A  }
0x26: {  	[smem:$0x3F8D] =	sst s1;
	(tag) =	ssettag s2;
	_ =	strace s9  }
0x27: {  	s1 =	sld [smem:$0x3F9D]  }
0x28: {  	s2 =	sld [smem:$0x3F9E]  }
0x29: {  	s4 =	sld [smem:$0x3FA0]  }
0x2a: {  	p0 =	seq.s32 s5, $0x0;
	s5 =	sld [smem:$0x3FA1]  }
0x2b: {  	s6 =	sld [smem:$0x3FA2]  }
0x2c: {  	s7 =	sld [smem:$0x3FA3]  }
0x2d: {  	s3 =	simm.s32 $0x108;
	s8 =	sld [smem:$0x3FA4]  }
0x2e: {  	s3 =	simm.s32 @!p0 $0x1082;
	s9 =	sld [smem:$0x3FA5]  }
0x2f: {  	lr =	sadd.s32 s0, s3;
	s0 =	sld [smem:$0x3F9C]  }
0x30: {  	s3 =	sld [smem:$0x3F9F]  }
0x31: {  	[smem:$0x3FA8] =	sst s10  }
0x32: {  	s10 =	sld [smem:$0x3FA6];
	_ =	sdelay $0x3  }
0x33: {  	p0 =	seq.s32 s10, $0x1;
	s10 =	sld [smem:$0x3FA8];
	_ =	sdelay $0x3  }
0x34: {  	[smem:$0x3FA8] =	sst s10  }
0x35: {  	s10 =	sld [smem:$0x3FA7];
	_ =	sdelay $0x3  }
0x36: {  	p1 =	seq.s32 s10, $0x1;
	s10 =	sld [smem:$0x3FA8];
	_ =	sdelay $0x3  }
0x37: {  	[smem:$0x3FA8] =	sst s10  }
0x38: {  	s10 =	sld [smem:$0x3FA9]  }
0x39: {  	_ = 	snop;
	(pc) =	sbr.ind lr, $3  }
0x3a: {  	_ = 	snop  }
0x3b: {  	_ = 	snop  }
0x3c: {  	p2 =	seq.s32 s10, $0x1;
	s10 =	sld [smem:$0x3FA8]  }
0x3d: {  	_ =	shalt  }
0x3e: {  	_ =	shalt  }
0x3f: {  	_ =	shalt  }
0x40: {  	_ =	shalt  }
0x41: {  	_ =	shalt  }
0x42: {  	_ =	shalt  }
0x43: {  	_ =	shalt  }
0x44: {  	_ =	shalt  }
0x45: {  	_ =	shalt  }
0x46: {  	_ =	shalt  }
0x47: {  	_ =	shalt  }
0x48: {  	_ =	shalt  }
0x49: {  	_ =	shalt  }
0x4a: {  	_ =	shalt  }
0x4b: {  	_ =	shalt  }
0x4c: {  	_ =	shalt  }
0x4d: {  	_ =	shalt  }
0x4e: {  	_ =	shalt  }
0x4f: {  	_ =	shalt  }
0x50: {  	_ =	shalt  }
0x51: {  	_ =	shalt  }
0x52: {  	_ =	shalt  }
0x53: {  	_ =	shalt  }
0x54: {  	_ =	shalt  }
0x55: {  	_ =	shalt  }
0x56: {  	_ =	shalt  }
0x57: {  	_ =	shalt  }
0x58: {  	_ =	shalt  }
0x59: {  	_ =	shalt  }
0x5a: {  	_ =	shalt  }
0x5b: {  	_ =	shalt  }
0x5c: {  	_ =	shalt  }
0x5d: {  	_ =	shalt  }
0x5e: {  	_ =	shalt  }
0x5f: {  	_ =	shalt  }
0x60: {  	_ =	shalt  }
0x61: {  	_ =	shalt  }
0x62: {  	_ =	shalt  }
0x63: {  	_ =	shalt  }
0x64: {  	_ =	shalt  }
0x65: {  	_ =	shalt  }
0x66: {  	_ =	shalt  }
0x67: {  	_ =	shalt  }
0x68: {  	_ =	shalt  }
0x69: {  	_ =	shalt  }
0x6a: {  	_ =	shalt  }
0x6b: {  	_ =	shalt  }
0x6c: {  	_ =	shalt  }
0x6d: {  	_ =	shalt  }
0x6e: {  	_ =	shalt  }
0x6f: {  	_ =	shalt  }
0x70: {  	_ =	shalt  }
0x71: {  	_ =	shalt  }
0x72: {  	_ =	shalt  }
0x73: {  	_ =	shalt  }
0x74: {  	_ =	shalt  }
0x75: {  	_ =	shalt  }
0x76: {  	_ =	shalt  }
0x77: {  	_ =	shalt  }
0x78: {  	_ =	shalt  }
0x79: {  	_ =	shalt  }
0x7a: {  	_ =	shalt  }
0x7b: {  	_ =	shalt  }
0x7c: {  	_ =	shalt  }
0x7d: {  	_ =	shalt  }
0x7e: {  	_ =	shalt  }
0x7f: {  	_ =	shalt  }
0x80: {  	_ =	shalt  }
0x81: {  	_ =	shalt  }
0x82: {  	_ =	shalt  }
0x83: {  	_ =	shalt  }
0x84: {  	_ =	shalt  }
0x85: {  	_ =	shalt  }
0x86: {  	_ =	shalt  }
0x87: {  	_ =	shalt  }
.Lfunc_end0:
.L_simem_size_0:
called_computation_lowered:
.L_overlay_start_0:
0x88: {  	s2 =	sld [smem:$0x3FD9]  }
0x89: {  	s3 =	sld [smem:$0x3FFE];
	_ =	sdelay $0x1  }
0x8a: {  	s1 =	srdreg.scid  }
0x8b: {  	s0 =	sand.u32 $0x1, s1  }
0x8c: {  	s16 =	sshll.u32 s0, $0xA;
	s2 =	sadd.s32 s3, s2  }
0x8d: {  	s2 =	sadd.s32 s2, s16  }
0x8e: {  	[smem:$0x3FB4] =	sst s2  }
0x8f: {  	_ = 	snop  }
0x90: {  	(tm) =	ssettm $0x1  }
0x91: {  	s17 =	sld [smem:$0x3FFB];
	_ =	sdelay $0x3  }
0x92: {  	_ =	strace s17  }
0x93: {  	s2 =	sld [smem:$0x3FFC];
	_ =	sdelay $0x3  }
0x94: {  	_ =	strace s2  }
0x95: {  	s2 =	sld [smem:$0x3FFD];
	_ =	sdelay $0x3  }
0x96: {  	_ =	strace s2  }
0x97: {  	_ =	strace $0x8FFFFFFF  }
0x98: {  	s18 =	sld [smem:$0x3FDB];
	_ =	sdelay $0x1  }
0x99: {  	s19 =	simm.s32 $_scs_section_size  }
0x9a: {  	s4 =	simm.s32 $_size__tile_overlayer_lowered;
	s5 =	simm.s32 $_tile_overlayer_lowered  }
0x9b: {  	s22 =	simm.s32 $0x1BFF;
	s21 =	sshll.u32 s5, $0x1;
	s2 =	sadd.s32 s19, s18  }
0x9c: {  	s6 =	simm.s32 $0x0;
	s20 =	sshll.u32 s4, $0x1;
	s4 =	sadd.s32 s21, s2  }
0x9d: {  	[timem:s6], [sflag:s22] =	dma.local [hbm:s4], s20  }
0x9e: {  	_ =	swait.ge [sflag:s22], s20  }
0x9f: {  	s3 =	ssub.s32 $0x0, s20;
	[sflag:s22] =	ssyncset.done $0x0  }
0xa0: {  	[sflag:s22] =	ssyncadd.s32 s3;
	_ =	sdelay $0x1  }
0xa1: {  	s23 =	simm.s32 $0x1B8B  }
0xa2: {  	_ =	swait.ge [sflag:s23], $0x1  }
0xa3: {  	[sflag:s23] =	ssyncset.done $0x0  }
0xa4: {  	s25 =	simm.s32 $0x1B8E;
	s24 =	sld [smem:$0x3FFE];
	[sflag:s23] =	ssyncadd.s32 $0xFFFFFFFF  }
0xa5: {  	s26 =	simm.s32 $execute0_lowered;
	[smem:$0x3FD2] =	sst s25  }
0xa6: {  	s4 =	sshll.u32 s26, $0x1;
	_ =	strace $0x80000046;
	[dreg:$0x1] =	wrdreg $0xFFFFFFFF  }
0xa7: {  	s28 =	simm.s32 $_size_execute0_lowered;
	s2 =	sadd.s32 s2, s4;
	[dreg:$0x0] =	wrdreg $0x0  }
0xa8: {  	s4 =	sshll.u32 s28, $0x1;
	[dreg:$0x2] =	wrdreg s2  }
0xa9: {  	[dreg:$0x3] =	wrdreg s4  }
0xaa: {  	[dreg:$0x4] =	wrdreg $0xC0  }
0xab: {  	_ =	task [dreg:s6], $0x5FFFF  }
0xac: {  	[dreg:$0x1] =	wrdreg $0xFFFFFFFF  }
0xad: {  	[dreg:$0x0] =	wrdreg $0x60  }
0xae: {  	[dreg:$0x2] =	wrdreg s24  }
0xaf: {  	[dreg:$0x3] =	wrdreg $0x9  }
0xb0: {  	_ =	task.clear_ibuf [dreg:s6], $0x4FFFF;
	_ =	strace $0x90000046  }
0xb1: {  	s29 =	simm.s32 $0x9;
	_ =	strace $0x80000048  }
0xb2: {  	_ =	swait.ge [sflag:s29], $0x1  }
0xb3: {  	[sflag:s29] =	ssyncadd.s32 $0xFFFFFFFF  }
0xb4: {  	_ =	strace $0x90000048  }
0xb5: {  	_ =	sfence  }
0xb6: {  	s30 =	sld [smem:$0x0];
	_ =	sdelay $0x2  }
0xb7: {  	s31 =	sshll.u32 s1, $0xD;
	s1 =	sshrl.u32 s1, $0x2  }
0xb8: {  	s3 =	sand.u32 $0x4000, s31;
	s1 =	sadd.s32 s1, s30  }
0xb9: {  	s0 =	sor.u32 s3, s0;
	s1 =	sshll.u32 s1, $0x11  }
0xba: {  	s0 =	sor.u32 s1, s0  }
0xbb: {  	s0 =	sadd.s32 $0x8F2B, s0  }
0xbc: {  	[sflag:s0] =	ssyncadd.remote.s32 $0x1  }
0xbd: {  	_ =	sfence.sel $0xFFFF  }
0xbe: {  	[dreg:$0x0] =	wrdreg $0xFFFFFFFF;
	(pc) =	sbr.abs _section_cstart, $3  }
0xbf: {  	[dreg:$0x1] =	wrdreg $0xFFFFFFFF  }
0xc0: {  	_ =	task.clear_ibuf [dreg:s6], $0x2FFFF;
	_ =	strace $0x9FFFFFFF  }
0xc1: {  	(tm) =	ssettm $0x7FFFFFFF  }
tec
execute0_lowered:
.L_overlay_start_1:
0x0: {  	(tag) =	ssettag $0x1  }
0x1: {  	s0 =	rddreg [dreg:$0x0];
	s1 =	simm.s32 $0x0;
	s5 =	srdreg.scid  }
0x2: {  	s8 =	stileid.u32;
	s29 =	simm.s32 $0x1;
	s30 =	simm.s32 $0x800  }
0x3: {  	s31 =	simm.s32 $0x1000;
	[smem:$0x7FF] =	sst s1;
	s16 =	sadd.s32 $0x5400, s0  }
0x4: {  	s2 =	sadd.s32 $0xD400, s0;
	s3 =	sadd.s32 $0x15400, s0;
	s4 =	sadd.s32 $0x1D400, s0  }
0x5: {  	s6 =	sadd.s32 $0x25400, s0;
	s5 =	sand.u32 $0x1, s5;
	s8 =	sshll.u32 s8, $0xB  }
0x6: {  	s0 =	sadd.s32 $0x2D400, s0;
	s7 =	ssub.s32 $0x2, s5;
	s5 =	sshll.u32 s5, $0xA  }
0x7: {  	s1 =	simm.s32 $0x0;
	s9 =	sshrl.u32 s7, $0x1;
	s5 =	sor.u32 s5, s8  }
0x8: {  	s18 =	ssub.s32 s7, s9;
	s17 =	sadd.s32 s16, s5;
	s22 =	sor.u32 $0x100, s5  }
0x9: {  	s19 =	sadd.s32 s4, s5;
	s24 =	sor.u32 $0x200, s5;
	s26 =	sor.u32 $0x300, s5  }
0xa: {  	s10 =	sadd.s32 s2, s5;
	s11 =	sadd.s32 s6, s5;
	[dreg:$0x2] =	wrdreg s17  }
0xb: {  	[dreg:$0x3] =	wrdreg s19;
	s20 =	sadd.s32 s16, s22;
	s21 =	sadd.s32 s4, s22  }
0xc: {  	s23 =	sadd.s32 s16, s24;
	s25 =	sadd.s32 s4, s24;
	s8 =	sadd.s32 s16, s26  }
0xd: {  	s9 =	sadd.s32 s4, s26;
	s12 =	sadd.s32 s2, s22;
	s13 =	sadd.s32 s6, s22  }
0xe: {  	s14 =	sadd.s32 s2, s24;
	s15 =	sadd.s32 s6, s24;
	[dreg:$0x4] =	wrdreg s20  }
0xf: {  	s16 =	sadd.s32 s2, s26;
	s17 =	sadd.s32 s6, s26;
	[dreg:$0x5] =	wrdreg s21  }
.Ltmp0:
0x10: {  	s19 =	sadd.s32 s3, s5;
	[dreg:$0x6] =	wrdreg s23;
	(pc) =	sbr.rel .LBB2_1-.Ltmp0, $4  }
0x11: {  	s28 =	smax.u32 s18, $0x1;
	s18 =	simm.s32 $0x1800;
	[dreg:$0x7] =	wrdreg s25  }
0x12: {  	s20 =	sadd.s32 s0, s5;
	s21 =	sadd.s32 s3, s22;
	s22 =	sadd.s32 s0, s22  }
0x13: {  	v0 =	vlaneseq.u32;
	s23 =	sadd.s32 s3, s24;
	s24 =	sadd.s32 s0, s24;
	s25 =	sadd.s32 s3, s26  }
0x14: {  	v2 =	vimm.s32 $0x0;
	v3 =	vimm.f32 $0.0e+00;
	v1 =	vmul.u32 $0x20, v0;
	s26 =	sadd.s32 s0, s26;
	s0 =	simm.s32 $0x0;
	_ =	strace $0x80000047  }
.LBB2_109:
0x15: {  	s1 =	sadd.s32 $0x1, s1  }
0x16: {  	p0 =	sne.s32 s1, s28  }
.Ltmp1:
0x17: {  	s0 =	simm.s32 $0x0;
	(pc) =	sbr.rel @!p0 .LBB2_110-.Ltmp1, $4  }
0x18: {  	[hbm4b:s26+s0] =	stream.linear.scatter [tilespmem:s18], [sflag:$0x1], $0x800, $0x38;
	[tilespmem:$0x2000] =	vst v63  }
0x19: {  	_ =	swait.ge [sflag:s29], $0x800  }
0x1a: {  	[sflag:s29] =	ssyncset.done $0x0  }
0x1b: {  	[sflag:s29] =	ssyncadd.s32 $0xFFFFF800  }
.LBB2_1:
.Ltmp2:
0x1c: {  	s2 =	rddreg [dreg:$0x2];
	(pc) =	sbr.rel .LBB2_2-.Ltmp2, $4  }
0x1d: {  	[tilespmem:s0], [sflag:$0x1] =	stream.linear.gather [hbm4b:s2+s0], $0x800, $0x38;
	[tilespmem:$0x2000] =	vst v63  }
0x1e: {  	_ =	swait.ge [sflag:s29], $0x800  }
0x1f: {  	[sflag:s29] =	ssyncset.done $0x0  }
0x20: {  	s0 =	simm.s32 $0x0;
	[sflag:s29] =	ssyncadd.s32 $0xFFFFF800  }
.LBB2_9:
0x21: {  	_ =	sdelay $0x3  }
0x22: {  	v4 =	vld.idx.msk [tilespmem:v4+s30+$0x0], $0xffff;
	_ =	sdelay $0x2  }
0x23: {  	p0 =	sgt.s32 s4, $0x0;
	s3 =	simm.s32 $0x1  }
0x24: {  	s3 =	simm.s32 @!p0 $0x0  }
0x25: {  	v5 =	vld [tilespmem:s2+$0x800];
	s0 =	sadd.s32 $0x1, s0;
	v4 =	vmul.u32 s3, v4;
	s3 =	simm.s32 $0x0  }
0x26: {  	p1 =	slt.s32 s4, $0x10;
	s3 =	simm.s32 @!p0 $0xFFF;
	p0 =	sne.s32 s0, $0x10  }
.Ltmp3:
0x27: {  	s4 =	simm.s32 @!p1 $0x10;
	(pc) =	sbr.rel @!p0 .LBB2_10-.Ltmp3, $4  }
0x28: {  	v6 =	vmov s4  }
0x29: {  	vm0 =	vgt.s32 v6, v0;
	v4 =	vadd.s32 s3, v4  }
0x2a: {  	v4 =	vsel vm0, v5, v4  }
0x2b: {  	[tilespmem:s2+$0x800] =	vst v4  }
.LBB2_2:
.Ltmp4:
0x2c: {  	(pc) =	sbr.rel .LBB2_3-.Ltmp4, $4  }
0x2d: {  	v4 =	vmov s0  }
0x2e: {  	s2 =	sshll.u32 s0, $0x9;
	v4 =	vshll.u32 v4, $0x7  }
0x2f: {  	s2 =	sshrl.u32 s2, $0x2;
	v4 =	vbroadcast v4, $0x0  }
0x30: {  	s4 =	simm.s32 $0x0;
	s3 =	simm.s32 $0x0;
	v5 =	vmov s2  }
.LBB2_4:
0x31: {  	s5 =	smov.u32 @p0 s4  }
0x32: {  	s4 =	smov.u32 s5  }
.LBB2_8:
0x33: {  	s3 =	sadd.s32 $0x1, s3  }
0x34: {  	p0 =	sne.s32 s3, $0x8  }
.Ltmp5:
0x35: {  	_ = 	snop;
	(pc) =	sbr.rel @!p0 .LBB2_9-.Ltmp5, $1  }
0x36: {  	_ =	sdelay $0x3  }
.LBB2_3:
0x37: {  	_ =	sdelay $0x1  }
0x38: {  	p0 =	sgt.s32 s4, $0xF  }
0x39: {  	s6 =	sshll.u32 @!p0 s3, $0x4  }
0x3a: {  	v7 =	vld.idx.msk @!p0 [tilespmem:v5+s6+$0x0 ss:$0x1], $0xffff;
	_ =	sdelay $0x4  }
0x3b: {  	v6 =	vpcnt @!p0 v7  }
0x3c: {  	(xrf0) =	vadd.scan.msk.s32 @!p0 $0xffff, v6;
	_ =	sdelay $0x5  }
0x3d: {  	v6 =	vsub.s32 @!p0 s4, v6;
	v8, _, _ =	vpop @!p0 (xrf0)  }
0x3e: {  	v6 =	vadd.s32 @!p0 v8, v6  }
0x3f: {  	vm0 =	vlt.s32 @!p0 v6, $0x10  }
0x40: {  	v7 =	vnsel @!p0 vm0, $0x0, v7  }
0x41: {  	v9 =	vimm.f32 @!p0 $0.0e+00;
	v8 =	vxor.u32 @!p0 $0x80000000, v8;
	vm0 =	vne.s32 @!p0 v7, $0x0  }
0x42: {  	(xrf0) =	vmax.scan.msk.u32 @!p0 $0xffff, v8;
	v8 =	vsel @!p0 vm0, $0x3F800000, v9  }
0x43: {  	(xrf0) =	vmax.scan.msk.f32 @!p0 $0xffff, v8;
	_ =	sdelay $0x4  }
0x44: {  	v8, _, _ =	vpop @!p0 (xrf0)  }
0x45: {  	(v2sf) =	vpush @!p0 v8, $0xF;
	v8, _, _ =	vpop @!p0 (xrf0)  }
0x46: {  	(v2sf) =	vpush @!p0 v8, $0xF;
	_ =	sdelay $0xd  }
0x47: {  	s5 =	spop @!p0 (v2sf)  }
0x48: {  	s7 =	spop @!p0 (v2sf)  }
0x49: {  	p1 =	sgt.f32 @!p0 s7, $0.0e+00;
	_ =	sdelay $0x1  }
0x4a: {  	p1 =	por p0, !p1  }
.Ltmp6:
0x4b: {  	_ = 	snop;
	(pc) =	sbr.rel @p1 .LBB2_4-.Ltmp6, $3  }
0x4c: {  	_ =	sdelay $0x1  }
0x4d: {  	s5 =	sadd.s32 @!p0 s5, s4  }
0x4e: {  	s5 =	sadd.s32 @!p0 $0x80000000, s5  }
0x4f: {  	v8 =	vmov s6  }
0x50: {  	v8 =	vshll.u32 v8, $0x5  }
0x51: {  	v8 =	vor.u32 v1, v8  }
0x52: {  	v8 =	vadd.s32 $0xFFFFFF81, v8  }
.LBB2_6:
0x53: {  	vm1 =	vlt.s32 v6, $0xF  }
0x54: {  	v9 =	vnsel vm1, $0xF, v6  }
0x55: {  	v10 =	vsub.s32 $0x0, v7;
	v11 =	vand.u32 $0xFFFFFF80, v9  }
0x56: {  	v10 =	vand.u32 v10, v7;
	v9 =	vand.u32 $0x7F, v9;
	v11 =	vadd.s32 v4, v11  }
0x57: {  	v10 =	vcvt.s32.f32 v10;
	v9 =	vor.u32 v9, v11  }
0x58: {  	v11 =	vsel vm0, $0x1, v2  }
0x59: {  	v10 =	vand.u32 $0x7FFFFFFF, v10;
	v6 =	vadd.s32 v11, v6;
	v11 =	vadd.s32 $0xFFFFFFFF, v7  }
0x5a: {  	v10 =	vshrl.u32 v10, $0x17;
	v7 =	vand.u32 v7, v11;
	vm1 =	vlt.s32 v6, $0x10  }
0x5b: {  	v10 =	vadd.s32 v10, v8;
	v7 =	vnsel vm1, $0x0, v7  }
0x5c: {  	[tilespmem:v9+s30+$0x0] =	vst.idx.msk vm0, v10;
	vm0 =	vne.s32 v7, $0x0  }
0x5d: {  	v9 =	vsel vm0, $0x3F800000, v3  }
0x5e: {  	(xrf0) =	vmax.scan.msk.f32 $0xffff, v9;
	_ =	sdelay $0x5  }
0x5f: {  	v9, _, _ =	vpop (xrf0)  }
0x60: {  	(v2sf) =	vpush v9, $0xF;
	_ =	sdelay $0xe  }
0x61: {  	s4 =	spop (v2sf)  }
0x62: {  	p0 =	sgt.f32 s4, $0.0e+00  }
.Ltmp7:
0x63: {  	_ = 	snop;
	(pc) =	sbr.rel @p0 .LBB2_6-.Ltmp7, $1  }
0x64: {  	_ =	sdelay $0x3  }
.Ltmp8:
0x65: {  	(pc) =	sbr.rel .LBB2_8-.Ltmp8, $2  }
0x66: {  	_ =	sdelay $0x2  }
0x67: {  	s4 =	smov.u32 s5  }
.LBB2_10:
0x68: {  	s0 =	simm.s32 $0x0;
	s2 =	rddreg [dreg:$0x3]  }
0x69: {  	[hbm4b:s2+s0] =	stream.linear.scatter [tilespmem:s30], [sflag:$0x1], $0x800, $0x38;
	[tilespmem:$0x2000] =	vst v63  }
0x6a: {  	_ =	swait.ge [sflag:s29], $0x800  }
0x6b: {  	[sflag:s29] =	ssyncset.done $0x0  }
.Ltmp9:
0x6c: {  	s7 =	rddreg [dreg:$0x4];
	[sflag:s29] =	ssyncadd.s32 $0xFFFFF800;
	(pc) =	sbr.rel .LBB2_11-.Ltmp9, $4  }
0x6d: {  	[tilespmem:s0], [sflag:$0x1] =	stream.linear.gather [hbm4b:s7+s0], $0x800, $0x38;
	[tilespmem:$0x2000] =	vst v63  }
0x6e: {  	_ =	swait.ge [sflag:s29], $0x800  }
0x6f: {  	[sflag:s29] =	ssyncset.done $0x0  }
0x70: {  	[sflag:s29] =	ssyncadd.s32 $0xFFFFF800  }
.LBB2_18:
0x71: {  	_ =	sdelay $0x3  }
0x72: {  	v4 =	vld.idx.msk [tilespmem:v4+s30+$0x0], $0xffff;
	_ =	sdelay $0x2  }
0x73: {  	p0 =	sgt.s32 s4, $0x0;
	s3 =	simm.s32 $0x1  }
0x74: {  	s3 =	simm.s32 @!p0 $0x0  }
0x75: {  	v5 =	vld [tilespmem:s2+$0x800];
	s0 =	sadd.s32 $0x1, s0;
	v4 =	vmul.u32 s3, v4;
	s3 =	simm.s32 $0x0  }
0x76: {  	p1 =	slt.s32 s4, $0x10;
	s3 =	simm.s32 @!p0 $0xFFF;
	p0 =	sne.s32 s0, $0x10  }
.Ltmp10:
0x77: {  	s4 =	simm.s32 @!p1 $0x10;
	(pc) =	sbr.rel @!p0 .LBB2_19-.Ltmp10, $4  }
0x78: {  	v6 =	vmov s4  }
0x79: {  	vm0 =	vgt.s32 v6, v0;
	v4 =	vadd.s32 s3, v4  }
0x7a: {  	v4 =	vsel vm0, v5, v4  }
0x7b: {  	[tilespmem:s2+$0x800] =	vst v4  }
.LBB2_11:
.Ltmp11:
0x7c: {  	(pc) =	sbr.rel .LBB2_12-.Ltmp11, $4  }
0x7d: {  	v4 =	vmov s0  }
0x7e: {  	s2 =	sshll.u32 s0, $0x9;
	v4 =	vshll.u32 v4, $0x7  }
0x7f: {  	s2 =	sshrl.u32 s2, $0x2;
	v4 =	vbroadcast v4, $0x0  }
0x80: {  	s4 =	simm.s32 $0x0;
	s3 =	simm.s32 $0x0;
	v5 =	vmov s2  }
.LBB2_13:
0x81: {  	s5 =	smov.u32 @p0 s4  }
0x82: {  	s4 =	smov.u32 s5  }
.LBB2_17:
0x83: {  	s3 =	sadd.s32 $0x1, s3  }
0x84: {  	p0 =	sne.s32 s3, $0x8  }
.Ltmp12:
0x85: {  	_ = 	snop;
	(pc) =	sbr.rel @!p0 .LBB2_18-.Ltmp12, $1  }
0x86: {  	_ =	sdelay $0x3  }
.LBB2_12:
0x87: {  	_ =	sdelay $0x1  }
0x88: {  	p0 =	sgt.s32 s4, $0xF  }
0x89: {  	s6 =	sshll.u32 @!p0 s3, $0x4  }
0x8a: {  	v7 =	vld.idx.msk @!p0 [tilespmem:v5+s6+$0x0 ss:$0x1], $0xffff;
	_ =	sdelay $0x4  }
0x8b: {  	v6 =	vpcnt @!p0 v7  }
0x8c: {  	(xrf0) =	vadd.scan.msk.s32 @!p0 $0xffff, v6;
	_ =	sdelay $0x5  }
0x8d: {  	v6 =	vsub.s32 @!p0 s4, v6;
	v8, _, _ =	vpop @!p0 (xrf0)  }
0x8e: {  	v6 =	vadd.s32 @!p0 v8, v6  }
0x8f: {  	vm0 =	vlt.s32 @!p0 v6, $0x10  }
0x90: {  	v7 =	vnsel @!p0 vm0, $0x0, v7  }
0x91: {  	v9 =	vimm.f32 @!p0 $0.0e+00;
	v8 =	vxor.u32 @!p0 $0x80000000, v8;
	vm0 =	vne.s32 @!p0 v7, $0x0  }
0x92: {  	(xrf0) =	vmax.scan.msk.u32 @!p0 $0xffff, v8;
	v8 =	vsel @!p0 vm0, $0x3F800000, v9  }
0x93: {  	(xrf0) =	vmax.scan.msk.f32 @!p0 $0xffff, v8;
	_ =	sdelay $0x4  }
0x94: {  	v8, _, _ =	vpop @!p0 (xrf0)  }
0x95: {  	(v2sf) =	vpush @!p0 v8, $0xF;
	v8, _, _ =	vpop @!p0 (xrf0)  }
0x96: {  	(v2sf) =	vpush @!p0 v8, $0xF;
	_ =	sdelay $0xd  }
0x97: {  	s5 =	spop @!p0 (v2sf)  }
0x98: {  	s7 =	spop @!p0 (v2sf)  }
0x99: {  	p1 =	sgt.f32 @!p0 s7, $0.0e+00;
	_ =	sdelay $0x1  }
0x9a: {  	p1 =	por p0, !p1  }
.Ltmp13:
0x9b: {  	_ = 	snop;
	(pc) =	sbr.rel @p1 .LBB2_13-.Ltmp13, $3  }
0x9c: {  	_ =	sdelay $0x1  }
0x9d: {  	s5 =	sadd.s32 @!p0 s5, s4  }
0x9e: {  	s5 =	sadd.s32 @!p0 $0x80000000, s5  }
0x9f: {  	v8 =	vmov s6  }
0xa0: {  	v8 =	vshll.u32 v8, $0x5  }
0xa1: {  	v8 =	vor.u32 v1, v8  }
0xa2: {  	v8 =	vadd.s32 $0xFFFFFF81, v8  }
.LBB2_15:
0xa3: {  	vm1 =	vlt.s32 v6, $0xF  }
0xa4: {  	v9 =	vnsel vm1, $0xF, v6  }
0xa5: {  	v10 =	vsub.s32 $0x0, v7;
	v11 =	vand.u32 $0xFFFFFF80, v9  }
0xa6: {  	v10 =	vand.u32 v10, v7;
	v9 =	vand.u32 $0x7F, v9;
	v11 =	vadd.s32 v4, v11  }
0xa7: {  	v10 =	vcvt.s32.f32 v10;
	v9 =	vor.u32 v9, v11  }
0xa8: {  	v11 =	vsel vm0, $0x1, v2  }
0xa9: {  	v10 =	vand.u32 $0x7FFFFFFF, v10;
	v6 =	vadd.s32 v11, v6;
	v11 =	vadd.s32 $0xFFFFFFFF, v7  }
0xaa: {  	v10 =	vshrl.u32 v10, $0x17;
	v7 =	vand.u32 v7, v11;
	vm1 =	vlt.s32 v6, $0x10  }
0xab: {  	v10 =	vadd.s32 v10, v8;
	v7 =	vnsel vm1, $0x0, v7  }
0xac: {  	[tilespmem:v9+s30+$0x0] =	vst.idx.msk vm0, v10;
	vm0 =	vne.s32 v7, $0x0  }
0xad: {  	v9 =	vsel vm0, $0x3F800000, v3  }
0xae: {  	(xrf0) =	vmax.scan.msk.f32 $0xffff, v9;
	_ =	sdelay $0x5  }
0xaf: {  	v9, _, _ =	vpop (xrf0)  }
0xb0: {  	(v2sf) =	vpush v9, $0xF;
	_ =	sdelay $0xe  }
0xb1: {  	s4 =	spop (v2sf)  }
0xb2: {  	p0 =	sgt.f32 s4, $0.0e+00  }
.Ltmp14:
0xb3: {  	_ = 	snop;
	(pc) =	sbr.rel @p0 .LBB2_15-.Ltmp14, $1  }
0xb4: {  	_ =	sdelay $0x3  }
.Ltmp15:
0xb5: {  	(pc) =	sbr.rel .LBB2_17-.Ltmp15, $2  }
0xb6: {  	_ =	sdelay $0x2  }
0xb7: {  	s4 =	smov.u32 s5  }
.LBB2_19:
0xb8: {  	s0 =	simm.s32 $0x0;
	s2 =	rddreg [dreg:$0x5]  }
0xb9: {  	[hbm4b:s2+s0] =	stream.linear.scatter [tilespmem:s30], [sflag:$0x1], $0x800, $0x38;
	[tilespmem:$0x2000] =	vst v63  }
0xba: {  	_ =	swait.ge [sflag:s29], $0x800  }
0xbb: {  	[sflag:s29] =	ssyncset.done $0x0  }
.Ltmp16:
0xbc: {  	s7 =	rddreg [dreg:$0x6];
	[sflag:s29] =	ssyncadd.s32 $0xFFFFF800;
	(pc) =	sbr.rel .LBB2_20-.Ltmp16, $4  }
0xbd: {  	[tilespmem:s0], [sflag:$0x1] =	stream.linear.gather [hbm4b:s7+s0], $0x800, $0x38;
	[tilespmem:$0x2000] =	vst v63  }
0xbe: {  	_ =	swait.ge [sflag:s29], $0x800  }
0xbf: {  	[sflag:s29] =	ssyncset.done $0x0  }
0xc0: {  	[sflag:s29] =	ssyncadd.s32 $0xFFFFF800  }
.LBB2_27:
0xc1: {  	_ =	sdelay $0x3  }
0xc2: {  	v4 =	vld.idx.msk [tilespmem:v4+s30+$0x0], $0xffff;
	_ =	sdelay $0x2  }
0xc3: {  	p0 =	sgt.s32 s4, $0x0;
	s3 =	simm.s32 $0x1  }
0xc4: {  	s3 =	simm.s32 @!p0 $0x0  }
0xc5: {  	v5 =	vld [tilespmem:s2+$0x800];
	s0 =	sadd.s32 $0x1, s0;
	v4 =	vmul.u32 s3, v4;
	s3 =	simm.s32 $0x0  }
0xc6: {  	p1 =	slt.s32 s4, $0x10;
	s3 =	simm.s32 @!p0 $0xFFF;
	p0 =	sne.s32 s0, $0x10  }
.Ltmp17:
0xc7: {  	s4 =	simm.s32 @!p1 $0x10;
	(pc) =	sbr.rel @!p0 .LBB2_28-.Ltmp17, $4  }
0xc8: {  	v6 =	vmov s4  }
0xc9: {  	vm0 =	vgt.s32 v6, v0;
	v4 =	vadd.s32 s3, v4  }
0xca: {  	v4 =	vsel vm0, v5, v4  }
0xcb: {  	[tilespmem:s2+$0x800] =	vst v4  }
.LBB2_20:
.Ltmp18:
0xcc: {  	(pc) =	sbr.rel .LBB2_21-.Ltmp18, $4  }
0xcd: {  	v4 =	vmov s0  }
0xce: {  	s2 =	sshll.u32 s0, $0x9;
	v4 =	vshll.u32 v4, $0x7  }
0xcf: {  	s2 =	sshrl.u32 s2, $0x2;
	v4 =	vbroadcast v4, $0x0  }
0xd0: {  	s4 =	simm.s32 $0x0;
	s3 =	simm.s32 $0x0;
	v5 =	vmov s2  }
.LBB2_22:
0xd1: {  	s5 =	smov.u32 @p0 s4  }
0xd2: {  	s4 =	smov.u32 s5  }
.LBB2_26:
0xd3: {  	s3 =	sadd.s32 $0x1, s3  }
0xd4: {  	p0 =	sne.s32 s3, $0x8  }
.Ltmp19:
0xd5: {  	_ = 	snop;
	(pc) =	sbr.rel @!p0 .LBB2_27-.Ltmp19, $1  }
0xd6: {  	_ =	sdelay $0x3  }
.LBB2_21:
0xd7: {  	_ =	sdelay $0x1  }
0xd8: {  	p0 =	sgt.s32 s4, $0xF  }
0xd9: {  	s6 =	sshll.u32 @!p0 s3, $0x4  }
0xda: {  	v7 =	vld.idx.msk @!p0 [tilespmem:v5+s6+$0x0 ss:$0x1], $0xffff;
	_ =	sdelay $0x4  }
0xdb: {  	v6 =	vpcnt @!p0 v7  }
0xdc: {  	(xrf0) =	vadd.scan.msk.s32 @!p0 $0xffff, v6;
	_ =	sdelay $0x5  }
0xdd: {  	v6 =	vsub.s32 @!p0 s4, v6;
	v8, _, _ =	vpop @!p0 (xrf0)  }
0xde: {  	v6 =	vadd.s32 @!p0 v8, v6  }
0xdf: {  	vm0 =	vlt.s32 @!p0 v6, $0x10  }
0xe0: {  	v7 =	vnsel @!p0 vm0, $0x0, v7  }
0xe1: {  	v9 =	vimm.f32 @!p0 $0.0e+00;
	v8 =	vxor.u32 @!p0 $0x80000000, v8;
	vm0 =	vne.s32 @!p0 v7, $0x0  }
0xe2: {  	(xrf0) =	vmax.scan.msk.u32 @!p0 $0xffff, v8;
	v8 =	vsel @!p0 vm0, $0x3F800000, v9  }
0xe3: {  	(xrf0) =	vmax.scan.msk.f32 @!p0 $0xffff, v8;
	_ =	sdelay $0x4  }
0xe4: {  	v8, _, _ =	vpop @!p0 (xrf0)  }
0xe5: {  	(v2sf) =	vpush @!p0 v8, $0xF;
	v8, _, _ =	vpop @!p0 (xrf0)  }
0xe6: {  	(v2sf) =	vpush @!p0 v8, $0xF;
	_ =	sdelay $0xd  }
0xe7: {  	s5 =	spop @!p0 (v2sf)  }
0xe8: {  	s7 =	spop @!p0 (v2sf)  }
0xe9: {  	p1 =	sgt.f32 @!p0 s7, $0.0e+00;
	_ =	sdelay $0x1  }
0xea: {  	p1 =	por p0, !p1  }
.Ltmp20:
0xeb: {  	_ = 	snop;
	(pc) =	sbr.rel @p1 .LBB2_22-.Ltmp20, $3  }
0xec: {  	_ =	sdelay $0x1  }
0xed: {  	s5 =	sadd.s32 @!p0 s5, s4  }
0xee: {  	s5 =	sadd.s32 @!p0 $0x80000000, s5  }
0xef: {  	v8 =	vmov s6  }
0xf0: {  	v8 =	vshll.u32 v8, $0x5  }
0xf1: {  	v8 =	vor.u32 v1, v8  }
0xf2: {  	v8 =	vadd.s32 $0xFFFFFF81, v8  }
.LBB2_24:
0xf3: {  	vm1 =	vlt.s32 v6, $0xF  }
0xf4: {  	v9 =	vnsel vm1, $0xF, v6  }
0xf5: {  	v10 =	vsub.s32 $0x0, v7;
	v11 =	vand.u32 $0xFFFFFF80, v9  }
0xf6: {  	v10 =	vand.u32 v10, v7;
	v9 =	vand.u32 $0x7F, v9;
	v11 =	vadd.s32 v4, v11  }
0xf7: {  	v10 =	vcvt.s32.f32 v10;
	v9 =	vor.u32 v9, v11  }
0xf8: {  	v11 =	vsel vm0, $0x1, v2  }
0xf9: {  	v10 =	vand.u32 $0x7FFFFFFF, v10;
	v6 =	vadd.s32 v11, v6;
	v11 =	vadd.s32 $0xFFFFFFFF, v7  }
0xfa: {  	v10 =	vshrl.u32 v10, $0x17;
	v7 =	vand.u32 v7, v11;
	vm1 =	vlt.s32 v6, $0x10  }
0xfb: {  	v10 =	vadd.s32 v10, v8;
	v7 =	vnsel vm1, $0x0, v7  }
0xfc: {  	[tilespmem:v9+s30+$0x0] =	vst.idx.msk vm0, v10;
	vm0 =	vne.s32 v7, $0x0  }
0xfd: {  	v9 =	vsel vm0, $0x3F800000, v3  }
0xfe: {  	(xrf0) =	vmax.scan.msk.f32 $0xffff, v9;
	_ =	sdelay $0x5  }
0xff: {  	v9, _, _ =	vpop (xrf0)  }
0x100: {  	(v2sf) =	vpush v9, $0xF;
	_ =	sdelay $0xe  }
0x101: {  	s4 =	spop (v2sf)  }
0x102: {  	p0 =	sgt.f32 s4, $0.0e+00  }
.Ltmp21:
0x103: {  	_ = 	snop;
	(pc) =	sbr.rel @p0 .LBB2_24-.Ltmp21, $1  }
0x104: {  	_ =	sdelay $0x3  }
.Ltmp22:
0x105: {  	(pc) =	sbr.rel .LBB2_26-.Ltmp22, $2  }
0x106: {  	_ =	sdelay $0x2  }
0x107: {  	s4 =	smov.u32 s5  }
.LBB2_28:
0x108: {  	s0 =	simm.s32 $0x0;
	s2 =	rddreg [dreg:$0x7]  }
0x109: {  	[hbm4b:s2+s0] =	stream.linear.scatter [tilespmem:s30], [sflag:$0x1], $0x800, $0x38;
	[tilespmem:$0x2000] =	vst v63  }
0x10a: {  	_ =	swait.ge [sflag:s29], $0x800  }
0x10b: {  	[sflag:s29] =	ssyncset.done $0x0  }
.Ltmp23:
0x10c: {  	[sflag:s29] =	ssyncadd.s32 $0xFFFFF800;
	(pc) =	sbr.rel .LBB2_29-.Ltmp23, $4  }
0x10d: {  	[tilespmem:s0], [sflag:$0x1] =	stream.linear.gather [hbm4b:s8+s0], $0x800, $0x38;
	[tilespmem:$0x2000] =	vst v63  }
0x10e: {  	_ =	swait.ge [sflag:s29], $0x800  }
0x10f: {  	[sflag:s29] =	ssyncset.done $0x0  }
0x110: {  	[sflag:s29] =	ssyncadd.s32 $0xFFFFF800  }
.LBB2_36:
0x111: {  	_ =	sdelay $0x3  }
0x112: {  	v4 =	vld.idx.msk [tilespmem:v4+s30+$0x0], $0xffff;
	_ =	sdelay $0x2  }
0x113: {  	p0 =	sgt.s32 s4, $0x0;
	s3 =	simm.s32 $0x1  }
0x114: {  	s3 =	simm.s32 @!p0 $0x0  }
0x115: {  	v5 =	vld [tilespmem:s2+$0x800];
	s0 =	sadd.s32 $0x1, s0;
	v4 =	vmul.u32 s3, v4;
	s3 =	simm.s32 $0x0  }
0x116: {  	p1 =	slt.s32 s4, $0x10;
	s3 =	simm.s32 @!p0 $0xFFF;
	p0 =	sne.s32 s0, $0x10  }
.Ltmp24:
0x117: {  	s4 =	simm.s32 @!p1 $0x10;
	(pc) =	sbr.rel @!p0 .LBB2_37-.Ltmp24, $4  }
0x118: {  	v6 =	vmov s4  }
0x119: {  	vm0 =	vgt.s32 v6, v0;
	v4 =	vadd.s32 s3, v4  }
0x11a: {  	v4 =	vsel vm0, v5, v4  }
0x11b: {  	[tilespmem:s2+$0x800] =	vst v4  }
.LBB2_29:
.Ltmp25:
0x11c: {  	(pc) =	sbr.rel .LBB2_30-.Ltmp25, $4  }
0x11d: {  	v4 =	vmov s0  }
0x11e: {  	s2 =	sshll.u32 s0, $0x9;
	v4 =	vshll.u32 v4, $0x7  }
0x11f: {  	s2 =	sshrl.u32 s2, $0x2;
	v4 =	vbroadcast v4, $0x0  }
0x120: {  	s4 =	simm.s32 $0x0;
	s3 =	simm.s32 $0x0;
	v5 =	vmov s2  }
.LBB2_31:
0x121: {  	s5 =	smov.u32 @p0 s4  }
0x122: {  	s4 =	smov.u32 s5  }
.LBB2_35:
0x123: {  	s3 =	sadd.s32 $0x1, s3  }
0x124: {  	p0 =	sne.s32 s3, $0x8  }
.Ltmp26:
0x125: {  	_ = 	snop;
	(pc) =	sbr.rel @!p0 .LBB2_36-.Ltmp26, $1  }
0x126: {  	_ =	sdelay $0x3  }
.LBB2_30:
0x127: {  	_ =	sdelay $0x1  }
0x128: {  	p0 =	sgt.s32 s4, $0xF  }
0x129: {  	s6 =	sshll.u32 @!p0 s3, $0x4  }
0x12a: {  	v7 =	vld.idx.msk @!p0 [tilespmem:v5+s6+$0x0 ss:$0x1], $0xffff;
	_ =	sdelay $0x4  }
0x12b: {  	v6 =	vpcnt @!p0 v7  }
0x12c: {  	(xrf0) =	vadd.scan.msk.s32 @!p0 $0xffff, v6;
	_ =	sdelay $0x5  }
0x12d: {  	v6 =	vsub.s32 @!p0 s4, v6;
	v8, _, _ =	vpop @!p0 (xrf0)  }
0x12e: {  	v6 =	vadd.s32 @!p0 v8, v6  }
0x12f: {  	vm0 =	vlt.s32 @!p0 v6, $0x10  }
0x130: {  	v7 =	vnsel @!p0 vm0, $0x0, v7  }
0x131: {  	v9 =	vimm.f32 @!p0 $0.0e+00;
	v8 =	vxor.u32 @!p0 $0x80000000, v8;
	vm0 =	vne.s32 @!p0 v7, $0x0  }
0x132: {  	(xrf0) =	vmax.scan.msk.u32 @!p0 $0xffff, v8;
	v8 =	vsel @!p0 vm0, $0x3F800000, v9  }
0x133: {  	(xrf0) =	vmax.scan.msk.f32 @!p0 $0xffff, v8;
	_ =	sdelay $0x4  }
0x134: {  	v8, _, _ =	vpop @!p0 (xrf0)  }
0x135: {  	(v2sf) =	vpush @!p0 v8, $0xF;
	v8, _, _ =	vpop @!p0 (xrf0)  }
0x136: {  	(v2sf) =	vpush @!p0 v8, $0xF;
	_ =	sdelay $0xd  }
0x137: {  	s5 =	spop @!p0 (v2sf)  }
0x138: {  	s7 =	spop @!p0 (v2sf)  }
0x139: {  	p1 =	sgt.f32 @!p0 s7, $0.0e+00;
	_ =	sdelay $0x1  }
0x13a: {  	p1 =	por p0, !p1  }
.Ltmp27:
0x13b: {  	_ = 	snop;
	(pc) =	sbr.rel @p1 .LBB2_31-.Ltmp27, $3  }
0x13c: {  	_ =	sdelay $0x1  }
0x13d: {  	s5 =	sadd.s32 @!p0 s5, s4  }
0x13e: {  	s5 =	sadd.s32 @!p0 $0x80000000, s5  }
0x13f: {  	v8 =	vmov s6  }
0x140: {  	v8 =	vshll.u32 v8, $0x5  }
0x141: {  	v8 =	vor.u32 v1, v8  }
0x142: {  	v8 =	vadd.s32 $0xFFFFFF81, v8  }
.LBB2_33:
0x143: {  	vm1 =	vlt.s32 v6, $0xF  }
0x144: {  	v9 =	vnsel vm1, $0xF, v6  }
0x145: {  	v10 =	vsub.s32 $0x0, v7;
	v11 =	vand.u32 $0xFFFFFF80, v9  }
0x146: {  	v10 =	vand.u32 v10, v7;
	v9 =	vand.u32 $0x7F, v9;
	v11 =	vadd.s32 v4, v11  }
0x147: {  	v10 =	vcvt.s32.f32 v10;
	v9 =	vor.u32 v9, v11  }
0x148: {  	v11 =	vsel vm0, $0x1, v2  }
0x149: {  	v10 =	vand.u32 $0x7FFFFFFF, v10;
	v6 =	vadd.s32 v11, v6;
	v11 =	vadd.s32 $0xFFFFFFFF, v7  }
0x14a: {  	v10 =	vshrl.u32 v10, $0x17;
	v7 =	vand.u32 v7, v11;
	vm1 =	vlt.s32 v6, $0x10  }
0x14b: {  	v10 =	vadd.s32 v10, v8;
	v7 =	vnsel vm1, $0x0, v7  }
0x14c: {  	[tilespmem:v9+s30+$0x0] =	vst.idx.msk vm0, v10;
	vm0 =	vne.s32 v7, $0x0  }
0x14d: {  	v9 =	vsel vm0, $0x3F800000, v3  }
0x14e: {  	(xrf0) =	vmax.scan.msk.f32 $0xffff, v9;
	_ =	sdelay $0x5  }
0x14f: {  	v9, _, _ =	vpop (xrf0)  }
0x150: {  	(v2sf) =	vpush v9, $0xF;
	_ =	sdelay $0xe  }
0x151: {  	s4 =	spop (v2sf)  }
0x152: {  	p0 =	sgt.f32 s4, $0.0e+00  }
.Ltmp28:
0x153: {  	_ = 	snop;
	(pc) =	sbr.rel @p0 .LBB2_33-.Ltmp28, $1  }
0x154: {  	_ =	sdelay $0x3  }
.Ltmp29:
0x155: {  	(pc) =	sbr.rel .LBB2_35-.Ltmp29, $2  }
0x156: {  	_ =	sdelay $0x2  }
0x157: {  	s4 =	smov.u32 s5  }
.LBB2_37:
0x158: {  	s0 =	simm.s32 $0x0  }
0x159: {  	[hbm4b:s9+s0] =	stream.linear.scatter [tilespmem:s30], [sflag:$0x1], $0x800, $0x38;
	[tilespmem:$0x2000] =	vst v63  }
0x15a: {  	_ =	swait.ge [sflag:s29], $0x800  }
0x15b: {  	[sflag:s29] =	ssyncset.done $0x0  }
.Ltmp30:
0x15c: {  	[sflag:s29] =	ssyncadd.s32 $0xFFFFF800;
	(pc) =	sbr.rel .LBB2_38-.Ltmp30, $4  }
0x15d: {  	[tilespmem:s0], [sflag:$0x1] =	stream.linear.gather [hbm4b:s10+s0], $0x800, $0x38;
	[tilespmem:$0x2000] =	vst v63  }
0x15e: {  	_ =	swait.ge [sflag:s29], $0x800  }
0x15f: {  	[sflag:s29] =	ssyncset.done $0x0  }
0x160: {  	[sflag:s29] =	ssyncadd.s32 $0xFFFFF800  }
.LBB2_45:
0x161: {  	_ =	sdelay $0x3  }
0x162: {  	v4 =	vld.idx.msk [tilespmem:v4+s31+$0x0], $0xffff;
	_ =	sdelay $0x2  }
0x163: {  	p0 =	sgt.s32 s4, $0x0;
	s3 =	simm.s32 $0x1  }
0x164: {  	v5 =	vld [tilespmem:s2+$0x1000];
	s3 =	simm.s32 @!p0 $0x0  }
0x165: {  	p1 =	slt.s32 s4, $0x20;
	v6 =	vld [tilespmem:s2+$0x1010];
	s0 =	sadd.s32 $0x1, s0;
	v4 =	vmul.u32 s3, v4;
	s3 =	simm.s32 $0x0  }
0x166: {  	s4 =	simm.s32 @!p1 $0x20;
	s3 =	simm.s32 @!p0 $0xFFF;
	p0 =	sne.s32 s0, $0x10  }
.Ltmp31:
0x167: {  	v7 =	vmov s4;
	(pc) =	sbr.rel @!p0 .LBB2_46-.Ltmp31, $4  }
0x168: {  	vm0 =	vgt.s32 v7, v0;
	v8 =	vadd.s32 s3, v4;
	v4 =	vor.u32 $0x10, v0  }
0x169: {  	v5 =	vsel vm0, v5, v8;
	vm15 =	vgt.s32 v7, v4  }
0x16a: {  	[tilespmem:s2+$0x1000] =	vst v5;
	v5 =	vsel vm15, v6, v8  }
0x16b: {  	[tilespmem:s2+$0x1010] =	vst v5  }
.LBB2_38:
.Ltmp32:
0x16c: {  	(pc) =	sbr.rel .LBB2_39-.Ltmp32, $4  }
0x16d: {  	v4 =	vmov s0  }
0x16e: {  	s2 =	sshll.u32 s0, $0x9;
	v4 =	vshll.u32 v4, $0x7  }
0x16f: {  	s2 =	sshrl.u32 s2, $0x2;
	v4 =	vbroadcast v4, $0x0  }
0x170: {  	s4 =	simm.s32 $0x0;
	s3 =	simm.s32 $0x0;
	v5 =	vmov s2  }
.LBB2_40:
0x171: {  	s5 =	smov.u32 @p0 s4  }
0x172: {  	s4 =	smov.u32 s5  }
.LBB2_44:
0x173: {  	s3 =	sadd.s32 $0x1, s3  }
0x174: {  	p0 =	sne.s32 s3, $0x8  }
.Ltmp33:
0x175: {  	_ = 	snop;
	(pc) =	sbr.rel @!p0 .LBB2_45-.Ltmp33, $1  }
0x176: {  	_ =	sdelay $0x3  }
.LBB2_39:
0x177: {  	_ =	sdelay $0x1  }
0x178: {  	p0 =	sgt.s32 s4, $0x1F  }
0x179: {  	s6 =	sshll.u32 @!p0 s3, $0x4  }
0x17a: {  	v7 =	vld.idx.msk @!p0 [tilespmem:v5+s6+$0x0 ss:$0x1], $0xffff;
	_ =	sdelay $0x4  }
0x17b: {  	v6 =	vpcnt @!p0 v7  }
0x17c: {  	(xrf0) =	vadd.scan.msk.s32 @!p0 $0xffff, v6;
	_ =	sdelay $0x5  }
0x17d: {  	v6 =	vsub.s32 @!p0 s4, v6;
	v8, _, _ =	vpop @!p0 (xrf0)  }
0x17e: {  	v6 =	vadd.s32 @!p0 v8, v6  }
0x17f: {  	vm0 =	vlt.s32 @!p0 v6, $0x20  }
0x180: {  	v7 =	vnsel @!p0 vm0, $0x0, v7  }
0x181: {  	v9 =	vimm.f32 @!p0 $0.0e+00;
	v8 =	vxor.u32 @!p0 $0x80000000, v8;
	vm0 =	vne.s32 @!p0 v7, $0x0  }
0x182: {  	(xrf0) =	vmax.scan.msk.u32 @!p0 $0xffff, v8;
	v8 =	vsel @!p0 vm0, $0x3F800000, v9  }
0x183: {  	(xrf0) =	vmax.scan.msk.f32 @!p0 $0xffff, v8;
	_ =	sdelay $0x4  }
0x184: {  	v8, _, _ =	vpop @!p0 (xrf0)  }
0x185: {  	(v2sf) =	vpush @!p0 v8, $0xF;
	v8, _, _ =	vpop @!p0 (xrf0)  }
0x186: {  	(v2sf) =	vpush @!p0 v8, $0xF;
	_ =	sdelay $0xd  }
0x187: {  	s5 =	spop @!p0 (v2sf)  }
0x188: {  	s7 =	spop @!p0 (v2sf)  }
0x189: {  	p1 =	sgt.f32 @!p0 s7, $0.0e+00;
	_ =	sdelay $0x1  }
0x18a: {  	p1 =	por p0, !p1  }
.Ltmp34:
0x18b: {  	_ = 	snop;
	(pc) =	sbr.rel @p1 .LBB2_40-.Ltmp34, $3  }
0x18c: {  	_ =	sdelay $0x1  }
0x18d: {  	s5 =	sadd.s32 @!p0 s5, s4  }
0x18e: {  	s5 =	sadd.s32 @!p0 $0x80000000, s5  }
0x18f: {  	v8 =	vmov s6  }
0x190: {  	v8 =	vshll.u32 v8, $0x5  }
0x191: {  	v8 =	vor.u32 v1, v8  }
0x192: {  	v8 =	vadd.s32 $0xFFFFFF81, v8  }
.LBB2_42:
0x193: {  	vm1 =	vlt.s32 v6, $0x1F  }
0x194: {  	v9 =	vnsel vm1, $0x1F, v6  }
0x195: {  	v10 =	vsub.s32 $0x0, v7;
	v11 =	vand.u32 $0xFFFFFF80, v9  }
0x196: {  	v10 =	vand.u32 v10, v7;
	v9 =	vand.u32 $0x7F, v9;
	v11 =	vadd.s32 v4, v11  }
0x197: {  	v10 =	vcvt.s32.f32 v10;
	v9 =	vor.u32 v9, v11  }
0x198: {  	v11 =	vsel vm0, $0x1, v2  }
0x199: {  	v10 =	vand.u32 $0x7FFFFFFF, v10;
	v6 =	vadd.s32 v11, v6;
	v11 =	vadd.s32 $0xFFFFFFFF, v7  }
0x19a: {  	v10 =	vshrl.u32 v10, $0x17;
	v7 =	vand.u32 v7, v11;
	vm1 =	vlt.s32 v6, $0x20  }
0x19b: {  	v10 =	vadd.s32 v10, v8;
	v7 =	vnsel vm1, $0x0, v7  }
0x19c: {  	[tilespmem:v9+s31+$0x0] =	vst.idx.msk vm0, v10;
	vm0 =	vne.s32 v7, $0x0  }
0x19d: {  	v9 =	vsel vm0, $0x3F800000, v3  }
0x19e: {  	(xrf0) =	vmax.scan.msk.f32 $0xffff, v9;
	_ =	sdelay $0x5  }
0x19f: {  	v9, _, _ =	vpop (xrf0)  }
0x1a0: {  	(v2sf) =	vpush v9, $0xF;
	_ =	sdelay $0xe  }
0x1a1: {  	s4 =	spop (v2sf)  }
0x1a2: {  	p0 =	sgt.f32 s4, $0.0e+00  }
.Ltmp35:
0x1a3: {  	_ = 	snop;
	(pc) =	sbr.rel @p0 .LBB2_42-.Ltmp35, $1  }
0x1a4: {  	_ =	sdelay $0x3  }
.Ltmp36:
0x1a5: {  	(pc) =	sbr.rel .LBB2_44-.Ltmp36, $2  }
0x1a6: {  	_ =	sdelay $0x2  }
0x1a7: {  	s4 =	smov.u32 s5  }
.LBB2_46:
0x1a8: {  	s0 =	simm.s32 $0x0  }
0x1a9: {  	[hbm4b:s11+s0] =	stream.linear.scatter [tilespmem:s31], [sflag:$0x1], $0x800, $0x38;
	[tilespmem:$0x2000] =	vst v63  }
0x1aa: {  	_ =	swait.ge [sflag:s29], $0x800  }
0x1ab: {  	[sflag:s29] =	ssyncset.done $0x0  }
.Ltmp37:
0x1ac: {  	[sflag:s29] =	ssyncadd.s32 $0xFFFFF800;
	(pc) =	sbr.rel .LBB2_47-.Ltmp37, $4  }
0x1ad: {  	[tilespmem:s0], [sflag:$0x1] =	stream.linear.gather [hbm4b:s12+s0], $0x800, $0x38;
	[tilespmem:$0x2000] =	vst v63  }
0x1ae: {  	_ =	swait.ge [sflag:s29], $0x800  }
0x1af: {  	[sflag:s29] =	ssyncset.done $0x0  }
0x1b0: {  	[sflag:s29] =	ssyncadd.s32 $0xFFFFF800  }
.LBB2_54:
0x1b1: {  	_ =	sdelay $0x3  }
0x1b2: {  	v5 =	vld.idx.msk [tilespmem:v5+s31+$0x0], $0xffff;
	_ =	sdelay $0x2  }
0x1b3: {  	p0 =	sgt.s32 s4, $0x0;
	s3 =	simm.s32 $0x1  }
0x1b4: {  	v6 =	vld [tilespmem:s2+$0x1000];
	s3 =	simm.s32 @!p0 $0x0  }
0x1b5: {  	p1 =	slt.s32 s4, $0x20;
	v7 =	vld [tilespmem:s2+$0x1010];
	s0 =	sadd.s32 $0x1, s0;
	v5 =	vmul.u32 s3, v5;
	s3 =	simm.s32 $0x0  }
0x1b6: {  	s4 =	simm.s32 @!p1 $0x20;
	s3 =	simm.s32 @!p0 $0xFFF;
	p0 =	sne.s32 s0, $0x10  }
.Ltmp38:
0x1b7: {  	v8 =	vmov s4;
	(pc) =	sbr.rel @!p0 .LBB2_55-.Ltmp38, $4  }
0x1b8: {  	vm0 =	vgt.s32 v8, v0;
	v5 =	vadd.s32 s3, v5  }
0x1b9: {  	vm15 =	vgt.s32 v8, v4;
	v6 =	vsel vm0, v6, v5  }
0x1ba: {  	v5 =	vsel vm15, v7, v5;
	[tilespmem:s2+$0x1000] =	vst v6  }
0x1bb: {  	[tilespmem:s2+$0x1010] =	vst v5  }
.LBB2_47:
.Ltmp39:
0x1bc: {  	(pc) =	sbr.rel .LBB2_48-.Ltmp39, $4  }
0x1bd: {  	v5 =	vmov s0  }
0x1be: {  	s2 =	sshll.u32 s0, $0x9;
	v5 =	vshll.u32 v5, $0x7  }
0x1bf: {  	s2 =	sshrl.u32 s2, $0x2;
	v5 =	vbroadcast v5, $0x0  }
0x1c0: {  	s4 =	simm.s32 $0x0;
	s3 =	simm.s32 $0x0;
	v6 =	vmov s2  }
.LBB2_49:
0x1c1: {  	s5 =	smov.u32 @p0 s4  }
0x1c2: {  	s4 =	smov.u32 s5  }
.LBB2_53:
0x1c3: {  	s3 =	sadd.s32 $0x1, s3  }
0x1c4: {  	p0 =	sne.s32 s3, $0x8  }
.Ltmp40:
0x1c5: {  	_ = 	snop;
	(pc) =	sbr.rel @!p0 .LBB2_54-.Ltmp40, $1  }
0x1c6: {  	_ =	sdelay $0x3  }
.LBB2_48:
0x1c7: {  	_ =	sdelay $0x1  }
0x1c8: {  	p0 =	sgt.s32 s4, $0x1F  }
0x1c9: {  	s6 =	sshll.u32 @!p0 s3, $0x4  }
0x1ca: {  	v8 =	vld.idx.msk @!p0 [tilespmem:v6+s6+$0x0 ss:$0x1], $0xffff;
	_ =	sdelay $0x4  }
0x1cb: {  	v7 =	vpcnt @!p0 v8  }
0x1cc: {  	(xrf0) =	vadd.scan.msk.s32 @!p0 $0xffff, v7;
	_ =	sdelay $0x5  }
0x1cd: {  	v7 =	vsub.s32 @!p0 s4, v7;
	v9, _, _ =	vpop @!p0 (xrf0)  }
0x1ce: {  	v7 =	vadd.s32 @!p0 v9, v7  }
0x1cf: {  	vm0 =	vlt.s32 @!p0 v7, $0x20  }
0x1d0: {  	v8 =	vnsel @!p0 vm0, $0x0, v8  }
0x1d1: {  	v10 =	vimm.f32 @!p0 $0.0e+00;
	v9 =	vxor.u32 @!p0 $0x80000000, v9;
	vm0 =	vne.s32 @!p0 v8, $0x0  }
0x1d2: {  	(xrf0) =	vmax.scan.msk.u32 @!p0 $0xffff, v9;
	v9 =	vsel @!p0 vm0, $0x3F800000, v10  }
0x1d3: {  	(xrf0) =	vmax.scan.msk.f32 @!p0 $0xffff, v9;
	_ =	sdelay $0x4  }
0x1d4: {  	v9, _, _ =	vpop @!p0 (xrf0)  }
0x1d5: {  	(v2sf) =	vpush @!p0 v9, $0xF;
	v9, _, _ =	vpop @!p0 (xrf0)  }
0x1d6: {  	(v2sf) =	vpush @!p0 v9, $0xF;
	_ =	sdelay $0xd  }
0x1d7: {  	s5 =	spop @!p0 (v2sf)  }
0x1d8: {  	s7 =	spop @!p0 (v2sf)  }
0x1d9: {  	p1 =	sgt.f32 @!p0 s7, $0.0e+00;
	_ =	sdelay $0x1  }
0x1da: {  	p1 =	por p0, !p1  }
.Ltmp41:
0x1db: {  	_ = 	snop;
	(pc) =	sbr.rel @p1 .LBB2_49-.Ltmp41, $3  }
0x1dc: {  	_ =	sdelay $0x1  }
0x1dd: {  	s5 =	sadd.s32 @!p0 s5, s4  }
0x1de: {  	s5 =	sadd.s32 @!p0 $0x80000000, s5  }
0x1df: {  	v9 =	vmov s6  }
0x1e0: {  	v9 =	vshll.u32 v9, $0x5  }
0x1e1: {  	v9 =	vor.u32 v1, v9  }
0x1e2: {  	v9 =	vadd.s32 $0xFFFFFF81, v9  }
.LBB2_51:
0x1e3: {  	vm1 =	vlt.s32 v7, $0x1F  }
0x1e4: {  	v10 =	vnsel vm1, $0x1F, v7  }
0x1e5: {  	v11 =	vsub.s32 $0x0, v8;
	v12 =	vand.u32 $0xFFFFFF80, v10  }
0x1e6: {  	v11 =	vand.u32 v11, v8;
	v10 =	vand.u32 $0x7F, v10;
	v12 =	vadd.s32 v5, v12  }
0x1e7: {  	v11 =	vcvt.s32.f32 v11;
	v10 =	vor.u32 v10, v12  }
0x1e8: {  	v62 =	vsel vm0, $0x1, v2  }
0x1e9: {  	v63 =	vadd.s32 $0xFFFFFFFF, v8;
	v7 =	vadd.s32 v62, v7;
	v11 =	vand.u32 $0x7FFFFFFF, v11  }
0x1ea: {  	v8 =	vand.u32 v8, v63;
	vm1 =	vlt.s32 v7, $0x20;
	v11 =	vshrl.u32 v11, $0x17  }
0x1eb: {  	v8 =	vnsel vm1, $0x0, v8;
	v11 =	vadd.s32 v11, v9  }
0x1ec: {  	[tilespmem:v10+s31+$0x0] =	vst.idx.msk vm0, v11;
	vm0 =	vne.s32 v8, $0x0  }
0x1ed: {  	v10 =	vsel vm0, $0x3F800000, v3  }
0x1ee: {  	(xrf0) =	vmax.scan.msk.f32 $0xffff, v10;
	_ =	sdelay $0x5  }
0x1ef: {  	v10, _, _ =	vpop (xrf0)  }
0x1f0: {  	(v2sf) =	vpush v10, $0xF;
	_ =	sdelay $0xe  }
0x1f1: {  	s4 =	spop (v2sf)  }
0x1f2: {  	p0 =	sgt.f32 s4, $0.0e+00  }
.Ltmp42:
0x1f3: {  	_ = 	snop;
	(pc) =	sbr.rel @p0 .LBB2_51-.Ltmp42, $1  }
0x1f4: {  	_ =	sdelay $0x3  }
.Ltmp43:
0x1f5: {  	(pc) =	sbr.rel .LBB2_53-.Ltmp43, $2  }
0x1f6: {  	_ =	sdelay $0x2  }
0x1f7: {  	s4 =	smov.u32 s5  }
.LBB2_55:
0x1f8: {  	s0 =	simm.s32 $0x0  }
0x1f9: {  	[hbm4b:s13+s0] =	stream.linear.scatter [tilespmem:s31], [sflag:$0x1], $0x800, $0x38;
	[tilespmem:$0x2000] =	vst v63  }
0x1fa: {  	_ =	swait.ge [sflag:s29], $0x800  }
0x1fb: {  	[sflag:s29] =	ssyncset.done $0x0  }
.Ltmp44:
0x1fc: {  	[sflag:s29] =	ssyncadd.s32 $0xFFFFF800;
	(pc) =	sbr.rel .LBB2_56-.Ltmp44, $4  }
0x1fd: {  	[tilespmem:s0], [sflag:$0x1] =	stream.linear.gather [hbm4b:s14+s0], $0x800, $0x38;
	[tilespmem:$0x2000] =	vst v63  }
0x1fe: {  	_ =	swait.ge [sflag:s29], $0x800  }
0x1ff: {  	[sflag:s29] =	ssyncset.done $0x0  }
0x200: {  	[sflag:s29] =	ssyncadd.s32 $0xFFFFF800  }
.LBB2_63:
0x201: {  	_ =	sdelay $0x3  }
0x202: {  	v5 =	vld.idx.msk [tilespmem:v5+s31+$0x0], $0xffff;
	_ =	sdelay $0x2  }
0x203: {  	p0 =	sgt.s32 s4, $0x0;
	s3 =	simm.s32 $0x1  }
0x204: {  	v6 =	vld [tilespmem:s2+$0x1000];
	s3 =	simm.s32 @!p0 $0x0  }
0x205: {  	p1 =	slt.s32 s4, $0x20;
	v7 =	vld [tilespmem:s2+$0x1010];
	s0 =	sadd.s32 $0x1, s0;
	v5 =	vmul.u32 s3, v5;
	s3 =	simm.s32 $0x0  }
0x206: {  	s4 =	simm.s32 @!p1 $0x20;
	s3 =	simm.s32 @!p0 $0xFFF;
	p0 =	sne.s32 s0, $0x10  }
.Ltmp45:
0x207: {  	v8 =	vmov s4;
	(pc) =	sbr.rel @!p0 .LBB2_64-.Ltmp45, $4  }
0x208: {  	vm0 =	vgt.s32 v8, v0;
	v5 =	vadd.s32 s3, v5  }
0x209: {  	vm15 =	vgt.s32 v8, v4;
	v6 =	vsel vm0, v6, v5  }
0x20a: {  	v5 =	vsel vm15, v7, v5;
	[tilespmem:s2+$0x1000] =	vst v6  }
0x20b: {  	[tilespmem:s2+$0x1010] =	vst v5  }
.LBB2_56:
.Ltmp46:
0x20c: {  	(pc) =	sbr.rel .LBB2_57-.Ltmp46, $4  }
0x20d: {  	v5 =	vmov s0  }
0x20e: {  	s2 =	sshll.u32 s0, $0x9;
	v5 =	vshll.u32 v5, $0x7  }
0x20f: {  	s2 =	sshrl.u32 s2, $0x2;
	v5 =	vbroadcast v5, $0x0  }
0x210: {  	s4 =	simm.s32 $0x0;
	s3 =	simm.s32 $0x0;
	v6 =	vmov s2  }
.LBB2_58:
0x211: {  	s5 =	smov.u32 @p0 s4  }
0x212: {  	s4 =	smov.u32 s5  }
.LBB2_62:
0x213: {  	s3 =	sadd.s32 $0x1, s3  }
0x214: {  	p0 =	sne.s32 s3, $0x8  }
.Ltmp47:
0x215: {  	_ = 	snop;
	(pc) =	sbr.rel @!p0 .LBB2_63-.Ltmp47, $1  }
0x216: {  	_ =	sdelay $0x3  }
.LBB2_57:
0x217: {  	_ =	sdelay $0x1  }
0x218: {  	p0 =	sgt.s32 s4, $0x1F  }
0x219: {  	s6 =	sshll.u32 @!p0 s3, $0x4  }
0x21a: {  	v8 =	vld.idx.msk @!p0 [tilespmem:v6+s6+$0x0 ss:$0x1], $0xffff;
	_ =	sdelay $0x4  }
0x21b: {  	v7 =	vpcnt @!p0 v8  }
0x21c: {  	(xrf0) =	vadd.scan.msk.s32 @!p0 $0xffff, v7;
	_ =	sdelay $0x5  }
0x21d: {  	v7 =	vsub.s32 @!p0 s4, v7;
	v9, _, _ =	vpop @!p0 (xrf0)  }
0x21e: {  	v7 =	vadd.s32 @!p0 v9, v7  }
0x21f: {  	vm0 =	vlt.s32 @!p0 v7, $0x20  }
0x220: {  	v8 =	vnsel @!p0 vm0, $0x0, v8  }
0x221: {  	v10 =	vimm.f32 @!p0 $0.0e+00;
	v9 =	vxor.u32 @!p0 $0x80000000, v9;
	vm0 =	vne.s32 @!p0 v8, $0x0  }
0x222: {  	(xrf0) =	vmax.scan.msk.u32 @!p0 $0xffff, v9;
	v9 =	vsel @!p0 vm0, $0x3F800000, v10  }
0x223: {  	(xrf0) =	vmax.scan.msk.f32 @!p0 $0xffff, v9;
	_ =	sdelay $0x4  }
0x224: {  	v9, _, _ =	vpop @!p0 (xrf0)  }
0x225: {  	(v2sf) =	vpush @!p0 v9, $0xF;
	v9, _, _ =	vpop @!p0 (xrf0)  }
0x226: {  	(v2sf) =	vpush @!p0 v9, $0xF;
	_ =	sdelay $0xd  }
0x227: {  	s5 =	spop @!p0 (v2sf)  }
0x228: {  	s7 =	spop @!p0 (v2sf)  }
0x229: {  	p1 =	sgt.f32 @!p0 s7, $0.0e+00;
	_ =	sdelay $0x1  }
0x22a: {  	p1 =	por p0, !p1  }
.Ltmp48:
0x22b: {  	_ = 	snop;
	(pc) =	sbr.rel @p1 .LBB2_58-.Ltmp48, $3  }
0x22c: {  	_ =	sdelay $0x1  }
0x22d: {  	s5 =	sadd.s32 @!p0 s5, s4  }
0x22e: {  	s5 =	sadd.s32 @!p0 $0x80000000, s5  }
0x22f: {  	v9 =	vmov s6  }
0x230: {  	v9 =	vshll.u32 v9, $0x5  }
0x231: {  	v9 =	vor.u32 v1, v9  }
0x232: {  	v9 =	vadd.s32 $0xFFFFFF81, v9  }
.LBB2_60:
0x233: {  	vm1 =	vlt.s32 v7, $0x1F  }
0x234: {  	v10 =	vnsel vm1, $0x1F, v7  }
0x235: {  	v11 =	vsub.s32 $0x0, v8;
	v12 =	vand.u32 $0xFFFFFF80, v10  }
0x236: {  	v11 =	vand.u32 v11, v8;
	v10 =	vand.u32 $0x7F, v10;
	v12 =	vadd.s32 v5, v12  }
0x237: {  	v11 =	vcvt.s32.f32 v11;
	v10 =	vor.u32 v10, v12  }
0x238: {  	v62 =	vsel vm0, $0x1, v2  }
0x239: {  	v63 =	vadd.s32 $0xFFFFFFFF, v8;
	v7 =	vadd.s32 v62, v7;
	v11 =	vand.u32 $0x7FFFFFFF, v11  }
0x23a: {  	v8 =	vand.u32 v8, v63;
	vm1 =	vlt.s32 v7, $0x20;
	v11 =	vshrl.u32 v11, $0x17  }
0x23b: {  	v8 =	vnsel vm1, $0x0, v8;
	v11 =	vadd.s32 v11, v9  }
0x23c: {  	[tilespmem:v10+s31+$0x0] =	vst.idx.msk vm0, v11;
	vm0 =	vne.s32 v8, $0x0  }
0x23d: {  	v10 =	vsel vm0, $0x3F800000, v3  }
0x23e: {  	(xrf0) =	vmax.scan.msk.f32 $0xffff, v10;
	_ =	sdelay $0x5  }
0x23f: {  	v10, _, _ =	vpop (xrf0)  }
0x240: {  	(v2sf) =	vpush v10, $0xF;
	_ =	sdelay $0xe  }
0x241: {  	s4 =	spop (v2sf)  }
0x242: {  	p0 =	sgt.f32 s4, $0.0e+00  }
.Ltmp49:
0x243: {  	_ = 	snop;
	(pc) =	sbr.rel @p0 .LBB2_60-.Ltmp49, $1  }
0x244: {  	_ =	sdelay $0x3  }
.Ltmp50:
0x245: {  	(pc) =	sbr.rel .LBB2_62-.Ltmp50, $2  }
0x246: {  	_ =	sdelay $0x2  }
0x247: {  	s4 =	smov.u32 s5  }
.LBB2_64:
0x248: {  	s0 =	simm.s32 $0x0  }
0x249: {  	[hbm4b:s15+s0] =	stream.linear.scatter [tilespmem:s31], [sflag:$0x1], $0x800, $0x38;
	[tilespmem:$0x2000] =	vst v63  }
0x24a: {  	_ =	swait.ge [sflag:s29], $0x800  }
0x24b: {  	[sflag:s29] =	ssyncset.done $0x0  }
.Ltmp51:
0x24c: {  	[sflag:s29] =	ssyncadd.s32 $0xFFFFF800;
	(pc) =	sbr.rel .LBB2_65-.Ltmp51, $4  }
0x24d: {  	[tilespmem:s0], [sflag:$0x1] =	stream.linear.gather [hbm4b:s16+s0], $0x800, $0x38;
	[tilespmem:$0x2000] =	vst v63  }
0x24e: {  	_ =	swait.ge [sflag:s29], $0x800  }
0x24f: {  	[sflag:s29] =	ssyncset.done $0x0  }
0x250: {  	[sflag:s29] =	ssyncadd.s32 $0xFFFFF800  }
.LBB2_72:
0x251: {  	_ =	sdelay $0x3  }
0x252: {  	v5 =	vld.idx.msk [tilespmem:v5+s31+$0x0], $0xffff;
	_ =	sdelay $0x2  }
0x253: {  	p0 =	sgt.s32 s4, $0x0;
	s3 =	simm.s32 $0x1  }
0x254: {  	v6 =	vld [tilespmem:s2+$0x1000];
	s3 =	simm.s32 @!p0 $0x0  }
0x255: {  	p1 =	slt.s32 s4, $0x20;
	v7 =	vld [tilespmem:s2+$0x1010];
	s0 =	sadd.s32 $0x1, s0;
	v5 =	vmul.u32 s3, v5;
	s3 =	simm.s32 $0x0  }
0x256: {  	s4 =	simm.s32 @!p1 $0x20;
	s3 =	simm.s32 @!p0 $0xFFF;
	p0 =	sne.s32 s0, $0x10  }
.Ltmp52:
0x257: {  	v8 =	vmov s4;
	(pc) =	sbr.rel @!p0 .LBB2_73-.Ltmp52, $4  }
0x258: {  	vm0 =	vgt.s32 v8, v0;
	v5 =	vadd.s32 s3, v5  }
0x259: {  	vm15 =	vgt.s32 v8, v4;
	v6 =	vsel vm0, v6, v5  }
0x25a: {  	v5 =	vsel vm15, v7, v5;
	[tilespmem:s2+$0x1000] =	vst v6  }
0x25b: {  	[tilespmem:s2+$0x1010] =	vst v5  }
.LBB2_65:
.Ltmp53:
0x25c: {  	(pc) =	sbr.rel .LBB2_66-.Ltmp53, $4  }
0x25d: {  	v5 =	vmov s0  }
0x25e: {  	s2 =	sshll.u32 s0, $0x9;
	v5 =	vshll.u32 v5, $0x7  }
0x25f: {  	s2 =	sshrl.u32 s2, $0x2;
	v5 =	vbroadcast v5, $0x0  }
0x260: {  	s4 =	simm.s32 $0x0;
	s3 =	simm.s32 $0x0;
	v6 =	vmov s2  }
.LBB2_67:
0x261: {  	s5 =	smov.u32 @p0 s4  }
0x262: {  	s4 =	smov.u32 s5  }
.LBB2_71:
0x263: {  	s3 =	sadd.s32 $0x1, s3  }
0x264: {  	p0 =	sne.s32 s3, $0x8  }
.Ltmp54:
0x265: {  	_ = 	snop;
	(pc) =	sbr.rel @!p0 .LBB2_72-.Ltmp54, $1  }
0x266: {  	_ =	sdelay $0x3  }
.LBB2_66:
0x267: {  	_ =	sdelay $0x1  }
0x268: {  	p0 =	sgt.s32 s4, $0x1F  }
0x269: {  	s6 =	sshll.u32 @!p0 s3, $0x4  }
0x26a: {  	v8 =	vld.idx.msk @!p0 [tilespmem:v6+s6+$0x0 ss:$0x1], $0xffff;
	_ =	sdelay $0x4  }
0x26b: {  	v7 =	vpcnt @!p0 v8  }
0x26c: {  	(xrf0) =	vadd.scan.msk.s32 @!p0 $0xffff, v7;
	_ =	sdelay $0x5  }
0x26d: {  	v7 =	vsub.s32 @!p0 s4, v7;
	v9, _, _ =	vpop @!p0 (xrf0)  }
0x26e: {  	v7 =	vadd.s32 @!p0 v9, v7  }
0x26f: {  	vm0 =	vlt.s32 @!p0 v7, $0x20  }
0x270: {  	v8 =	vnsel @!p0 vm0, $0x0, v8  }
0x271: {  	v10 =	vimm.f32 @!p0 $0.0e+00;
	v9 =	vxor.u32 @!p0 $0x80000000, v9;
	vm0 =	vne.s32 @!p0 v8, $0x0  }
0x272: {  	(xrf0) =	vmax.scan.msk.u32 @!p0 $0xffff, v9;
	v9 =	vsel @!p0 vm0, $0x3F800000, v10  }
0x273: {  	(xrf0) =	vmax.scan.msk.f32 @!p0 $0xffff, v9;
	_ =	sdelay $0x4  }
0x274: {  	v9, _, _ =	vpop @!p0 (xrf0)  }
0x275: {  	(v2sf) =	vpush @!p0 v9, $0xF;
	v9, _, _ =	vpop @!p0 (xrf0)  }
0x276: {  	(v2sf) =	vpush @!p0 v9, $0xF;
	_ =	sdelay $0xd  }
0x277: {  	s5 =	spop @!p0 (v2sf)  }
0x278: {  	s7 =	spop @!p0 (v2sf)  }
0x279: {  	p1 =	sgt.f32 @!p0 s7, $0.0e+00;
	_ =	sdelay $0x1  }
0x27a: {  	p1 =	por p0, !p1  }
.Ltmp55:
0x27b: {  	_ = 	snop;
	(pc) =	sbr.rel @p1 .LBB2_67-.Ltmp55, $3  }
0x27c: {  	_ =	sdelay $0x1  }
0x27d: {  	s5 =	sadd.s32 @!p0 s5, s4  }
0x27e: {  	s5 =	sadd.s32 @!p0 $0x80000000, s5  }
0x27f: {  	v9 =	vmov s6  }
0x280: {  	v9 =	vshll.u32 v9, $0x5  }
0x281: {  	v9 =	vor.u32 v1, v9  }
0x282: {  	v9 =	vadd.s32 $0xFFFFFF81, v9  }
.LBB2_69:
0x283: {  	vm1 =	vlt.s32 v7, $0x1F  }
0x284: {  	v10 =	vnsel vm1, $0x1F, v7  }
0x285: {  	v11 =	vsub.s32 $0x0, v8;
	v12 =	vand.u32 $0xFFFFFF80, v10  }
0x286: {  	v11 =	vand.u32 v11, v8;
	v10 =	vand.u32 $0x7F, v10;
	v12 =	vadd.s32 v5, v12  }
0x287: {  	v11 =	vcvt.s32.f32 v11;
	v10 =	vor.u32 v10, v12  }
0x288: {  	v62 =	vsel vm0, $0x1, v2  }
0x289: {  	v63 =	vadd.s32 $0xFFFFFFFF, v8;
	v7 =	vadd.s32 v62, v7;
	v11 =	vand.u32 $0x7FFFFFFF, v11  }
0x28a: {  	v8 =	vand.u32 v8, v63;
	vm1 =	vlt.s32 v7, $0x20;
	v11 =	vshrl.u32 v11, $0x17  }
0x28b: {  	v8 =	vnsel vm1, $0x0, v8;
	v11 =	vadd.s32 v11, v9  }
0x28c: {  	[tilespmem:v10+s31+$0x0] =	vst.idx.msk vm0, v11;
	vm0 =	vne.s32 v8, $0x0  }
0x28d: {  	v10 =	vsel vm0, $0x3F800000, v3  }
0x28e: {  	(xrf0) =	vmax.scan.msk.f32 $0xffff, v10;
	_ =	sdelay $0x5  }
0x28f: {  	v10, _, _ =	vpop (xrf0)  }
0x290: {  	(v2sf) =	vpush v10, $0xF;
	_ =	sdelay $0xe  }
0x291: {  	s4 =	spop (v2sf)  }
0x292: {  	p0 =	sgt.f32 s4, $0.0e+00  }
.Ltmp56:
0x293: {  	_ = 	snop;
	(pc) =	sbr.rel @p0 .LBB2_69-.Ltmp56, $1  }
0x294: {  	_ =	sdelay $0x3  }
.Ltmp57:
0x295: {  	(pc) =	sbr.rel .LBB2_71-.Ltmp57, $2  }
0x296: {  	_ =	sdelay $0x2  }
0x297: {  	s4 =	smov.u32 s5  }
.LBB2_73:
0x298: {  	s0 =	simm.s32 $0x0  }
0x299: {  	[hbm4b:s17+s0] =	stream.linear.scatter [tilespmem:s31], [sflag:$0x1], $0x800, $0x38;
	[tilespmem:$0x2000] =	vst v63  }
0x29a: {  	_ =	swait.ge [sflag:s29], $0x800  }
0x29b: {  	[sflag:s29] =	ssyncset.done $0x0  }
.Ltmp58:
0x29c: {  	[sflag:s29] =	ssyncadd.s32 $0xFFFFF800;
	(pc) =	sbr.rel .LBB2_74-.Ltmp58, $4  }
0x29d: {  	[tilespmem:s0], [sflag:$0x1] =	stream.linear.gather [hbm4b:s19+s0], $0x800, $0x38;
	[tilespmem:$0x2000] =	vst v63  }
0x29e: {  	_ =	swait.ge [sflag:s29], $0x800  }
0x29f: {  	[sflag:s29] =	ssyncset.done $0x0  }
0x2a0: {  	[sflag:s29] =	ssyncadd.s32 $0xFFFFF800  }
.LBB2_81:
0x2a1: {  	_ =	sdelay $0x3  }
0x2a2: {  	v5 =	vld.idx.msk [tilespmem:v5+s18+$0x0], $0xffff;
	_ =	sdelay $0x2  }
0x2a3: {  	p0 =	sgt.s32 s4, $0x0;
	s3 =	simm.s32 $0x1;
	v6 =	vld [tilespmem:s2+$0x1800]  }
0x2a4: {  	p1 =	slt.s32 s4, $0x40;
	v7 =	vld [tilespmem:s2+$0x1810];
	s3 =	simm.s32 @!p0 $0x0  }
0x2a5: {  	v8 =	vld [tilespmem:s2+$0x1820];
	s4 =	simm.s32 @!p1 $0x40;
	v5 =	vmul.u32 s3, v5;
	s3 =	simm.s32 $0x0  }
0x2a6: {  	v10 =	vld [tilespmem:s2+$0x1830];
	s0 =	sadd.s32 $0x1, s0;
	v9 =	vmov s4;
	s3 =	simm.s32 @!p0 $0xFFF  }
0x2a7: {  	vm0 =	vgt.s32 v9, v0;
	p0 =	sne.s32 s0, $0x10;
	v11 =	vadd.s32 s3, v5  }
.Ltmp59:
0x2a8: {  	vm13 =	vgt.s32 v9, v4;
	v5 =	vor.u32 $0x20, v0;
	v6 =	vsel vm0, v6, v11;
	(pc) =	sbr.rel @!p0 .LBB2_82-.Ltmp59, $4  }
0x2a9: {  	v7 =	vsel vm13, v7, v11;
	vm14 =	vgt.s32 v9, v5;
	[tilespmem:s2+$0x1800] =	vst v6;
	v6 =	vor.u32 $0x30, v0  }
0x2aa: {  	[tilespmem:s2+$0x1810] =	vst v7;
	v7 =	vsel vm14, v8, v11;
	vm15 =	vgt.s32 v9, v6  }
0x2ab: {  	[tilespmem:s2+$0x1820] =	vst v7;
	v7 =	vsel vm15, v10, v11  }
0x2ac: {  	[tilespmem:s2+$0x1830] =	vst v7  }
.LBB2_74:
.Ltmp60:
0x2ad: {  	(pc) =	sbr.rel .LBB2_75-.Ltmp60, $4  }
0x2ae: {  	v5 =	vmov s0  }
0x2af: {  	s2 =	sshll.u32 s0, $0x9;
	v5 =	vshll.u32 v5, $0x7  }
0x2b0: {  	s2 =	sshrl.u32 s2, $0x2;
	v5 =	vbroadcast v5, $0x0  }
0x2b1: {  	s4 =	simm.s32 $0x0;
	s3 =	simm.s32 $0x0;
	v6 =	vmov s2  }
.LBB2_76:
0x2b2: {  	s5 =	smov.u32 @p0 s4  }
0x2b3: {  	s4 =	smov.u32 s5  }
.LBB2_80:
0x2b4: {  	s3 =	sadd.s32 $0x1, s3  }
0x2b5: {  	p0 =	sne.s32 s3, $0x8  }
.Ltmp61:
0x2b6: {  	_ = 	snop;
	(pc) =	sbr.rel @!p0 .LBB2_81-.Ltmp61, $1  }
0x2b7: {  	_ =	sdelay $0x3  }
.LBB2_75:
0x2b8: {  	_ =	sdelay $0x1  }
0x2b9: {  	p0 =	sgt.s32 s4, $0x3F  }
0x2ba: {  	s6 =	sshll.u32 @!p0 s3, $0x4  }
0x2bb: {  	v8 =	vld.idx.msk @!p0 [tilespmem:v6+s6+$0x0 ss:$0x1], $0xffff;
	_ =	sdelay $0x4  }
0x2bc: {  	v7 =	vpcnt @!p0 v8  }
0x2bd: {  	(xrf0) =	vadd.scan.msk.s32 @!p0 $0xffff, v7;
	_ =	sdelay $0x5  }
0x2be: {  	v7 =	vsub.s32 @!p0 s4, v7;
	v9, _, _ =	vpop @!p0 (xrf0)  }
0x2bf: {  	v7 =	vadd.s32 @!p0 v9, v7  }
0x2c0: {  	vm0 =	vlt.s32 @!p0 v7, $0x40  }
0x2c1: {  	v8 =	vnsel @!p0 vm0, $0x0, v8  }
0x2c2: {  	v10 =	vimm.f32 @!p0 $0.0e+00;
	v9 =	vxor.u32 @!p0 $0x80000000, v9;
	vm0 =	vne.s32 @!p0 v8, $0x0  }
0x2c3: {  	(xrf0) =	vmax.scan.msk.u32 @!p0 $0xffff, v9;
	v9 =	vsel @!p0 vm0, $0x3F800000, v10  }
0x2c4: {  	(xrf0) =	vmax.scan.msk.f32 @!p0 $0xffff, v9;
	_ =	sdelay $0x4  }
0x2c5: {  	v9, _, _ =	vpop @!p0 (xrf0)  }
0x2c6: {  	(v2sf) =	vpush @!p0 v9, $0xF;
	v9, _, _ =	vpop @!p0 (xrf0)  }
0x2c7: {  	(v2sf) =	vpush @!p0 v9, $0xF;
	_ =	sdelay $0xd  }
0x2c8: {  	s5 =	spop @!p0 (v2sf)  }
0x2c9: {  	s7 =	spop @!p0 (v2sf)  }
0x2ca: {  	p1 =	sgt.f32 @!p0 s7, $0.0e+00;
	_ =	sdelay $0x1  }
0x2cb: {  	p1 =	por p0, !p1  }
.Ltmp62:
0x2cc: {  	_ = 	snop;
	(pc) =	sbr.rel @p1 .LBB2_76-.Ltmp62, $3  }
0x2cd: {  	_ =	sdelay $0x1  }
0x2ce: {  	s5 =	sadd.s32 @!p0 s5, s4  }
0x2cf: {  	s5 =	sadd.s32 @!p0 $0x80000000, s5  }
0x2d0: {  	v9 =	vmov s6  }
0x2d1: {  	v9 =	vshll.u32 v9, $0x5  }
0x2d2: {  	v9 =	vor.u32 v1, v9  }
0x2d3: {  	v9 =	vadd.s32 $0xFFFFFF81, v9  }
.LBB2_78:
0x2d4: {  	vm1 =	vlt.s32 v7, $0x3F  }
0x2d5: {  	v10 =	vnsel vm1, $0x3F, v7  }
0x2d6: {  	v11 =	vsub.s32 $0x0, v8;
	v12 =	vand.u32 $0xFFFFFF80, v10  }
0x2d7: {  	v11 =	vand.u32 v11, v8;
	v10 =	vand.u32 $0x7F, v10;
	v12 =	vadd.s32 v5, v12  }
0x2d8: {  	v11 =	vcvt.s32.f32 v11;
	v10 =	vor.u32 v10, v12  }
0x2d9: {  	v62 =	vsel vm0, $0x1, v2  }
0x2da: {  	v63 =	vadd.s32 $0xFFFFFFFF, v8;
	v7 =	vadd.s32 v62, v7;
	v11 =	vand.u32 $0x7FFFFFFF, v11  }
0x2db: {  	v8 =	vand.u32 v8, v63;
	vm1 =	vlt.s32 v7, $0x40;
	v11 =	vshrl.u32 v11, $0x17  }
0x2dc: {  	v8 =	vnsel vm1, $0x0, v8;
	v11 =	vadd.s32 v11, v9  }
0x2dd: {  	[tilespmem:v10+s18+$0x0] =	vst.idx.msk vm0, v11;
	vm0 =	vne.s32 v8, $0x0  }
0x2de: {  	v10 =	vsel vm0, $0x3F800000, v3  }
0x2df: {  	(xrf0) =	vmax.scan.msk.f32 $0xffff, v10;
	_ =	sdelay $0x5  }
0x2e0: {  	v10, _, _ =	vpop (xrf0)  }
0x2e1: {  	(v2sf) =	vpush v10, $0xF;
	_ =	sdelay $0xe  }
0x2e2: {  	s4 =	spop (v2sf)  }
0x2e3: {  	p0 =	sgt.f32 s4, $0.0e+00  }
.Ltmp63:
0x2e4: {  	_ = 	snop;
	(pc) =	sbr.rel @p0 .LBB2_78-.Ltmp63, $1  }
0x2e5: {  	_ =	sdelay $0x3  }
.Ltmp64:
0x2e6: {  	(pc) =	sbr.rel .LBB2_80-.Ltmp64, $2  }
0x2e7: {  	_ =	sdelay $0x2  }
0x2e8: {  	s4 =	smov.u32 s5  }
.LBB2_82:
0x2e9: {  	s0 =	simm.s32 $0x0  }
0x2ea: {  	[hbm4b:s20+s0] =	stream.linear.scatter [tilespmem:s18], [sflag:$0x1], $0x800, $0x38;
	[tilespmem:$0x2000] =	vst v63  }
0x2eb: {  	_ =	swait.ge [sflag:s29], $0x800  }
0x2ec: {  	[sflag:s29] =	ssyncset.done $0x0  }
.Ltmp65:
0x2ed: {  	[sflag:s29] =	ssyncadd.s32 $0xFFFFF800;
	(pc) =	sbr.rel .LBB2_83-.Ltmp65, $4  }
0x2ee: {  	[tilespmem:s0], [sflag:$0x1] =	stream.linear.gather [hbm4b:s21+s0], $0x800, $0x38;
	[tilespmem:$0x2000] =	vst v63  }
0x2ef: {  	_ =	swait.ge [sflag:s29], $0x800  }
0x2f0: {  	[sflag:s29] =	ssyncset.done $0x0  }
0x2f1: {  	[sflag:s29] =	ssyncadd.s32 $0xFFFFF800  }
.LBB2_90:
0x2f2: {  	_ =	sdelay $0x3  }
0x2f3: {  	v7 =	vld.idx.msk [tilespmem:v7+s18+$0x0], $0xffff;
	_ =	sdelay $0x2  }
0x2f4: {  	p0 =	sgt.s32 s4, $0x0;
	s3 =	simm.s32 $0x1;
	v8 =	vld [tilespmem:s2+$0x1800]  }
0x2f5: {  	p1 =	slt.s32 s4, $0x40;
	v9 =	vld [tilespmem:s2+$0x1810];
	s3 =	simm.s32 @!p0 $0x0  }
0x2f6: {  	v10 =	vld [tilespmem:s2+$0x1820];
	s4 =	simm.s32 @!p1 $0x40;
	v7 =	vmul.u32 s3, v7;
	s3 =	simm.s32 $0x0  }
0x2f7: {  	v12 =	vld [tilespmem:s2+$0x1830];
	s0 =	sadd.s32 $0x1, s0;
	v11 =	vmov s4;
	s3 =	simm.s32 @!p0 $0xFFF  }
0x2f8: {  	vm0 =	vgt.s32 v11, v0;
	p0 =	sne.s32 s0, $0x10;
	v7 =	vadd.s32 s3, v7  }
.Ltmp66:
0x2f9: {  	vm13 =	vgt.s32 v11, v4;
	v8 =	vsel vm0, v8, v7;
	(pc) =	sbr.rel @!p0 .LBB2_91-.Ltmp66, $4  }
0x2fa: {  	vm14 =	vgt.s32 v11, v5;
	[tilespmem:s2+$0x1800] =	vst v8;
	v8 =	vsel vm13, v9, v7  }
0x2fb: {  	vm15 =	vgt.s32 v11, v6;
	[tilespmem:s2+$0x1810] =	vst v8;
	v8 =	vsel vm14, v10, v7  }
0x2fc: {  	v7 =	vsel vm15, v12, v7;
	[tilespmem:s2+$0x1820] =	vst v8  }
0x2fd: {  	[tilespmem:s2+$0x1830] =	vst v7  }
.LBB2_83:
.Ltmp67:
0x2fe: {  	(pc) =	sbr.rel .LBB2_84-.Ltmp67, $4  }
0x2ff: {  	v7 =	vmov s0  }
0x300: {  	s2 =	sshll.u32 s0, $0x9;
	v7 =	vshll.u32 v7, $0x7  }
0x301: {  	s2 =	sshrl.u32 s2, $0x2;
	v7 =	vbroadcast v7, $0x0  }
0x302: {  	s4 =	simm.s32 $0x0;
	s3 =	simm.s32 $0x0;
	v8 =	vmov s2  }
.LBB2_85:
0x303: {  	s5 =	smov.u32 @p0 s4  }
0x304: {  	s4 =	smov.u32 s5  }
.LBB2_89:
0x305: {  	s3 =	sadd.s32 $0x1, s3  }
0x306: {  	p0 =	sne.s32 s3, $0x8  }
.Ltmp68:
0x307: {  	_ = 	snop;
	(pc) =	sbr.rel @!p0 .LBB2_90-.Ltmp68, $1  }
0x308: {  	_ =	sdelay $0x3  }
.LBB2_84:
0x309: {  	_ =	sdelay $0x1  }
0x30a: {  	p0 =	sgt.s32 s4, $0x3F  }
0x30b: {  	s6 =	sshll.u32 @!p0 s3, $0x4  }
0x30c: {  	v10 =	vld.idx.msk @!p0 [tilespmem:v8+s6+$0x0 ss:$0x1], $0xffff;
	_ =	sdelay $0x4  }
0x30d: {  	v9 =	vpcnt @!p0 v10  }
0x30e: {  	(xrf0) =	vadd.scan.msk.s32 @!p0 $0xffff, v9;
	_ =	sdelay $0x5  }
0x30f: {  	v9 =	vsub.s32 @!p0 s4, v9;
	v11, _, _ =	vpop @!p0 (xrf0)  }
0x310: {  	v9 =	vadd.s32 @!p0 v11, v9  }
0x311: {  	vm0 =	vlt.s32 @!p0 v9, $0x40  }
0x312: {  	v10 =	vnsel @!p0 vm0, $0x0, v10  }
0x313: {  	v12 =	vimm.f32 @!p0 $0.0e+00;
	v11 =	vxor.u32 @!p0 $0x80000000, v11;
	vm0 =	vne.s32 @!p0 v10, $0x0  }
0x314: {  	(xrf0) =	vmax.scan.msk.u32 @!p0 $0xffff, v11;
	v11 =	vsel @!p0 vm0, $0x3F800000, v12  }
0x315: {  	(xrf0) =	vmax.scan.msk.f32 @!p0 $0xffff, v11;
	_ =	sdelay $0x4  }
0x316: {  	v11, _, _ =	vpop @!p0 (xrf0)  }
0x317: {  	(v2sf) =	vpush @!p0 v11, $0xF;
	v11, _, _ =	vpop @!p0 (xrf0)  }
0x318: {  	(v2sf) =	vpush @!p0 v11, $0xF;
	_ =	sdelay $0xd  }
0x319: {  	s5 =	spop @!p0 (v2sf)  }
0x31a: {  	s7 =	spop @!p0 (v2sf)  }
0x31b: {  	p1 =	sgt.f32 @!p0 s7, $0.0e+00;
	_ =	sdelay $0x1  }
0x31c: {  	p1 =	por p0, !p1  }
.Ltmp69:
0x31d: {  	_ = 	snop;
	(pc) =	sbr.rel @p1 .LBB2_85-.Ltmp69, $3  }
0x31e: {  	_ =	sdelay $0x1  }
0x31f: {  	s5 =	sadd.s32 @!p0 s5, s4  }
0x320: {  	s5 =	sadd.s32 @!p0 $0x80000000, s5  }
0x321: {  	v11 =	vmov s6  }
0x322: {  	v11 =	vshll.u32 v11, $0x5  }
0x323: {  	v11 =	vor.u32 v1, v11  }
0x324: {  	v11 =	vadd.s32 $0xFFFFFF81, v11  }
.LBB2_87:
0x325: {  	vm1 =	vlt.s32 v9, $0x3F  }
0x326: {  	v12 =	vnsel vm1, $0x3F, v9  }
0x327: {  	v13 =	vsub.s32 $0x0, v10;
	v14 =	vand.u32 $0xFFFFFF80, v12  }
0x328: {  	v13 =	vand.u32 v13, v10;
	v12 =	vand.u32 $0x7F, v12;
	v14 =	vadd.s32 v7, v14  }
0x329: {  	v13 =	vcvt.s32.f32 v13;
	v12 =	vor.u32 v12, v14  }
0x32a: {  	v61 =	vsel vm0, $0x1, v2  }
0x32b: {  	v62 =	vadd.s32 $0xFFFFFFFF, v10;
	v9 =	vadd.s32 v61, v9;
	v13 =	vand.u32 $0x7FFFFFFF, v13  }
0x32c: {  	v10 =	vand.u32 v10, v62;
	vm1 =	vlt.s32 v9, $0x40;
	v13 =	vshrl.u32 v13, $0x17  }
0x32d: {  	v10 =	vnsel vm1, $0x0, v10;
	v13 =	vadd.s32 v13, v11  }
0x32e: {  	[tilespmem:v12+s18+$0x0] =	vst.idx.msk vm0, v13;
	vm0 =	vne.s32 v10, $0x0  }
0x32f: {  	v63 =	vsel vm0, $0x3F800000, v3  }
0x330: {  	(xrf0) =	vmax.scan.msk.f32 $0xffff, v63;
	_ =	sdelay $0x5  }
0x331: {  	v12, _, _ =	vpop (xrf0)  }
0x332: {  	(v2sf) =	vpush v12, $0xF;
	_ =	sdelay $0xe  }
0x333: {  	s4 =	spop (v2sf)  }
0x334: {  	p0 =	sgt.f32 s4, $0.0e+00  }
.Ltmp70:
0x335: {  	_ = 	snop;
	(pc) =	sbr.rel @p0 .LBB2_87-.Ltmp70, $1  }
0x336: {  	_ =	sdelay $0x3  }
.Ltmp71:
0x337: {  	(pc) =	sbr.rel .LBB2_89-.Ltmp71, $2  }
0x338: {  	_ =	sdelay $0x2  }
0x339: {  	s4 =	smov.u32 s5  }
.LBB2_91:
0x33a: {  	s0 =	simm.s32 $0x0  }
0x33b: {  	[hbm4b:s22+s0] =	stream.linear.scatter [tilespmem:s18], [sflag:$0x1], $0x800, $0x38;
	[tilespmem:$0x2000] =	vst v63  }
0x33c: {  	_ =	swait.ge [sflag:s29], $0x800  }
0x33d: {  	[sflag:s29] =	ssyncset.done $0x0  }
.Ltmp72:
0x33e: {  	[sflag:s29] =	ssyncadd.s32 $0xFFFFF800;
	(pc) =	sbr.rel .LBB2_92-.Ltmp72, $4  }
0x33f: {  	[tilespmem:s0], [sflag:$0x1] =	stream.linear.gather [hbm4b:s23+s0], $0x800, $0x38;
	[tilespmem:$0x2000] =	vst v63  }
0x340: {  	_ =	swait.ge [sflag:s29], $0x800  }
0x341: {  	[sflag:s29] =	ssyncset.done $0x0  }
0x342: {  	[sflag:s29] =	ssyncadd.s32 $0xFFFFF800  }
.LBB2_99:
0x343: {  	_ =	sdelay $0x3  }
0x344: {  	v7 =	vld.idx.msk [tilespmem:v7+s18+$0x0], $0xffff;
	_ =	sdelay $0x2  }
0x345: {  	p0 =	sgt.s32 s4, $0x0;
	s3 =	simm.s32 $0x1;
	v8 =	vld [tilespmem:s2+$0x1800]  }
0x346: {  	p1 =	slt.s32 s4, $0x40;
	v9 =	vld [tilespmem:s2+$0x1810];
	s3 =	simm.s32 @!p0 $0x0  }
0x347: {  	v10 =	vld [tilespmem:s2+$0x1820];
	s4 =	simm.s32 @!p1 $0x40;
	v7 =	vmul.u32 s3, v7;
	s3 =	simm.s32 $0x0  }
0x348: {  	v12 =	vld [tilespmem:s2+$0x1830];
	s0 =	sadd.s32 $0x1, s0;
	v11 =	vmov s4;
	s3 =	simm.s32 @!p0 $0xFFF  }
0x349: {  	vm0 =	vgt.s32 v11, v0;
	p0 =	sne.s32 s0, $0x10;
	v7 =	vadd.s32 s3, v7  }
.Ltmp73:
0x34a: {  	vm13 =	vgt.s32 v11, v4;
	v8 =	vsel vm0, v8, v7;
	(pc) =	sbr.rel @!p0 .LBB2_100-.Ltmp73, $4  }
0x34b: {  	vm14 =	vgt.s32 v11, v5;
	[tilespmem:s2+$0x1800] =	vst v8;
	v8 =	vsel vm13, v9, v7  }
0x34c: {  	vm15 =	vgt.s32 v11, v6;
	[tilespmem:s2+$0x1810] =	vst v8;
	v8 =	vsel vm14, v10, v7  }
0x34d: {  	v7 =	vsel vm15, v12, v7;
	[tilespmem:s2+$0x1820] =	vst v8  }
0x34e: {  	[tilespmem:s2+$0x1830] =	vst v7  }
.LBB2_92:
.Ltmp74:
0x34f: {  	(pc) =	sbr.rel .LBB2_93-.Ltmp74, $4  }
0x350: {  	v7 =	vmov s0  }
0x351: {  	s2 =	sshll.u32 s0, $0x9;
	v7 =	vshll.u32 v7, $0x7  }
0x352: {  	s2 =	sshrl.u32 s2, $0x2;
	v7 =	vbroadcast v7, $0x0  }
0x353: {  	s4 =	simm.s32 $0x0;
	s3 =	simm.s32 $0x0;
	v8 =	vmov s2  }
.LBB2_94:
0x354: {  	s5 =	smov.u32 @p0 s4  }
0x355: {  	s4 =	smov.u32 s5  }
.LBB2_98:
0x356: {  	s3 =	sadd.s32 $0x1, s3  }
0x357: {  	p0 =	sne.s32 s3, $0x8  }
.Ltmp75:
0x358: {  	_ = 	snop;
	(pc) =	sbr.rel @!p0 .LBB2_99-.Ltmp75, $1  }
0x359: {  	_ =	sdelay $0x3  }
.LBB2_93:
0x35a: {  	_ =	sdelay $0x1  }
0x35b: {  	p0 =	sgt.s32 s4, $0x3F  }
0x35c: {  	s6 =	sshll.u32 @!p0 s3, $0x4  }
0x35d: {  	v10 =	vld.idx.msk @!p0 [tilespmem:v8+s6+$0x0 ss:$0x1], $0xffff;
	_ =	sdelay $0x4  }
0x35e: {  	v9 =	vpcnt @!p0 v10  }
0x35f: {  	(xrf0) =	vadd.scan.msk.s32 @!p0 $0xffff, v9;
	_ =	sdelay $0x5  }
0x360: {  	v9 =	vsub.s32 @!p0 s4, v9;
	v11, _, _ =	vpop @!p0 (xrf0)  }
0x361: {  	v9 =	vadd.s32 @!p0 v11, v9  }
0x362: {  	vm0 =	vlt.s32 @!p0 v9, $0x40  }
0x363: {  	v10 =	vnsel @!p0 vm0, $0x0, v10  }
0x364: {  	v12 =	vimm.f32 @!p0 $0.0e+00;
	v11 =	vxor.u32 @!p0 $0x80000000, v11;
	vm0 =	vne.s32 @!p0 v10, $0x0  }
0x365: {  	(xrf0) =	vmax.scan.msk.u32 @!p0 $0xffff, v11;
	v11 =	vsel @!p0 vm0, $0x3F800000, v12  }
0x366: {  	(xrf0) =	vmax.scan.msk.f32 @!p0 $0xffff, v11;
	_ =	sdelay $0x4  }
0x367: {  	v11, _, _ =	vpop @!p0 (xrf0)  }
0x368: {  	(v2sf) =	vpush @!p0 v11, $0xF;
	v11, _, _ =	vpop @!p0 (xrf0)  }
0x369: {  	(v2sf) =	vpush @!p0 v11, $0xF;
	_ =	sdelay $0xd  }
0x36a: {  	s5 =	spop @!p0 (v2sf)  }
0x36b: {  	s7 =	spop @!p0 (v2sf)  }
0x36c: {  	p1 =	sgt.f32 @!p0 s7, $0.0e+00;
	_ =	sdelay $0x1  }
0x36d: {  	p1 =	por p0, !p1  }
.Ltmp76:
0x36e: {  	_ = 	snop;
	(pc) =	sbr.rel @p1 .LBB2_94-.Ltmp76, $3  }
0x36f: {  	_ =	sdelay $0x1  }
0x370: {  	s5 =	sadd.s32 @!p0 s5, s4  }
0x371: {  	s5 =	sadd.s32 @!p0 $0x80000000, s5  }
0x372: {  	v11 =	vmov s6  }
0x373: {  	v11 =	vshll.u32 v11, $0x5  }
0x374: {  	v11 =	vor.u32 v1, v11  }
0x375: {  	v11 =	vadd.s32 $0xFFFFFF81, v11  }
.LBB2_96:
0x376: {  	vm1 =	vlt.s32 v9, $0x3F  }
0x377: {  	v12 =	vnsel vm1, $0x3F, v9  }
0x378: {  	v13 =	vsub.s32 $0x0, v10;
	v14 =	vand.u32 $0xFFFFFF80, v12  }
0x379: {  	v13 =	vand.u32 v13, v10;
	v12 =	vand.u32 $0x7F, v12;
	v14 =	vadd.s32 v7, v14  }
0x37a: {  	v13 =	vcvt.s32.f32 v13;
	v12 =	vor.u32 v12, v14  }
0x37b: {  	v61 =	vsel vm0, $0x1, v2  }
0x37c: {  	v62 =	vadd.s32 $0xFFFFFFFF, v10;
	v9 =	vadd.s32 v61, v9;
	v13 =	vand.u32 $0x7FFFFFFF, v13  }
0x37d: {  	v10 =	vand.u32 v10, v62;
	vm1 =	vlt.s32 v9, $0x40;
	v13 =	vshrl.u32 v13, $0x17  }
0x37e: {  	v10 =	vnsel vm1, $0x0, v10;
	v13 =	vadd.s32 v13, v11  }
0x37f: {  	[tilespmem:v12+s18+$0x0] =	vst.idx.msk vm0, v13;
	vm0 =	vne.s32 v10, $0x0  }
0x380: {  	v63 =	vsel vm0, $0x3F800000, v3  }
0x381: {  	(xrf0) =	vmax.scan.msk.f32 $0xffff, v63;
	_ =	sdelay $0x5  }
0x382: {  	v12, _, _ =	vpop (xrf0)  }
0x383: {  	(v2sf) =	vpush v12, $0xF;
	_ =	sdelay $0xe  }
0x384: {  	s4 =	spop (v2sf)  }
0x385: {  	p0 =	sgt.f32 s4, $0.0e+00  }
.Ltmp77:
0x386: {  	_ = 	snop;
	(pc) =	sbr.rel @p0 .LBB2_96-.Ltmp77, $1  }
0x387: {  	_ =	sdelay $0x3  }
.Ltmp78:
0x388: {  	(pc) =	sbr.rel .LBB2_98-.Ltmp78, $2  }
0x389: {  	_ =	sdelay $0x2  }
0x38a: {  	s4 =	smov.u32 s5  }
.LBB2_100:
0x38b: {  	s0 =	simm.s32 $0x0  }
0x38c: {  	[hbm4b:s24+s0] =	stream.linear.scatter [tilespmem:s18], [sflag:$0x1], $0x800, $0x38;
	[tilespmem:$0x2000] =	vst v63  }
0x38d: {  	_ =	swait.ge [sflag:s29], $0x800  }
0x38e: {  	[sflag:s29] =	ssyncset.done $0x0  }
.Ltmp79:
0x38f: {  	[sflag:s29] =	ssyncadd.s32 $0xFFFFF800;
	(pc) =	sbr.rel .LBB2_101-.Ltmp79, $4  }
0x390: {  	[tilespmem:s0], [sflag:$0x1] =	stream.linear.gather [hbm4b:s25+s0], $0x800, $0x38;
	[tilespmem:$0x2000] =	vst v63  }
0x391: {  	_ =	swait.ge [sflag:s29], $0x800  }
0x392: {  	[sflag:s29] =	ssyncset.done $0x0  }
0x393: {  	[sflag:s29] =	ssyncadd.s32 $0xFFFFF800  }
.LBB2_108:
0x394: {  	_ =	sdelay $0x3  }
0x395: {  	v7 =	vld.idx.msk [tilespmem:v7+s18+$0x0], $0xffff;
	_ =	sdelay $0x2  }
0x396: {  	p0 =	sgt.s32 s4, $0x0;
	s3 =	simm.s32 $0x1;
	v8 =	vld [tilespmem:s2+$0x1800]  }
0x397: {  	p1 =	slt.s32 s4, $0x40;
	v9 =	vld [tilespmem:s2+$0x1810];
	s3 =	simm.s32 @!p0 $0x0  }
0x398: {  	v10 =	vld [tilespmem:s2+$0x1820];
	s4 =	simm.s32 @!p1 $0x40;
	v7 =	vmul.u32 s3, v7;
	s3 =	simm.s32 $0x0  }
0x399: {  	v12 =	vld [tilespmem:s2+$0x1830];
	s0 =	sadd.s32 $0x1, s0;
	v11 =	vmov s4;
	s3 =	simm.s32 @!p0 $0xFFF  }
0x39a: {  	vm0 =	vgt.s32 v11, v0;
	p0 =	sne.s32 s0, $0x10;
	v7 =	vadd.s32 s3, v7  }
.Ltmp80:
0x39b: {  	vm13 =	vgt.s32 v11, v4;
	v8 =	vsel vm0, v8, v7;
	(pc) =	sbr.rel @!p0 .LBB2_109-.Ltmp80, $4  }
0x39c: {  	vm14 =	vgt.s32 v11, v5;
	[tilespmem:s2+$0x1800] =	vst v8;
	v8 =	vsel vm13, v9, v7  }
0x39d: {  	vm15 =	vgt.s32 v11, v6;
	[tilespmem:s2+$0x1810] =	vst v8;
	v8 =	vsel vm14, v10, v7  }
0x39e: {  	v7 =	vsel vm15, v12, v7;
	[tilespmem:s2+$0x1820] =	vst v8  }
0x39f: {  	[tilespmem:s2+$0x1830] =	vst v7  }
.LBB2_101:
.Ltmp81:
0x3a0: {  	(pc) =	sbr.rel .LBB2_102-.Ltmp81, $4  }
0x3a1: {  	v7 =	vmov s0  }
0x3a2: {  	s2 =	sshll.u32 s0, $0x9;
	v7 =	vshll.u32 v7, $0x7  }
0x3a3: {  	s2 =	sshrl.u32 s2, $0x2;
	v7 =	vbroadcast v7, $0x0  }
0x3a4: {  	s4 =	simm.s32 $0x0;
	s3 =	simm.s32 $0x0;
	v8 =	vmov s2  }
.LBB2_103:
0x3a5: {  	s5 =	smov.u32 @p0 s4  }
0x3a6: {  	s4 =	smov.u32 s5  }
.LBB2_107:
0x3a7: {  	s3 =	sadd.s32 $0x1, s3  }
0x3a8: {  	p0 =	sne.s32 s3, $0x8  }
.Ltmp82:
0x3a9: {  	_ = 	snop;
	(pc) =	sbr.rel @!p0 .LBB2_108-.Ltmp82, $1  }
0x3aa: {  	_ =	sdelay $0x3  }
.LBB2_102:
0x3ab: {  	_ =	sdelay $0x1  }
0x3ac: {  	p0 =	sgt.s32 s4, $0x3F  }
0x3ad: {  	s6 =	sshll.u32 @!p0 s3, $0x4  }
0x3ae: {  	v10 =	vld.idx.msk @!p0 [tilespmem:v8+s6+$0x0 ss:$0x1], $0xffff;
	_ =	sdelay $0x4  }
0x3af: {  	v9 =	vpcnt @!p0 v10  }
0x3b0: {  	(xrf0) =	vadd.scan.msk.s32 @!p0 $0xffff, v9;
	_ =	sdelay $0x5  }
0x3b1: {  	v9 =	vsub.s32 @!p0 s4, v9;
	v11, _, _ =	vpop @!p0 (xrf0)  }
0x3b2: {  	v9 =	vadd.s32 @!p0 v11, v9  }
0x3b3: {  	vm0 =	vlt.s32 @!p0 v9, $0x40  }
0x3b4: {  	v10 =	vnsel @!p0 vm0, $0x0, v10  }
0x3b5: {  	v12 =	vimm.f32 @!p0 $0.0e+00;
	v11 =	vxor.u32 @!p0 $0x80000000, v11;
	vm0 =	vne.s32 @!p0 v10, $0x0  }
0x3b6: {  	(xrf0) =	vmax.scan.msk.u32 @!p0 $0xffff, v11;
	v11 =	vsel @!p0 vm0, $0x3F800000, v12  }
0x3b7: {  	(xrf0) =	vmax.scan.msk.f32 @!p0 $0xffff, v11;
	_ =	sdelay $0x4  }
0x3b8: {  	v11, _, _ =	vpop @!p0 (xrf0)  }
0x3b9: {  	(v2sf) =	vpush @!p0 v11, $0xF;
	v11, _, _ =	vpop @!p0 (xrf0)  }
0x3ba: {  	(v2sf) =	vpush @!p0 v11, $0xF;
	_ =	sdelay $0xd  }
0x3bb: {  	s5 =	spop @!p0 (v2sf)  }
0x3bc: {  	s7 =	spop @!p0 (v2sf)  }
0x3bd: {  	p1 =	sgt.f32 @!p0 s7, $0.0e+00;
	_ =	sdelay $0x1  }
0x3be: {  	p1 =	por p0, !p1  }
.Ltmp83:
0x3bf: {  	_ = 	snop;
	(pc) =	sbr.rel @p1 .LBB2_103-.Ltmp83, $3  }
0x3c0: {  	_ =	sdelay $0x1  }
0x3c1: {  	s5 =	sadd.s32 @!p0 s5, s4  }
0x3c2: {  	s5 =	sadd.s32 @!p0 $0x80000000, s5  }
0x3c3: {  	v11 =	vmov s6  }
0x3c4: {  	v11 =	vshll.u32 v11, $0x5  }
0x3c5: {  	v11 =	vor.u32 v1, v11  }
0x3c6: {  	v11 =	vadd.s32 $0xFFFFFF81, v11  }
.LBB2_105:
0x3c7: {  	vm1 =	vlt.s32 v9, $0x3F  }
0x3c8: {  	v12 =	vnsel vm1, $0x3F, v9  }
0x3c9: {  	v13 =	vsub.s32 $0x0, v10;
	v14 =	vand.u32 $0xFFFFFF80, v12  }
0x3ca: {  	v13 =	vand.u32 v13, v10;
	v12 =	vand.u32 $0x7F, v12;
	v14 =	vadd.s32 v7, v14  }
0x3cb: {  	v13 =	vcvt.s32.f32 v13;
	v12 =	vor.u32 v12, v14  }
0x3cc: {  	v61 =	vsel vm0, $0x1, v2  }
0x3cd: {  	v62 =	vadd.s32 $0xFFFFFFFF, v10;
	v9 =	vadd.s32 v61, v9;
	v13 =	vand.u32 $0x7FFFFFFF, v13  }
0x3ce: {  	v10 =	vand.u32 v10, v62;
	vm1 =	vlt.s32 v9, $0x40;
	v13 =	vshrl.u32 v13, $0x17  }
0x3cf: {  	v10 =	vnsel vm1, $0x0, v10;
	v13 =	vadd.s32 v13, v11  }
0x3d0: {  	[tilespmem:v12+s18+$0x0] =	vst.idx.msk vm0, v13;
	vm0 =	vne.s32 v10, $0x0  }
0x3d1: {  	v63 =	vsel vm0, $0x3F800000, v3  }
0x3d2: {  	(xrf0) =	vmax.scan.msk.f32 $0xffff, v63;
	_ =	sdelay $0x5  }
0x3d3: {  	v12, _, _ =	vpop (xrf0)  }
0x3d4: {  	(v2sf) =	vpush v12, $0xF;
	_ =	sdelay $0xe  }
0x3d5: {  	s4 =	spop (v2sf)  }
0x3d6: {  	p0 =	sgt.f32 s4, $0.0e+00  }
.Ltmp84:
0x3d7: {  	_ = 	snop;
	(pc) =	sbr.rel @p0 .LBB2_105-.Ltmp84, $1  }
0x3d8: {  	_ =	sdelay $0x3  }
.Ltmp85:
0x3d9: {  	(pc) =	sbr.rel .LBB2_107-.Ltmp85, $2  }
0x3da: {  	_ =	sdelay $0x2  }
0x3db: {  	s4 =	smov.u32 s5  }
.LBB2_110:
0x3dc: {  	_ =	sfence.sel $0x180000  }
0x3dd: {  	[bflag:$0x0] =	sbarrier.arrive $0xFFFF  }
0x3de: {  	_ =	strace $0x90000047  }
0x3df: {  	s0 =	stileid.u32;
	[bflag:$0x2] =	sbarrier.arrive $0xFFFF  }
0x3e0: {  	p0 =	sne.s32 s0, $0x0;
	s0 =	rddreg [dreg:$0x1]  }
0x3e1: {  	s0 =	sadd.s32 @!p0 $0x100000, s0  }
0x3e2: {  	[sflag:s0] =	ssyncadd.tile.s32 @!p0 $0x1;
	_ =	shalt  }
.Lfunc_end2:
_tile_overlayer_lowered:
.L_overlay_start_2:
0x3e3: {  	(tag) =	ssettag $0x2  }
0x3e4: {  	s0 =	rddreg [dreg:$0x0];
	s2 =	stileid.u32  }
0x3e5: {  	s1 =	rddreg [dreg:$0x1];
	p0 =	sne.s32 s2, $0x0  }
0x3e6: {  	s3 =	rddreg [dreg:$0x2];
	[bflag:$0x3] =	sbarrier.arrive $0xFFFF;
	s2 =	simm.s32 @!p0 $0x1C01  }
0x3e7: {  	[timem:s3], [sflag:s2] =	dma.local @!p0 [hbm:s0], s1  }
0x3e8: {  	s0 =	simm.s32 @!p0 $0x1  }
0x3e9: {  	_ =	swait.ge @!p0 [sflag:s0], s1  }
0x3ea: {  	s1 =	ssub.s32 @!p0 $0x0, s1;
	[sflag:s0] =	ssyncset.done @!p0 $0x0  }
0x3eb: {  	[sflag:s0] =	ssyncadd.s32 @!p0 s1  }
0x3ec: {  	[bflag:$0x3] =	sbarrier.arrive $0xFFFF  }
0x3ed: {  	_ =	shalt  }

// kernel: kernel.9.cloned.1.call-start
scs
__scs_entry_jumppad:
0x0: {  	(pc) =	sbr.rel $0x88, $3  }
0x1: {  	(tag) =	ssettag $0x0;
	lr =	simm.s32 $0x1  }
0x2: {  	[smem:$0x3F8D] =	sst lr;
	_ =	strace $0xD0000000  }
0x3: {  	_ = 	snop  }
0x4: {  	_ = 	snop  }
0x5: {  	_ = 	snop  }
0x6: {  	_ = 	snop  }
0x7: {  	_ = 	snop  }
__scs_overlays_trampoline_lowered:
0x8: {  	[smem:$0x3F9C] =	sst s0  }
0x9: {  	[smem:$0x3F9D] =	sst s1  }
0xa: {  	[smem:$0x3F9E] =	sst s2  }
0xb: {  	[smem:$0x3F9F] =	sst s3  }
0xc: {  	[smem:$0x3FA0] =	sst s4  }
0xd: {  	[smem:$0x3FA1] =	sst s5  }
0xe: {  	[smem:$0x3FA2] =	sst s6  }
0xf: {  	[smem:$0x3FA3] =	sst s7  }
0x10: {  	[smem:$0x3FA4] =	sst s8  }
0x11: {  	[smem:$0x3FA5] =	sst s9;
	s0 =	simm.s32 @!p0 $0x0  }
0x12: {  	s1 =	sld [smem:$0x3F8B];
	s0 =	simm.s32 @p0 $0x1  }
0x13: {  	[smem:$0x3FA6] =	sst s0;
	s0 =	simm.s32 @!p1 $0x0  }
0x14: {  	s2 =	sld [smem:$0x3F8A];
	s0 =	simm.s32 @p1 $0x1  }
0x15: {  	[smem:$0x3FA7] =	sst s0;
	s0 =	simm.s32 @!p2 $0x0  }
0x16: {  	s3 =	sld [smem:$0x3FDB];
	s0 =	simm.s32 @p2 $0x1  }
0x17: {  	s4 =	simm.s32 $0x1BF5;
	[smem:$0x3FA9] =	sst s0  }
0x18: {  	s0 =	sld [smem:$0x3F8C];
	_ =	swait.ge [sflag:s4], $0x0  }
0x19: {  	s7 =	sld [smem:$0x3F8D]  }
0x1a: {  	s8 =	sadd.s32 $0xFFFFE003, lr  }
0x1b: {  	s9 =	sadd.s32 $0xFFFFFEF7, lr;
	s5 =	simm.s32 $0xFFFFFFFF;
	p2 =	slt.u32 s8, $0xFFFFF086  }
0x1c: {  	p1 =	slt.u32 s9, $0xF7A;
	s5 =	simm.s32 @!p2 $0x0  }
0x1d: {  	s5 =	simm.s32 @p1 $0x1;
	p0 =	seq.s32 s7, s2  }
0x1e: {  	s7 =	smul.u32 @!p0 $0xF7A, s2;
	p2 =	seq.s32 @!p0 s5, $0x0  }
0x1f: {  	s9 =	smul.u32 $0xF7A, s1;
	s8 =	simm.s32 @!p0 $0x1BF5;
	p2 =	por !p2, p0  }
0x20: {  	[sflag:s8] =	ssyncset.s32 @!p0 $0xFFFFF086;
	s6 =	sadd.s32 @!p0 s3, s7;
	s7 =	simm.s32 @!p0 $0x108  }
0x21: {  	s3 =	sadd.s32 s3, s9;
	s6 =	sadd.s32 @!p0 $0x88, s6;
	s7 =	simm.s32 @p2 $0x1082  }
0x22: {  	[simem:s7], [sflag:s8] =	dma.local @!p0 [hbm:s6], $0xF7A  }
0x23: {  	s9 =	sor.u32 $0xD0000000, s2;
	s6 =	simm.s32 $0x108;
	_ =	swait.ge @!p0 [sflag:s8], $0x0  }
0x24: {  	s3 =	sadd.s32 $0x88, s3;
	s6 =	simm.s32 @!p1 $0x1082;
	[sflag:s4] =	ssyncset.s32 $0xFFFFF086  }
0x25: {  	[simem:s6], [sflag:s4] =	dma.local [hbm:s3], $0xF7A  }
0x26: {  	[smem:$0x3F8D] =	sst s1;
	(tag) =	ssettag s2;
	_ =	strace s9  }
0x27: {  	s1 =	sld [smem:$0x3F9D]  }
0x28: {  	s2 =	sld [smem:$0x3F9E]  }
0x29: {  	s4 =	sld [smem:$0x3FA0]  }
0x2a: {  	p0 =	seq.s32 s5, $0x0;
	s5 =	sld [smem:$0x3FA1]  }
0x2b: {  	s6 =	sld [smem:$0x3FA2]  }
0x2c: {  	s7 =	sld [smem:$0x3FA3]  }
0x2d: {  	s3 =	simm.s32 $0x108;
	s8 =	sld [smem:$0x3FA4]  }
0x2e: {  	s3 =	simm.s32 @!p0 $0x1082;
	s9 =	sld [smem:$0x3FA5]  }
0x2f: {  	lr =	sadd.s32 s0, s3;
	s0 =	sld [smem:$0x3F9C]  }
0x30: {  	s3 =	sld [smem:$0x3F9F]  }
0x31: {  	[smem:$0x3FA8] =	sst s10  }
0x32: {  	s10 =	sld [smem:$0x3FA6];
	_ =	sdelay $0x3  }
0x33: {  	p0 =	seq.s32 s10, $0x1;
	s10 =	sld [smem:$0x3FA8];
	_ =	sdelay $0x3  }
0x34: {  	[smem:$0x3FA8] =	sst s10  }
0x35: {  	s10 =	sld [smem:$0x3FA7];
	_ =	sdelay $0x3  }
0x36: {  	p1 =	seq.s32 s10, $0x1;
	s10 =	sld [smem:$0x3FA8];
	_ =	sdelay $0x3  }
0x37: {  	[smem:$0x3FA8] =	sst s10  }
0x38: {  	s10 =	sld [smem:$0x3FA9]  }
0x39: {  	_ = 	snop;
	(pc) =	sbr.ind lr, $3  }
0x3a: {  	_ = 	snop  }
0x3b: {  	_ = 	snop  }
0x3c: {  	p2 =	seq.s32 s10, $0x1;
	s10 =	sld [smem:$0x3FA8]  }
0x3d: {  	_ =	shalt  }
0x3e: {  	_ =	shalt  }
0x3f: {  	_ =	shalt  }
0x40: {  	_ =	shalt  }
0x41: {  	_ =	shalt  }
0x42: {  	_ =	shalt  }
0x43: {  	_ =	shalt  }
0x44: {  	_ =	shalt  }
0x45: {  	_ =	shalt  }
0x46: {  	_ =	shalt  }
0x47: {  	_ =	shalt  }
0x48: {  	_ =	shalt  }
0x49: {  	_ =	shalt  }
0x4a: {  	_ =	shalt  }
0x4b: {  	_ =	shalt  }
0x4c: {  	_ =	shalt  }
0x4d: {  	_ =	shalt  }
0x4e: {  	_ =	shalt  }
0x4f: {  	_ =	shalt  }
0x50: {  	_ =	shalt  }
0x51: {  	_ =	shalt  }
0x52: {  	_ =	shalt  }
0x53: {  	_ =	shalt  }
0x54: {  	_ =	shalt  }
0x55: {  	_ =	shalt  }
0x56: {  	_ =	shalt  }
0x57: {  	_ =	shalt  }
0x58: {  	_ =	shalt  }
0x59: {  	_ =	shalt  }
0x5a: {  	_ =	shalt  }
0x5b: {  	_ =	shalt  }
0x5c: {  	_ =	shalt  }
0x5d: {  	_ =	shalt  }
0x5e: {  	_ =	shalt  }
0x5f: {  	_ =	shalt  }
0x60: {  	_ =	shalt  }
0x61: {  	_ =	shalt  }
0x62: {  	_ =	shalt  }
0x63: {  	_ =	shalt  }
0x64: {  	_ =	shalt  }
0x65: {  	_ =	shalt  }
0x66: {  	_ =	shalt  }
0x67: {  	_ =	shalt  }
0x68: {  	_ =	shalt  }
0x69: {  	_ =	shalt  }
0x6a: {  	_ =	shalt  }
0x6b: {  	_ =	shalt  }
0x6c: {  	_ =	shalt  }
0x6d: {  	_ =	shalt  }
0x6e: {  	_ =	shalt  }
0x6f: {  	_ =	shalt  }
0x70: {  	_ =	shalt  }
0x71: {  	_ =	shalt  }
0x72: {  	_ =	shalt  }
0x73: {  	_ =	shalt  }
0x74: {  	_ =	shalt  }
0x75: {  	_ =	shalt  }
0x76: {  	_ =	shalt  }
0x77: {  	_ =	shalt  }
0x78: {  	_ =	shalt  }
0x79: {  	_ =	shalt  }
0x7a: {  	_ =	shalt  }
0x7b: {  	_ =	shalt  }
0x7c: {  	_ =	shalt  }
0x7d: {  	_ =	shalt  }
0x7e: {  	_ =	shalt  }
0x7f: {  	_ =	shalt  }
0x80: {  	_ =	shalt  }
0x81: {  	_ =	shalt  }
0x82: {  	_ =	shalt  }
0x83: {  	_ =	shalt  }
0x84: {  	_ =	shalt  }
0x85: {  	_ =	shalt  }
0x86: {  	_ =	shalt  }
0x87: {  	_ =	shalt  }
.Lfunc_end0:
.L_simem_size_0:
called_computation.1_lowered:
.L_overlay_start_0:
0x88: {  	s2 =	sld [smem:$0x3FD9]  }
0x89: {  	s3 =	sld [smem:$0x3FFE];
	_ =	sdelay $0x1  }
0x8a: {  	s1 =	srdreg.scid  }
0x8b: {  	s0 =	sand.u32 $0x1, s1  }
0x8c: {  	s14 =	sshll.u32 s0, $0xA;
	s2 =	sadd.s32 s3, s2  }
0x8d: {  	s2 =	sadd.s32 s2, s14  }
0x8e: {  	[smem:$0x3FB4] =	sst s2  }
0x8f: {  	_ = 	snop  }
0x90: {  	s2 =	sld [smem:$0x3FD0];
	_ =	sdelay $0x2  }
0x91: {  	s15 =	simm.s32 $0xA;
	s4 =	simm.s32 $0x10  }
0x92: {  	[smem:s4], [sflag:s15] =	dma.local [hbm:s2], $0x1  }
0x93: {  	_ =	swait.eq [sflag:s15], $0x1  }
0x94: {  	[sflag:s15] =	ssyncset.done $0x0  }
0x95: {  	[sflag:s15] =	ssyncadd.s32 $0xFFFFFFFF  }
0x96: {  	s16 =	sld [smem:$0x11];
	(tm) =	ssettm $0x1  }
0x97: {  	s17 =	sld [smem:$0x3FFB];
	_ =	sdelay $0x3  }
0x98: {  	_ =	strace s17  }
0x99: {  	s3 =	sld [smem:$0x3FFC];
	_ =	sdelay $0x3  }
0x9a: {  	_ =	strace s3  }
0x9b: {  	s3 =	sld [smem:$0x3FFD];
	_ =	sdelay $0x3  }
0x9c: {  	_ =	strace s3  }
0x9d: {  	_ =	strace $0x8FFFFFFF  }
0x9e: {  	s18 =	sld [smem:$0x3FDB];
	_ =	sdelay $0x1  }
0x9f: {  	s19 =	simm.s32 $_scs_section_size  }
0xa0: {  	s5 =	simm.s32 $_size__tile_overlayer_lowered;
	s6 =	simm.s32 $_tile_overlayer_lowered  }
0xa1: {  	s22 =	simm.s32 $0x1BFF;
	s21 =	sshll.u32 s6, $0x1;
	s3 =	sadd.s32 s19, s18  }
0xa2: {  	s7 =	simm.s32 $0x0;
	s20 =	sshll.u32 s5, $0x1;
	s5 =	sadd.s32 s21, s3  }
0xa3: {  	[timem:s7], [sflag:s22] =	dma.local [hbm:s5], s20  }
0xa4: {  	_ =	swait.ge [sflag:s22], s20  }
0xa5: {  	s4 =	ssub.s32 $0x0, s20;
	[sflag:s22] =	ssyncset.done $0x0  }
0xa6: {  	[sflag:s22] =	ssyncadd.s32 s4;
	_ =	sdelay $0x1  }
0xa7: {  	s23 =	simm.s32 $0x1B8B  }
0xa8: {  	_ =	swait.ge [sflag:s23], $0x1  }
0xa9: {  	[sflag:s23] =	ssyncset.done $0x0  }
0xaa: {  	s25 =	simm.s32 $0x1B8E;
	s24 =	sld [smem:$0x3FFE];
	[sflag:s23] =	ssyncadd.s32 $0xFFFFFFFF  }
0xab: {  	s26 =	simm.s32 $execute0_lowered;
	[smem:$0x3FD2] =	sst s25  }
0xac: {  	s5 =	sshll.u32 s26, $0x1;
	_ =	strace $0x80000049;
	[dreg:$0x1] =	wrdreg $0xFFFFFFFF  }
0xad: {  	s28 =	simm.s32 $_size_execute0_lowered;
	s3 =	sadd.s32 s3, s5;
	[dreg:$0x0] =	wrdreg $0x0  }
0xae: {  	s5 =	sshll.u32 s28, $0x1;
	[dreg:$0x2] =	wrdreg s3  }
0xaf: {  	[dreg:$0x3] =	wrdreg s5  }
0xb0: {  	[dreg:$0x4] =	wrdreg $0xC0  }
0xb1: {  	_ =	task [dreg:s7], $0x5FFFF  }
0xb2: {  	[dreg:$0x1] =	wrdreg $0xFFFFFFFF  }
0xb3: {  	[dreg:$0x0] =	wrdreg $0x60  }
0xb4: {  	[dreg:$0x2] =	wrdreg s16  }
0xb5: {  	[dreg:$0x3] =	wrdreg s24  }
0xb6: {  	[dreg:$0x4] =	wrdreg $0x9  }
0xb7: {  	_ =	task.clear_ibuf [dreg:s7], $0x5FFFF;
	_ =	strace $0x90000049  }
0xb8: {  	s29 =	simm.s32 $0x9;
	_ =	strace $0x8000004B  }
0xb9: {  	_ =	swait.ge [sflag:s29], $0x1  }
0xba: {  	[sflag:s29] =	ssyncadd.s32 $0xFFFFFFFF  }
0xbb: {  	_ =	strace $0x9000004B  }
0xbc: {  	_ =	sfence  }
0xbd: {  	s30 =	sld [smem:$0x0];
	_ =	sdelay $0x2  }
0xbe: {  	s31 =	sshll.u32 s1, $0xD;
	s1 =	sshrl.u32 s1, $0x2  }
0xbf: {  	s3 =	sand.u32 $0x4000, s31;
	s1 =	sadd.s32 s1, s30  }
0xc0: {  	s0 =	sor.u32 s3, s0;
	s1 =	sshll.u32 s1, $0x11  }
0xc1: {  	s0 =	sor.u32 s1, s0  }
0xc2: {  	s0 =	sadd.s32 $0x8F2B, s0  }
0xc3: {  	[sflag:s0] =	ssyncadd.remote.s32 $0x1  }
0xc4: {  	_ =	sfence.sel $0xFFFF  }
0xc5: {  	[dreg:$0x0] =	wrdreg $0xFFFFFFFF;
	(pc) =	sbr.abs _section_cstart, $3  }
0xc6: {  	[dreg:$0x1] =	wrdreg $0xFFFFFFFF  }
0xc7: {  	_ =	task.clear_ibuf [dreg:s7], $0x2FFFF;
	_ =	strace $0x9FFFFFFF  }
0xc8: {  	(tm) =	ssettm $0x7FFFFFFF  }
0xc9: {  	_ =	shalt  }
tec
execute0_lowered:
.L_overlay_start_1:
0x0: {  	(tag) =	ssettag $0x1  }
0x1: {  	s2 =	rddreg [dreg:$0x0]  }
0x2: {  	s4 =	rddreg [dreg:$0x1];
	s3 =	srdreg.scid  }
0x3: {  	s0 =	rddreg [dreg:$0x2];
	s1 =	stileid.u32  }
0x4: {  	s5 =	sand.u32 $0x1, s3;
	s3 =	simm.s32 $0x0;
	s25 =	smul.u32 $0x5000, s1  }
0x5: {  	s6 =	sshll.u32 s1, $0xB;
	s23 =	sshll.u32 s1, $0xC;
	s28 =	smul.u32 $0xA000, s1  }
0x6: {  	s9 =	sshll.u32 s1, $0xD;
	s11 =	smul.u32 $0x14000, s1;
	s7 =	sshll.u32 s5, $0xA  }
0x7: {  	[smem:$0x7FF] =	sst s3;
	s8 =	sshll.u32 s5, $0xB;
	s14 =	smul.u32 $0x2800, s5  }
0x8: {  	s10 =	sshll.u32 s5, $0xC;
	s12 =	ssub.s32 $0x2, s5;
	s30 =	smul.u32 $0x5000, s5  }
0x9: {  	s31 =	smul.u32 $0xA000, s5;
	s6 =	sor.u32 s7, s6;
	_ =	strace $0x8000004A  }
0xa: {  	s7 =	sor.u32 s8, s23;
	s24 =	sor.u32 s10, s9;
	s9 =	sadd.s32 s25, s4  }
0xb: {  	s13 =	sshrl.u32 s12, $0x1;
	s11 =	sadd.s32 s11, s4;
	s6 =	sshrl.u32 s6, $0x3  }
0xc: {  	s7 =	sshrl.u32 s7, $0x3;
	s8 =	sshrl.u32 s24, $0x3;
	s29 =	ssub.s32 s12, s13  }
0xd: {  	s9 =	sadd.s32 s14, s9;
	s11 =	sadd.s32 s31, s11;
	s12 =	simm.s32 $0x80  }
0xe: {  	s13 =	simm.s32 $0x1;
	s14 =	simm.s32 $0x0;
	s6 =	sadd.s32 s6, s4  }
0xf: {  	s7 =	sadd.s32 s7, s4;
	s26 =	sadd.s32 s8, s4;
	s8 =	sadd.s32 s28, s4  }
0x10: {  	s4 =	smax.u32 s29, $0x1;
	s10 =	sadd.s32 $0xFC400, s11;
	s11 =	simm.s32 $0x2  }
0x11: {  	s5 =	sadd.s32 $0x5400, s6;
	s6 =	sadd.s32 $0xC400, s9;
	s8 =	sadd.s32 s30, s8  }
0x12: {  	s7 =	sadd.s32 $0x6400, s7;
	s9 =	sadd.s32 $0x8400, s26;
	s8 =	sadd.s32 $0x5C400, s8  }
.LBB2_1:
0x13: {  	s15 =	sadd.s32 $0x0, s5  }
0x14: {  	[tilespmem:s3], [sflag:$0x2] =	stream.linear.gather [hbm4b:s15+s3], $0x80, $0x38;
	[tilespmem:$0x2880] =	vst v63  }
0x15: {  	_ =	swait.ge [sflag:s11], $0x80  }
0x16: {  	[sflag:s11] =	ssyncset.done $0x0  }
0x17: {  	[sflag:s11] =	ssyncadd.s32 $0xFFFFFF80  }
0x18: {  	[tilespmem:s12], [sflag:$0x1] =	stream.indirect.gather [hbm4b:s2+s12], $0x50, s3, s12, $0xb8;
	[tilespmem:$0x2880] =	vst v63  }
0x19: {  	_ =	swait.ge [sflag:s13], $0x2800  }
0x1a: {  	[sflag:s13] =	ssyncset.done $0x0  }
0x1b: {  	[sflag:s13] =	ssyncadd.s32 $0xFFFFD800  }
0x1c: {  	[hbm4b:s6+s3] =	stream.linear.scatter [tilespmem:s12], [sflag:$0x2], $0x2800, $0x38;
	[tilespmem:$0x2880] =	vst v63  }
0x1d: {  	s18 =	sadd.s32 $0x10, s5;
	_ =	swait.ge [sflag:s11], $0x2800  }
0x1e: {  	s17 =	simm.s32 $0x20;
	s15 =	sadd.s32 $0x500, s6;
	[sflag:s11] =	ssyncset.done $0x0  }
.LBB2_2:
0x1f: {  	s19 =	sadd.s32 s17, s5;
	s16 =	simm.s32 $0x0;
	[sflag:s11] =	ssyncadd.s32 $0xFFFFD800  }
0x20: {  	[tilespmem:s16], [sflag:$0x2] =	stream.linear.gather [hbm4b:s18+s16], $0x80, $0x38;
	[tilespmem:$0x2880] =	vst v63  }
0x21: {  	p0 =	sne.s32 s17, $0x70;
	s17 =	sadd.s32 $0x10, s17;
	_ =	swait.ge [sflag:s11], $0x80  }
0x22: {  	s18 =	smov.u32 s19;
	[sflag:s11] =	ssyncset.done $0x0  }
0x23: {  	[sflag:s11] =	ssyncadd.s32 $0xFFFFFF80  }
0x24: {  	[tilespmem:s12], [sflag:$0x1] =	stream.indirect.gather [hbm4b:s2+s12], $0x50, s16, s12, $0xb8;
	[tilespmem:$0x2880] =	vst v63  }
0x25: {  	_ =	swait.ge [sflag:s13], $0x2800  }
.Ltmp0:
0x26: {  	[sflag:s13] =	ssyncset.done $0x0;
	(pc) =	sbr.rel @p0 .LBB2_2-.Ltmp0, $4  }
0x27: {  	[sflag:s13] =	ssyncadd.s32 $0xFFFFD800  }
0x28: {  	[hbm4b:s15+s16] =	stream.linear.scatter [tilespmem:s12], [sflag:$0x2], $0x2800, $0x38;
	[tilespmem:$0x2880] =	vst v63  }
0x29: {  	_ =	swait.ge [sflag:s11], $0x2800  }
0x2a: {  	s15 =	sadd.s32 $0x500, s15;
	[sflag:s11] =	ssyncset.done $0x0  }
0x2b: {  	[sflag:s11] =	ssyncadd.s32 $0xFFFFD800  }
0x2c: {  	[tilespmem:s16], [sflag:$0x2] =	stream.linear.gather [hbm4b:s18+s16], $0x80, $0x38;
	[tilespmem:$0x2880] =	vst v63  }
0x2d: {  	_ =	swait.ge [sflag:s11], $0x80  }
0x2e: {  	[sflag:s11] =	ssyncset.done $0x0  }
0x2f: {  	[sflag:s11] =	ssyncadd.s32 $0xFFFFFF80  }
0x30: {  	[tilespmem:s12], [sflag:$0x1] =	stream.indirect.gather [hbm4b:s2+s12], $0x50, s16, s12, $0xb8;
	[tilespmem:$0x2880] =	vst v63  }
0x31: {  	_ =	swait.ge [sflag:s13], $0x2800  }
0x32: {  	p2 =	por $0x1, $0x1;
	[sflag:s13] =	ssyncset.done $0x0  }
.Ltmp1:
0x33: {  	[sflag:s13] =	ssyncadd.s32 $0xFFFFD800;
	(pc) =	sbr.rel @!p2 .LBB2_7-.Ltmp1, $4  }
0x34: {  	[hbm4b:s15+s16] =	stream.linear.scatter [tilespmem:s12], [sflag:$0x2], $0x2800, $0x38;
	[tilespmem:$0x2880] =	vst v63  }
0x35: {  	p0 =	por $0x0, $0x0;
	_ =	swait.ge [sflag:s11], $0x2800  }
0x36: {  	s17 =	smov.u32 s8;
	p1 =	por $0x0, $0x0;
	[sflag:s11] =	ssyncset.done $0x0  }
0x37: {  	s18 =	simm.s32 $0x0;
	s15 =	simm.s32 $0x10;
	[sflag:s11] =	ssyncadd.s32 $0xFFFFD800  }
0x38: {  	s17 =	sadd.s32 $0x0, s7  }
0x39: {  	[tilespmem:s16], [sflag:$0x2] =	stream.linear.gather [hbm4b:s17+s16], $0x80, $0x38;
	[tilespmem:$0x2880] =	vst v63  }
0x3a: {  	_ =	swait.ge [sflag:s11], $0x80  }
0x3b: {  	[sflag:s11] =	ssyncset.done $0x0  }
0x3c: {  	[sflag:s11] =	ssyncadd.s32 $0xFFFFFF80  }
0x3d: {  	[tilespmem:s12], [sflag:$0x1] =	stream.indirect.gather [hbm4b:s2+s12], $0x50, s16, s12, $0xb8;
	[tilespmem:$0x2880] =	vst v63  }
0x3e: {  	p2 =	por $0x1, $0x1;
	_ =	swait.ge [sflag:s13], $0x2800  }
.Ltmp2:
0x3f: {  	[sflag:s13] =	ssyncset.done $0x0;
	(pc) =	sbr.rel @!p2 .LBB2_5-.Ltmp2, $4  }
0x40: {  	[sflag:s13] =	ssyncadd.s32 $0xFFFFD800  }
0x41: {  	[hbm4b:s8+s16] =	stream.linear.scatter [tilespmem:s12], [sflag:$0x2], $0x2800, $0x38;
	[tilespmem:$0x2880] =	vst v63  }
0x42: {  	s19 =	simm.s32 $0x20;
	p1 =	por $0x1, $0x1;
	_ =	swait.ge [sflag:s11], $0x2800  }
0x43: {  	s18 =	simm.s32 $0x10;
	s17 =	sadd.s32 $0x500, s8;
	[sflag:s11] =	ssyncset.done $0x0  }
.LBB2_6:
0x44: {  	s20 =	sadd.s32 s18, s7  }
0x45: {  	[sflag:s11] =	ssyncadd.s32 $0xFFFFD800;
	s18 =	smov.u32 s19;
	s21 =	sadd.s32 $0x10, s19  }
0x46: {  	[tilespmem:s16], [sflag:$0x2] =	stream.linear.gather [hbm4b:s20+s16], $0x80, $0x38;
	[tilespmem:$0x2880] =	vst v63  }
0x47: {  	p2 =	sne.s32 s19, $0xF0;
	_ =	swait.ge [sflag:s11], $0x80  }
0x48: {  	[sflag:s11] =	ssyncset.done $0x0  }
0x49: {  	[sflag:s11] =	ssyncadd.s32 $0xFFFFFF80  }
0x4a: {  	[tilespmem:s12], [sflag:$0x1] =	stream.indirect.gather [hbm4b:s2+s12], $0x50, s16, s12, $0xb8;
	[tilespmem:$0x2880] =	vst v63  }
0x4b: {  	_ =	swait.ge [sflag:s13], $0x2800  }
.Ltmp3:
0x4c: {  	[sflag:s13] =	ssyncset.done $0x0;
	(pc) =	sbr.rel @p2 .LBB2_6-.Ltmp3, $4  }
0x4d: {  	[sflag:s13] =	ssyncadd.s32 $0xFFFFD800  }
0x4e: {  	[hbm4b:s17+s16] =	stream.linear.scatter [tilespmem:s12], [sflag:$0x2], $0x2800, $0x38;
	[tilespmem:$0x2880] =	vst v63  }
0x4f: {  	_ =	swait.ge [sflag:s11], $0x2800  }
0x50: {  	s19 =	smov.u32 s21;
	s17 =	sadd.s32 $0x500, s17;
	[sflag:s11] =	ssyncset.done $0x0  }
.LBB2_7:
0x51: {  	s18 =	sadd.s32 s18, s7;
	[sflag:s11] =	ssyncadd.s32 @p1 $0xFFFFD800  }
0x52: {  	[tilespmem:s16], [sflag:$0x2] =	stream.linear.gather [hbm4b:s18+s16], $0x80, $0x38;
	[tilespmem:$0x2880] =	vst v63  }
0x53: {  	_ =	swait.ge [sflag:s11], $0x80  }
0x54: {  	[sflag:s11] =	ssyncset.done $0x0  }
0x55: {  	[sflag:s11] =	ssyncadd.s32 $0xFFFFFF80  }
0x56: {  	[tilespmem:s12], [sflag:$0x1] =	stream.indirect.gather [hbm4b:s2+s12], $0x50, s16, s12, $0xb8;
	[tilespmem:$0x2880] =	vst v63  }
0x57: {  	_ =	swait.ge [sflag:s13], $0x2800  }
0x58: {  	p1 =	por $0x1, $0x1;
	[sflag:s13] =	ssyncset.done $0x0  }
.Ltmp4:
0x59: {  	[sflag:s13] =	ssyncadd.s32 $0xFFFFD800;
	(pc) =	sbr.rel @!p1 .LBB2_12-.Ltmp4, $4  }
0x5a: {  	[hbm4b:s17+s16] =	stream.linear.scatter [tilespmem:s12], [sflag:$0x2], $0x2800, $0x38;
	[tilespmem:$0x2880] =	vst v63  }
0x5b: {  	_ =	swait.ge [sflag:s11], $0x2800  }
0x5c: {  	[sflag:s11] =	ssyncset.done $0x0  }
0x5d: {  	s17 =	smov.u32 s10;
	[sflag:s11] =	ssyncadd.s32 $0xFFFFD800  }
0x5e: {  	s16 =	sadd.s32 $0x0, s9  }
0x5f: {  	[tilespmem:s3], [sflag:$0x2] =	stream.linear.gather [hbm4b:s16+s3], $0x80, $0x38;
	[tilespmem:$0x2880] =	vst v63  }
0x60: {  	_ =	swait.ge [sflag:s11], $0x80  }
0x61: {  	[sflag:s11] =	ssyncset.done $0x0  }
0x62: {  	[sflag:s11] =	ssyncadd.s32 $0xFFFFFF80  }
0x63: {  	[tilespmem:s12], [sflag:$0x1] =	stream.indirect.gather [hbm4b:s2+s12], $0x50, s3, s12, $0xb8;
	[tilespmem:$0x2880] =	vst v63  }
0x64: {  	p1 =	por $0x1, $0x1;
	_ =	swait.ge [sflag:s13], $0x2800  }
.Ltmp5:
0x65: {  	[sflag:s13] =	ssyncset.done $0x0;
	(pc) =	sbr.rel @!p1 .LBB2_9-.Ltmp5, $4  }
0x66: {  	[sflag:s13] =	ssyncadd.s32 $0xFFFFD800  }
0x67: {  	[hbm4b:s10+s3] =	stream.linear.scatter [tilespmem:s12], [sflag:$0x2], $0x2800, $0x38;
	[tilespmem:$0x2880] =	vst v63  }
0x68: {  	s17 =	sadd.s32 $0x500, s10;
	_ =	swait.ge [sflag:s11], $0x2800  }
0x69: {  	p0 =	por $0x1, $0x1;
	s16 =	simm.s32 $0x20;
	[sflag:s11] =	ssyncset.done $0x0  }
.LBB2_10:
0x6a: {  	s18 =	sadd.s32 s15, s9  }
0x6b: {  	[sflag:s11] =	ssyncadd.s32 $0xFFFFD800;
	s15 =	smov.u32 s16;
	s19 =	sadd.s32 $0x10, s16  }
0x6c: {  	[tilespmem:s3], [sflag:$0x2] =	stream.linear.gather [hbm4b:s18+s3], $0x80, $0x38;
	[tilespmem:$0x2880] =	vst v63  }
0x6d: {  	p1 =	sne.s32 s16, $0x1F0;
	_ =	swait.ge [sflag:s11], $0x80  }
0x6e: {  	[sflag:s11] =	ssyncset.done $0x0  }
0x6f: {  	[sflag:s11] =	ssyncadd.s32 $0xFFFFFF80  }
0x70: {  	[tilespmem:s12], [sflag:$0x1] =	stream.indirect.gather [hbm4b:s2+s12], $0x50, s3, s12, $0xb8;
	[tilespmem:$0x2880] =	vst v63  }
0x71: {  	_ =	swait.ge [sflag:s13], $0x2800  }
.Ltmp6:
0x72: {  	[sflag:s13] =	ssyncset.done $0x0;
	(pc) =	sbr.rel @p1 .LBB2_10-.Ltmp6, $4  }
0x73: {  	[sflag:s13] =	ssyncadd.s32 $0xFFFFD800  }
0x74: {  	[hbm4b:s17+s3] =	stream.linear.scatter [tilespmem:s12], [sflag:$0x2], $0x2800, $0x38;
	[tilespmem:$0x2880] =	vst v63  }
0x75: {  	_ =	swait.ge [sflag:s11], $0x2800  }
0x76: {  	s16 =	smov.u32 s19;
	s17 =	sadd.s32 $0x500, s17;
	[sflag:s11] =	ssyncset.done $0x0  }
0x77: {  	s16 =	smov.u32 s15  }
.LBB2_12:
0x78: {  	s15 =	sadd.s32 s16, s9;
	[sflag:s11] =	ssyncadd.s32 @p0 $0xFFFFD800  }
0x79: {  	[tilespmem:s3], [sflag:$0x2] =	stream.linear.gather [hbm4b:s15+s3], $0x80, $0x38;
	[tilespmem:$0x2880] =	vst v63  }
0x7a: {  	_ =	swait.ge [sflag:s11], $0x80  }
0x7b: {  	[sflag:s11] =	ssyncset.done $0x0  }
0x7c: {  	[sflag:s11] =	ssyncadd.s32 $0xFFFFFF80  }
0x7d: {  	[tilespmem:s12], [sflag:$0x1] =	stream.indirect.gather [hbm4b:s2+s12], $0x50, s3, s12, $0xb8;
	[tilespmem:$0x2880] =	vst v63  }
0x7e: {  	_ =	swait.ge [sflag:s13], $0x2800  }
0x7f: {  	s14 =	sadd.s32 $0x1, s14;
	[sflag:s13] =	ssyncset.done $0x0  }
0x80: {  	p0 =	sne.s32 s14, s4;
	[sflag:s13] =	ssyncadd.s32 $0xFFFFD800  }
0x81: {  	[hbm4b:s17+s3] =	stream.linear.scatter [tilespmem:s12], [sflag:$0x2], $0x2800, $0x38;
	[tilespmem:$0x2880] =	vst v63  }
.Ltmp7:
0x82: {  	_ = 	snop;
	(pc) =	sbr.rel @p0 .LBB2_1-.Ltmp7, $4  }
.Ltmp8:
0x83: {  	_ = 	snop;
	(pc) =	sbr.rel @!p0 .LBB2_13-.Ltmp8, $4  }
0x84: {  	_ =	swait.ge [sflag:s11], $0x2800  }
0x85: {  	[sflag:s11] =	ssyncset.done $0x0  }
0x86: {  	[sflag:s11] =	ssyncadd.s32 $0xFFFFD800  }
0x87: {  	_ = 	snop  }
.LBB2_5:
.Ltmp9:
0x88: {  	(pc) =	sbr.rel .LBB2_7-.Ltmp9, $2  }
0x89: {  	_ =	sdelay $0x2  }
0x8a: {  	s18 =	simm.s32 $0x10  }
.LBB2_9:
.Ltmp10:
0x8b: {  	(pc) =	sbr.rel .LBB2_12-.Ltmp10, $2  }
0x8c: {  	_ =	sdelay $0x2  }
0x8d: {  	s16 =	simm.s32 $0x10  }
.LBB2_13:
0x8e: {  	_ =	sfence.sel $0x180000  }
0x8f: {  	[bflag:$0x0] =	sbarrier.arrive $0xFFFF  }
0x90: {  	p0 =	sne.s32 s1, $0x0;
	_ =	strace $0x9000004A  }
0x91: {  	s0 =	sadd.s32 @!p0 $0x100000, s0;
	[bflag:$0x2] =	sbarrier.arrive $0xFFFF  }
0x92: {  	[sflag:s0] =	ssyncadd.tile.s32 @!p0 $0x1;
	_ =	shalt  }
.Lfunc_end2:
_tile_overlayer_lowered:
.L_overlay_start_2:
0x93: {  	(tag) =	ssettag $0x2  }
0x94: {  	s0 =	rddreg [dreg:$0x0];
	s2 =	stileid.u32  }
0x95: {  	s1 =	rddreg [dreg:$0x1];
	p0 =	sne.s32 s2, $0x0  }
0x96: {  	s3 =	rddreg [dreg:$0x2];
	[bflag:$0x3] =	sbarrier.arrive $0xFFFF;
	s2 =	simm.s32 @!p0 $0x1C02  }
0x97: {  	[timem:s3], [sflag:s2] =	dma.local @!p0 [hbm:s0], s1  }
0x98: {  	s0 =	simm.s32 @!p0 $0x2  }
0x99: {  	_ =	swait.ge @!p0 [sflag:s0], s1  }
0x9a: {  	s1 =	ssub.s32 @!p0 $0x0, s1;
	[sflag:s0] =	ssyncset.done @!p0 $0x0  }
0x9b: {  	[sflag:s0] =	ssyncadd.s32 @!p0 s1  }
0x9c: {  	[bflag:$0x3] =	sbarrier.arrive $0xFFFF  }
0x9d: {  	_ =	shalt  }

</sc_bundles>
